<compile_context>
chip_gen: v7x
topology: tpu7x:2x2x1
jax: 0.10.2.dev20260603
libtpu: 0.0.44.dev20260713+nightly
codegen_flags: <defaults>
</compile_context>

<pallas_src>
import functools

import jax
import jax.numpy as jnp
from jax import lax
from jax.experimental import pallas as pl
from jax.experimental.pallas import tpu as pltpu
from jax.experimental.pallas import tpu_sc as plsc

B = 16384
H = 128
BINS = 32
NC, NS, L = 2, 16, 16
NW = NC * NS
BPW = B // NW
CHUNK = 64
NCHUNK = BPW // CHUNK
NBUF = 4
GPC = CHUNK // L


def _sc_body(p_hbm, t_hbm, pe_hbm, te_hbm, prm_hbm, wex_hbm, out_hbm,
             pv, tv, prmv, wexv,
             pi0, pi1, pi2, pi3, pi4, pi5, pi6, pi7,
             ti0, ti1, ti2, ti3, ti4, ti5, ti6, ti7,
             st0, st1, st2, st3, gsem, wsem):
    wid = lax.axis_index("s") * NC + lax.axis_index("c")
    base = wid * BPW
    off = wid * (BINS + 1)
    pis = (pi0, pi1, pi2, pi3, pi4, pi5, pi6, pi7)
    tis = (ti0, ti1, ti2, ti3, ti4, ti5, ti6, ti7)
    sts = (st0, st1, st2, st3)

    pltpu.sync_copy(p_hbm.at[pl.ds(base, BPW)], pv)
    pltpu.sync_copy(t_hbm.at[pl.ds(base, BPW)], tv)
    pltpu.sync_copy(prm_hbm, prmv)
    pltpu.sync_copy(wex_hbm, wexv)

    for c in range(NCHUNK):
        for g in range(GPC):
            sl = pl.ds(c * CHUNK + g * L, L)
            dl = pl.ds(g * L, L)
            pb = jnp.clip(pv[sl], 0.0, 1.0) * float(BINS)
            pis[c][dl] = jnp.minimum(pb.astype(jnp.int32), BINS - 1) + off
            tb = jnp.clip(tv[sl], 0.0, 1.0) * float(BINS)
            tis[c][dl] = jnp.minimum(tb.astype(jnp.int32), BINS - 1) + off

    s0, s1, s2, s3, s4, s5 = (prmv[pl.ds(i, 1)][0] for i in range(6))
    w2a = [wexv[pl.ds(k * L, L)] for k in range(H // L)]
    w2b = [wexv[pl.ds(H + k * L, L)] for k in range(H // L)]
    b2v = [wexv[pl.ds(2 * H + k * L, L)] for k in range(H // L)]
    zi = jnp.zeros((L,), jnp.int32)

    def fire_gather(c):
        st = sts[c % NBUF]
        return (pltpu.async_copy(pe_hbm.at[pis[c]],
                                 st.at[:, pl.ds(H, H)], gsem),
                pltpu.async_copy(te_hbm.at[tis[c]],
                                 st.at[:, pl.ds(2 * H, H)], gsem))

    def fire_write(c):
        r0 = base + c * CHUNK
        return (pltpu.async_copy(sts[c % NBUF],
                                 out_hbm.at[pl.ds(r0, CHUNK)], wsem),)

    def compute_head(c):
        st = sts[c % NBUF]

        def row(j, carry):
            pc = jnp.clip(pv[pl.ds(c * CHUNK + j, 1)][0], 0.0, 1.0)
            tc = jnp.clip(tv[pl.ds(c * CHUNK + j, 1)][0], 0.0, 1.0)
            a = jnp.maximum(pc * s0 + tc * s2 + s4, 0.0)
            b = jnp.maximum(pc * s1 + tc * s3 + s5, 0.0)
            for k in range(H // L):
                x = a * w2a[k] + b * w2b[k] + b2v[k]
                st[j, pl.ds(k * L, L)] = x
            return carry

        lax.fori_loop(0, CHUNK, row, 0)

    gathers = {c: fire_gather(c) for c in range(min(NBUF, NCHUNK))}
    writes = {}
    for c in range(NCHUNK):
        if c >= 1 and c + NBUF - 1 < NCHUNK:
            for cp in writes.pop(c - 1):
                cp.wait()
            gathers[c + NBUF - 1] = fire_gather(c + NBUF - 1)
        compute_head(c)
        for cp in gathers.pop(c):
            cp.wait()
        writes[c] = fire_write(c)
    for ws in writes.values():
        for cp in ws:
            cp.wait()


_sc_run = functools.partial(
    pl.kernel,
    out_type=jax.ShapeDtypeStruct((B, 3 * H), jnp.float32),
    mesh=plsc.VectorSubcoreMesh(core_axis_name="c", subcore_axis_name="s"),
    scratch_types=[
        pltpu.VMEM((BPW,), jnp.float32),
        pltpu.VMEM((BPW,), jnp.float32),
        pltpu.VMEM((16,), jnp.float32),
        pltpu.VMEM((3 * H,), jnp.float32),
    ] + [pltpu.VMEM((CHUNK,), jnp.int32)] * (2 * NCHUNK) + [
        pltpu.VMEM((CHUNK, 3 * H), jnp.float32),
        pltpu.VMEM((CHUNK, 3 * H), jnp.float32),
        pltpu.VMEM((CHUNK, 3 * H), jnp.float32),
        pltpu.VMEM((CHUNK, 3 * H), jnp.float32),
        pltpu.SemaphoreType.DMA,
        pltpu.SemaphoreType.DMA,
    ],
)(_sc_body)


def kernel(pressure, temperature, w1, b1, w2, b2, p_emb, t_emb):
    prm = jnp.zeros((16,), jnp.float32)
    prm = prm.at[0:4].set(w1.reshape(-1)).at[4:6].set(b1.reshape(-1))
    wex = jnp.concatenate([w2[0], w2[1], b2]).astype(jnp.float32)

    pe_r = jnp.tile(jnp.pad(p_emb, ((0, 1), (0, 0))), (NW, 1))
    te_r = jnp.tile(jnp.pad(t_emb, ((0, 1), (0, 0))), (NW, 1))
    return _sc_run(pressure, temperature, pe_r, te_r, prm, wex)

# --- scband reference (transcript-rebuilt; emitter-appended) ---
"""Pipeline reference for scband-env-model-4355096838933 (READ-ONLY COPY).

The authoritative reference and input builder live on the scoring server;
editing this copy changes nothing except your own understanding.
"""

import jax, jax.numpy as jnp
import numpy as np

B = 16384
H = 128
BINS = 32
PMIN, PMAX = 0.0, 1.0
TMIN, TMAX = 0.0, 1.0

def setup_inputs(seed: int = 0) -> dict:
    key = jax.random.key(seed)
    ks = jax.random.split(key, 8)
    pressure = jax.random.uniform(ks[0], (B,), dtype=jnp.float32)
    temperature = jax.random.uniform(ks[1], (B,), dtype=jnp.float32)
    # NonLinearHead(2, H, 'relu') with hidden=None -> hidden = input_dim = 2
    w1 = jax.random.normal(ks[2], (2, 2), dtype=jnp.float32) * 0.5
    b1 = jnp.zeros((2,), dtype=jnp.float32)
    w2 = jax.random.normal(ks[3], (2, H), dtype=jnp.float32) * 0.5
    b2 = jnp.zeros((H,), dtype=jnp.float32)
    p_emb = jax.random.normal(ks[4], (BINS, H), dtype=jnp.float32) * 0.02
    t_emb = jax.random.normal(ks[5], (BINS, H), dtype=jnp.float32) * 0.02
    return {"pressure": pressure, "temperature": temperature, "w1": w1, "b1": b1,
            "w2": w2, "b2": b2, "p_emb": p_emb, "t_emb": t_emb}

def reference(pressure, temperature, w1, b1, w2, b2, p_emb, t_emb):
    p = jnp.clip(pressure, PMIN, PMAX)
    t = jnp.clip(temperature, TMIN, TMAX)
    p = (p - PMIN) / (PMAX - PMIN)
    t = (t - TMIN) / (TMAX - TMIN)
    env_project = jnp.concatenate([p[:, None], t[:, None]], axis=-1)
    h = jnp.maximum(env_project @ w1 + b1, 0.0)
    proj = h @ w2 + b2
    p_bin = jnp.floor(p * BINS).astype(jnp.int32)
    t_bin = jnp.floor(t * BINS).astype(jnp.int32)
    pe = jnp.take(p_emb, p_bin, axis=0)
    te = jnp.take(t_emb, t_bin, axis=0)
    env_embed = jnp.concatenate([pe, te], axis=-1)
    env_repr = jnp.concatenate([proj, env_embed], axis=-1)
    return env_repr

if __name__ == "__main__":
    import jax
    _d = setup_inputs()
    print(jax.jit(kernel)(*tuple(_d.values())))

</pallas_src>

<mosaic_0001>
#map = affine_map<(d0, d1) -> (0)>
#map1 = affine_map<(d0, d1) -> (0, 0)>
module attributes {stable_mosaic.version = 14 : i64} {
  func.func @_sc_body(%arg0: i32, %arg1: i32, %arg2: memref<16384xf32, #tpu.memory_space<hbm>>, %arg3: memref<16384xf32, #tpu.memory_space<hbm>>, %arg4: memref<1056x128xf32, #tpu.memory_space<hbm>>, %arg5: memref<1056x128xf32, #tpu.memory_space<hbm>>, %arg6: memref<16xf32, #tpu.memory_space<hbm>>, %arg7: memref<384xf32, #tpu.memory_space<hbm>>, %arg8: memref<16384x384xf32, #tpu.memory_space<hbm>>, %arg9: memref<512xf32, #tpu.memory_space<vmem>>, %arg10: memref<512xf32, #tpu.memory_space<vmem>>, %arg11: memref<16xf32, #tpu.memory_space<vmem>>, %arg12: memref<384xf32, #tpu.memory_space<vmem>>, %arg13: memref<64xi32, #tpu.memory_space<vmem>>, %arg14: memref<64xi32, #tpu.memory_space<vmem>>, %arg15: memref<64xi32, #tpu.memory_space<vmem>>, %arg16: memref<64xi32, #tpu.memory_space<vmem>>, %arg17: memref<64xi32, #tpu.memory_space<vmem>>, %arg18: memref<64xi32, #tpu.memory_space<vmem>>, %arg19: memref<64xi32, #tpu.memory_space<vmem>>, %arg20: memref<64xi32, #tpu.memory_space<vmem>>, %arg21: memref<64xi32, #tpu.memory_space<vmem>>, %arg22: memref<64xi32, #tpu.memory_space<vmem>>, %arg23: memref<64xi32, #tpu.memory_space<vmem>>, %arg24: memref<64xi32, #tpu.memory_space<vmem>>, %arg25: memref<64xi32, #tpu.memory_space<vmem>>, %arg26: memref<64xi32, #tpu.memory_space<vmem>>, %arg27: memref<64xi32, #tpu.memory_space<vmem>>, %arg28: memref<64xi32, #tpu.memory_space<vmem>>, %arg29: memref<64x384xf32, #tpu.memory_space<vmem>>, %arg30: memref<64x384xf32, #tpu.memory_space<vmem>>, %arg31: memref<64x384xf32, #tpu.memory_space<vmem>>, %arg32: memref<64x384xf32, #tpu.memory_space<vmem>>, %arg33: memref<!tpu.dma_semaphore, #tpu.memory_space<semaphore_mem>>, %arg34: memref<!tpu.dma_semaphore, #tpu.memory_space<semaphore_mem>>) attributes {dimension_semantics = [#tpu.dimension_semantics<core_parallel>, #tpu.dimension_semantics<subcore_parallel>], iteration_bounds = array<i64: 2, 16>, scalar_prefetch = 0 : i64, scratch_operands = 26 : i64, tpu.core_type = #tpu.core_type<sc_vector_subcore>, window_params = [{transform_indices = #map}, {transform_indices = #map}, {transform_indices = #map1}, {transform_indices = #map1}, {transform_indices = #map}, {transform_indices = #map}, {transform_indices = #map1}]} {
    %mul3A = arith.constant 2 : i32
    %mul3A_0 = arith.muli %arg1, %mul3A : i32
    %add3A = arith.addi %mul3A_0, %arg0 : i32
    %mul3A_1 = arith.constant 512 : i32
    %mul3A_2 = arith.muli %add3A, %mul3A_1 : i32
    %mul3A_3 = arith.constant 33 : i32
    %mul3A_4 = arith.muli %add3A, %mul3A_3 : i32
    "tpu.region"() ({
      %run_scoped3A = tpu.sem_alloc : memref<!tpu.dma_semaphore, #tpu.memory_space<semaphore_mem>>
      %dma_start3A_1820 = tpu.memref_slice %arg2[%mul3A_2] : memref<16384xf32, #tpu.memory_space<hbm>> -> memref<512xf32, #tpu.memory_space<hbm>>
      %dma_start3A_1821 = tpu.memref_slice %arg2[%mul3A_2] : memref<16384xf32, #tpu.memory_space<hbm>> -> memref<512xf32, #tpu.memory_space<hbm>>
      tpu.enqueue_dma source(%dma_start3A_1821 : memref<512xf32, #tpu.memory_space<hbm>>) target(%arg9 : memref<512xf32, #tpu.memory_space<vmem>>) target_semaphore(%run_scoped3A : memref<!tpu.dma_semaphore, #tpu.memory_space<semaphore_mem>>)
      %dma_wait3A_1822 = tpu.memref_slice %arg2[%mul3A_2] : memref<16384xf32, #tpu.memory_space<hbm>> -> memref<512xf32, #tpu.memory_space<hbm>>
      %dma_wait3A_1823 = tpu.memref_slice %arg2[%mul3A_2] : memref<16384xf32, #tpu.memory_space<hbm>> -> memref<512xf32, #tpu.memory_space<hbm>>
      tpu.wait_dma2 semaphore(%run_scoped3A : memref<!tpu.dma_semaphore, #tpu.memory_space<semaphore_mem>>) src(%dma_wait3A_1823 : memref<512xf32, #tpu.memory_space<hbm>>) dst(%arg9 : memref<512xf32, #tpu.memory_space<vmem>>)
      tpu.yield
    }) : () -> ()
    "tpu.region"() ({
      %run_scoped3A = tpu.sem_alloc : memref<!tpu.dma_semaphore, #tpu.memory_space<semaphore_mem>>
      %dma_start3A_1820 = tpu.memref_slice %arg3[%mul3A_2] : memref<16384xf32, #tpu.memory_space<hbm>> -> memref<512xf32, #tpu.memory_space<hbm>>
      %dma_start3A_1821 = tpu.memref_slice %arg3[%mul3A_2] : memref<16384xf32, #tpu.memory_space<hbm>> -> memref<512xf32, #tpu.memory_space<hbm>>
      tpu.enqueue_dma source(%dma_start3A_1821 : memref<512xf32, #tpu.memory_space<hbm>>) target(%arg10 : memref<512xf32, #tpu.memory_space<vmem>>) target_semaphore(%run_scoped3A : memref<!tpu.dma_semaphore, #tpu.memory_space<semaphore_mem>>)
      %dma_wait3A_1822 = tpu.memref_slice %arg3[%mul3A_2] : memref<16384xf32, #tpu.memory_space<hbm>> -> memref<512xf32, #tpu.memory_space<hbm>>
      %dma_wait3A_1823 = tpu.memref_slice %arg3[%mul3A_2] : memref<16384xf32, #tpu.memory_space<hbm>> -> memref<512xf32, #tpu.memory_space<hbm>>
      tpu.wait_dma2 semaphore(%run_scoped3A : memref<!tpu.dma_semaphore, #tpu.memory_space<semaphore_mem>>) src(%dma_wait3A_1823 : memref<512xf32, #tpu.memory_space<hbm>>) dst(%arg10 : memref<512xf32, #tpu.memory_space<vmem>>)
      tpu.yield
    }) : () -> ()
    "tpu.region"() ({
      %run_scoped3A = tpu.sem_alloc : memref<!tpu.dma_semaphore, #tpu.memory_space<semaphore_mem>>
      tpu.enqueue_dma source(%arg6 : memref<16xf32, #tpu.memory_space<hbm>>) target(%arg11 : memref<16xf32, #tpu.memory_space<vmem>>) target_semaphore(%run_scoped3A : memref<!tpu.dma_semaphore, #tpu.memory_space<semaphore_mem>>)
      tpu.wait_dma2 semaphore(%run_scoped3A : memref<!tpu.dma_semaphore, #tpu.memory_space<semaphore_mem>>) src(%arg6 : memref<16xf32, #tpu.memory_space<hbm>>) dst(%arg11 : memref<16xf32, #tpu.memory_space<vmem>>)
      tpu.yield
    }) : () -> ()
    "tpu.region"() ({
      %run_scoped3A = tpu.sem_alloc : memref<!tpu.dma_semaphore, #tpu.memory_space<semaphore_mem>>
      tpu.enqueue_dma source(%arg7 : memref<384xf32, #tpu.memory_space<hbm>>) target(%arg12 : memref<384xf32, #tpu.memory_space<vmem>>) target_semaphore(%run_scoped3A : memref<!tpu.dma_semaphore, #tpu.memory_space<semaphore_mem>>)
      tpu.wait_dma2 semaphore(%run_scoped3A : memref<!tpu.dma_semaphore, #tpu.memory_space<semaphore_mem>>) src(%arg7 : memref<384xf32, #tpu.memory_space<hbm>>) dst(%arg12 : memref<384xf32, #tpu.memory_space<vmem>>)
      tpu.yield
    }) : () -> ()
    %get3A = arith.constant 0 : index
    %get3A_5 = tpu.vector_load %arg9[%get3A] {strides = array<i32>} : memref<512xf32, #tpu.memory_space<vmem>>, vector<16xf32>,
    %get3A_6 = vector.shape_cast %get3A_5 : vector<16xf32> to vector<16xf32>
    %jit3A = arith.constant 0.000000e+00 : f32
    %jit3A_7 = arith.constant 1.000000e+00 : f32
    %max3A = vector.broadcast %jit3A : f32 to vector<16xf32>
    %max3A_8 = arith.maximumf %max3A, %get3A_6 : vector<16xf32>
    %min3A = vector.broadcast %jit3A_7 : f32 to vector<16xf32>
    %min3A_9 = arith.minimumf %min3A, %max3A_8 : vector<16xf32>
    %mul3A_10 = arith.constant 3.200000e+01 : f32
    %mul3A_11 = vector.broadcast %mul3A_10 : f32 to vector<16xf32>
    %mul3A_12 = arith.mulf %min3A_9, %mul3A_11 : vector<16xf32>
    %convert_element_type3A = arith.fptosi %mul3A_12 : vector<16xf32> to vector<16xi32>
    %min3A_13 = arith.constant 31 : i32
    %min3A_14 = vector.broadcast %min3A_13 : i32 to vector<16xi32>
    %min3A_15 = arith.minsi %convert_element_type3A, %min3A_14 : vector<16xi32>
    %add3A_16 = vector.broadcast %mul3A_4 : i32 to vector<16xi32>
    %add3A_17 = arith.addi %min3A_15, %add3A_16 : vector<16xi32>
    %swap3A = arith.constant 0 : index
    %swap3A_18 = tpu.vector_load %arg13[%swap3A] {strides = array<i32>} : memref<64xi32, #tpu.memory_space<vmem>>, vector<16xi32>,
    %swap3A_19 = vector.shape_cast %swap3A_18 : vector<16xi32> to vector<16xi32>
    %swap3A_20 = vector.shape_cast %add3A_17 : vector<16xi32> to vector<16xi32>
    tpu.vector_store %arg13[%swap3A], %swap3A_20 {strides = array<i32>} : memref<64xi32, #tpu.memory_space<vmem>>, vector<16xi32>,
    %get3A_21 = arith.constant 0 : index
    %get3A_22 = tpu.vector_load %arg10[%get3A_21] {strides = array<i32>} : memref<512xf32, #tpu.memory_space<vmem>>, vector<16xf32>,
    %get3A_23 = vector.shape_cast %get3A_22 : vector<16xf32> to vector<16xf32>
    %jit3A_24 = arith.constant 0.000000e+00 : f32
    %jit3A_25 = arith.constant 1.000000e+00 : f32
    %max3A_26 = vector.broadcast %jit3A_24 : f32 to vector<16xf32>
    %max3A_27 = arith.maximumf %max3A_26, %get3A_23 : vector<16xf32>
    %min3A_28 = vector.broadcast %jit3A_25 : f32 to vector<16xf32>
    %min3A_29 = arith.minimumf %min3A_28, %max3A_27 : vector<16xf32>
    %mul3A_30 = arith.constant 3.200000e+01 : f32
    %mul3A_31 = vector.broadcast %mul3A_30 : f32 to vector<16xf32>
    %mul3A_32 = arith.mulf %min3A_29, %mul3A_31 : vector<16xf32>
    %convert_element_type3A_33 = arith.fptosi %mul3A_32 : vector<16xf32> to vector<16xi32>
    %min3A_34 = arith.constant 31 : i32
    %min3A_35 = vector.broadcast %min3A_34 : i32 to vector<16xi32>
    %min3A_36 = arith.minsi %convert_element_type3A_33, %min3A_35 : vector<16xi32>
    %add3A_37 = vector.broadcast %mul3A_4 : i32 to vector<16xi32>
    %add3A_38 = arith.addi %min3A_36, %add3A_37 : vector<16xi32>
    %swap3A_39 = arith.constant 0 : index
    %swap3A_40 = tpu.vector_load %arg21[%swap3A_39] {strides = array<i32>} : memref<64xi32, #tpu.memory_space<vmem>>, vector<16xi32>,
    %swap3A_41 = vector.shape_cast %swap3A_40 : vector<16xi32> to vector<16xi32>
    %swap3A_42 = vector.shape_cast %add3A_38 : vector<16xi32> to vector<16xi32>
    tpu.vector_store %arg21[%swap3A_39], %swap3A_42 {strides = array<i32>} : memref<64xi32, #tpu.memory_space<vmem>>, vector<16xi32>,
    %get3A_43 = arith.constant 16 : index
    %get3A_44 = tpu.vector_load %arg9[%get3A_43] {strides = array<i32>} : memref<512xf32, #tpu.memory_space<vmem>>, vector<16xf32>,
    %get3A_45 = vector.shape_cast %get3A_44 : vector<16xf32> to vector<16xf32>
    %jit3A_46 = arith.constant 0.000000e+00 : f32
    %jit3A_47 = arith.constant 1.000000e+00 : f32
    %max3A_48 = vector.broadcast %jit3A_46 : f32 to vector<16xf32>
    %max3A_49 = arith.maximumf %max3A_48, %get3A_45 : vector<16xf32>
    %min3A_50 = vector.broadcast %jit3A_47 : f32 to vector<16xf32>
    %min3A_51 = arith.minimumf %min3A_50, %max3A_49 : vector<16xf32>
    %mul3A_52 = arith.constant 3.200000e+01 : f32
    %mul3A_53 = vector.broadcast %mul3A_52 : f32 to vector<16xf32>
    %mul3A_54 = arith.mulf %min3A_51, %mul3A_53 : vector<16xf32>
    %convert_element_type3A_55 = arith.fptosi %mul3A_54 : vector<16xf32> to vector<16xi32>
    %min3A_56 = arith.constant 31 : i32
    %min3A_57 = vector.broadcast %min3A_56 : i32 to vector<16xi32>
    %min3A_58 = arith.minsi %convert_element_type3A_55, %min3A_57 : vector<16xi32>
    %add3A_59 = vector.broadcast %mul3A_4 : i32 to vector<16xi32>
    %add3A_60 = arith.addi %min3A_58, %add3A_59 : vector<16xi32>
    %swap3A_61 = arith.constant 16 : index
    %swap3A_62 = tpu.vector_load %arg13[%swap3A_61] {strides = array<i32>} : memref<64xi32, #tpu.memory_space<vmem>>, vector<16xi32>,
    %swap3A_63 = vector.shape_cast %swap3A_62 : vector<16xi32> to vector<16xi32>
    %swap3A_64 = vector.shape_cast %add3A_60 : vector<16xi32> to vector<16xi32>
    tpu.vector_store %arg13[%swap3A_61], %swap3A_64 {strides = array<i32>} : memref<64xi32, #tpu.memory_space<vmem>>, vector<16xi32>,
    %get3A_65 = arith.constant 16 : index
    %get3A_66 = tpu.vector_load %arg10[%get3A_65] {strides = array<i32>} : memref<512xf32, #tpu.memory_space<vmem>>, vector<16xf32>,
    %get3A_67 = vector.shape_cast %get3A_66 : vector<16xf32> to vector<16xf32>
    %jit3A_68 = arith.constant 0.000000e+00 : f32
    %jit3A_69 = arith.constant 1.000000e+00 : f32
    %max3A_70 = vector.broadcast %jit3A_68 : f32 to vector<16xf32>
    %max3A_71 = arith.maximumf %max3A_70, %get3A_67 : vector<16xf32>
    %min3A_72 = vector.broadcast %jit3A_69 : f32 to vector<16xf32>
    %min3A_73 = arith.minimumf %min3A_72, %max3A_71 : vector<16xf32>
    %mul3A_74 = arith.constant 3.200000e+01 : f32
    %mul3A_75 = vector.broadcast %mul3A_74 : f32 to vector<16xf32>
    %mul3A_76 = arith.mulf %min3A_73, %mul3A_75 : vector<16xf32>
    %convert_element_type3A_77 = arith.fptosi %mul3A_76 : vector<16xf32> to vector<16xi32>
    %min3A_78 = arith.constant 31 : i32
    %min3A_79 = vector.broadcast %min3A_78 : i32 to vector<16xi32>
    %min3A_80 = arith.minsi %convert_element_type3A_77, %min3A_79 : vector<16xi32>
    %add3A_81 = vector.broadcast %mul3A_4 : i32 to vector<16xi32>
    %add3A_82 = arith.addi %min3A_80, %add3A_81 : vector<16xi32>
    %swap3A_83 = arith.constant 16 : index
    %swap3A_84 = tpu.vector_load %arg21[%swap3A_83] {strides = array<i32>} : memref<64xi32, #tpu.memory_space<vmem>>, vector<16xi32>,
    %swap3A_85 = vector.shape_cast %swap3A_84 : vector<16xi32> to vector<16xi32>
    %swap3A_86 = vector.shape_cast %add3A_82 : vector<16xi32> to vector<16xi32>
    tpu.vector_store %arg21[%swap3A_83], %swap3A_86 {strides = array<i32>} : memref<64xi32, #tpu.memory_space<vmem>>, vector<16xi32>,
    %get3A_87 = arith.constant 32 : index
    %get3A_88 = tpu.vector_load %arg9[%get3A_87] {strides = array<i32>} : memref<512xf32, #tpu.memory_space<vmem>>, vector<16xf32>,
    %get3A_89 = vector.shape_cast %get3A_88 : vector<16xf32> to vector<16xf32>
    %jit3A_90 = arith.constant 0.000000e+00 : f32
    %jit3A_91 = arith.constant 1.000000e+00 : f32
    %max3A_92 = vector.broadcast %jit3A_90 : f32 to vector<16xf32>
    %max3A_93 = arith.maximumf %max3A_92, %get3A_89 : vector<16xf32>
    %min3A_94 = vector.broadcast %jit3A_91 : f32 to vector<16xf32>
    %min3A_95 = arith.minimumf %min3A_94, %max3A_93 : vector<16xf32>
    %mul3A_96 = arith.constant 3.200000e+01 : f32
    %mul3A_97 = vector.broadcast %mul3A_96 : f32 to vector<16xf32>
    %mul3A_98 = arith.mulf %min3A_95, %mul3A_97 : vector<16xf32>
    %convert_element_type3A_99 = arith.fptosi %mul3A_98 : vector<16xf32> to vector<16xi32>
    %min3A_100 = arith.constant 31 : i32
    %min3A_101 = vector.broadcast %min3A_100 : i32 to vector<16xi32>
    %min3A_102 = arith.minsi %convert_element_type3A_99, %min3A_101 : vector<16xi32>
    %add3A_103 = vector.broadcast %mul3A_4 : i32 to vector<16xi32>
    %add3A_104 = arith.addi %min3A_102, %add3A_103 : vector<16xi32>
    %swap3A_105 = arith.constant 32 : index
    %swap3A_106 = tpu.vector_load %arg13[%swap3A_105] {strides = array<i32>} : memref<64xi32, #tpu.memory_space<vmem>>, vector<16xi32>,
    %swap3A_107 = vector.shape_cast %swap3A_106 : vector<16xi32> to vector<16xi32>
    %swap3A_108 = vector.shape_cast %add3A_104 : vector<16xi32> to vector<16xi32>
    tpu.vector_store %arg13[%swap3A_105], %swap3A_108 {strides = array<i32>} : memref<64xi32, #tpu.memory_space<vmem>>, vector<16xi32>,
    %get3A_109 = arith.constant 32 : index
    %get3A_110 = tpu.vector_load %arg10[%get3A_109] {strides = array<i32>} : memref<512xf32, #tpu.memory_space<vmem>>, vector<16xf32>,
    %get3A_111 = vector.shape_cast %get3A_110 : vector<16xf32> to vector<16xf32>
    %jit3A_112 = arith.constant 0.000000e+00 : f32
    %jit3A_113 = arith.constant 1.000000e+00 : f32
    %max3A_114 = vector.broadcast %jit3A_112 : f32 to vector<16xf32>
    %max3A_115 = arith.maximumf %max3A_114, %get3A_111 : vector<16xf32>
    %min3A_116 = vector.broadcast %jit3A_113 : f32 to vector<16xf32>
    %min3A_117 = arith.minimumf %min3A_116, %max3A_115 : vector<16xf32>
    %mul3A_118 = arith.constant 3.200000e+01 : f32
    %mul3A_119 = vector.broadcast %mul3A_118 : f32 to vector<16xf32>
    %mul3A_120 = arith.mulf %min3A_117, %mul3A_119 : vector<16xf32>
    %convert_element_type3A_121 = arith.fptosi %mul3A_120 : vector<16xf32> to vector<16xi32>
    %min3A_122 = arith.constant 31 : i32
    %min3A_123 = vector.broadcast %min3A_122 : i32 to vector<16xi32>
    %min3A_124 = arith.minsi %convert_element_type3A_121, %min3A_123 : vector<16xi32>
    %add3A_125 = vector.broadcast %mul3A_4 : i32 to vector<16xi32>
    %add3A_126 = arith.addi %min3A_124, %add3A_125 : vector<16xi32>
    %swap3A_127 = arith.constant 32 : index
    %swap3A_128 = tpu.vector_load %arg21[%swap3A_127] {strides = array<i32>} : memref<64xi32, #tpu.memory_space<vmem>>, vector<16xi32>,
    %swap3A_129 = vector.shape_cast %swap3A_128 : vector<16xi32> to vector<16xi32>
    %swap3A_130 = vector.shape_cast %add3A_126 : vector<16xi32> to vector<16xi32>
    tpu.vector_store %arg21[%swap3A_127], %swap3A_130 {strides = array<i32>} : memref<64xi32, #tpu.memory_space<vmem>>, vector<16xi32>,
    %get3A_131 = arith.constant 48 : index
    %get3A_132 = tpu.vector_load %arg9[%get3A_131] {strides = array<i32>} : memref<512xf32, #tpu.memory_space<vmem>>, vector<16xf32>,
    %get3A_133 = vector.shape_cast %get3A_132 : vector<16xf32> to vector<16xf32>
    %jit3A_134 = arith.constant 0.000000e+00 : f32
    %jit3A_135 = arith.constant 1.000000e+00 : f32
    %max3A_136 = vector.broadcast %jit3A_134 : f32 to vector<16xf32>
    %max3A_137 = arith.maximumf %max3A_136, %get3A_133 : vector<16xf32>
    %min3A_138 = vector.broadcast %jit3A_135 : f32 to vector<16xf32>
    %min3A_139 = arith.minimumf %min3A_138, %max3A_137 : vector<16xf32>
    %mul3A_140 = arith.constant 3.200000e+01 : f32
    %mul3A_141 = vector.broadcast %mul3A_140 : f32 to vector<16xf32>
    %mul3A_142 = arith.mulf %min3A_139, %mul3A_141 : vector<16xf32>
    %convert_element_type3A_143 = arith.fptosi %mul3A_142 : vector<16xf32> to vector<16xi32>
    %min3A_144 = arith.constant 31 : i32
    %min3A_145 = vector.broadcast %min3A_144 : i32 to vector<16xi32>
    %min3A_146 = arith.minsi %convert_element_type3A_143, %min3A_145 : vector<16xi32>
    %add3A_147 = vector.broadcast %mul3A_4 : i32 to vector<16xi32>
    %add3A_148 = arith.addi %min3A_146, %add3A_147 : vector<16xi32>
    %swap3A_149 = arith.constant 48 : index
    %swap3A_150 = tpu.vector_load %arg13[%swap3A_149] {strides = array<i32>} : memref<64xi32, #tpu.memory_space<vmem>>, vector<16xi32>,
    %swap3A_151 = vector.shape_cast %swap3A_150 : vector<16xi32> to vector<16xi32>
    %swap3A_152 = vector.shape_cast %add3A_148 : vector<16xi32> to vector<16xi32>
    tpu.vector_store %arg13[%swap3A_149], %swap3A_152 {strides = array<i32>} : memref<64xi32, #tpu.memory_space<vmem>>, vector<16xi32>,
    %get3A_153 = arith.constant 48 : index
    %get3A_154 = tpu.vector_load %arg10[%get3A_153] {strides = array<i32>} : memref<512xf32, #tpu.memory_space<vmem>>, vector<16xf32>,
    %get3A_155 = vector.shape_cast %get3A_154 : vector<16xf32> to vector<16xf32>
    %jit3A_156 = arith.constant 0.000000e+00 : f32
    %jit3A_157 = arith.constant 1.000000e+00 : f32
    %max3A_158 = vector.broadcast %jit3A_156 : f32 to vector<16xf32>
    %max3A_159 = arith.maximumf %max3A_158, %get3A_155 : vector<16xf32>
    %min3A_160 = vector.broadcast %jit3A_157 : f32 to vector<16xf32>
    %min3A_161 = arith.minimumf %min3A_160, %max3A_159 : vector<16xf32>
    %mul3A_162 = arith.constant 3.200000e+01 : f32
    %mul3A_163 = vector.broadcast %mul3A_162 : f32 to vector<16xf32>
    %mul3A_164 = arith.mulf %min3A_161, %mul3A_163 : vector<16xf32>
    %convert_element_type3A_165 = arith.fptosi %mul3A_164 : vector<16xf32> to vector<16xi32>
    %min3A_166 = arith.constant 31 : i32
    %min3A_167 = vector.broadcast %min3A_166 : i32 to vector<16xi32>
    %min3A_168 = arith.minsi %convert_element_type3A_165, %min3A_167 : vector<16xi32>
    %add3A_169 = vector.broadcast %mul3A_4 : i32 to vector<16xi32>
    %add3A_170 = arith.addi %min3A_168, %add3A_169 : vector<16xi32>
    %swap3A_171 = arith.constant 48 : index
    %swap3A_172 = tpu.vector_load %arg21[%swap3A_171] {strides = array<i32>} : memref<64xi32, #tpu.memory_space<vmem>>, vector<16xi32>,
    %swap3A_173 = vector.shape_cast %swap3A_172 : vector<16xi32> to vector<16xi32>
    %swap3A_174 = vector.shape_cast %add3A_170 : vector<16xi32> to vector<16xi32>
    tpu.vector_store %arg21[%swap3A_171], %swap3A_174 {strides = array<i32>} : memref<64xi32, #tpu.memory_space<vmem>>, vector<16xi32>,
    %get3A_175 = arith.constant 64 : index
    %get3A_176 = tpu.vector_load %arg9[%get3A_175] {strides = array<i32>} : memref<512xf32, #tpu.memory_space<vmem>>, vector<16xf32>,
    %get3A_177 = vector.shape_cast %get3A_176 : vector<16xf32> to vector<16xf32>
    %jit3A_178 = arith.constant 0.000000e+00 : f32
    %jit3A_179 = arith.constant 1.000000e+00 : f32
    %max3A_180 = vector.broadcast %jit3A_178 : f32 to vector<16xf32>
    %max3A_181 = arith.maximumf %max3A_180, %get3A_177 : vector<16xf32>
    %min3A_182 = vector.broadcast %jit3A_179 : f32 to vector<16xf32>
    %min3A_183 = arith.minimumf %min3A_182, %max3A_181 : vector<16xf32>
    %mul3A_184 = arith.constant 3.200000e+01 : f32
    %mul3A_185 = vector.broadcast %mul3A_184 : f32 to vector<16xf32>
    %mul3A_186 = arith.mulf %min3A_183, %mul3A_185 : vector<16xf32>
    %convert_element_type3A_187 = arith.fptosi %mul3A_186 : vector<16xf32> to vector<16xi32>
    %min3A_188 = arith.constant 31 : i32
    %min3A_189 = vector.broadcast %min3A_188 : i32 to vector<16xi32>
    %min3A_190 = arith.minsi %convert_element_type3A_187, %min3A_189 : vector<16xi32>
    %add3A_191 = vector.broadcast %mul3A_4 : i32 to vector<16xi32>
    %add3A_192 = arith.addi %min3A_190, %add3A_191 : vector<16xi32>
    %swap3A_193 = arith.constant 0 : index
    %swap3A_194 = tpu.vector_load %arg14[%swap3A_193] {strides = array<i32>} : memref<64xi32, #tpu.memory_space<vmem>>, vector<16xi32>,
    %swap3A_195 = vector.shape_cast %swap3A_194 : vector<16xi32> to vector<16xi32>
    %swap3A_196 = vector.shape_cast %add3A_192 : vector<16xi32> to vector<16xi32>
    tpu.vector_store %arg14[%swap3A_193], %swap3A_196 {strides = array<i32>} : memref<64xi32, #tpu.memory_space<vmem>>, vector<16xi32>,
    %get3A_197 = arith.constant 64 : index
    %get3A_198 = tpu.vector_load %arg10[%get3A_197] {strides = array<i32>} : memref<512xf32, #tpu.memory_space<vmem>>, vector<16xf32>,
    %get3A_199 = vector.shape_cast %get3A_198 : vector<16xf32> to vector<16xf32>
    %jit3A_200 = arith.constant 0.000000e+00 : f32
    %jit3A_201 = arith.constant 1.000000e+00 : f32
    %max3A_202 = vector.broadcast %jit3A_200 : f32 to vector<16xf32>
    %max3A_203 = arith.maximumf %max3A_202, %get3A_199 : vector<16xf32>
    %min3A_204 = vector.broadcast %jit3A_201 : f32 to vector<16xf32>
    %min3A_205 = arith.minimumf %min3A_204, %max3A_203 : vector<16xf32>
    %mul3A_206 = arith.constant 3.200000e+01 : f32
    %mul3A_207 = vector.broadcast %mul3A_206 : f32 to vector<16xf32>
    %mul3A_208 = arith.mulf %min3A_205, %mul3A_207 : vector<16xf32>
    %convert_element_type3A_209 = arith.fptosi %mul3A_208 : vector<16xf32> to vector<16xi32>
    %min3A_210 = arith.constant 31 : i32
    %min3A_211 = vector.broadcast %min3A_210 : i32 to vector<16xi32>
    %min3A_212 = arith.minsi %convert_element_type3A_209, %min3A_211 : vector<16xi32>
    %add3A_213 = vector.broadcast %mul3A_4 : i32 to vector<16xi32>
    %add3A_214 = arith.addi %min3A_212, %add3A_213 : vector<16xi32>
    %swap3A_215 = arith.constant 0 : index
    %swap3A_216 = tpu.vector_load %arg22[%swap3A_215] {strides = array<i32>} : memref<64xi32, #tpu.memory_space<vmem>>, vector<16xi32>,
    %swap3A_217 = vector.shape_cast %swap3A_216 : vector<16xi32> to vector<16xi32>
    %swap3A_218 = vector.shape_cast %add3A_214 : vector<16xi32> to vector<16xi32>
    tpu.vector_store %arg22[%swap3A_215], %swap3A_218 {strides = array<i32>} : memref<64xi32, #tpu.memory_space<vmem>>, vector<16xi32>,
    %get3A_219 = arith.constant 80 : index
    %get3A_220 = tpu.vector_load %arg9[%get3A_219] {strides = array<i32>} : memref<512xf32, #tpu.memory_space<vmem>>, vector<16xf32>,
    %get3A_221 = vector.shape_cast %get3A_220 : vector<16xf32> to vector<16xf32>
    %jit3A_222 = arith.constant 0.000000e+00 : f32
    %jit3A_223 = arith.constant 1.000000e+00 : f32
    %max3A_224 = vector.broadcast %jit3A_222 : f32 to vector<16xf32>
    %max3A_225 = arith.maximumf %max3A_224, %get3A_221 : vector<16xf32>
    %min3A_226 = vector.broadcast %jit3A_223 : f32 to vector<16xf32>
    %min3A_227 = arith.minimumf %min3A_226, %max3A_225 : vector<16xf32>
    %mul3A_228 = arith.constant 3.200000e+01 : f32
    %mul3A_229 = vector.broadcast %mul3A_228 : f32 to vector<16xf32>
    %mul3A_230 = arith.mulf %min3A_227, %mul3A_229 : vector<16xf32>
    %convert_element_type3A_231 = arith.fptosi %mul3A_230 : vector<16xf32> to vector<16xi32>
    %min3A_232 = arith.constant 31 : i32
    %min3A_233 = vector.broadcast %min3A_232 : i32 to vector<16xi32>
    %min3A_234 = arith.minsi %convert_element_type3A_231, %min3A_233 : vector<16xi32>
    %add3A_235 = vector.broadcast %mul3A_4 : i32 to vector<16xi32>
    %add3A_236 = arith.addi %min3A_234, %add3A_235 : vector<16xi32>
    %swap3A_237 = arith.constant 16 : index
    %swap3A_238 = tpu.vector_load %arg14[%swap3A_237] {strides = array<i32>} : memref<64xi32, #tpu.memory_space<vmem>>, vector<16xi32>,
    %swap3A_239 = vector.shape_cast %swap3A_238 : vector<16xi32> to vector<16xi32>
    %swap3A_240 = vector.shape_cast %add3A_236 : vector<16xi32> to vector<16xi32>
    tpu.vector_store %arg14[%swap3A_237], %swap3A_240 {strides = array<i32>} : memref<64xi32, #tpu.memory_space<vmem>>, vector<16xi32>,
    %get3A_241 = arith.constant 80 : index
    %get3A_242 = tpu.vector_load %arg10[%get3A_241] {strides = array<i32>} : memref<512xf32, #tpu.memory_space<vmem>>, vector<16xf32>,
    %get3A_243 = vector.shape_cast %get3A_242 : vector<16xf32> to vector<16xf32>
    %jit3A_244 = arith.constant 0.000000e+00 : f32
    %jit3A_245 = arith.constant 1.000000e+00 : f32
    %max3A_246 = vector.broadcast %jit3A_244 : f32 to vector<16xf32>
    %max3A_247 = arith.maximumf %max3A_246, %get3A_243 : vector<16xf32>
    %min3A_248 = vector.broadcast %jit3A_245 : f32 to vector<16xf32>
    %min3A_249 = arith.minimumf %min3A_248, %max3A_247 : vector<16xf32>
    %mul3A_250 = arith.constant 3.200000e+01 : f32
    %mul3A_251 = vector.broadcast %mul3A_250 : f32 to vector<16xf32>
    %mul3A_252 = arith.mulf %min3A_249, %mul3A_251 : vector<16xf32>
    %convert_element_type3A_253 = arith.fptosi %mul3A_252 : vector<16xf32> to vector<16xi32>
    %min3A_254 = arith.constant 31 : i32
    %min3A_255 = vector.broadcast %min3A_254 : i32 to vector<16xi32>
    %min3A_256 = arith.minsi %convert_element_type3A_253, %min3A_255 : vector<16xi32>
    %add3A_257 = vector.broadcast %mul3A_4 : i32 to vector<16xi32>
    %add3A_258 = arith.addi %min3A_256, %add3A_257 : vector<16xi32>
    %swap3A_259 = arith.constant 16 : index
    %swap3A_260 = tpu.vector_load %arg22[%swap3A_259] {strides = array<i32>} : memref<64xi32, #tpu.memory_space<vmem>>, vector<16xi32>,
    %swap3A_261 = vector.shape_cast %swap3A_260 : vector<16xi32> to vector<16xi32>
    %swap3A_262 = vector.shape_cast %add3A_258 : vector<16xi32> to vector<16xi32>
    tpu.vector_store %arg22[%swap3A_259], %swap3A_262 {strides = array<i32>} : memref<64xi32, #tpu.memory_space<vmem>>, vector<16xi32>,
    %get3A_263 = arith.constant 96 : index
    %get3A_264 = tpu.vector_load %arg9[%get3A_263] {strides = array<i32>} : memref<512xf32, #tpu.memory_space<vmem>>, vector<16xf32>,
    %get3A_265 = vector.shape_cast %get3A_264 : vector<16xf32> to vector<16xf32>
    %jit3A_266 = arith.constant 0.000000e+00 : f32
    %jit3A_267 = arith.constant 1.000000e+00 : f32
    %max3A_268 = vector.broadcast %jit3A_266 : f32 to vector<16xf32>
    %max3A_269 = arith.maximumf %max3A_268, %get3A_265 : vector<16xf32>
    %min3A_270 = vector.broadcast %jit3A_267 : f32 to vector<16xf32>
    %min3A_271 = arith.minimumf %min3A_270, %max3A_269 : vector<16xf32>
    %mul3A_272 = arith.constant 3.200000e+01 : f32
    %mul3A_273 = vector.broadcast %mul3A_272 : f32 to vector<16xf32>
    %mul3A_274 = arith.mulf %min3A_271, %mul3A_273 : vector<16xf32>
    %convert_element_type3A_275 = arith.fptosi %mul3A_274 : vector<16xf32> to vector<16xi32>
    %min3A_276 = arith.constant 31 : i32
    %min3A_277 = vector.broadcast %min3A_276 : i32 to vector<16xi32>
    %min3A_278 = arith.minsi %convert_element_type3A_275, %min3A_277 : vector<16xi32>
    %add3A_279 = vector.broadcast %mul3A_4 : i32 to vector<16xi32>
    %add3A_280 = arith.addi %min3A_278, %add3A_279 : vector<16xi32>
    %swap3A_281 = arith.constant 32 : index
    %swap3A_282 = tpu.vector_load %arg14[%swap3A_281] {strides = array<i32>} : memref<64xi32, #tpu.memory_space<vmem>>, vector<16xi32>,
    %swap3A_283 = vector.shape_cast %swap3A_282 : vector<16xi32> to vector<16xi32>
    %swap3A_284 = vector.shape_cast %add3A_280 : vector<16xi32> to vector<16xi32>
    tpu.vector_store %arg14[%swap3A_281], %swap3A_284 {strides = array<i32>} : memref<64xi32, #tpu.memory_space<vmem>>, vector<16xi32>,
    %get3A_285 = arith.constant 96 : index
    %get3A_286 = tpu.vector_load %arg10[%get3A_285] {strides = array<i32>} : memref<512xf32, #tpu.memory_space<vmem>>, vector<16xf32>,
    %get3A_287 = vector.shape_cast %get3A_286 : vector<16xf32> to vector<16xf32>
    %jit3A_288 = arith.constant 0.000000e+00 : f32
    %jit3A_289 = arith.constant 1.000000e+00 : f32
    %max3A_290 = vector.broadcast %jit3A_288 : f32 to vector<16xf32>
    %max3A_291 = arith.maximumf %max3A_290, %get3A_287 : vector<16xf32>
    %min3A_292 = vector.broadcast %jit3A_289 : f32 to vector<16xf32>
    %min3A_293 = arith.minimumf %min3A_292, %max3A_291 : vector<16xf32>
    %mul3A_294 = arith.constant 3.200000e+01 : f32
    %mul3A_295 = vector.broadcast %mul3A_294 : f32 to vector<16xf32>
    %mul3A_296 = arith.mulf %min3A_293, %mul3A_295 : vector<16xf32>
    %convert_element_type3A_297 = arith.fptosi %mul3A_296 : vector<16xf32> to vector<16xi32>
    %min3A_298 = arith.constant 31 : i32
    %min3A_299 = vector.broadcast %min3A_298 : i32 to vector<16xi32>
    %min3A_300 = arith.minsi %convert_element_type3A_297, %min3A_299 : vector<16xi32>
    %add3A_301 = vector.broadcast %mul3A_4 : i32 to vector<16xi32>
    %add3A_302 = arith.addi %min3A_300, %add3A_301 : vector<16xi32>
    %swap3A_303 = arith.constant 32 : index
    %swap3A_304 = tpu.vector_load %arg22[%swap3A_303] {strides = array<i32>} : memref<64xi32, #tpu.memory_space<vmem>>, vector<16xi32>,
    %swap3A_305 = vector.shape_cast %swap3A_304 : vector<16xi32> to vector<16xi32>
    %swap3A_306 = vector.shape_cast %add3A_302 : vector<16xi32> to vector<16xi32>
    tpu.vector_store %arg22[%swap3A_303], %swap3A_306 {strides = array<i32>} : memref<64xi32, #tpu.memory_space<vmem>>, vector<16xi32>,
    %get3A_307 = arith.constant 112 : index
    %get3A_308 = tpu.vector_load %arg9[%get3A_307] {strides = array<i32>} : memref<512xf32, #tpu.memory_space<vmem>>, vector<16xf32>,
    %get3A_309 = vector.shape_cast %get3A_308 : vector<16xf32> to vector<16xf32>
    %jit3A_310 = arith.constant 0.000000e+00 : f32
    %jit3A_311 = arith.constant 1.000000e+00 : f32
    %max3A_312 = vector.broadcast %jit3A_310 : f32 to vector<16xf32>
    %max3A_313 = arith.maximumf %max3A_312, %get3A_309 : vector<16xf32>
    %min3A_314 = vector.broadcast %jit3A_311 : f32 to vector<16xf32>
    %min3A_315 = arith.minimumf %min3A_314, %max3A_313 : vector<16xf32>
    %mul3A_316 = arith.constant 3.200000e+01 : f32
    %mul3A_317 = vector.broadcast %mul3A_316 : f32 to vector<16xf32>
    %mul3A_318 = arith.mulf %min3A_315, %mul3A_317 : vector<16xf32>
    %convert_element_type3A_319 = arith.fptosi %mul3A_318 : vector<16xf32> to vector<16xi32>
    %min3A_320 = arith.constant 31 : i32
    %min3A_321 = vector.broadcast %min3A_320 : i32 to vector<16xi32>
    %min3A_322 = arith.minsi %convert_element_type3A_319, %min3A_321 : vector<16xi32>
    %add3A_323 = vector.broadcast %mul3A_4 : i32 to vector<16xi32>
    %add3A_324 = arith.addi %min3A_322, %add3A_323 : vector<16xi32>
    %swap3A_325 = arith.constant 48 : index
    %swap3A_326 = tpu.vector_load %arg14[%swap3A_325] {strides = array<i32>} : memref<64xi32, #tpu.memory_space<vmem>>, vector<16xi32>,
    %swap3A_327 = vector.shape_cast %swap3A_326 : vector<16xi32> to vector<16xi32>
    %swap3A_328 = vector.shape_cast %add3A_324 : vector<16xi32> to vector<16xi32>
    tpu.vector_store %arg14[%swap3A_325], %swap3A_328 {strides = array<i32>} : memref<64xi32, #tpu.memory_space<vmem>>, vector<16xi32>,
    %get3A_329 = arith.constant 112 : index
    %get3A_330 = tpu.vector_load %arg10[%get3A_329] {strides = array<i32>} : memref<512xf32, #tpu.memory_space<vmem>>, vector<16xf32>,
    %get3A_331 = vector.shape_cast %get3A_330 : vector<16xf32> to vector<16xf32>
    %jit3A_332 = arith.constant 0.000000e+00 : f32
    %jit3A_333 = arith.constant 1.000000e+00 : f32
    %max3A_334 = vector.broadcast %jit3A_332 : f32 to vector<16xf32>
    %max3A_335 = arith.maximumf %max3A_334, %get3A_331 : vector<16xf32>
    %min3A_336 = vector.broadcast %jit3A_333 : f32 to vector<16xf32>
    %min3A_337 = arith.minimumf %min3A_336, %max3A_335 : vector<16xf32>
    %mul3A_338 = arith.constant 3.200000e+01 : f32
    %mul3A_339 = vector.broadcast %mul3A_338 : f32 to vector<16xf32>
    %mul3A_340 = arith.mulf %min3A_337, %mul3A_339 : vector<16xf32>
    %convert_element_type3A_341 = arith.fptosi %mul3A_340 : vector<16xf32> to vector<16xi32>
    %min3A_342 = arith.constant 31 : i32
    %min3A_343 = vector.broadcast %min3A_342 : i32 to vector<16xi32>
    %min3A_344 = arith.minsi %convert_element_type3A_341, %min3A_343 : vector<16xi32>
    %add3A_345 = vector.broadcast %mul3A_4 : i32 to vector<16xi32>
    %add3A_346 = arith.addi %min3A_344, %add3A_345 : vector<16xi32>
    %swap3A_347 = arith.constant 48 : index
    %swap3A_348 = tpu.vector_load %arg22[%swap3A_347] {strides = array<i32>} : memref<64xi32, #tpu.memory_space<vmem>>, vector<16xi32>,
    %swap3A_349 = vector.shape_cast %swap3A_348 : vector<16xi32> to vector<16xi32>
    %swap3A_350 = vector.shape_cast %add3A_346 : vector<16xi32> to vector<16xi32>
    tpu.vector_store %arg22[%swap3A_347], %swap3A_350 {strides = array<i32>} : memref<64xi32, #tpu.memory_space<vmem>>, vector<16xi32>,
    %get3A_351 = arith.constant 128 : index
    %get3A_352 = tpu.vector_load %arg9[%get3A_351] {strides = array<i32>} : memref<512xf32, #tpu.memory_space<vmem>>, vector<16xf32>,
    %get3A_353 = vector.shape_cast %get3A_352 : vector<16xf32> to vector<16xf32>
    %jit3A_354 = arith.constant 0.000000e+00 : f32
    %jit3A_355 = arith.constant 1.000000e+00 : f32
    %max3A_356 = vector.broadcast %jit3A_354 : f32 to vector<16xf32>
    %max3A_357 = arith.maximumf %max3A_356, %get3A_353 : vector<16xf32>
    %min3A_358 = vector.broadcast %jit3A_355 : f32 to vector<16xf32>
    %min3A_359 = arith.minimumf %min3A_358, %max3A_357 : vector<16xf32>
    %mul3A_360 = arith.constant 3.200000e+01 : f32
    %mul3A_361 = vector.broadcast %mul3A_360 : f32 to vector<16xf32>
    %mul3A_362 = arith.mulf %min3A_359, %mul3A_361 : vector<16xf32>
    %convert_element_type3A_363 = arith.fptosi %mul3A_362 : vector<16xf32> to vector<16xi32>
    %min3A_364 = arith.constant 31 : i32
    %min3A_365 = vector.broadcast %min3A_364 : i32 to vector<16xi32>
    %min3A_366 = arith.minsi %convert_element_type3A_363, %min3A_365 : vector<16xi32>
    %add3A_367 = vector.broadcast %mul3A_4 : i32 to vector<16xi32>
    %add3A_368 = arith.addi %min3A_366, %add3A_367 : vector<16xi32>
    %swap3A_369 = arith.constant 0 : index
    %swap3A_370 = tpu.vector_load %arg15[%swap3A_369] {strides = array<i32>} : memref<64xi32, #tpu.memory_space<vmem>>, vector<16xi32>,
    %swap3A_371 = vector.shape_cast %swap3A_370 : vector<16xi32> to vector<16xi32>
    %swap3A_372 = vector.shape_cast %add3A_368 : vector<16xi32> to vector<16xi32>
    tpu.vector_store %arg15[%swap3A_369], %swap3A_372 {strides = array<i32>} : memref<64xi32, #tpu.memory_space<vmem>>, vector<16xi32>,
    %get3A_373 = arith.constant 128 : index
    %get3A_374 = tpu.vector_load %arg10[%get3A_373] {strides = array<i32>} : memref<512xf32, #tpu.memory_space<vmem>>, vector<16xf32>,
    %get3A_375 = vector.shape_cast %get3A_374 : vector<16xf32> to vector<16xf32>
    %jit3A_376 = arith.constant 0.000000e+00 : f32
    %jit3A_377 = arith.constant 1.000000e+00 : f32
    %max3A_378 = vector.broadcast %jit3A_376 : f32 to vector<16xf32>
    %max3A_379 = arith.maximumf %max3A_378, %get3A_375 : vector<16xf32>
    %min3A_380 = vector.broadcast %jit3A_377 : f32 to vector<16xf32>
    %min3A_381 = arith.minimumf %min3A_380, %max3A_379 : vector<16xf32>
    %mul3A_382 = arith.constant 3.200000e+01 : f32
    %mul3A_383 = vector.broadcast %mul3A_382 : f32 to vector<16xf32>
    %mul3A_384 = arith.mulf %min3A_381, %mul3A_383 : vector<16xf32>
    %convert_element_type3A_385 = arith.fptosi %mul3A_384 : vector<16xf32> to vector<16xi32>
    %min3A_386 = arith.constant 31 : i32
    %min3A_387 = vector.broadcast %min3A_386 : i32 to vector<16xi32>
    %min3A_388 = arith.minsi %convert_element_type3A_385, %min3A_387 : vector<16xi32>
    %add3A_389 = vector.broadcast %mul3A_4 : i32 to vector<16xi32>
    %add3A_390 = arith.addi %min3A_388, %add3A_389 : vector<16xi32>
    %swap3A_391 = arith.constant 0 : index
    %swap3A_392 = tpu.vector_load %arg23[%swap3A_391] {strides = array<i32>} : memref<64xi32, #tpu.memory_space<vmem>>, vector<16xi32>,
    %swap3A_393 = vector.shape_cast %swap3A_392 : vector<16xi32> to vector<16xi32>
    %swap3A_394 = vector.shape_cast %add3A_390 : vector<16xi32> to vector<16xi32>
    tpu.vector_store %arg23[%swap3A_391], %swap3A_394 {strides = array<i32>} : memref<64xi32, #tpu.memory_space<vmem>>, vector<16xi32>,
    %get3A_395 = arith.constant 144 : index
    %get3A_396 = tpu.vector_load %arg9[%get3A_395] {strides = array<i32>} : memref<512xf32, #tpu.memory_space<vmem>>, vector<16xf32>,
    %get3A_397 = vector.shape_cast %get3A_396 : vector<16xf32> to vector<16xf32>
    %jit3A_398 = arith.constant 0.000000e+00 : f32
    %jit3A_399 = arith.constant 1.000000e+00 : f32
    %max3A_400 = vector.broadcast %jit3A_398 : f32 to vector<16xf32>
    %max3A_401 = arith.maximumf %max3A_400, %get3A_397 : vector<16xf32>
    %min3A_402 = vector.broadcast %jit3A_399 : f32 to vector<16xf32>
    %min3A_403 = arith.minimumf %min3A_402, %max3A_401 : vector<16xf32>
    %mul3A_404 = arith.constant 3.200000e+01 : f32
    %mul3A_405 = vector.broadcast %mul3A_404 : f32 to vector<16xf32>
    %mul3A_406 = arith.mulf %min3A_403, %mul3A_405 : vector<16xf32>
    %convert_element_type3A_407 = arith.fptosi %mul3A_406 : vector<16xf32> to vector<16xi32>
    %min3A_408 = arith.constant 31 : i32
    %min3A_409 = vector.broadcast %min3A_408 : i32 to vector<16xi32>
    %min3A_410 = arith.minsi %convert_element_type3A_407, %min3A_409 : vector<16xi32>
    %add3A_411 = vector.broadcast %mul3A_4 : i32 to vector<16xi32>
    %add3A_412 = arith.addi %min3A_410, %add3A_411 : vector<16xi32>
    %swap3A_413 = arith.constant 16 : index
    %swap3A_414 = tpu.vector_load %arg15[%swap3A_413] {strides = array<i32>} : memref<64xi32, #tpu.memory_space<vmem>>, vector<16xi32>,
    %swap3A_415 = vector.shape_cast %swap3A_414 : vector<16xi32> to vector<16xi32>
    %swap3A_416 = vector.shape_cast %add3A_412 : vector<16xi32> to vector<16xi32>
    tpu.vector_store %arg15[%swap3A_413], %swap3A_416 {strides = array<i32>} : memref<64xi32, #tpu.memory_space<vmem>>, vector<16xi32>,
    %get3A_417 = arith.constant 144 : index
    %get3A_418 = tpu.vector_load %arg10[%get3A_417] {strides = array<i32>} : memref<512xf32, #tpu.memory_space<vmem>>, vector<16xf32>,
    %get3A_419 = vector.shape_cast %get3A_418 : vector<16xf32> to vector<16xf32>
    %jit3A_420 = arith.constant 0.000000e+00 : f32
    %jit3A_421 = arith.constant 1.000000e+00 : f32
    %max3A_422 = vector.broadcast %jit3A_420 : f32 to vector<16xf32>
    %max3A_423 = arith.maximumf %max3A_422, %get3A_419 : vector<16xf32>
    %min3A_424 = vector.broadcast %jit3A_421 : f32 to vector<16xf32>
    %min3A_425 = arith.minimumf %min3A_424, %max3A_423 : vector<16xf32>
    %mul3A_426 = arith.constant 3.200000e+01 : f32
    %mul3A_427 = vector.broadcast %mul3A_426 : f32 to vector<16xf32>
    %mul3A_428 = arith.mulf %min3A_425, %mul3A_427 : vector<16xf32>
    %convert_element_type3A_429 = arith.fptosi %mul3A_428 : vector<16xf32> to vector<16xi32>
    %min3A_430 = arith.constant 31 : i32
    %min3A_431 = vector.broadcast %min3A_430 : i32 to vector<16xi32>
    %min3A_432 = arith.minsi %convert_element_type3A_429, %min3A_431 : vector<16xi32>
    %add3A_433 = vector.broadcast %mul3A_4 : i32 to vector<16xi32>
    %add3A_434 = arith.addi %min3A_432, %add3A_433 : vector<16xi32>
    %swap3A_435 = arith.constant 16 : index
    %swap3A_436 = tpu.vector_load %arg23[%swap3A_435] {strides = array<i32>} : memref<64xi32, #tpu.memory_space<vmem>>, vector<16xi32>,
    %swap3A_437 = vector.shape_cast %swap3A_436 : vector<16xi32> to vector<16xi32>
    %swap3A_438 = vector.shape_cast %add3A_434 : vector<16xi32> to vector<16xi32>
    tpu.vector_store %arg23[%swap3A_435], %swap3A_438 {strides = array<i32>} : memref<64xi32, #tpu.memory_space<vmem>>, vector<16xi32>,
    %get3A_439 = arith.constant 160 : index
    %get3A_440 = tpu.vector_load %arg9[%get3A_439] {strides = array<i32>} : memref<512xf32, #tpu.memory_space<vmem>>, vector<16xf32>,
    %get3A_441 = vector.shape_cast %get3A_440 : vector<16xf32> to vector<16xf32>
    %jit3A_442 = arith.constant 0.000000e+00 : f32
    %jit3A_443 = arith.constant 1.000000e+00 : f32
    %max3A_444 = vector.broadcast %jit3A_442 : f32 to vector<16xf32>
    %max3A_445 = arith.maximumf %max3A_444, %get3A_441 : vector<16xf32>
    %min3A_446 = vector.broadcast %jit3A_443 : f32 to vector<16xf32>
    %min3A_447 = arith.minimumf %min3A_446, %max3A_445 : vector<16xf32>
    %mul3A_448 = arith.constant 3.200000e+01 : f32
    %mul3A_449 = vector.broadcast %mul3A_448 : f32 to vector<16xf32>
    %mul3A_450 = arith.mulf %min3A_447, %mul3A_449 : vector<16xf32>
    %convert_element_type3A_451 = arith.fptosi %mul3A_450 : vector<16xf32> to vector<16xi32>
    %min3A_452 = arith.constant 31 : i32
    %min3A_453 = vector.broadcast %min3A_452 : i32 to vector<16xi32>
    %min3A_454 = arith.minsi %convert_element_type3A_451, %min3A_453 : vector<16xi32>
    %add3A_455 = vector.broadcast %mul3A_4 : i32 to vector<16xi32>
    %add3A_456 = arith.addi %min3A_454, %add3A_455 : vector<16xi32>
    %swap3A_457 = arith.constant 32 : index
    %swap3A_458 = tpu.vector_load %arg15[%swap3A_457] {strides = array<i32>} : memref<64xi32, #tpu.memory_space<vmem>>, vector<16xi32>,
    %swap3A_459 = vector.shape_cast %swap3A_458 : vector<16xi32> to vector<16xi32>
    %swap3A_460 = vector.shape_cast %add3A_456 : vector<16xi32> to vector<16xi32>
    tpu.vector_store %arg15[%swap3A_457], %swap3A_460 {strides = array<i32>} : memref<64xi32, #tpu.memory_space<vmem>>, vector<16xi32>,
    %get3A_461 = arith.constant 160 : index
    %get3A_462 = tpu.vector_load %arg10[%get3A_461] {strides = array<i32>} : memref<512xf32, #tpu.memory_space<vmem>>, vector<16xf32>,
    %get3A_463 = vector.shape_cast %get3A_462 : vector<16xf32> to vector<16xf32>
    %jit3A_464 = arith.constant 0.000000e+00 : f32
    %jit3A_465 = arith.constant 1.000000e+00 : f32
    %max3A_466 = vector.broadcast %jit3A_464 : f32 to vector<16xf32>
    %max3A_467 = arith.maximumf %max3A_466, %get3A_463 : vector<16xf32>
    %min3A_468 = vector.broadcast %jit3A_465 : f32 to vector<16xf32>
    %min3A_469 = arith.minimumf %min3A_468, %max3A_467 : vector<16xf32>
    %mul3A_470 = arith.constant 3.200000e+01 : f32
    %mul3A_471 = vector.broadcast %mul3A_470 : f32 to vector<16xf32>
    %mul3A_472 = arith.mulf %min3A_469, %mul3A_471 : vector<16xf32>
    %convert_element_type3A_473 = arith.fptosi %mul3A_472 : vector<16xf32> to vector<16xi32>
    %min3A_474 = arith.constant 31 : i32
    %min3A_475 = vector.broadcast %min3A_474 : i32 to vector<16xi32>
    %min3A_476 = arith.minsi %convert_element_type3A_473, %min3A_475 : vector<16xi32>
    %add3A_477 = vector.broadcast %mul3A_4 : i32 to vector<16xi32>
    %add3A_478 = arith.addi %min3A_476, %add3A_477 : vector<16xi32>
    %swap3A_479 = arith.constant 32 : index
    %swap3A_480 = tpu.vector_load %arg23[%swap3A_479] {strides = array<i32>} : memref<64xi32, #tpu.memory_space<vmem>>, vector<16xi32>,
    %swap3A_481 = vector.shape_cast %swap3A_480 : vector<16xi32> to vector<16xi32>
    %swap3A_482 = vector.shape_cast %add3A_478 : vector<16xi32> to vector<16xi32>
    tpu.vector_store %arg23[%swap3A_479], %swap3A_482 {strides = array<i32>} : memref<64xi32, #tpu.memory_space<vmem>>, vector<16xi32>,
    %get3A_483 = arith.constant 176 : index
    %get3A_484 = tpu.vector_load %arg9[%get3A_483] {strides = array<i32>} : memref<512xf32, #tpu.memory_space<vmem>>, vector<16xf32>,
    %get3A_485 = vector.shape_cast %get3A_484 : vector<16xf32> to vector<16xf32>
    %jit3A_486 = arith.constant 0.000000e+00 : f32
    %jit3A_487 = arith.constant 1.000000e+00 : f32
    %max3A_488 = vector.broadcast %jit3A_486 : f32 to vector<16xf32>
    %max3A_489 = arith.maximumf %max3A_488, %get3A_485 : vector<16xf32>
    %min3A_490 = vector.broadcast %jit3A_487 : f32 to vector<16xf32>
    %min3A_491 = arith.minimumf %min3A_490, %max3A_489 : vector<16xf32>
    %mul3A_492 = arith.constant 3.200000e+01 : f32
    %mul3A_493 = vector.broadcast %mul3A_492 : f32 to vector<16xf32>
    %mul3A_494 = arith.mulf %min3A_491, %mul3A_493 : vector<16xf32>
    %convert_element_type3A_495 = arith.fptosi %mul3A_494 : vector<16xf32> to vector<16xi32>
    %min3A_496 = arith.constant 31 : i32
    %min3A_497 = vector.broadcast %min3A_496 : i32 to vector<16xi32>
    %min3A_498 = arith.minsi %convert_element_type3A_495, %min3A_497 : vector<16xi32>
    %add3A_499 = vector.broadcast %mul3A_4 : i32 to vector<16xi32>
    %add3A_500 = arith.addi %min3A_498, %add3A_499 : vector<16xi32>
    %swap3A_501 = arith.constant 48 : index
    %swap3A_502 = tpu.vector_load %arg15[%swap3A_501] {strides = array<i32>} : memref<64xi32, #tpu.memory_space<vmem>>, vector<16xi32>,
    %swap3A_503 = vector.shape_cast %swap3A_502 : vector<16xi32> to vector<16xi32>
    %swap3A_504 = vector.shape_cast %add3A_500 : vector<16xi32> to vector<16xi32>
    tpu.vector_store %arg15[%swap3A_501], %swap3A_504 {strides = array<i32>} : memref<64xi32, #tpu.memory_space<vmem>>, vector<16xi32>,
    %get3A_505 = arith.constant 176 : index
    %get3A_506 = tpu.vector_load %arg10[%get3A_505] {strides = array<i32>} : memref<512xf32, #tpu.memory_space<vmem>>, vector<16xf32>,
    %get3A_507 = vector.shape_cast %get3A_506 : vector<16xf32> to vector<16xf32>
    %jit3A_508 = arith.constant 0.000000e+00 : f32
    %jit3A_509 = arith.constant 1.000000e+00 : f32
    %max3A_510 = vector.broadcast %jit3A_508 : f32 to vector<16xf32>
    %max3A_511 = arith.maximumf %max3A_510, %get3A_507 : vector<16xf32>
    %min3A_512 = vector.broadcast %jit3A_509 : f32 to vector<16xf32>
    %min3A_513 = arith.minimumf %min3A_512, %max3A_511 : vector<16xf32>
    %mul3A_514 = arith.constant 3.200000e+01 : f32
    %mul3A_515 = vector.broadcast %mul3A_514 : f32 to vector<16xf32>
    %mul3A_516 = arith.mulf %min3A_513, %mul3A_515 : vector<16xf32>
    %convert_element_type3A_517 = arith.fptosi %mul3A_516 : vector<16xf32> to vector<16xi32>
    %min3A_518 = arith.constant 31 : i32
    %min3A_519 = vector.broadcast %min3A_518 : i32 to vector<16xi32>
    %min3A_520 = arith.minsi %convert_element_type3A_517, %min3A_519 : vector<16xi32>
    %add3A_521 = vector.broadcast %mul3A_4 : i32 to vector<16xi32>
    %add3A_522 = arith.addi %min3A_520, %add3A_521 : vector<16xi32>
    %swap3A_523 = arith.constant 48 : index
    %swap3A_524 = tpu.vector_load %arg23[%swap3A_523] {strides = array<i32>} : memref<64xi32, #tpu.memory_space<vmem>>, vector<16xi32>,
    %swap3A_525 = vector.shape_cast %swap3A_524 : vector<16xi32> to vector<16xi32>
    %swap3A_526 = vector.shape_cast %add3A_522 : vector<16xi32> to vector<16xi32>
    tpu.vector_store %arg23[%swap3A_523], %swap3A_526 {strides = array<i32>} : memref<64xi32, #tpu.memory_space<vmem>>, vector<16xi32>,
    %get3A_527 = arith.constant 192 : index
    %get3A_528 = tpu.vector_load %arg9[%get3A_527] {strides = array<i32>} : memref<512xf32, #tpu.memory_space<vmem>>, vector<16xf32>,
    %get3A_529 = vector.shape_cast %get3A_528 : vector<16xf32> to vector<16xf32>
    %jit3A_530 = arith.constant 0.000000e+00 : f32
    %jit3A_531 = arith.constant 1.000000e+00 : f32
    %max3A_532 = vector.broadcast %jit3A_530 : f32 to vector<16xf32>
    %max3A_533 = arith.maximumf %max3A_532, %get3A_529 : vector<16xf32>
    %min3A_534 = vector.broadcast %jit3A_531 : f32 to vector<16xf32>
    %min3A_535 = arith.minimumf %min3A_534, %max3A_533 : vector<16xf32>
    %mul3A_536 = arith.constant 3.200000e+01 : f32
    %mul3A_537 = vector.broadcast %mul3A_536 : f32 to vector<16xf32>
    %mul3A_538 = arith.mulf %min3A_535, %mul3A_537 : vector<16xf32>
    %convert_element_type3A_539 = arith.fptosi %mul3A_538 : vector<16xf32> to vector<16xi32>
    %min3A_540 = arith.constant 31 : i32
    %min3A_541 = vector.broadcast %min3A_540 : i32 to vector<16xi32>
    %min3A_542 = arith.minsi %convert_element_type3A_539, %min3A_541 : vector<16xi32>
    %add3A_543 = vector.broadcast %mul3A_4 : i32 to vector<16xi32>
    %add3A_544 = arith.addi %min3A_542, %add3A_543 : vector<16xi32>
    %swap3A_545 = arith.constant 0 : index
    %swap3A_546 = tpu.vector_load %arg16[%swap3A_545] {strides = array<i32>} : memref<64xi32, #tpu.memory_space<vmem>>, vector<16xi32>,
    %swap3A_547 = vector.shape_cast %swap3A_546 : vector<16xi32> to vector<16xi32>
    %swap3A_548 = vector.shape_cast %add3A_544 : vector<16xi32> to vector<16xi32>
    tpu.vector_store %arg16[%swap3A_545], %swap3A_548 {strides = array<i32>} : memref<64xi32, #tpu.memory_space<vmem>>, vector<16xi32>,
    %get3A_549 = arith.constant 192 : index
    %get3A_550 = tpu.vector_load %arg10[%get3A_549] {strides = array<i32>} : memref<512xf32, #tpu.memory_space<vmem>>, vector<16xf32>,
    %get3A_551 = vector.shape_cast %get3A_550 : vector<16xf32> to vector<16xf32>
    %jit3A_552 = arith.constant 0.000000e+00 : f32
    %jit3A_553 = arith.constant 1.000000e+00 : f32
    %max3A_554 = vector.broadcast %jit3A_552 : f32 to vector<16xf32>
    %max3A_555 = arith.maximumf %max3A_554, %get3A_551 : vector<16xf32>
    %min3A_556 = vector.broadcast %jit3A_553 : f32 to vector<16xf32>
    %min3A_557 = arith.minimumf %min3A_556, %max3A_555 : vector<16xf32>
    %mul3A_558 = arith.constant 3.200000e+01 : f32
    %mul3A_559 = vector.broadcast %mul3A_558 : f32 to vector<16xf32>
    %mul3A_560 = arith.mulf %min3A_557, %mul3A_559 : vector<16xf32>
    %convert_element_type3A_561 = arith.fptosi %mul3A_560 : vector<16xf32> to vector<16xi32>
    %min3A_562 = arith.constant 31 : i32
    %min3A_563 = vector.broadcast %min3A_562 : i32 to vector<16xi32>
    %min3A_564 = arith.minsi %convert_element_type3A_561, %min3A_563 : vector<16xi32>
    %add3A_565 = vector.broadcast %mul3A_4 : i32 to vector<16xi32>
    %add3A_566 = arith.addi %min3A_564, %add3A_565 : vector<16xi32>
    %swap3A_567 = arith.constant 0 : index
    %swap3A_568 = tpu.vector_load %arg24[%swap3A_567] {strides = array<i32>} : memref<64xi32, #tpu.memory_space<vmem>>, vector<16xi32>,
    %swap3A_569 = vector.shape_cast %swap3A_568 : vector<16xi32> to vector<16xi32>
    %swap3A_570 = vector.shape_cast %add3A_566 : vector<16xi32> to vector<16xi32>
    tpu.vector_store %arg24[%swap3A_567], %swap3A_570 {strides = array<i32>} : memref<64xi32, #tpu.memory_space<vmem>>, vector<16xi32>,
    %get3A_571 = arith.constant 208 : index
    %get3A_572 = tpu.vector_load %arg9[%get3A_571] {strides = array<i32>} : memref<512xf32, #tpu.memory_space<vmem>>, vector<16xf32>,
    %get3A_573 = vector.shape_cast %get3A_572 : vector<16xf32> to vector<16xf32>
    %jit3A_574 = arith.constant 0.000000e+00 : f32
    %jit3A_575 = arith.constant 1.000000e+00 : f32
    %max3A_576 = vector.broadcast %jit3A_574 : f32 to vector<16xf32>
    %max3A_577 = arith.maximumf %max3A_576, %get3A_573 : vector<16xf32>
    %min3A_578 = vector.broadcast %jit3A_575 : f32 to vector<16xf32>
    %min3A_579 = arith.minimumf %min3A_578, %max3A_577 : vector<16xf32>
    %mul3A_580 = arith.constant 3.200000e+01 : f32
    %mul3A_581 = vector.broadcast %mul3A_580 : f32 to vector<16xf32>
    %mul3A_582 = arith.mulf %min3A_579, %mul3A_581 : vector<16xf32>
    %convert_element_type3A_583 = arith.fptosi %mul3A_582 : vector<16xf32> to vector<16xi32>
    %min3A_584 = arith.constant 31 : i32
    %min3A_585 = vector.broadcast %min3A_584 : i32 to vector<16xi32>
    %min3A_586 = arith.minsi %convert_element_type3A_583, %min3A_585 : vector<16xi32>
    %add3A_587 = vector.broadcast %mul3A_4 : i32 to vector<16xi32>
    %add3A_588 = arith.addi %min3A_586, %add3A_587 : vector<16xi32>
    %swap3A_589 = arith.constant 16 : index
    %swap3A_590 = tpu.vector_load %arg16[%swap3A_589] {strides = array<i32>} : memref<64xi32, #tpu.memory_space<vmem>>, vector<16xi32>,
    %swap3A_591 = vector.shape_cast %swap3A_590 : vector<16xi32> to vector<16xi32>
    %swap3A_592 = vector.shape_cast %add3A_588 : vector<16xi32> to vector<16xi32>
    tpu.vector_store %arg16[%swap3A_589], %swap3A_592 {strides = array<i32>} : memref<64xi32, #tpu.memory_space<vmem>>, vector<16xi32>,
    %get3A_593 = arith.constant 208 : index
    %get3A_594 = tpu.vector_load %arg10[%get3A_593] {strides = array<i32>} : memref<512xf32, #tpu.memory_space<vmem>>, vector<16xf32>,
    %get3A_595 = vector.shape_cast %get3A_594 : vector<16xf32> to vector<16xf32>
    %jit3A_596 = arith.constant 0.000000e+00 : f32
    %jit3A_597 = arith.constant 1.000000e+00 : f32
    %max3A_598 = vector.broadcast %jit3A_596 : f32 to vector<16xf32>
    %max3A_599 = arith.maximumf %max3A_598, %get3A_595 : vector<16xf32>
    %min3A_600 = vector.broadcast %jit3A_597 : f32 to vector<16xf32>
    %min3A_601 = arith.minimumf %min3A_600, %max3A_599 : vector<16xf32>
    %mul3A_602 = arith.constant 3.200000e+01 : f32
    %mul3A_603 = vector.broadcast %mul3A_602 : f32 to vector<16xf32>
    %mul3A_604 = arith.mulf %min3A_601, %mul3A_603 : vector<16xf32>
    %convert_element_type3A_605 = arith.fptosi %mul3A_604 : vector<16xf32> to vector<16xi32>
    %min3A_606 = arith.constant 31 : i32
    %min3A_607 = vector.broadcast %min3A_606 : i32 to vector<16xi32>
    %min3A_608 = arith.minsi %convert_element_type3A_605, %min3A_607 : vector<16xi32>
    %add3A_609 = vector.broadcast %mul3A_4 : i32 to vector<16xi32>
    %add3A_610 = arith.addi %min3A_608, %add3A_609 : vector<16xi32>
    %swap3A_611 = arith.constant 16 : index
    %swap3A_612 = tpu.vector_load %arg24[%swap3A_611] {strides = array<i32>} : memref<64xi32, #tpu.memory_space<vmem>>, vector<16xi32>,
    %swap3A_613 = vector.shape_cast %swap3A_612 : vector<16xi32> to vector<16xi32>
    %swap3A_614 = vector.shape_cast %add3A_610 : vector<16xi32> to vector<16xi32>
    tpu.vector_store %arg24[%swap3A_611], %swap3A_614 {strides = array<i32>} : memref<64xi32, #tpu.memory_space<vmem>>, vector<16xi32>,
    %get3A_615 = arith.constant 224 : index
    %get3A_616 = tpu.vector_load %arg9[%get3A_615] {strides = array<i32>} : memref<512xf32, #tpu.memory_space<vmem>>, vector<16xf32>,
    %get3A_617 = vector.shape_cast %get3A_616 : vector<16xf32> to vector<16xf32>
    %jit3A_618 = arith.constant 0.000000e+00 : f32
    %jit3A_619 = arith.constant 1.000000e+00 : f32
    %max3A_620 = vector.broadcast %jit3A_618 : f32 to vector<16xf32>
    %max3A_621 = arith.maximumf %max3A_620, %get3A_617 : vector<16xf32>
    %min3A_622 = vector.broadcast %jit3A_619 : f32 to vector<16xf32>
    %min3A_623 = arith.minimumf %min3A_622, %max3A_621 : vector<16xf32>
    %mul3A_624 = arith.constant 3.200000e+01 : f32
    %mul3A_625 = vector.broadcast %mul3A_624 : f32 to vector<16xf32>
    %mul3A_626 = arith.mulf %min3A_623, %mul3A_625 : vector<16xf32>
    %convert_element_type3A_627 = arith.fptosi %mul3A_626 : vector<16xf32> to vector<16xi32>
    %min3A_628 = arith.constant 31 : i32
    %min3A_629 = vector.broadcast %min3A_628 : i32 to vector<16xi32>
    %min3A_630 = arith.minsi %convert_element_type3A_627, %min3A_629 : vector<16xi32>
    %add3A_631 = vector.broadcast %mul3A_4 : i32 to vector<16xi32>
    %add3A_632 = arith.addi %min3A_630, %add3A_631 : vector<16xi32>
    %swap3A_633 = arith.constant 32 : index
    %swap3A_634 = tpu.vector_load %arg16[%swap3A_633] {strides = array<i32>} : memref<64xi32, #tpu.memory_space<vmem>>, vector<16xi32>,
    %swap3A_635 = vector.shape_cast %swap3A_634 : vector<16xi32> to vector<16xi32>
    %swap3A_636 = vector.shape_cast %add3A_632 : vector<16xi32> to vector<16xi32>
    tpu.vector_store %arg16[%swap3A_633], %swap3A_636 {strides = array<i32>} : memref<64xi32, #tpu.memory_space<vmem>>, vector<16xi32>,
    %get3A_637 = arith.constant 224 : index
    %get3A_638 = tpu.vector_load %arg10[%get3A_637] {strides = array<i32>} : memref<512xf32, #tpu.memory_space<vmem>>, vector<16xf32>,
    %get3A_639 = vector.shape_cast %get3A_638 : vector<16xf32> to vector<16xf32>
    %jit3A_640 = arith.constant 0.000000e+00 : f32
    %jit3A_641 = arith.constant 1.000000e+00 : f32
    %max3A_642 = vector.broadcast %jit3A_640 : f32 to vector<16xf32>
    %max3A_643 = arith.maximumf %max3A_642, %get3A_639 : vector<16xf32>
    %min3A_644 = vector.broadcast %jit3A_641 : f32 to vector<16xf32>
    %min3A_645 = arith.minimumf %min3A_644, %max3A_643 : vector<16xf32>
    %mul3A_646 = arith.constant 3.200000e+01 : f32
    %mul3A_647 = vector.broadcast %mul3A_646 : f32 to vector<16xf32>
    %mul3A_648 = arith.mulf %min3A_645, %mul3A_647 : vector<16xf32>
    %convert_element_type3A_649 = arith.fptosi %mul3A_648 : vector<16xf32> to vector<16xi32>
    %min3A_650 = arith.constant 31 : i32
    %min3A_651 = vector.broadcast %min3A_650 : i32 to vector<16xi32>
    %min3A_652 = arith.minsi %convert_element_type3A_649, %min3A_651 : vector<16xi32>
    %add3A_653 = vector.broadcast %mul3A_4 : i32 to vector<16xi32>
    %add3A_654 = arith.addi %min3A_652, %add3A_653 : vector<16xi32>
    %swap3A_655 = arith.constant 32 : index
    %swap3A_656 = tpu.vector_load %arg24[%swap3A_655] {strides = array<i32>} : memref<64xi32, #tpu.memory_space<vmem>>, vector<16xi32>,
    %swap3A_657 = vector.shape_cast %swap3A_656 : vector<16xi32> to vector<16xi32>
    %swap3A_658 = vector.shape_cast %add3A_654 : vector<16xi32> to vector<16xi32>
    tpu.vector_store %arg24[%swap3A_655], %swap3A_658 {strides = array<i32>} : memref<64xi32, #tpu.memory_space<vmem>>, vector<16xi32>,
    %get3A_659 = arith.constant 240 : index
    %get3A_660 = tpu.vector_load %arg9[%get3A_659] {strides = array<i32>} : memref<512xf32, #tpu.memory_space<vmem>>, vector<16xf32>,
    %get3A_661 = vector.shape_cast %get3A_660 : vector<16xf32> to vector<16xf32>
    %jit3A_662 = arith.constant 0.000000e+00 : f32
    %jit3A_663 = arith.constant 1.000000e+00 : f32
    %max3A_664 = vector.broadcast %jit3A_662 : f32 to vector<16xf32>
    %max3A_665 = arith.maximumf %max3A_664, %get3A_661 : vector<16xf32>
    %min3A_666 = vector.broadcast %jit3A_663 : f32 to vector<16xf32>
    %min3A_667 = arith.minimumf %min3A_666, %max3A_665 : vector<16xf32>
    %mul3A_668 = arith.constant 3.200000e+01 : f32
    %mul3A_669 = vector.broadcast %mul3A_668 : f32 to vector<16xf32>
    %mul3A_670 = arith.mulf %min3A_667, %mul3A_669 : vector<16xf32>
    %convert_element_type3A_671 = arith.fptosi %mul3A_670 : vector<16xf32> to vector<16xi32>
    %min3A_672 = arith.constant 31 : i32
    %min3A_673 = vector.broadcast %min3A_672 : i32 to vector<16xi32>
    %min3A_674 = arith.minsi %convert_element_type3A_671, %min3A_673 : vector<16xi32>
    %add3A_675 = vector.broadcast %mul3A_4 : i32 to vector<16xi32>
    %add3A_676 = arith.addi %min3A_674, %add3A_675 : vector<16xi32>
    %swap3A_677 = arith.constant 48 : index
    %swap3A_678 = tpu.vector_load %arg16[%swap3A_677] {strides = array<i32>} : memref<64xi32, #tpu.memory_space<vmem>>, vector<16xi32>,
    %swap3A_679 = vector.shape_cast %swap3A_678 : vector<16xi32> to vector<16xi32>
    %swap3A_680 = vector.shape_cast %add3A_676 : vector<16xi32> to vector<16xi32>
    tpu.vector_store %arg16[%swap3A_677], %swap3A_680 {strides = array<i32>} : memref<64xi32, #tpu.memory_space<vmem>>, vector<16xi32>,
    %get3A_681 = arith.constant 240 : index
    %get3A_682 = tpu.vector_load %arg10[%get3A_681] {strides = array<i32>} : memref<512xf32, #tpu.memory_space<vmem>>, vector<16xf32>,
    %get3A_683 = vector.shape_cast %get3A_682 : vector<16xf32> to vector<16xf32>
    %jit3A_684 = arith.constant 0.000000e+00 : f32
    %jit3A_685 = arith.constant 1.000000e+00 : f32
    %max3A_686 = vector.broadcast %jit3A_684 : f32 to vector<16xf32>
    %max3A_687 = arith.maximumf %max3A_686, %get3A_683 : vector<16xf32>
    %min3A_688 = vector.broadcast %jit3A_685 : f32 to vector<16xf32>
    %min3A_689 = arith.minimumf %min3A_688, %max3A_687 : vector<16xf32>
    %mul3A_690 = arith.constant 3.200000e+01 : f32
    %mul3A_691 = vector.broadcast %mul3A_690 : f32 to vector<16xf32>
    %mul3A_692 = arith.mulf %min3A_689, %mul3A_691 : vector<16xf32>
    %convert_element_type3A_693 = arith.fptosi %mul3A_692 : vector<16xf32> to vector<16xi32>
    %min3A_694 = arith.constant 31 : i32
    %min3A_695 = vector.broadcast %min3A_694 : i32 to vector<16xi32>
    %min3A_696 = arith.minsi %convert_element_type3A_693, %min3A_695 : vector<16xi32>
    %add3A_697 = vector.broadcast %mul3A_4 : i32 to vector<16xi32>
    %add3A_698 = arith.addi %min3A_696, %add3A_697 : vector<16xi32>
    %swap3A_699 = arith.constant 48 : index
    %swap3A_700 = tpu.vector_load %arg24[%swap3A_699] {strides = array<i32>} : memref<64xi32, #tpu.memory_space<vmem>>, vector<16xi32>,
    %swap3A_701 = vector.shape_cast %swap3A_700 : vector<16xi32> to vector<16xi32>
    %swap3A_702 = vector.shape_cast %add3A_698 : vector<16xi32> to vector<16xi32>
    tpu.vector_store %arg24[%swap3A_699], %swap3A_702 {strides = array<i32>} : memref<64xi32, #tpu.memory_space<vmem>>, vector<16xi32>,
    %get3A_703 = arith.constant 256 : index
    %get3A_704 = tpu.vector_load %arg9[%get3A_703] {strides = array<i32>} : memref<512xf32, #tpu.memory_space<vmem>>, vector<16xf32>,
    %get3A_705 = vector.shape_cast %get3A_704 : vector<16xf32> to vector<16xf32>
    %jit3A_706 = arith.constant 0.000000e+00 : f32
    %jit3A_707 = arith.constant 1.000000e+00 : f32
    %max3A_708 = vector.broadcast %jit3A_706 : f32 to vector<16xf32>
    %max3A_709 = arith.maximumf %max3A_708, %get3A_705 : vector<16xf32>
    %min3A_710 = vector.broadcast %jit3A_707 : f32 to vector<16xf32>
    %min3A_711 = arith.minimumf %min3A_710, %max3A_709 : vector<16xf32>
    %mul3A_712 = arith.constant 3.200000e+01 : f32
    %mul3A_713 = vector.broadcast %mul3A_712 : f32 to vector<16xf32>
    %mul3A_714 = arith.mulf %min3A_711, %mul3A_713 : vector<16xf32>
    %convert_element_type3A_715 = arith.fptosi %mul3A_714 : vector<16xf32> to vector<16xi32>
    %min3A_716 = arith.constant 31 : i32
    %min3A_717 = vector.broadcast %min3A_716 : i32 to vector<16xi32>
    %min3A_718 = arith.minsi %convert_element_type3A_715, %min3A_717 : vector<16xi32>
    %add3A_719 = vector.broadcast %mul3A_4 : i32 to vector<16xi32>
    %add3A_720 = arith.addi %min3A_718, %add3A_719 : vector<16xi32>
    %swap3A_721 = arith.constant 0 : index
    %swap3A_722 = tpu.vector_load %arg17[%swap3A_721] {strides = array<i32>} : memref<64xi32, #tpu.memory_space<vmem>>, vector<16xi32>,
    %swap3A_723 = vector.shape_cast %swap3A_722 : vector<16xi32> to vector<16xi32>
    %swap3A_724 = vector.shape_cast %add3A_720 : vector<16xi32> to vector<16xi32>
    tpu.vector_store %arg17[%swap3A_721], %swap3A_724 {strides = array<i32>} : memref<64xi32, #tpu.memory_space<vmem>>, vector<16xi32>,
    %get3A_725 = arith.constant 256 : index
    %get3A_726 = tpu.vector_load %arg10[%get3A_725] {strides = array<i32>} : memref<512xf32, #tpu.memory_space<vmem>>, vector<16xf32>,
    %get3A_727 = vector.shape_cast %get3A_726 : vector<16xf32> to vector<16xf32>
    %jit3A_728 = arith.constant 0.000000e+00 : f32
    %jit3A_729 = arith.constant 1.000000e+00 : f32
    %max3A_730 = vector.broadcast %jit3A_728 : f32 to vector<16xf32>
    %max3A_731 = arith.maximumf %max3A_730, %get3A_727 : vector<16xf32>
    %min3A_732 = vector.broadcast %jit3A_729 : f32 to vector<16xf32>
    %min3A_733 = arith.minimumf %min3A_732, %max3A_731 : vector<16xf32>
    %mul3A_734 = arith.constant 3.200000e+01 : f32
    %mul3A_735 = vector.broadcast %mul3A_734 : f32 to vector<16xf32>
    %mul3A_736 = arith.mulf %min3A_733, %mul3A_735 : vector<16xf32>
    %convert_element_type3A_737 = arith.fptosi %mul3A_736 : vector<16xf32> to vector<16xi32>
    %min3A_738 = arith.constant 31 : i32
    %min3A_739 = vector.broadcast %min3A_738 : i32 to vector<16xi32>
    %min3A_740 = arith.minsi %convert_element_type3A_737, %min3A_739 : vector<16xi32>
    %add3A_741 = vector.broadcast %mul3A_4 : i32 to vector<16xi32>
    %add3A_742 = arith.addi %min3A_740, %add3A_741 : vector<16xi32>
    %swap3A_743 = arith.constant 0 : index
    %swap3A_744 = tpu.vector_load %arg25[%swap3A_743] {strides = array<i32>} : memref<64xi32, #tpu.memory_space<vmem>>, vector<16xi32>,
    %swap3A_745 = vector.shape_cast %swap3A_744 : vector<16xi32> to vector<16xi32>
    %swap3A_746 = vector.shape_cast %add3A_742 : vector<16xi32> to vector<16xi32>
    tpu.vector_store %arg25[%swap3A_743], %swap3A_746 {strides = array<i32>} : memref<64xi32, #tpu.memory_space<vmem>>, vector<16xi32>,
    %get3A_747 = arith.constant 272 : index
    %get3A_748 = tpu.vector_load %arg9[%get3A_747] {strides = array<i32>} : memref<512xf32, #tpu.memory_space<vmem>>, vector<16xf32>,
    %get3A_749 = vector.shape_cast %get3A_748 : vector<16xf32> to vector<16xf32>
    %jit3A_750 = arith.constant 0.000000e+00 : f32
    %jit3A_751 = arith.constant 1.000000e+00 : f32
    %max3A_752 = vector.broadcast %jit3A_750 : f32 to vector<16xf32>
    %max3A_753 = arith.maximumf %max3A_752, %get3A_749 : vector<16xf32>
    %min3A_754 = vector.broadcast %jit3A_751 : f32 to vector<16xf32>
    %min3A_755 = arith.minimumf %min3A_754, %max3A_753 : vector<16xf32>
    %mul3A_756 = arith.constant 3.200000e+01 : f32
    %mul3A_757 = vector.broadcast %mul3A_756 : f32 to vector<16xf32>
    %mul3A_758 = arith.mulf %min3A_755, %mul3A_757 : vector<16xf32>
    %convert_element_type3A_759 = arith.fptosi %mul3A_758 : vector<16xf32> to vector<16xi32>
    %min3A_760 = arith.constant 31 : i32
    %min3A_761 = vector.broadcast %min3A_760 : i32 to vector<16xi32>
    %min3A_762 = arith.minsi %convert_element_type3A_759, %min3A_761 : vector<16xi32>
    %add3A_763 = vector.broadcast %mul3A_4 : i32 to vector<16xi32>
    %add3A_764 = arith.addi %min3A_762, %add3A_763 : vector<16xi32>
    %swap3A_765 = arith.constant 16 : index
    %swap3A_766 = tpu.vector_load %arg17[%swap3A_765] {strides = array<i32>} : memref<64xi32, #tpu.memory_space<vmem>>, vector<16xi32>,
    %swap3A_767 = vector.shape_cast %swap3A_766 : vector<16xi32> to vector<16xi32>
    %swap3A_768 = vector.shape_cast %add3A_764 : vector<16xi32> to vector<16xi32>
    tpu.vector_store %arg17[%swap3A_765], %swap3A_768 {strides = array<i32>} : memref<64xi32, #tpu.memory_space<vmem>>, vector<16xi32>,
    %get3A_769 = arith.constant 272 : index
    %get3A_770 = tpu.vector_load %arg10[%get3A_769] {strides = array<i32>} : memref<512xf32, #tpu.memory_space<vmem>>, vector<16xf32>,
    %get3A_771 = vector.shape_cast %get3A_770 : vector<16xf32> to vector<16xf32>
    %jit3A_772 = arith.constant 0.000000e+00 : f32
    %jit3A_773 = arith.constant 1.000000e+00 : f32
    %max3A_774 = vector.broadcast %jit3A_772 : f32 to vector<16xf32>
    %max3A_775 = arith.maximumf %max3A_774, %get3A_771 : vector<16xf32>
    %min3A_776 = vector.broadcast %jit3A_773 : f32 to vector<16xf32>
    %min3A_777 = arith.minimumf %min3A_776, %max3A_775 : vector<16xf32>
    %mul3A_778 = arith.constant 3.200000e+01 : f32
    %mul3A_779 = vector.broadcast %mul3A_778 : f32 to vector<16xf32>
    %mul3A_780 = arith.mulf %min3A_777, %mul3A_779 : vector<16xf32>
    %convert_element_type3A_781 = arith.fptosi %mul3A_780 : vector<16xf32> to vector<16xi32>
    %min3A_782 = arith.constant 31 : i32
    %min3A_783 = vector.broadcast %min3A_782 : i32 to vector<16xi32>
    %min3A_784 = arith.minsi %convert_element_type3A_781, %min3A_783 : vector<16xi32>
    %add3A_785 = vector.broadcast %mul3A_4 : i32 to vector<16xi32>
    %add3A_786 = arith.addi %min3A_784, %add3A_785 : vector<16xi32>
    %swap3A_787 = arith.constant 16 : index
    %swap3A_788 = tpu.vector_load %arg25[%swap3A_787] {strides = array<i32>} : memref<64xi32, #tpu.memory_space<vmem>>, vector<16xi32>,
    %swap3A_789 = vector.shape_cast %swap3A_788 : vector<16xi32> to vector<16xi32>
    %swap3A_790 = vector.shape_cast %add3A_786 : vector<16xi32> to vector<16xi32>
    tpu.vector_store %arg25[%swap3A_787], %swap3A_790 {strides = array<i32>} : memref<64xi32, #tpu.memory_space<vmem>>, vector<16xi32>,
    %get3A_791 = arith.constant 288 : index
    %get3A_792 = tpu.vector_load %arg9[%get3A_791] {strides = array<i32>} : memref<512xf32, #tpu.memory_space<vmem>>, vector<16xf32>,
    %get3A_793 = vector.shape_cast %get3A_792 : vector<16xf32> to vector<16xf32>
    %jit3A_794 = arith.constant 0.000000e+00 : f32
    %jit3A_795 = arith.constant 1.000000e+00 : f32
    %max3A_796 = vector.broadcast %jit3A_794 : f32 to vector<16xf32>
    %max3A_797 = arith.maximumf %max3A_796, %get3A_793 : vector<16xf32>
    %min3A_798 = vector.broadcast %jit3A_795 : f32 to vector<16xf32>
    %min3A_799 = arith.minimumf %min3A_798, %max3A_797 : vector<16xf32>
    %mul3A_800 = arith.constant 3.200000e+01 : f32
    %mul3A_801 = vector.broadcast %mul3A_800 : f32 to vector<16xf32>
    %mul3A_802 = arith.mulf %min3A_799, %mul3A_801 : vector<16xf32>
    %convert_element_type3A_803 = arith.fptosi %mul3A_802 : vector<16xf32> to vector<16xi32>
    %min3A_804 = arith.constant 31 : i32
    %min3A_805 = vector.broadcast %min3A_804 : i32 to vector<16xi32>
    %min3A_806 = arith.minsi %convert_element_type3A_803, %min3A_805 : vector<16xi32>
    %add3A_807 = vector.broadcast %mul3A_4 : i32 to vector<16xi32>
    %add3A_808 = arith.addi %min3A_806, %add3A_807 : vector<16xi32>
    %swap3A_809 = arith.constant 32 : index
    %swap3A_810 = tpu.vector_load %arg17[%swap3A_809] {strides = array<i32>} : memref<64xi32, #tpu.memory_space<vmem>>, vector<16xi32>,
    %swap3A_811 = vector.shape_cast %swap3A_810 : vector<16xi32> to vector<16xi32>
    %swap3A_812 = vector.shape_cast %add3A_808 : vector<16xi32> to vector<16xi32>
    tpu.vector_store %arg17[%swap3A_809], %swap3A_812 {strides = array<i32>} : memref<64xi32, #tpu.memory_space<vmem>>, vector<16xi32>,
    %get3A_813 = arith.constant 288 : index
    %get3A_814 = tpu.vector_load %arg10[%get3A_813] {strides = array<i32>} : memref<512xf32, #tpu.memory_space<vmem>>, vector<16xf32>,
    %get3A_815 = vector.shape_cast %get3A_814 : vector<16xf32> to vector<16xf32>
    %jit3A_816 = arith.constant 0.000000e+00 : f32
    %jit3A_817 = arith.constant 1.000000e+00 : f32
    %max3A_818 = vector.broadcast %jit3A_816 : f32 to vector<16xf32>
    %max3A_819 = arith.maximumf %max3A_818, %get3A_815 : vector<16xf32>
    %min3A_820 = vector.broadcast %jit3A_817 : f32 to vector<16xf32>
    %min3A_821 = arith.minimumf %min3A_820, %max3A_819 : vector<16xf32>
    %mul3A_822 = arith.constant 3.200000e+01 : f32
    %mul3A_823 = vector.broadcast %mul3A_822 : f32 to vector<16xf32>
    %mul3A_824 = arith.mulf %min3A_821, %mul3A_823 : vector<16xf32>
    %convert_element_type3A_825 = arith.fptosi %mul3A_824 : vector<16xf32> to vector<16xi32>
    %min3A_826 = arith.constant 31 : i32
    %min3A_827 = vector.broadcast %min3A_826 : i32 to vector<16xi32>
    %min3A_828 = arith.minsi %convert_element_type3A_825, %min3A_827 : vector<16xi32>
    %add3A_829 = vector.broadcast %mul3A_4 : i32 to vector<16xi32>
    %add3A_830 = arith.addi %min3A_828, %add3A_829 : vector<16xi32>
    %swap3A_831 = arith.constant 32 : index
    %swap3A_832 = tpu.vector_load %arg25[%swap3A_831] {strides = array<i32>} : memref<64xi32, #tpu.memory_space<vmem>>, vector<16xi32>,
    %swap3A_833 = vector.shape_cast %swap3A_832 : vector<16xi32> to vector<16xi32>
    %swap3A_834 = vector.shape_cast %add3A_830 : vector<16xi32> to vector<16xi32>
    tpu.vector_store %arg25[%swap3A_831], %swap3A_834 {strides = array<i32>} : memref<64xi32, #tpu.memory_space<vmem>>, vector<16xi32>,
    %get3A_835 = arith.constant 304 : index
    %get3A_836 = tpu.vector_load %arg9[%get3A_835] {strides = array<i32>} : memref<512xf32, #tpu.memory_space<vmem>>, vector<16xf32>,
    %get3A_837 = vector.shape_cast %get3A_836 : vector<16xf32> to vector<16xf32>
    %jit3A_838 = arith.constant 0.000000e+00 : f32
    %jit3A_839 = arith.constant 1.000000e+00 : f32
    %max3A_840 = vector.broadcast %jit3A_838 : f32 to vector<16xf32>
    %max3A_841 = arith.maximumf %max3A_840, %get3A_837 : vector<16xf32>
    %min3A_842 = vector.broadcast %jit3A_839 : f32 to vector<16xf32>
    %min3A_843 = arith.minimumf %min3A_842, %max3A_841 : vector<16xf32>
    %mul3A_844 = arith.constant 3.200000e+01 : f32
    %mul3A_845 = vector.broadcast %mul3A_844 : f32 to vector<16xf32>
    %mul3A_846 = arith.mulf %min3A_843, %mul3A_845 : vector<16xf32>
    %convert_element_type3A_847 = arith.fptosi %mul3A_846 : vector<16xf32> to vector<16xi32>
    %min3A_848 = arith.constant 31 : i32
    %min3A_849 = vector.broadcast %min3A_848 : i32 to vector<16xi32>
    %min3A_850 = arith.minsi %convert_element_type3A_847, %min3A_849 : vector<16xi32>
    %add3A_851 = vector.broadcast %mul3A_4 : i32 to vector<16xi32>
    %add3A_852 = arith.addi %min3A_850, %add3A_851 : vector<16xi32>
    %swap3A_853 = arith.constant 48 : index
    %swap3A_854 = tpu.vector_load %arg17[%swap3A_853] {strides = array<i32>} : memref<64xi32, #tpu.memory_space<vmem>>, vector<16xi32>,
    %swap3A_855 = vector.shape_cast %swap3A_854 : vector<16xi32> to vector<16xi32>
    %swap3A_856 = vector.shape_cast %add3A_852 : vector<16xi32> to vector<16xi32>
    tpu.vector_store %arg17[%swap3A_853], %swap3A_856 {strides = array<i32>} : memref<64xi32, #tpu.memory_space<vmem>>, vector<16xi32>,
    %get3A_857 = arith.constant 304 : index
    %get3A_858 = tpu.vector_load %arg10[%get3A_857] {strides = array<i32>} : memref<512xf32, #tpu.memory_space<vmem>>, vector<16xf32>,
    %get3A_859 = vector.shape_cast %get3A_858 : vector<16xf32> to vector<16xf32>
    %jit3A_860 = arith.constant 0.000000e+00 : f32
    %jit3A_861 = arith.constant 1.000000e+00 : f32
    %max3A_862 = vector.broadcast %jit3A_860 : f32 to vector<16xf32>
    %max3A_863 = arith.maximumf %max3A_862, %get3A_859 : vector<16xf32>
    %min3A_864 = vector.broadcast %jit3A_861 : f32 to vector<16xf32>
    %min3A_865 = arith.minimumf %min3A_864, %max3A_863 : vector<16xf32>
    %mul3A_866 = arith.constant 3.200000e+01 : f32
    %mul3A_867 = vector.broadcast %mul3A_866 : f32 to vector<16xf32>
    %mul3A_868 = arith.mulf %min3A_865, %mul3A_867 : vector<16xf32>
    %convert_element_type3A_869 = arith.fptosi %mul3A_868 : vector<16xf32> to vector<16xi32>
    %min3A_870 = arith.constant 31 : i32
    %min3A_871 = vector.broadcast %min3A_870 : i32 to vector<16xi32>
    %min3A_872 = arith.minsi %convert_element_type3A_869, %min3A_871 : vector<16xi32>
    %add3A_873 = vector.broadcast %mul3A_4 : i32 to vector<16xi32>
    %add3A_874 = arith.addi %min3A_872, %add3A_873 : vector<16xi32>
    %swap3A_875 = arith.constant 48 : index
    %swap3A_876 = tpu.vector_load %arg25[%swap3A_875] {strides = array<i32>} : memref<64xi32, #tpu.memory_space<vmem>>, vector<16xi32>,
    %swap3A_877 = vector.shape_cast %swap3A_876 : vector<16xi32> to vector<16xi32>
    %swap3A_878 = vector.shape_cast %add3A_874 : vector<16xi32> to vector<16xi32>
    tpu.vector_store %arg25[%swap3A_875], %swap3A_878 {strides = array<i32>} : memref<64xi32, #tpu.memory_space<vmem>>, vector<16xi32>,
    %get3A_879 = arith.constant 320 : index
    %get3A_880 = tpu.vector_load %arg9[%get3A_879] {strides = array<i32>} : memref<512xf32, #tpu.memory_space<vmem>>, vector<16xf32>,
    %get3A_881 = vector.shape_cast %get3A_880 : vector<16xf32> to vector<16xf32>
    %jit3A_882 = arith.constant 0.000000e+00 : f32
    %jit3A_883 = arith.constant 1.000000e+00 : f32
    %max3A_884 = vector.broadcast %jit3A_882 : f32 to vector<16xf32>
    %max3A_885 = arith.maximumf %max3A_884, %get3A_881 : vector<16xf32>
    %min3A_886 = vector.broadcast %jit3A_883 : f32 to vector<16xf32>
    %min3A_887 = arith.minimumf %min3A_886, %max3A_885 : vector<16xf32>
    %mul3A_888 = arith.constant 3.200000e+01 : f32
    %mul3A_889 = vector.broadcast %mul3A_888 : f32 to vector<16xf32>
    %mul3A_890 = arith.mulf %min3A_887, %mul3A_889 : vector<16xf32>
    %convert_element_type3A_891 = arith.fptosi %mul3A_890 : vector<16xf32> to vector<16xi32>
    %min3A_892 = arith.constant 31 : i32
    %min3A_893 = vector.broadcast %min3A_892 : i32 to vector<16xi32>
    %min3A_894 = arith.minsi %convert_element_type3A_891, %min3A_893 : vector<16xi32>
    %add3A_895 = vector.broadcast %mul3A_4 : i32 to vector<16xi32>
    %add3A_896 = arith.addi %min3A_894, %add3A_895 : vector<16xi32>
    %swap3A_897 = arith.constant 0 : index
    %swap3A_898 = tpu.vector_load %arg18[%swap3A_897] {strides = array<i32>} : memref<64xi32, #tpu.memory_space<vmem>>, vector<16xi32>,
    %swap3A_899 = vector.shape_cast %swap3A_898 : vector<16xi32> to vector<16xi32>
    %swap3A_900 = vector.shape_cast %add3A_896 : vector<16xi32> to vector<16xi32>
    tpu.vector_store %arg18[%swap3A_897], %swap3A_900 {strides = array<i32>} : memref<64xi32, #tpu.memory_space<vmem>>, vector<16xi32>,
    %get3A_901 = arith.constant 320 : index
    %get3A_902 = tpu.vector_load %arg10[%get3A_901] {strides = array<i32>} : memref<512xf32, #tpu.memory_space<vmem>>, vector<16xf32>,
    %get3A_903 = vector.shape_cast %get3A_902 : vector<16xf32> to vector<16xf32>
    %jit3A_904 = arith.constant 0.000000e+00 : f32
    %jit3A_905 = arith.constant 1.000000e+00 : f32
    %max3A_906 = vector.broadcast %jit3A_904 : f32 to vector<16xf32>
    %max3A_907 = arith.maximumf %max3A_906, %get3A_903 : vector<16xf32>
    %min3A_908 = vector.broadcast %jit3A_905 : f32 to vector<16xf32>
    %min3A_909 = arith.minimumf %min3A_908, %max3A_907 : vector<16xf32>
    %mul3A_910 = arith.constant 3.200000e+01 : f32
    %mul3A_911 = vector.broadcast %mul3A_910 : f32 to vector<16xf32>
    %mul3A_912 = arith.mulf %min3A_909, %mul3A_911 : vector<16xf32>
    %convert_element_type3A_913 = arith.fptosi %mul3A_912 : vector<16xf32> to vector<16xi32>
    %min3A_914 = arith.constant 31 : i32
    %min3A_915 = vector.broadcast %min3A_914 : i32 to vector<16xi32>
    %min3A_916 = arith.minsi %convert_element_type3A_913, %min3A_915 : vector<16xi32>
    %add3A_917 = vector.broadcast %mul3A_4 : i32 to vector<16xi32>
    %add3A_918 = arith.addi %min3A_916, %add3A_917 : vector<16xi32>
    %swap3A_919 = arith.constant 0 : index
    %swap3A_920 = tpu.vector_load %arg26[%swap3A_919] {strides = array<i32>} : memref<64xi32, #tpu.memory_space<vmem>>, vector<16xi32>,
    %swap3A_921 = vector.shape_cast %swap3A_920 : vector<16xi32> to vector<16xi32>
    %swap3A_922 = vector.shape_cast %add3A_918 : vector<16xi32> to vector<16xi32>
    tpu.vector_store %arg26[%swap3A_919], %swap3A_922 {strides = array<i32>} : memref<64xi32, #tpu.memory_space<vmem>>, vector<16xi32>,
    %get3A_923 = arith.constant 336 : index
    %get3A_924 = tpu.vector_load %arg9[%get3A_923] {strides = array<i32>} : memref<512xf32, #tpu.memory_space<vmem>>, vector<16xf32>,
    %get3A_925 = vector.shape_cast %get3A_924 : vector<16xf32> to vector<16xf32>
    %jit3A_926 = arith.constant 0.000000e+00 : f32
    %jit3A_927 = arith.constant 1.000000e+00 : f32
    %max3A_928 = vector.broadcast %jit3A_926 : f32 to vector<16xf32>
    %max3A_929 = arith.maximumf %max3A_928, %get3A_925 : vector<16xf32>
    %min3A_930 = vector.broadcast %jit3A_927 : f32 to vector<16xf32>
    %min3A_931 = arith.minimumf %min3A_930, %max3A_929 : vector<16xf32>
    %mul3A_932 = arith.constant 3.200000e+01 : f32
    %mul3A_933 = vector.broadcast %mul3A_932 : f32 to vector<16xf32>
    %mul3A_934 = arith.mulf %min3A_931, %mul3A_933 : vector<16xf32>
    %convert_element_type3A_935 = arith.fptosi %mul3A_934 : vector<16xf32> to vector<16xi32>
    %min3A_936 = arith.constant 31 : i32
    %min3A_937 = vector.broadcast %min3A_936 : i32 to vector<16xi32>
    %min3A_938 = arith.minsi %convert_element_type3A_935, %min3A_937 : vector<16xi32>
    %add3A_939 = vector.broadcast %mul3A_4 : i32 to vector<16xi32>
    %add3A_940 = arith.addi %min3A_938, %add3A_939 : vector<16xi32>
    %swap3A_941 = arith.constant 16 : index
    %swap3A_942 = tpu.vector_load %arg18[%swap3A_941] {strides = array<i32>} : memref<64xi32, #tpu.memory_space<vmem>>, vector<16xi32>,
    %swap3A_943 = vector.shape_cast %swap3A_942 : vector<16xi32> to vector<16xi32>
    %swap3A_944 = vector.shape_cast %add3A_940 : vector<16xi32> to vector<16xi32>
    tpu.vector_store %arg18[%swap3A_941], %swap3A_944 {strides = array<i32>} : memref<64xi32, #tpu.memory_space<vmem>>, vector<16xi32>,
    %get3A_945 = arith.constant 336 : index
    %get3A_946 = tpu.vector_load %arg10[%get3A_945] {strides = array<i32>} : memref<512xf32, #tpu.memory_space<vmem>>, vector<16xf32>,
    %get3A_947 = vector.shape_cast %get3A_946 : vector<16xf32> to vector<16xf32>
    %jit3A_948 = arith.constant 0.000000e+00 : f32
    %jit3A_949 = arith.constant 1.000000e+00 : f32
    %max3A_950 = vector.broadcast %jit3A_948 : f32 to vector<16xf32>
    %max3A_951 = arith.maximumf %max3A_950, %get3A_947 : vector<16xf32>
    %min3A_952 = vector.broadcast %jit3A_949 : f32 to vector<16xf32>
    %min3A_953 = arith.minimumf %min3A_952, %max3A_951 : vector<16xf32>
    %mul3A_954 = arith.constant 3.200000e+01 : f32
    %mul3A_955 = vector.broadcast %mul3A_954 : f32 to vector<16xf32>
    %mul3A_956 = arith.mulf %min3A_953, %mul3A_955 : vector<16xf32>
    %convert_element_type3A_957 = arith.fptosi %mul3A_956 : vector<16xf32> to vector<16xi32>
    %min3A_958 = arith.constant 31 : i32
    %min3A_959 = vector.broadcast %min3A_958 : i32 to vector<16xi32>
    %min3A_960 = arith.minsi %convert_element_type3A_957, %min3A_959 : vector<16xi32>
    %add3A_961 = vector.broadcast %mul3A_4 : i32 to vector<16xi32>
    %add3A_962 = arith.addi %min3A_960, %add3A_961 : vector<16xi32>
    %swap3A_963 = arith.constant 16 : index
    %swap3A_964 = tpu.vector_load %arg26[%swap3A_963] {strides = array<i32>} : memref<64xi32, #tpu.memory_space<vmem>>, vector<16xi32>,
    %swap3A_965 = vector.shape_cast %swap3A_964 : vector<16xi32> to vector<16xi32>
    %swap3A_966 = vector.shape_cast %add3A_962 : vector<16xi32> to vector<16xi32>
    tpu.vector_store %arg26[%swap3A_963], %swap3A_966 {strides = array<i32>} : memref<64xi32, #tpu.memory_space<vmem>>, vector<16xi32>,
    %get3A_967 = arith.constant 352 : index
    %get3A_968 = tpu.vector_load %arg9[%get3A_967] {strides = array<i32>} : memref<512xf32, #tpu.memory_space<vmem>>, vector<16xf32>,
    %get3A_969 = vector.shape_cast %get3A_968 : vector<16xf32> to vector<16xf32>
    %jit3A_970 = arith.constant 0.000000e+00 : f32
    %jit3A_971 = arith.constant 1.000000e+00 : f32
    %max3A_972 = vector.broadcast %jit3A_970 : f32 to vector<16xf32>
    %max3A_973 = arith.maximumf %max3A_972, %get3A_969 : vector<16xf32>
    %min3A_974 = vector.broadcast %jit3A_971 : f32 to vector<16xf32>
    %min3A_975 = arith.minimumf %min3A_974, %max3A_973 : vector<16xf32>
    %mul3A_976 = arith.constant 3.200000e+01 : f32
    %mul3A_977 = vector.broadcast %mul3A_976 : f32 to vector<16xf32>
    %mul3A_978 = arith.mulf %min3A_975, %mul3A_977 : vector<16xf32>
    %convert_element_type3A_979 = arith.fptosi %mul3A_978 : vector<16xf32> to vector<16xi32>
    %min3A_980 = arith.constant 31 : i32
    %min3A_981 = vector.broadcast %min3A_980 : i32 to vector<16xi32>
    %min3A_982 = arith.minsi %convert_element_type3A_979, %min3A_981 : vector<16xi32>
    %add3A_983 = vector.broadcast %mul3A_4 : i32 to vector<16xi32>
    %add3A_984 = arith.addi %min3A_982, %add3A_983 : vector<16xi32>
    %swap3A_985 = arith.constant 32 : index
    %swap3A_986 = tpu.vector_load %arg18[%swap3A_985] {strides = array<i32>} : memref<64xi32, #tpu.memory_space<vmem>>, vector<16xi32>,
    %swap3A_987 = vector.shape_cast %swap3A_986 : vector<16xi32> to vector<16xi32>
    %swap3A_988 = vector.shape_cast %add3A_984 : vector<16xi32> to vector<16xi32>
    tpu.vector_store %arg18[%swap3A_985], %swap3A_988 {strides = array<i32>} : memref<64xi32, #tpu.memory_space<vmem>>, vector<16xi32>,
    %get3A_989 = arith.constant 352 : index
    %get3A_990 = tpu.vector_load %arg10[%get3A_989] {strides = array<i32>} : memref<512xf32, #tpu.memory_space<vmem>>, vector<16xf32>,
    %get3A_991 = vector.shape_cast %get3A_990 : vector<16xf32> to vector<16xf32>
    %jit3A_992 = arith.constant 0.000000e+00 : f32
    %jit3A_993 = arith.constant 1.000000e+00 : f32
    %max3A_994 = vector.broadcast %jit3A_992 : f32 to vector<16xf32>
    %max3A_995 = arith.maximumf %max3A_994, %get3A_991 : vector<16xf32>
    %min3A_996 = vector.broadcast %jit3A_993 : f32 to vector<16xf32>
    %min3A_997 = arith.minimumf %min3A_996, %max3A_995 : vector<16xf32>
    %mul3A_998 = arith.constant 3.200000e+01 : f32
    %mul3A_999 = vector.broadcast %mul3A_998 : f32 to vector<16xf32>
    %mul3A_1000 = arith.mulf %min3A_997, %mul3A_999 : vector<16xf32>
    %convert_element_type3A_1001 = arith.fptosi %mul3A_1000 : vector<16xf32> to vector<16xi32>
    %min3A_1002 = arith.constant 31 : i32
    %min3A_1003 = vector.broadcast %min3A_1002 : i32 to vector<16xi32>
    %min3A_1004 = arith.minsi %convert_element_type3A_1001, %min3A_1003 : vector<16xi32>
    %add3A_1005 = vector.broadcast %mul3A_4 : i32 to vector<16xi32>
    %add3A_1006 = arith.addi %min3A_1004, %add3A_1005 : vector<16xi32>
    %swap3A_1007 = arith.constant 32 : index
    %swap3A_1008 = tpu.vector_load %arg26[%swap3A_1007] {strides = array<i32>} : memref<64xi32, #tpu.memory_space<vmem>>, vector<16xi32>,
    %swap3A_1009 = vector.shape_cast %swap3A_1008 : vector<16xi32> to vector<16xi32>
    %swap3A_1010 = vector.shape_cast %add3A_1006 : vector<16xi32> to vector<16xi32>
    tpu.vector_store %arg26[%swap3A_1007], %swap3A_1010 {strides = array<i32>} : memref<64xi32, #tpu.memory_space<vmem>>, vector<16xi32>,
    %get3A_1011 = arith.constant 368 : index
    %get3A_1012 = tpu.vector_load %arg9[%get3A_1011] {strides = array<i32>} : memref<512xf32, #tpu.memory_space<vmem>>, vector<16xf32>,
    %get3A_1013 = vector.shape_cast %get3A_1012 : vector<16xf32> to vector<16xf32>
    %jit3A_1014 = arith.constant 0.000000e+00 : f32
    %jit3A_1015 = arith.constant 1.000000e+00 : f32
    %max3A_1016 = vector.broadcast %jit3A_1014 : f32 to vector<16xf32>
    %max3A_1017 = arith.maximumf %max3A_1016, %get3A_1013 : vector<16xf32>
    %min3A_1018 = vector.broadcast %jit3A_1015 : f32 to vector<16xf32>
    %min3A_1019 = arith.minimumf %min3A_1018, %max3A_1017 : vector<16xf32>
    %mul3A_1020 = arith.constant 3.200000e+01 : f32
    %mul3A_1021 = vector.broadcast %mul3A_1020 : f32 to vector<16xf32>
    %mul3A_1022 = arith.mulf %min3A_1019, %mul3A_1021 : vector<16xf32>
    %convert_element_type3A_1023 = arith.fptosi %mul3A_1022 : vector<16xf32> to vector<16xi32>
    %min3A_1024 = arith.constant 31 : i32
    %min3A_1025 = vector.broadcast %min3A_1024 : i32 to vector<16xi32>
    %min3A_1026 = arith.minsi %convert_element_type3A_1023, %min3A_1025 : vector<16xi32>
    %add3A_1027 = vector.broadcast %mul3A_4 : i32 to vector<16xi32>
    %add3A_1028 = arith.addi %min3A_1026, %add3A_1027 : vector<16xi32>
    %swap3A_1029 = arith.constant 48 : index
    %swap3A_1030 = tpu.vector_load %arg18[%swap3A_1029] {strides = array<i32>} : memref<64xi32, #tpu.memory_space<vmem>>, vector<16xi32>,
    %swap3A_1031 = vector.shape_cast %swap3A_1030 : vector<16xi32> to vector<16xi32>
    %swap3A_1032 = vector.shape_cast %add3A_1028 : vector<16xi32> to vector<16xi32>
    tpu.vector_store %arg18[%swap3A_1029], %swap3A_1032 {strides = array<i32>} : memref<64xi32, #tpu.memory_space<vmem>>, vector<16xi32>,
    %get3A_1033 = arith.constant 368 : index
    %get3A_1034 = tpu.vector_load %arg10[%get3A_1033] {strides = array<i32>} : memref<512xf32, #tpu.memory_space<vmem>>, vector<16xf32>,
    %get3A_1035 = vector.shape_cast %get3A_1034 : vector<16xf32> to vector<16xf32>
    %jit3A_1036 = arith.constant 0.000000e+00 : f32
    %jit3A_1037 = arith.constant 1.000000e+00 : f32
    %max3A_1038 = vector.broadcast %jit3A_1036 : f32 to vector<16xf32>
    %max3A_1039 = arith.maximumf %max3A_1038, %get3A_1035 : vector<16xf32>
    %min3A_1040 = vector.broadcast %jit3A_1037 : f32 to vector<16xf32>
    %min3A_1041 = arith.minimumf %min3A_1040, %max3A_1039 : vector<16xf32>
    %mul3A_1042 = arith.constant 3.200000e+01 : f32
    %mul3A_1043 = vector.broadcast %mul3A_1042 : f32 to vector<16xf32>
    %mul3A_1044 = arith.mulf %min3A_1041, %mul3A_1043 : vector<16xf32>
    %convert_element_type3A_1045 = arith.fptosi %mul3A_1044 : vector<16xf32> to vector<16xi32>
    %min3A_1046 = arith.constant 31 : i32
    %min3A_1047 = vector.broadcast %min3A_1046 : i32 to vector<16xi32>
    %min3A_1048 = arith.minsi %convert_element_type3A_1045, %min3A_1047 : vector<16xi32>
    %add3A_1049 = vector.broadcast %mul3A_4 : i32 to vector<16xi32>
    %add3A_1050 = arith.addi %min3A_1048, %add3A_1049 : vector<16xi32>
    %swap3A_1051 = arith.constant 48 : index
    %swap3A_1052 = tpu.vector_load %arg26[%swap3A_1051] {strides = array<i32>} : memref<64xi32, #tpu.memory_space<vmem>>, vector<16xi32>,
    %swap3A_1053 = vector.shape_cast %swap3A_1052 : vector<16xi32> to vector<16xi32>
    %swap3A_1054 = vector.shape_cast %add3A_1050 : vector<16xi32> to vector<16xi32>
    tpu.vector_store %arg26[%swap3A_1051], %swap3A_1054 {strides = array<i32>} : memref<64xi32, #tpu.memory_space<vmem>>, vector<16xi32>,
    %get3A_1055 = arith.constant 384 : index
    %get3A_1056 = tpu.vector_load %arg9[%get3A_1055] {strides = array<i32>} : memref<512xf32, #tpu.memory_space<vmem>>, vector<16xf32>,
    %get3A_1057 = vector.shape_cast %get3A_1056 : vector<16xf32> to vector<16xf32>
    %jit3A_1058 = arith.constant 0.000000e+00 : f32
    %jit3A_1059 = arith.constant 1.000000e+00 : f32
    %max3A_1060 = vector.broadcast %jit3A_1058 : f32 to vector<16xf32>
    %max3A_1061 = arith.maximumf %max3A_1060, %get3A_1057 : vector<16xf32>
    %min3A_1062 = vector.broadcast %jit3A_1059 : f32 to vector<16xf32>
    %min3A_1063 = arith.minimumf %min3A_1062, %max3A_1061 : vector<16xf32>
    %mul3A_1064 = arith.constant 3.200000e+01 : f32
    %mul3A_1065 = vector.broadcast %mul3A_1064 : f32 to vector<16xf32>
    %mul3A_1066 = arith.mulf %min3A_1063, %mul3A_1065 : vector<16xf32>
    %convert_element_type3A_1067 = arith.fptosi %mul3A_1066 : vector<16xf32> to vector<16xi32>
    %min3A_1068 = arith.constant 31 : i32
    %min3A_1069 = vector.broadcast %min3A_1068 : i32 to vector<16xi32>
    %min3A_1070 = arith.minsi %convert_element_type3A_1067, %min3A_1069 : vector<16xi32>
    %add3A_1071 = vector.broadcast %mul3A_4 : i32 to vector<16xi32>
    %add3A_1072 = arith.addi %min3A_1070, %add3A_1071 : vector<16xi32>
    %swap3A_1073 = arith.constant 0 : index
    %swap3A_1074 = tpu.vector_load %arg19[%swap3A_1073] {strides = array<i32>} : memref<64xi32, #tpu.memory_space<vmem>>, vector<16xi32>,
    %swap3A_1075 = vector.shape_cast %swap3A_1074 : vector<16xi32> to vector<16xi32>
    %swap3A_1076 = vector.shape_cast %add3A_1072 : vector<16xi32> to vector<16xi32>
    tpu.vector_store %arg19[%swap3A_1073], %swap3A_1076 {strides = array<i32>} : memref<64xi32, #tpu.memory_space<vmem>>, vector<16xi32>,
    %get3A_1077 = arith.constant 384 : index
    %get3A_1078 = tpu.vector_load %arg10[%get3A_1077] {strides = array<i32>} : memref<512xf32, #tpu.memory_space<vmem>>, vector<16xf32>,
    %get3A_1079 = vector.shape_cast %get3A_1078 : vector<16xf32> to vector<16xf32>
    %jit3A_1080 = arith.constant 0.000000e+00 : f32
    %jit3A_1081 = arith.constant 1.000000e+00 : f32
    %max3A_1082 = vector.broadcast %jit3A_1080 : f32 to vector<16xf32>
    %max3A_1083 = arith.maximumf %max3A_1082, %get3A_1079 : vector<16xf32>
    %min3A_1084 = vector.broadcast %jit3A_1081 : f32 to vector<16xf32>
    %min3A_1085 = arith.minimumf %min3A_1084, %max3A_1083 : vector<16xf32>
    %mul3A_1086 = arith.constant 3.200000e+01 : f32
    %mul3A_1087 = vector.broadcast %mul3A_1086 : f32 to vector<16xf32>
    %mul3A_1088 = arith.mulf %min3A_1085, %mul3A_1087 : vector<16xf32>
    %convert_element_type3A_1089 = arith.fptosi %mul3A_1088 : vector<16xf32> to vector<16xi32>
    %min3A_1090 = arith.constant 31 : i32
    %min3A_1091 = vector.broadcast %min3A_1090 : i32 to vector<16xi32>
    %min3A_1092 = arith.minsi %convert_element_type3A_1089, %min3A_1091 : vector<16xi32>
    %add3A_1093 = vector.broadcast %mul3A_4 : i32 to vector<16xi32>
    %add3A_1094 = arith.addi %min3A_1092, %add3A_1093 : vector<16xi32>
    %swap3A_1095 = arith.constant 0 : index
    %swap3A_1096 = tpu.vector_load %arg27[%swap3A_1095] {strides = array<i32>} : memref<64xi32, #tpu.memory_space<vmem>>, vector<16xi32>,
    %swap3A_1097 = vector.shape_cast %swap3A_1096 : vector<16xi32> to vector<16xi32>
    %swap3A_1098 = vector.shape_cast %add3A_1094 : vector<16xi32> to vector<16xi32>
    tpu.vector_store %arg27[%swap3A_1095], %swap3A_1098 {strides = array<i32>} : memref<64xi32, #tpu.memory_space<vmem>>, vector<16xi32>,
    %get3A_1099 = arith.constant 400 : index
    %get3A_1100 = tpu.vector_load %arg9[%get3A_1099] {strides = array<i32>} : memref<512xf32, #tpu.memory_space<vmem>>, vector<16xf32>,
    %get3A_1101 = vector.shape_cast %get3A_1100 : vector<16xf32> to vector<16xf32>
    %jit3A_1102 = arith.constant 0.000000e+00 : f32
    %jit3A_1103 = arith.constant 1.000000e+00 : f32
    %max3A_1104 = vector.broadcast %jit3A_1102 : f32 to vector<16xf32>
    %max3A_1105 = arith.maximumf %max3A_1104, %get3A_1101 : vector<16xf32>
    %min3A_1106 = vector.broadcast %jit3A_1103 : f32 to vector<16xf32>
    %min3A_1107 = arith.minimumf %min3A_1106, %max3A_1105 : vector<16xf32>
    %mul3A_1108 = arith.constant 3.200000e+01 : f32
    %mul3A_1109 = vector.broadcast %mul3A_1108 : f32 to vector<16xf32>
    %mul3A_1110 = arith.mulf %min3A_1107, %mul3A_1109 : vector<16xf32>
    %convert_element_type3A_1111 = arith.fptosi %mul3A_1110 : vector<16xf32> to vector<16xi32>
    %min3A_1112 = arith.constant 31 : i32
    %min3A_1113 = vector.broadcast %min3A_1112 : i32 to vector<16xi32>
    %min3A_1114 = arith.minsi %convert_element_type3A_1111, %min3A_1113 : vector<16xi32>
    %add3A_1115 = vector.broadcast %mul3A_4 : i32 to vector<16xi32>
    %add3A_1116 = arith.addi %min3A_1114, %add3A_1115 : vector<16xi32>
    %swap3A_1117 = arith.constant 16 : index
    %swap3A_1118 = tpu.vector_load %arg19[%swap3A_1117] {strides = array<i32>} : memref<64xi32, #tpu.memory_space<vmem>>, vector<16xi32>,
    %swap3A_1119 = vector.shape_cast %swap3A_1118 : vector<16xi32> to vector<16xi32>
    %swap3A_1120 = vector.shape_cast %add3A_1116 : vector<16xi32> to vector<16xi32>
    tpu.vector_store %arg19[%swap3A_1117], %swap3A_1120 {strides = array<i32>} : memref<64xi32, #tpu.memory_space<vmem>>, vector<16xi32>,
    %get3A_1121 = arith.constant 400 : index
    %get3A_1122 = tpu.vector_load %arg10[%get3A_1121] {strides = array<i32>} : memref<512xf32, #tpu.memory_space<vmem>>, vector<16xf32>,
    %get3A_1123 = vector.shape_cast %get3A_1122 : vector<16xf32> to vector<16xf32>
    %jit3A_1124 = arith.constant 0.000000e+00 : f32
    %jit3A_1125 = arith.constant 1.000000e+00 : f32
    %max3A_1126 = vector.broadcast %jit3A_1124 : f32 to vector<16xf32>
    %max3A_1127 = arith.maximumf %max3A_1126, %get3A_1123 : vector<16xf32>
    %min3A_1128 = vector.broadcast %jit3A_1125 : f32 to vector<16xf32>
    %min3A_1129 = arith.minimumf %min3A_1128, %max3A_1127 : vector<16xf32>
    %mul3A_1130 = arith.constant 3.200000e+01 : f32
    %mul3A_1131 = vector.broadcast %mul3A_1130 : f32 to vector<16xf32>
    %mul3A_1132 = arith.mulf %min3A_1129, %mul3A_1131 : vector<16xf32>
    %convert_element_type3A_1133 = arith.fptosi %mul3A_1132 : vector<16xf32> to vector<16xi32>
    %min3A_1134 = arith.constant 31 : i32
    %min3A_1135 = vector.broadcast %min3A_1134 : i32 to vector<16xi32>
    %min3A_1136 = arith.minsi %convert_element_type3A_1133, %min3A_1135 : vector<16xi32>
    %add3A_1137 = vector.broadcast %mul3A_4 : i32 to vector<16xi32>
    %add3A_1138 = arith.addi %min3A_1136, %add3A_1137 : vector<16xi32>
    %swap3A_1139 = arith.constant 16 : index
    %swap3A_1140 = tpu.vector_load %arg27[%swap3A_1139] {strides = array<i32>} : memref<64xi32, #tpu.memory_space<vmem>>, vector<16xi32>,
    %swap3A_1141 = vector.shape_cast %swap3A_1140 : vector<16xi32> to vector<16xi32>
    %swap3A_1142 = vector.shape_cast %add3A_1138 : vector<16xi32> to vector<16xi32>
    tpu.vector_store %arg27[%swap3A_1139], %swap3A_1142 {strides = array<i32>} : memref<64xi32, #tpu.memory_space<vmem>>, vector<16xi32>,
    %get3A_1143 = arith.constant 416 : index
    %get3A_1144 = tpu.vector_load %arg9[%get3A_1143] {strides = array<i32>} : memref<512xf32, #tpu.memory_space<vmem>>, vector<16xf32>,
    %get3A_1145 = vector.shape_cast %get3A_1144 : vector<16xf32> to vector<16xf32>
    %jit3A_1146 = arith.constant 0.000000e+00 : f32
    %jit3A_1147 = arith.constant 1.000000e+00 : f32
    %max3A_1148 = vector.broadcast %jit3A_1146 : f32 to vector<16xf32>
    %max3A_1149 = arith.maximumf %max3A_1148, %get3A_1145 : vector<16xf32>
    %min3A_1150 = vector.broadcast %jit3A_1147 : f32 to vector<16xf32>
    %min3A_1151 = arith.minimumf %min3A_1150, %max3A_1149 : vector<16xf32>
    %mul3A_1152 = arith.constant 3.200000e+01 : f32
    %mul3A_1153 = vector.broadcast %mul3A_1152 : f32 to vector<16xf32>
    %mul3A_1154 = arith.mulf %min3A_1151, %mul3A_1153 : vector<16xf32>
    %convert_element_type3A_1155 = arith.fptosi %mul3A_1154 : vector<16xf32> to vector<16xi32>
    %min3A_1156 = arith.constant 31 : i32
    %min3A_1157 = vector.broadcast %min3A_1156 : i32 to vector<16xi32>
    %min3A_1158 = arith.minsi %convert_element_type3A_1155, %min3A_1157 : vector<16xi32>
    %add3A_1159 = vector.broadcast %mul3A_4 : i32 to vector<16xi32>
    %add3A_1160 = arith.addi %min3A_1158, %add3A_1159 : vector<16xi32>
    %swap3A_1161 = arith.constant 32 : index
    %swap3A_1162 = tpu.vector_load %arg19[%swap3A_1161] {strides = array<i32>} : memref<64xi32, #tpu.memory_space<vmem>>, vector<16xi32>,
    %swap3A_1163 = vector.shape_cast %swap3A_1162 : vector<16xi32> to vector<16xi32>
    %swap3A_1164 = vector.shape_cast %add3A_1160 : vector<16xi32> to vector<16xi32>
    tpu.vector_store %arg19[%swap3A_1161], %swap3A_1164 {strides = array<i32>} : memref<64xi32, #tpu.memory_space<vmem>>, vector<16xi32>,
    %get3A_1165 = arith.constant 416 : index
    %get3A_1166 = tpu.vector_load %arg10[%get3A_1165] {strides = array<i32>} : memref<512xf32, #tpu.memory_space<vmem>>, vector<16xf32>,
    %get3A_1167 = vector.shape_cast %get3A_1166 : vector<16xf32> to vector<16xf32>
    %jit3A_1168 = arith.constant 0.000000e+00 : f32
    %jit3A_1169 = arith.constant 1.000000e+00 : f32
    %max3A_1170 = vector.broadcast %jit3A_1168 : f32 to vector<16xf32>
    %max3A_1171 = arith.maximumf %max3A_1170, %get3A_1167 : vector<16xf32>
    %min3A_1172 = vector.broadcast %jit3A_1169 : f32 to vector<16xf32>
    %min3A_1173 = arith.minimumf %min3A_1172, %max3A_1171 : vector<16xf32>
    %mul3A_1174 = arith.constant 3.200000e+01 : f32
    %mul3A_1175 = vector.broadcast %mul3A_1174 : f32 to vector<16xf32>
    %mul3A_1176 = arith.mulf %min3A_1173, %mul3A_1175 : vector<16xf32>
    %convert_element_type3A_1177 = arith.fptosi %mul3A_1176 : vector<16xf32> to vector<16xi32>
    %min3A_1178 = arith.constant 31 : i32
    %min3A_1179 = vector.broadcast %min3A_1178 : i32 to vector<16xi32>
    %min3A_1180 = arith.minsi %convert_element_type3A_1177, %min3A_1179 : vector<16xi32>
    %add3A_1181 = vector.broadcast %mul3A_4 : i32 to vector<16xi32>
    %add3A_1182 = arith.addi %min3A_1180, %add3A_1181 : vector<16xi32>
    %swap3A_1183 = arith.constant 32 : index
    %swap3A_1184 = tpu.vector_load %arg27[%swap3A_1183] {strides = array<i32>} : memref<64xi32, #tpu.memory_space<vmem>>, vector<16xi32>,
    %swap3A_1185 = vector.shape_cast %swap3A_1184 : vector<16xi32> to vector<16xi32>
    %swap3A_1186 = vector.shape_cast %add3A_1182 : vector<16xi32> to vector<16xi32>
    tpu.vector_store %arg27[%swap3A_1183], %swap3A_1186 {strides = array<i32>} : memref<64xi32, #tpu.memory_space<vmem>>, vector<16xi32>,
    %get3A_1187 = arith.constant 432 : index
    %get3A_1188 = tpu.vector_load %arg9[%get3A_1187] {strides = array<i32>} : memref<512xf32, #tpu.memory_space<vmem>>, vector<16xf32>,
    %get3A_1189 = vector.shape_cast %get3A_1188 : vector<16xf32> to vector<16xf32>
    %jit3A_1190 = arith.constant 0.000000e+00 : f32
    %jit3A_1191 = arith.constant 1.000000e+00 : f32
    %max3A_1192 = vector.broadcast %jit3A_1190 : f32 to vector<16xf32>
    %max3A_1193 = arith.maximumf %max3A_1192, %get3A_1189 : vector<16xf32>
    %min3A_1194 = vector.broadcast %jit3A_1191 : f32 to vector<16xf32>
    %min3A_1195 = arith.minimumf %min3A_1194, %max3A_1193 : vector<16xf32>
    %mul3A_1196 = arith.constant 3.200000e+01 : f32
    %mul3A_1197 = vector.broadcast %mul3A_1196 : f32 to vector<16xf32>
    %mul3A_1198 = arith.mulf %min3A_1195, %mul3A_1197 : vector<16xf32>
    %convert_element_type3A_1199 = arith.fptosi %mul3A_1198 : vector<16xf32> to vector<16xi32>
    %min3A_1200 = arith.constant 31 : i32
    %min3A_1201 = vector.broadcast %min3A_1200 : i32 to vector<16xi32>
    %min3A_1202 = arith.minsi %convert_element_type3A_1199, %min3A_1201 : vector<16xi32>
    %add3A_1203 = vector.broadcast %mul3A_4 : i32 to vector<16xi32>
    %add3A_1204 = arith.addi %min3A_1202, %add3A_1203 : vector<16xi32>
    %swap3A_1205 = arith.constant 48 : index
    %swap3A_1206 = tpu.vector_load %arg19[%swap3A_1205] {strides = array<i32>} : memref<64xi32, #tpu.memory_space<vmem>>, vector<16xi32>,
    %swap3A_1207 = vector.shape_cast %swap3A_1206 : vector<16xi32> to vector<16xi32>
    %swap3A_1208 = vector.shape_cast %add3A_1204 : vector<16xi32> to vector<16xi32>
    tpu.vector_store %arg19[%swap3A_1205], %swap3A_1208 {strides = array<i32>} : memref<64xi32, #tpu.memory_space<vmem>>, vector<16xi32>,
    %get3A_1209 = arith.constant 432 : index
    %get3A_1210 = tpu.vector_load %arg10[%get3A_1209] {strides = array<i32>} : memref<512xf32, #tpu.memory_space<vmem>>, vector<16xf32>,
    %get3A_1211 = vector.shape_cast %get3A_1210 : vector<16xf32> to vector<16xf32>
    %jit3A_1212 = arith.constant 0.000000e+00 : f32
    %jit3A_1213 = arith.constant 1.000000e+00 : f32
    %max3A_1214 = vector.broadcast %jit3A_1212 : f32 to vector<16xf32>
    %max3A_1215 = arith.maximumf %max3A_1214, %get3A_1211 : vector<16xf32>
    %min3A_1216 = vector.broadcast %jit3A_1213 : f32 to vector<16xf32>
    %min3A_1217 = arith.minimumf %min3A_1216, %max3A_1215 : vector<16xf32>
    %mul3A_1218 = arith.constant 3.200000e+01 : f32
    %mul3A_1219 = vector.broadcast %mul3A_1218 : f32 to vector<16xf32>
    %mul3A_1220 = arith.mulf %min3A_1217, %mul3A_1219 : vector<16xf32>
    %convert_element_type3A_1221 = arith.fptosi %mul3A_1220 : vector<16xf32> to vector<16xi32>
    %min3A_1222 = arith.constant 31 : i32
    %min3A_1223 = vector.broadcast %min3A_1222 : i32 to vector<16xi32>
    %min3A_1224 = arith.minsi %convert_element_type3A_1221, %min3A_1223 : vector<16xi32>
    %add3A_1225 = vector.broadcast %mul3A_4 : i32 to vector<16xi32>
    %add3A_1226 = arith.addi %min3A_1224, %add3A_1225 : vector<16xi32>
    %swap3A_1227 = arith.constant 48 : index
    %swap3A_1228 = tpu.vector_load %arg27[%swap3A_1227] {strides = array<i32>} : memref<64xi32, #tpu.memory_space<vmem>>, vector<16xi32>,
    %swap3A_1229 = vector.shape_cast %swap3A_1228 : vector<16xi32> to vector<16xi32>
    %swap3A_1230 = vector.shape_cast %add3A_1226 : vector<16xi32> to vector<16xi32>
    tpu.vector_store %arg27[%swap3A_1227], %swap3A_1230 {strides = array<i32>} : memref<64xi32, #tpu.memory_space<vmem>>, vector<16xi32>,
    %get3A_1231 = arith.constant 448 : index
    %get3A_1232 = tpu.vector_load %arg9[%get3A_1231] {strides = array<i32>} : memref<512xf32, #tpu.memory_space<vmem>>, vector<16xf32>,
    %get3A_1233 = vector.shape_cast %get3A_1232 : vector<16xf32> to vector<16xf32>
    %jit3A_1234 = arith.constant 0.000000e+00 : f32
    %jit3A_1235 = arith.constant 1.000000e+00 : f32
    %max3A_1236 = vector.broadcast %jit3A_1234 : f32 to vector<16xf32>
    %max3A_1237 = arith.maximumf %max3A_1236, %get3A_1233 : vector<16xf32>
    %min3A_1238 = vector.broadcast %jit3A_1235 : f32 to vector<16xf32>
    %min3A_1239 = arith.minimumf %min3A_1238, %max3A_1237 : vector<16xf32>
    %mul3A_1240 = arith.constant 3.200000e+01 : f32
    %mul3A_1241 = vector.broadcast %mul3A_1240 : f32 to vector<16xf32>
    %mul3A_1242 = arith.mulf %min3A_1239, %mul3A_1241 : vector<16xf32>
    %convert_element_type3A_1243 = arith.fptosi %mul3A_1242 : vector<16xf32> to vector<16xi32>
    %min3A_1244 = arith.constant 31 : i32
    %min3A_1245 = vector.broadcast %min3A_1244 : i32 to vector<16xi32>
    %min3A_1246 = arith.minsi %convert_element_type3A_1243, %min3A_1245 : vector<16xi32>
    %add3A_1247 = vector.broadcast %mul3A_4 : i32 to vector<16xi32>
    %add3A_1248 = arith.addi %min3A_1246, %add3A_1247 : vector<16xi32>
    %swap3A_1249 = arith.constant 0 : index
    %swap3A_1250 = tpu.vector_load %arg20[%swap3A_1249] {strides = array<i32>} : memref<64xi32, #tpu.memory_space<vmem>>, vector<16xi32>,
    %swap3A_1251 = vector.shape_cast %swap3A_1250 : vector<16xi32> to vector<16xi32>
    %swap3A_1252 = vector.shape_cast %add3A_1248 : vector<16xi32> to vector<16xi32>
    tpu.vector_store %arg20[%swap3A_1249], %swap3A_1252 {strides = array<i32>} : memref<64xi32, #tpu.memory_space<vmem>>, vector<16xi32>,
    %get3A_1253 = arith.constant 448 : index
    %get3A_1254 = tpu.vector_load %arg10[%get3A_1253] {strides = array<i32>} : memref<512xf32, #tpu.memory_space<vmem>>, vector<16xf32>,
    %get3A_1255 = vector.shape_cast %get3A_1254 : vector<16xf32> to vector<16xf32>
    %jit3A_1256 = arith.constant 0.000000e+00 : f32
    %jit3A_1257 = arith.constant 1.000000e+00 : f32
    %max3A_1258 = vector.broadcast %jit3A_1256 : f32 to vector<16xf32>
    %max3A_1259 = arith.maximumf %max3A_1258, %get3A_1255 : vector<16xf32>
    %min3A_1260 = vector.broadcast %jit3A_1257 : f32 to vector<16xf32>
    %min3A_1261 = arith.minimumf %min3A_1260, %max3A_1259 : vector<16xf32>
    %mul3A_1262 = arith.constant 3.200000e+01 : f32
    %mul3A_1263 = vector.broadcast %mul3A_1262 : f32 to vector<16xf32>
    %mul3A_1264 = arith.mulf %min3A_1261, %mul3A_1263 : vector<16xf32>
    %convert_element_type3A_1265 = arith.fptosi %mul3A_1264 : vector<16xf32> to vector<16xi32>
    %min3A_1266 = arith.constant 31 : i32
    %min3A_1267 = vector.broadcast %min3A_1266 : i32 to vector<16xi32>
    %min3A_1268 = arith.minsi %convert_element_type3A_1265, %min3A_1267 : vector<16xi32>
    %add3A_1269 = vector.broadcast %mul3A_4 : i32 to vector<16xi32>
    %add3A_1270 = arith.addi %min3A_1268, %add3A_1269 : vector<16xi32>
    %swap3A_1271 = arith.constant 0 : index
    %swap3A_1272 = tpu.vector_load %arg28[%swap3A_1271] {strides = array<i32>} : memref<64xi32, #tpu.memory_space<vmem>>, vector<16xi32>,
    %swap3A_1273 = vector.shape_cast %swap3A_1272 : vector<16xi32> to vector<16xi32>
    %swap3A_1274 = vector.shape_cast %add3A_1270 : vector<16xi32> to vector<16xi32>
    tpu.vector_store %arg28[%swap3A_1271], %swap3A_1274 {strides = array<i32>} : memref<64xi32, #tpu.memory_space<vmem>>, vector<16xi32>,
    %get3A_1275 = arith.constant 464 : index
    %get3A_1276 = tpu.vector_load %arg9[%get3A_1275] {strides = array<i32>} : memref<512xf32, #tpu.memory_space<vmem>>, vector<16xf32>,
    %get3A_1277 = vector.shape_cast %get3A_1276 : vector<16xf32> to vector<16xf32>
    %jit3A_1278 = arith.constant 0.000000e+00 : f32
    %jit3A_1279 = arith.constant 1.000000e+00 : f32
    %max3A_1280 = vector.broadcast %jit3A_1278 : f32 to vector<16xf32>
    %max3A_1281 = arith.maximumf %max3A_1280, %get3A_1277 : vector<16xf32>
    %min3A_1282 = vector.broadcast %jit3A_1279 : f32 to vector<16xf32>
    %min3A_1283 = arith.minimumf %min3A_1282, %max3A_1281 : vector<16xf32>
    %mul3A_1284 = arith.constant 3.200000e+01 : f32
    %mul3A_1285 = vector.broadcast %mul3A_1284 : f32 to vector<16xf32>
    %mul3A_1286 = arith.mulf %min3A_1283, %mul3A_1285 : vector<16xf32>
    %convert_element_type3A_1287 = arith.fptosi %mul3A_1286 : vector<16xf32> to vector<16xi32>
    %min3A_1288 = arith.constant 31 : i32
    %min3A_1289 = vector.broadcast %min3A_1288 : i32 to vector<16xi32>
    %min3A_1290 = arith.minsi %convert_element_type3A_1287, %min3A_1289 : vector<16xi32>
    %add3A_1291 = vector.broadcast %mul3A_4 : i32 to vector<16xi32>
    %add3A_1292 = arith.addi %min3A_1290, %add3A_1291 : vector<16xi32>
    %swap3A_1293 = arith.constant 16 : index
    %swap3A_1294 = tpu.vector_load %arg20[%swap3A_1293] {strides = array<i32>} : memref<64xi32, #tpu.memory_space<vmem>>, vector<16xi32>,
    %swap3A_1295 = vector.shape_cast %swap3A_1294 : vector<16xi32> to vector<16xi32>
    %swap3A_1296 = vector.shape_cast %add3A_1292 : vector<16xi32> to vector<16xi32>
    tpu.vector_store %arg20[%swap3A_1293], %swap3A_1296 {strides = array<i32>} : memref<64xi32, #tpu.memory_space<vmem>>, vector<16xi32>,
    %get3A_1297 = arith.constant 464 : index
    %get3A_1298 = tpu.vector_load %arg10[%get3A_1297] {strides = array<i32>} : memref<512xf32, #tpu.memory_space<vmem>>, vector<16xf32>,
    %get3A_1299 = vector.shape_cast %get3A_1298 : vector<16xf32> to vector<16xf32>
    %jit3A_1300 = arith.constant 0.000000e+00 : f32
    %jit3A_1301 = arith.constant 1.000000e+00 : f32
    %max3A_1302 = vector.broadcast %jit3A_1300 : f32 to vector<16xf32>
    %max3A_1303 = arith.maximumf %max3A_1302, %get3A_1299 : vector<16xf32>
    %min3A_1304 = vector.broadcast %jit3A_1301 : f32 to vector<16xf32>
    %min3A_1305 = arith.minimumf %min3A_1304, %max3A_1303 : vector<16xf32>
    %mul3A_1306 = arith.constant 3.200000e+01 : f32
    %mul3A_1307 = vector.broadcast %mul3A_1306 : f32 to vector<16xf32>
    %mul3A_1308 = arith.mulf %min3A_1305, %mul3A_1307 : vector<16xf32>
    %convert_element_type3A_1309 = arith.fptosi %mul3A_1308 : vector<16xf32> to vector<16xi32>
    %min3A_1310 = arith.constant 31 : i32
    %min3A_1311 = vector.broadcast %min3A_1310 : i32 to vector<16xi32>
    %min3A_1312 = arith.minsi %convert_element_type3A_1309, %min3A_1311 : vector<16xi32>
    %add3A_1313 = vector.broadcast %mul3A_4 : i32 to vector<16xi32>
    %add3A_1314 = arith.addi %min3A_1312, %add3A_1313 : vector<16xi32>
    %swap3A_1315 = arith.constant 16 : index
    %swap3A_1316 = tpu.vector_load %arg28[%swap3A_1315] {strides = array<i32>} : memref<64xi32, #tpu.memory_space<vmem>>, vector<16xi32>,
    %swap3A_1317 = vector.shape_cast %swap3A_1316 : vector<16xi32> to vector<16xi32>
    %swap3A_1318 = vector.shape_cast %add3A_1314 : vector<16xi32> to vector<16xi32>
    tpu.vector_store %arg28[%swap3A_1315], %swap3A_1318 {strides = array<i32>} : memref<64xi32, #tpu.memory_space<vmem>>, vector<16xi32>,
    %get3A_1319 = arith.constant 480 : index
    %get3A_1320 = tpu.vector_load %arg9[%get3A_1319] {strides = array<i32>} : memref<512xf32, #tpu.memory_space<vmem>>, vector<16xf32>,
    %get3A_1321 = vector.shape_cast %get3A_1320 : vector<16xf32> to vector<16xf32>
    %jit3A_1322 = arith.constant 0.000000e+00 : f32
    %jit3A_1323 = arith.constant 1.000000e+00 : f32
    %max3A_1324 = vector.broadcast %jit3A_1322 : f32 to vector<16xf32>
    %max3A_1325 = arith.maximumf %max3A_1324, %get3A_1321 : vector<16xf32>
    %min3A_1326 = vector.broadcast %jit3A_1323 : f32 to vector<16xf32>
    %min3A_1327 = arith.minimumf %min3A_1326, %max3A_1325 : vector<16xf32>
    %mul3A_1328 = arith.constant 3.200000e+01 : f32
    %mul3A_1329 = vector.broadcast %mul3A_1328 : f32 to vector<16xf32>
    %mul3A_1330 = arith.mulf %min3A_1327, %mul3A_1329 : vector<16xf32>
    %convert_element_type3A_1331 = arith.fptosi %mul3A_1330 : vector<16xf32> to vector<16xi32>
    %min3A_1332 = arith.constant 31 : i32
    %min3A_1333 = vector.broadcast %min3A_1332 : i32 to vector<16xi32>
    %min3A_1334 = arith.minsi %convert_element_type3A_1331, %min3A_1333 : vector<16xi32>
    %add3A_1335 = vector.broadcast %mul3A_4 : i32 to vector<16xi32>
    %add3A_1336 = arith.addi %min3A_1334, %add3A_1335 : vector<16xi32>
    %swap3A_1337 = arith.constant 32 : index
    %swap3A_1338 = tpu.vector_load %arg20[%swap3A_1337] {strides = array<i32>} : memref<64xi32, #tpu.memory_space<vmem>>, vector<16xi32>,
    %swap3A_1339 = vector.shape_cast %swap3A_1338 : vector<16xi32> to vector<16xi32>
    %swap3A_1340 = vector.shape_cast %add3A_1336 : vector<16xi32> to vector<16xi32>
    tpu.vector_store %arg20[%swap3A_1337], %swap3A_1340 {strides = array<i32>} : memref<64xi32, #tpu.memory_space<vmem>>, vector<16xi32>,
    %get3A_1341 = arith.constant 480 : index
    %get3A_1342 = tpu.vector_load %arg10[%get3A_1341] {strides = array<i32>} : memref<512xf32, #tpu.memory_space<vmem>>, vector<16xf32>,
    %get3A_1343 = vector.shape_cast %get3A_1342 : vector<16xf32> to vector<16xf32>
    %jit3A_1344 = arith.constant 0.000000e+00 : f32
    %jit3A_1345 = arith.constant 1.000000e+00 : f32
    %max3A_1346 = vector.broadcast %jit3A_1344 : f32 to vector<16xf32>
    %max3A_1347 = arith.maximumf %max3A_1346, %get3A_1343 : vector<16xf32>
    %min3A_1348 = vector.broadcast %jit3A_1345 : f32 to vector<16xf32>
    %min3A_1349 = arith.minimumf %min3A_1348, %max3A_1347 : vector<16xf32>
    %mul3A_1350 = arith.constant 3.200000e+01 : f32
    %mul3A_1351 = vector.broadcast %mul3A_1350 : f32 to vector<16xf32>
    %mul3A_1352 = arith.mulf %min3A_1349, %mul3A_1351 : vector<16xf32>
    %convert_element_type3A_1353 = arith.fptosi %mul3A_1352 : vector<16xf32> to vector<16xi32>
    %min3A_1354 = arith.constant 31 : i32
    %min3A_1355 = vector.broadcast %min3A_1354 : i32 to vector<16xi32>
    %min3A_1356 = arith.minsi %convert_element_type3A_1353, %min3A_1355 : vector<16xi32>
    %add3A_1357 = vector.broadcast %mul3A_4 : i32 to vector<16xi32>
    %add3A_1358 = arith.addi %min3A_1356, %add3A_1357 : vector<16xi32>
    %swap3A_1359 = arith.constant 32 : index
    %swap3A_1360 = tpu.vector_load %arg28[%swap3A_1359] {strides = array<i32>} : memref<64xi32, #tpu.memory_space<vmem>>, vector<16xi32>,
    %swap3A_1361 = vector.shape_cast %swap3A_1360 : vector<16xi32> to vector<16xi32>
    %swap3A_1362 = vector.shape_cast %add3A_1358 : vector<16xi32> to vector<16xi32>
    tpu.vector_store %arg28[%swap3A_1359], %swap3A_1362 {strides = array<i32>} : memref<64xi32, #tpu.memory_space<vmem>>, vector<16xi32>,
    %get3A_1363 = arith.constant 496 : index
    %get3A_1364 = tpu.vector_load %arg9[%get3A_1363] {strides = array<i32>} : memref<512xf32, #tpu.memory_space<vmem>>, vector<16xf32>,
    %get3A_1365 = vector.shape_cast %get3A_1364 : vector<16xf32> to vector<16xf32>
    %jit3A_1366 = arith.constant 0.000000e+00 : f32
    %jit3A_1367 = arith.constant 1.000000e+00 : f32
    %max3A_1368 = vector.broadcast %jit3A_1366 : f32 to vector<16xf32>
    %max3A_1369 = arith.maximumf %max3A_1368, %get3A_1365 : vector<16xf32>
    %min3A_1370 = vector.broadcast %jit3A_1367 : f32 to vector<16xf32>
    %min3A_1371 = arith.minimumf %min3A_1370, %max3A_1369 : vector<16xf32>
    %mul3A_1372 = arith.constant 3.200000e+01 : f32
    %mul3A_1373 = vector.broadcast %mul3A_1372 : f32 to vector<16xf32>
    %mul3A_1374 = arith.mulf %min3A_1371, %mul3A_1373 : vector<16xf32>
    %convert_element_type3A_1375 = arith.fptosi %mul3A_1374 : vector<16xf32> to vector<16xi32>
    %min3A_1376 = arith.constant 31 : i32
    %min3A_1377 = vector.broadcast %min3A_1376 : i32 to vector<16xi32>
    %min3A_1378 = arith.minsi %convert_element_type3A_1375, %min3A_1377 : vector<16xi32>
    %add3A_1379 = vector.broadcast %mul3A_4 : i32 to vector<16xi32>
    %add3A_1380 = arith.addi %min3A_1378, %add3A_1379 : vector<16xi32>
    %swap3A_1381 = arith.constant 48 : index
    %swap3A_1382 = tpu.vector_load %arg20[%swap3A_1381] {strides = array<i32>} : memref<64xi32, #tpu.memory_space<vmem>>, vector<16xi32>,
    %swap3A_1383 = vector.shape_cast %swap3A_1382 : vector<16xi32> to vector<16xi32>
    %swap3A_1384 = vector.shape_cast %add3A_1380 : vector<16xi32> to vector<16xi32>
    tpu.vector_store %arg20[%swap3A_1381], %swap3A_1384 {strides = array<i32>} : memref<64xi32, #tpu.memory_space<vmem>>, vector<16xi32>,
    %get3A_1385 = arith.constant 496 : index
    %get3A_1386 = tpu.vector_load %arg10[%get3A_1385] {strides = array<i32>} : memref<512xf32, #tpu.memory_space<vmem>>, vector<16xf32>,
    %get3A_1387 = vector.shape_cast %get3A_1386 : vector<16xf32> to vector<16xf32>
    %jit3A_1388 = arith.constant 0.000000e+00 : f32
    %jit3A_1389 = arith.constant 1.000000e+00 : f32
    %max3A_1390 = vector.broadcast %jit3A_1388 : f32 to vector<16xf32>
    %max3A_1391 = arith.maximumf %max3A_1390, %get3A_1387 : vector<16xf32>
    %min3A_1392 = vector.broadcast %jit3A_1389 : f32 to vector<16xf32>
    %min3A_1393 = arith.minimumf %min3A_1392, %max3A_1391 : vector<16xf32>
    %mul3A_1394 = arith.constant 3.200000e+01 : f32
    %mul3A_1395 = vector.broadcast %mul3A_1394 : f32 to vector<16xf32>
    %mul3A_1396 = arith.mulf %min3A_1393, %mul3A_1395 : vector<16xf32>
    %convert_element_type3A_1397 = arith.fptosi %mul3A_1396 : vector<16xf32> to vector<16xi32>
    %min3A_1398 = arith.constant 31 : i32
    %min3A_1399 = vector.broadcast %min3A_1398 : i32 to vector<16xi32>
    %min3A_1400 = arith.minsi %convert_element_type3A_1397, %min3A_1399 : vector<16xi32>
    %add3A_1401 = vector.broadcast %mul3A_4 : i32 to vector<16xi32>
    %add3A_1402 = arith.addi %min3A_1400, %add3A_1401 : vector<16xi32>
    %swap3A_1403 = arith.constant 48 : index
    %swap3A_1404 = tpu.vector_load %arg28[%swap3A_1403] {strides = array<i32>} : memref<64xi32, #tpu.memory_space<vmem>>, vector<16xi32>,
    %swap3A_1405 = vector.shape_cast %swap3A_1404 : vector<16xi32> to vector<16xi32>
    %swap3A_1406 = vector.shape_cast %add3A_1402 : vector<16xi32> to vector<16xi32>
    tpu.vector_store %arg28[%swap3A_1403], %swap3A_1406 {strides = array<i32>} : memref<64xi32, #tpu.memory_space<vmem>>, vector<16xi32>,
    %get3A_1407 = arith.constant 0 : index
    %get3A_1408 = tpu.vector_load %arg11[%get3A_1407] {strides = array<i32>} : memref<16xf32, #tpu.memory_space<vmem>>, vector<1xf32>,
    %get3A_1409 = vector.shape_cast %get3A_1408 : vector<1xf32> to vector<1xf32>
    %squeeze3A = vector.extract %get3A_1409[0] : f32 from vector<1xf32>
    %get3A_1410 = arith.constant 1 : index
    %get3A_1411 = tpu.vector_load %arg11[%get3A_1410] {strides = array<i32>} : memref<16xf32, #tpu.memory_space<vmem>>, vector<1xf32>,
    %get3A_1412 = vector.shape_cast %get3A_1411 : vector<1xf32> to vector<1xf32>
    %squeeze3A_1413 = vector.extract %get3A_1412[0] : f32 from vector<1xf32>
    %get3A_1414 = arith.constant 2 : index
    %get3A_1415 = tpu.vector_load %arg11[%get3A_1414] {strides = array<i32>} : memref<16xf32, #tpu.memory_space<vmem>>, vector<1xf32>,
    %get3A_1416 = vector.shape_cast %get3A_1415 : vector<1xf32> to vector<1xf32>
    %squeeze3A_1417 = vector.extract %get3A_1416[0] : f32 from vector<1xf32>
    %get3A_1418 = arith.constant 3 : index
    %get3A_1419 = tpu.vector_load %arg11[%get3A_1418] {strides = array<i32>} : memref<16xf32, #tpu.memory_space<vmem>>, vector<1xf32>,
    %get3A_1420 = vector.shape_cast %get3A_1419 : vector<1xf32> to vector<1xf32>
    %squeeze3A_1421 = vector.extract %get3A_1420[0] : f32 from vector<1xf32>
    %get3A_1422 = arith.constant 4 : index
    %get3A_1423 = tpu.vector_load %arg11[%get3A_1422] {strides = array<i32>} : memref<16xf32, #tpu.memory_space<vmem>>, vector<1xf32>,
    %get3A_1424 = vector.shape_cast %get3A_1423 : vector<1xf32> to vector<1xf32>
    %squeeze3A_1425 = vector.extract %get3A_1424[0] : f32 from vector<1xf32>
    %get3A_1426 = arith.constant 5 : index
    %get3A_1427 = tpu.vector_load %arg11[%get3A_1426] {strides = array<i32>} : memref<16xf32, #tpu.memory_space<vmem>>, vector<1xf32>,
    %get3A_1428 = vector.shape_cast %get3A_1427 : vector<1xf32> to vector<1xf32>
    %squeeze3A_1429 = vector.extract %get3A_1428[0] : f32 from vector<1xf32>
    %get3A_1430 = arith.constant 0 : index
    %get3A_1431 = tpu.vector_load %arg12[%get3A_1430] {strides = array<i32>} : memref<384xf32, #tpu.memory_space<vmem>>, vector<16xf32>,
    %get3A_1432 = vector.shape_cast %get3A_1431 : vector<16xf32> to vector<16xf32>
    %get3A_1433 = arith.constant 16 : index
    %get3A_1434 = tpu.vector_load %arg12[%get3A_1433] {strides = array<i32>} : memref<384xf32, #tpu.memory_space<vmem>>, vector<16xf32>,
    %get3A_1435 = vector.shape_cast %get3A_1434 : vector<16xf32> to vector<16xf32>
    %get3A_1436 = arith.constant 32 : index
    %get3A_1437 = tpu.vector_load %arg12[%get3A_1436] {strides = array<i32>} : memref<384xf32, #tpu.memory_space<vmem>>, vector<16xf32>,
    %get3A_1438 = vector.shape_cast %get3A_1437 : vector<16xf32> to vector<16xf32>
    %get3A_1439 = arith.constant 48 : index
    %get3A_1440 = tpu.vector_load %arg12[%get3A_1439] {strides = array<i32>} : memref<384xf32, #tpu.memory_space<vmem>>, vector<16xf32>,
    %get3A_1441 = vector.shape_cast %get3A_1440 : vector<16xf32> to vector<16xf32>
    %get3A_1442 = arith.constant 64 : index
    %get3A_1443 = tpu.vector_load %arg12[%get3A_1442] {strides = array<i32>} : memref<384xf32, #tpu.memory_space<vmem>>, vector<16xf32>,
    %get3A_1444 = vector.shape_cast %get3A_1443 : vector<16xf32> to vector<16xf32>
    %get3A_1445 = arith.constant 80 : index
    %get3A_1446 = tpu.vector_load %arg12[%get3A_1445] {strides = array<i32>} : memref<384xf32, #tpu.memory_space<vmem>>, vector<16xf32>,
    %get3A_1447 = vector.shape_cast %get3A_1446 : vector<16xf32> to vector<16xf32>
    %get3A_1448 = arith.constant 96 : index
    %get3A_1449 = tpu.vector_load %arg12[%get3A_1448] {strides = array<i32>} : memref<384xf32, #tpu.memory_space<vmem>>, vector<16xf32>,
    %get3A_1450 = vector.shape_cast %get3A_1449 : vector<16xf32> to vector<16xf32>
    %get3A_1451 = arith.constant 112 : index
    %get3A_1452 = tpu.vector_load %arg12[%get3A_1451] {strides = array<i32>} : memref<384xf32, #tpu.memory_space<vmem>>, vector<16xf32>,
    %get3A_1453 = vector.shape_cast %get3A_1452 : vector<16xf32> to vector<16xf32>
    %get3A_1454 = arith.constant 128 : index
    %get3A_1455 = tpu.vector_load %arg12[%get3A_1454] {strides = array<i32>} : memref<384xf32, #tpu.memory_space<vmem>>, vector<16xf32>,
    %get3A_1456 = vector.shape_cast %get3A_1455 : vector<16xf32> to vector<16xf32>
    %get3A_1457 = arith.constant 144 : index
    %get3A_1458 = tpu.vector_load %arg12[%get3A_1457] {strides = array<i32>} : memref<384xf32, #tpu.memory_space<vmem>>, vector<16xf32>,
    %get3A_1459 = vector.shape_cast %get3A_1458 : vector<16xf32> to vector<16xf32>
    %get3A_1460 = arith.constant 160 : index
    %get3A_1461 = tpu.vector_load %arg12[%get3A_1460] {strides = array<i32>} : memref<384xf32, #tpu.memory_space<vmem>>, vector<16xf32>,
    %get3A_1462 = vector.shape_cast %get3A_1461 : vector<16xf32> to vector<16xf32>
    %get3A_1463 = arith.constant 176 : index
    %get3A_1464 = tpu.vector_load %arg12[%get3A_1463] {strides = array<i32>} : memref<384xf32, #tpu.memory_space<vmem>>, vector<16xf32>,
    %get3A_1465 = vector.shape_cast %get3A_1464 : vector<16xf32> to vector<16xf32>
    %get3A_1466 = arith.constant 192 : index
    %get3A_1467 = tpu.vector_load %arg12[%get3A_1466] {strides = array<i32>} : memref<384xf32, #tpu.memory_space<vmem>>, vector<16xf32>,
    %get3A_1468 = vector.shape_cast %get3A_1467 : vector<16xf32> to vector<16xf32>
    %get3A_1469 = arith.constant 208 : index
    %get3A_1470 = tpu.vector_load %arg12[%get3A_1469] {strides = array<i32>} : memref<384xf32, #tpu.memory_space<vmem>>, vector<16xf32>,
    %get3A_1471 = vector.shape_cast %get3A_1470 : vector<16xf32> to vector<16xf32>
    %get3A_1472 = arith.constant 224 : index
    %get3A_1473 = tpu.vector_load %arg12[%get3A_1472] {strides = array<i32>} : memref<384xf32, #tpu.memory_space<vmem>>, vector<16xf32>,
    %get3A_1474 = vector.shape_cast %get3A_1473 : vector<16xf32> to vector<16xf32>
    %get3A_1475 = arith.constant 240 : index
    %get3A_1476 = tpu.vector_load %arg12[%get3A_1475] {strides = array<i32>} : memref<384xf32, #tpu.memory_space<vmem>>, vector<16xf32>,
    %get3A_1477 = vector.shape_cast %get3A_1476 : vector<16xf32> to vector<16xf32>
    %get3A_1478 = arith.constant 256 : index
    %get3A_1479 = tpu.vector_load %arg12[%get3A_1478] {strides = array<i32>} : memref<384xf32, #tpu.memory_space<vmem>>, vector<16xf32>,
    %get3A_1480 = vector.shape_cast %get3A_1479 : vector<16xf32> to vector<16xf32>
    %get3A_1481 = arith.constant 272 : index
    %get3A_1482 = tpu.vector_load %arg12[%get3A_1481] {strides = array<i32>} : memref<384xf32, #tpu.memory_space<vmem>>, vector<16xf32>,
    %get3A_1483 = vector.shape_cast %get3A_1482 : vector<16xf32> to vector<16xf32>
    %get3A_1484 = arith.constant 288 : index
    %get3A_1485 = tpu.vector_load %arg12[%get3A_1484] {strides = array<i32>} : memref<384xf32, #tpu.memory_space<vmem>>, vector<16xf32>,
    %get3A_1486 = vector.shape_cast %get3A_1485 : vector<16xf32> to vector<16xf32>
    %get3A_1487 = arith.constant 304 : index
    %get3A_1488 = tpu.vector_load %arg12[%get3A_1487] {strides = array<i32>} : memref<384xf32, #tpu.memory_space<vmem>>, vector<16xf32>,
    %get3A_1489 = vector.shape_cast %get3A_1488 : vector<16xf32> to vector<16xf32>
    %get3A_1490 = arith.constant 320 : index
    %get3A_1491 = tpu.vector_load %arg12[%get3A_1490] {strides = array<i32>} : memref<384xf32, #tpu.memory_space<vmem>>, vector<16xf32>,
    %get3A_1492 = vector.shape_cast %get3A_1491 : vector<16xf32> to vector<16xf32>
    %get3A_1493 = arith.constant 336 : index
    %get3A_1494 = tpu.vector_load %arg12[%get3A_1493] {strides = array<i32>} : memref<384xf32, #tpu.memory_space<vmem>>, vector<16xf32>,
    %get3A_1495 = vector.shape_cast %get3A_1494 : vector<16xf32> to vector<16xf32>
    %get3A_1496 = arith.constant 352 : index
    %get3A_1497 = tpu.vector_load %arg12[%get3A_1496] {strides = array<i32>} : memref<384xf32, #tpu.memory_space<vmem>>, vector<16xf32>,
    %get3A_1498 = vector.shape_cast %get3A_1497 : vector<16xf32> to vector<16xf32>
    %get3A_1499 = arith.constant 368 : index
    %get3A_1500 = tpu.vector_load %arg12[%get3A_1499] {strides = array<i32>} : memref<384xf32, #tpu.memory_space<vmem>>, vector<16xf32>,
    %get3A_1501 = vector.shape_cast %get3A_1500 : vector<16xf32> to vector<16xf32>
    %broadcast_in_dim3A = arith.constant 0 : i32
    %broadcast_in_dim3A_1502 = vector.broadcast %broadcast_in_dim3A : i32 to vector<16xi32>
    %dma_start3A = arith.constant 0 : i32
    %dma_start3A_1503 = arith.constant 128 : i32
    %dma_start3A_1504 = tpu.memref_slice %arg29[%dma_start3A, %dma_start3A_1503] : memref<64x384xf32, #tpu.memory_space<vmem>> -> memref<64x128xf32, #tpu.memory_space<vmem>>
    %dma_start3A_1505 = arith.constant 0 : i32
    %dma_start3A_1506 = arith.constant 0 : i32
    %dma_start3A_1507 = tpu.memref_slice %arg4[%dma_start3A_1505, %dma_start3A_1506] : memref<1056x128xf32, #tpu.memory_space<hbm>> -> memref<1056x128xf32, #tpu.memory_space<hbm>>
    tpu.enqueue_indirect_dma source(%dma_start3A_1507 : memref<1056x128xf32, #tpu.memory_space<hbm>>) target(%dma_start3A_1504 : memref<64x128xf32, #tpu.memory_space<vmem>>) offsets(%arg13 : memref<64xi32, #tpu.memory_space<vmem>>) semaphore(%arg33 : memref<!tpu.dma_semaphore, #tpu.memory_space<semaphore_mem>>)
    %dma_start3A_1508 = arith.constant 0 : i32
    %dma_start3A_1509 = arith.constant 256 : i32
    %dma_start3A_1510 = tpu.memref_slice %arg29[%dma_start3A_1508, %dma_start3A_1509] : memref<64x384xf32, #tpu.memory_space<vmem>> -> memref<64x128xf32, #tpu.memory_space<vmem>>
    %dma_start3A_1511 = arith.constant 0 : i32
    %dma_start3A_1512 = arith.constant 0 : i32
    %dma_start3A_1513 = tpu.memref_slice %arg5[%dma_start3A_1511, %dma_start3A_1512] : memref<1056x128xf32, #tpu.memory_space<hbm>> -> memref<1056x128xf32, #tpu.memory_space<hbm>>
    tpu.enqueue_indirect_dma source(%dma_start3A_1513 : memref<1056x128xf32, #tpu.memory_space<hbm>>) target(%dma_start3A_1510 : memref<64x128xf32, #tpu.memory_space<vmem>>) offsets(%arg21 : memref<64xi32, #tpu.memory_space<vmem>>) semaphore(%arg33 : memref<!tpu.dma_semaphore, #tpu.memory_space<semaphore_mem>>)
    %dma_start3A_1514 = arith.constant 0 : i32
    %dma_start3A_1515 = arith.constant 128 : i32
    %dma_start3A_1516 = tpu.memref_slice %arg30[%dma_start3A_1514, %dma_start3A_1515] : memref<64x384xf32, #tpu.memory_space<vmem>> -> memref<64x128xf32, #tpu.memory_space<vmem>>
    %dma_start3A_1517 = arith.constant 0 : i32
    %dma_start3A_1518 = arith.constant 0 : i32
    %dma_start3A_1519 = tpu.memref_slice %arg4[%dma_start3A_1517, %dma_start3A_1518] : memref<1056x128xf32, #tpu.memory_space<hbm>> -> memref<1056x128xf32, #tpu.memory_space<hbm>>
    tpu.enqueue_indirect_dma source(%dma_start3A_1519 : memref<1056x128xf32, #tpu.memory_space<hbm>>) target(%dma_start3A_1516 : memref<64x128xf32, #tpu.memory_space<vmem>>) offsets(%arg14 : memref<64xi32, #tpu.memory_space<vmem>>) semaphore(%arg33 : memref<!tpu.dma_semaphore, #tpu.memory_space<semaphore_mem>>)
    %dma_start3A_1520 = arith.constant 0 : i32
    %dma_start3A_1521 = arith.constant 256 : i32
    %dma_start3A_1522 = tpu.memref_slice %arg30[%dma_start3A_1520, %dma_start3A_1521] : memref<64x384xf32, #tpu.memory_space<vmem>> -> memref<64x128xf32, #tpu.memory_space<vmem>>
    %dma_start3A_1523 = arith.constant 0 : i32
    %dma_start3A_1524 = arith.constant 0 : i32
    %dma_start3A_1525 = tpu.memref_slice %arg5[%dma_start3A_1523, %dma_start3A_1524] : memref<1056x128xf32, #tpu.memory_space<hbm>> -> memref<1056x128xf32, #tpu.memory_space<hbm>>
    tpu.enqueue_indirect_dma source(%dma_start3A_1525 : memref<1056x128xf32, #tpu.memory_space<hbm>>) target(%dma_start3A_1522 : memref<64x128xf32, #tpu.memory_space<vmem>>) offsets(%arg22 : memref<64xi32, #tpu.memory_space<vmem>>) semaphore(%arg33 : memref<!tpu.dma_semaphore, #tpu.memory_space<semaphore_mem>>)
    %dma_start3A_1526 = arith.constant 0 : i32
    %dma_start3A_1527 = arith.constant 128 : i32
    %dma_start3A_1528 = tpu.memref_slice %arg31[%dma_start3A_1526, %dma_start3A_1527] : memref<64x384xf32, #tpu.memory_space<vmem>> -> memref<64x128xf32, #tpu.memory_space<vmem>>
    %dma_start3A_1529 = arith.constant 0 : i32
    %dma_start3A_1530 = arith.constant 0 : i32
    %dma_start3A_1531 = tpu.memref_slice %arg4[%dma_start3A_1529, %dma_start3A_1530] : memref<1056x128xf32, #tpu.memory_space<hbm>> -> memref<1056x128xf32, #tpu.memory_space<hbm>>
    tpu.enqueue_indirect_dma source(%dma_start3A_1531 : memref<1056x128xf32, #tpu.memory_space<hbm>>) target(%dma_start3A_1528 : memref<64x128xf32, #tpu.memory_space<vmem>>) offsets(%arg15 : memref<64xi32, #tpu.memory_space<vmem>>) semaphore(%arg33 : memref<!tpu.dma_semaphore, #tpu.memory_space<semaphore_mem>>)
    %dma_start3A_1532 = arith.constant 0 : i32
    %dma_start3A_1533 = arith.constant 256 : i32
    %dma_start3A_1534 = tpu.memref_slice %arg31[%dma_start3A_1532, %dma_start3A_1533] : memref<64x384xf32, #tpu.memory_space<vmem>> -> memref<64x128xf32, #tpu.memory_space<vmem>>
    %dma_start3A_1535 = arith.constant 0 : i32
    %dma_start3A_1536 = arith.constant 0 : i32
    %dma_start3A_1537 = tpu.memref_slice %arg5[%dma_start3A_1535, %dma_start3A_1536] : memref<1056x128xf32, #tpu.memory_space<hbm>> -> memref<1056x128xf32, #tpu.memory_space<hbm>>
    tpu.enqueue_indirect_dma source(%dma_start3A_1537 : memref<1056x128xf32, #tpu.memory_space<hbm>>) target(%dma_start3A_1534 : memref<64x128xf32, #tpu.memory_space<vmem>>) offsets(%arg23 : memref<64xi32, #tpu.memory_space<vmem>>) semaphore(%arg33 : memref<!tpu.dma_semaphore, #tpu.memory_space<semaphore_mem>>)
    %dma_start3A_1538 = arith.constant 0 : i32
    %dma_start3A_1539 = arith.constant 128 : i32
    %dma_start3A_1540 = tpu.memref_slice %arg32[%dma_start3A_1538, %dma_start3A_1539] : memref<64x384xf32, #tpu.memory_space<vmem>> -> memref<64x128xf32, #tpu.memory_space<vmem>>
    %dma_start3A_1541 = arith.constant 0 : i32
    %dma_start3A_1542 = arith.constant 0 : i32
    %dma_start3A_1543 = tpu.memref_slice %arg4[%dma_start3A_1541, %dma_start3A_1542] : memref<1056x128xf32, #tpu.memory_space<hbm>> -> memref<1056x128xf32, #tpu.memory_space<hbm>>
    tpu.enqueue_indirect_dma source(%dma_start3A_1543 : memref<1056x128xf32, #tpu.memory_space<hbm>>) target(%dma_start3A_1540 : memref<64x128xf32, #tpu.memory_space<vmem>>) offsets(%arg16 : memref<64xi32, #tpu.memory_space<vmem>>) semaphore(%arg33 : memref<!tpu.dma_semaphore, #tpu.memory_space<semaphore_mem>>)
    %dma_start3A_1544 = arith.constant 0 : i32
    %dma_start3A_1545 = arith.constant 256 : i32
    %dma_start3A_1546 = tpu.memref_slice %arg32[%dma_start3A_1544, %dma_start3A_1545] : memref<64x384xf32, #tpu.memory_space<vmem>> -> memref<64x128xf32, #tpu.memory_space<vmem>>
    %dma_start3A_1547 = arith.constant 0 : i32
    %dma_start3A_1548 = arith.constant 0 : i32
    %dma_start3A_1549 = tpu.memref_slice %arg5[%dma_start3A_1547, %dma_start3A_1548] : memref<1056x128xf32, #tpu.memory_space<hbm>> -> memref<1056x128xf32, #tpu.memory_space<hbm>>
    tpu.enqueue_indirect_dma source(%dma_start3A_1549 : memref<1056x128xf32, #tpu.memory_space<hbm>>) target(%dma_start3A_1546 : memref<64x128xf32, #tpu.memory_space<vmem>>) offsets(%arg24 : memref<64xi32, #tpu.memory_space<vmem>>) semaphore(%arg33 : memref<!tpu.dma_semaphore, #tpu.memory_space<semaphore_mem>>)
    %scan3A = arith.constant 0 : i32
    %scan3A_1550 = arith.constant 0 : i32
    %scan3A_1551 = arith.constant 64 : i32
    %scan3A_1552 = arith.addi %scan3A_1550, %scan3A_1551 : i32
    %scan3A_1553 = arith.constant 1 : i32
    scf.for %scan3A_1820 = %scan3A_1550 to %scan3A_1552 step %scan3A_1553  : i32 {
      %add3A_1821 = arith.constant 0 : i32
      %add3A_1822 = arith.addi %add3A_1821, %scan3A_1820 : i32
      %get3A_1823 = arith.index_cast %add3A_1822 : i32 to index
      %get3A_1824 = tpu.vector_load %arg9[%get3A_1823] {strides = array<i32>} : memref<512xf32, #tpu.memory_space<vmem>>, vector<1xf32>,
      %get3A_1825 = vector.shape_cast %get3A_1824 : vector<1xf32> to vector<1xf32>
      %squeeze3A_1826 = vector.extract %get3A_1825[0] : f32 from vector<1xf32>
      %jit3A_1827 = arith.constant 0.000000e+00 : f32
      %jit3A_1828 = arith.constant 1.000000e+00 : f32
      %max3A_1829 = arith.maximumf %jit3A_1827, %squeeze3A_1826 : f32
      %min3A_1830 = arith.minimumf %jit3A_1828, %max3A_1829 : f32
      %add3A_1831 = arith.constant 0 : i32
      %add3A_1832 = arith.addi %add3A_1831, %scan3A_1820 : i32
      %get3A_1833 = arith.index_cast %add3A_1832 : i32 to index
      %get3A_1834 = tpu.vector_load %arg10[%get3A_1833] {strides = array<i32>} : memref<512xf32, #tpu.memory_space<vmem>>, vector<1xf32>,
      %get3A_1835 = vector.shape_cast %get3A_1834 : vector<1xf32> to vector<1xf32>
      %squeeze3A_1836 = vector.extract %get3A_1835[0] : f32 from vector<1xf32>
      %jit3A_1837 = arith.constant 0.000000e+00 : f32
      %jit3A_1838 = arith.constant 1.000000e+00 : f32
      %max3A_1839 = arith.maximumf %jit3A_1837, %squeeze3A_1836 : f32
      %min3A_1840 = arith.minimumf %jit3A_1838, %max3A_1839 : f32
      %mul3A_1841 = arith.mulf %min3A_1830, %squeeze3A : f32
      %mul3A_1842 = arith.mulf %min3A_1840, %squeeze3A_1417 : f32
      %add3A_1843 = arith.addf %mul3A_1841, %mul3A_1842 : f32
      %add3A_1844 = arith.addf %add3A_1843, %squeeze3A_1425 : f32
      %max3A_1845 = arith.constant 0.000000e+00 : f32
      %max3A_1846 = arith.maximumf %add3A_1844, %max3A_1845 : f32
      %mul3A_1847 = arith.mulf %min3A_1830, %squeeze3A_1413 : f32
      %mul3A_1848 = arith.mulf %min3A_1840, %squeeze3A_1421 : f32
      %add3A_1849 = arith.addf %mul3A_1847, %mul3A_1848 : f32
      %add3A_1850 = arith.addf %add3A_1849, %squeeze3A_1429 : f32
      %max3A_1851 = arith.constant 0.000000e+00 : f32
      %max3A_1852 = arith.maximumf %add3A_1850, %max3A_1851 : f32
      %mul3A_1853 = vector.broadcast %max3A_1846 : f32 to vector<16xf32>
      %mul3A_1854 = arith.mulf %mul3A_1853, %get3A_1432 : vector<16xf32>
      %mul3A_1855 = vector.broadcast %max3A_1852 : f32 to vector<16xf32>
      %mul3A_1856 = arith.mulf %mul3A_1855, %get3A_1456 : vector<16xf32>
      %add3A_1857 = arith.addf %mul3A_1854, %mul3A_1856 : vector<16xf32>
      %add3A_1858 = arith.addf %add3A_1857, %get3A_1480 : vector<16xf32>
      %swap3A_1859 = arith.index_cast %scan3A_1820 : i32 to index
      %swap3A_1860 = arith.constant 0 : index
      %swap3A_1861 = tpu.vector_load %arg29[%swap3A_1859, %swap3A_1860] {strides = array<i32>} : memref<64x384xf32, #tpu.memory_space<vmem>>, vector<1x16xf32>,
      %swap3A_1862 = vector.shape_cast %swap3A_1861 : vector<1x16xf32> to vector<16xf32>
      %swap3A_1863 = vector.shape_cast %add3A_1858 : vector<16xf32> to vector<1x16xf32>
      tpu.vector_store %arg29[%swap3A_1859, %swap3A_1860], %swap3A_1863 {strides = array<i32>} : memref<64x384xf32, #tpu.memory_space<vmem>>, vector<1x16xf32>,
      %mul3A_1864 = vector.broadcast %max3A_1846 : f32 to vector<16xf32>
      %mul3A_1865 = arith.mulf %mul3A_1864, %get3A_1435 : vector<16xf32>
      %mul3A_1866 = vector.broadcast %max3A_1852 : f32 to vector<16xf32>
      %mul3A_1867 = arith.mulf %mul3A_1866, %get3A_1459 : vector<16xf32>
      %add3A_1868 = arith.addf %mul3A_1865, %mul3A_1867 : vector<16xf32>
      %add3A_1869 = arith.addf %add3A_1868, %get3A_1483 : vector<16xf32>
      %swap3A_1870 = arith.index_cast %scan3A_1820 : i32 to index
      %swap3A_1871 = arith.constant 16 : index
      %swap3A_1872 = tpu.vector_load %arg29[%swap3A_1870, %swap3A_1871] {strides = array<i32>} : memref<64x384xf32, #tpu.memory_space<vmem>>, vector<1x16xf32>,
      %swap3A_1873 = vector.shape_cast %swap3A_1872 : vector<1x16xf32> to vector<16xf32>
      %swap3A_1874 = vector.shape_cast %add3A_1869 : vector<16xf32> to vector<1x16xf32>
      tpu.vector_store %arg29[%swap3A_1870, %swap3A_1871], %swap3A_1874 {strides = array<i32>} : memref<64x384xf32, #tpu.memory_space<vmem>>, vector<1x16xf32>,
      %mul3A_1875 = vector.broadcast %max3A_1846 : f32 to vector<16xf32>
      %mul3A_1876 = arith.mulf %mul3A_1875, %get3A_1438 : vector<16xf32>
      %mul3A_1877 = vector.broadcast %max3A_1852 : f32 to vector<16xf32>
      %mul3A_1878 = arith.mulf %mul3A_1877, %get3A_1462 : vector<16xf32>
      %add3A_1879 = arith.addf %mul3A_1876, %mul3A_1878 : vector<16xf32>
      %add3A_1880 = arith.addf %add3A_1879, %get3A_1486 : vector<16xf32>
      %swap3A_1881 = arith.index_cast %scan3A_1820 : i32 to index
      %swap3A_1882 = arith.constant 32 : index
      %swap3A_1883 = tpu.vector_load %arg29[%swap3A_1881, %swap3A_1882] {strides = array<i32>} : memref<64x384xf32, #tpu.memory_space<vmem>>, vector<1x16xf32>,
      %swap3A_1884 = vector.shape_cast %swap3A_1883 : vector<1x16xf32> to vector<16xf32>
      %swap3A_1885 = vector.shape_cast %add3A_1880 : vector<16xf32> to vector<1x16xf32>
      tpu.vector_store %arg29[%swap3A_1881, %swap3A_1882], %swap3A_1885 {strides = array<i32>} : memref<64x384xf32, #tpu.memory_space<vmem>>, vector<1x16xf32>,
      %mul3A_1886 = vector.broadcast %max3A_1846 : f32 to vector<16xf32>
      %mul3A_1887 = arith.mulf %mul3A_1886, %get3A_1441 : vector<16xf32>
      %mul3A_1888 = vector.broadcast %max3A_1852 : f32 to vector<16xf32>
      %mul3A_1889 = arith.mulf %mul3A_1888, %get3A_1465 : vector<16xf32>
      %add3A_1890 = arith.addf %mul3A_1887, %mul3A_1889 : vector<16xf32>
      %add3A_1891 = arith.addf %add3A_1890, %get3A_1489 : vector<16xf32>
      %swap3A_1892 = arith.index_cast %scan3A_1820 : i32 to index
      %swap3A_1893 = arith.constant 48 : index
      %swap3A_1894 = tpu.vector_load %arg29[%swap3A_1892, %swap3A_1893] {strides = array<i32>} : memref<64x384xf32, #tpu.memory_space<vmem>>, vector<1x16xf32>,
      %swap3A_1895 = vector.shape_cast %swap3A_1894 : vector<1x16xf32> to vector<16xf32>
      %swap3A_1896 = vector.shape_cast %add3A_1891 : vector<16xf32> to vector<1x16xf32>
      tpu.vector_store %arg29[%swap3A_1892, %swap3A_1893], %swap3A_1896 {strides = array<i32>} : memref<64x384xf32, #tpu.memory_space<vmem>>, vector<1x16xf32>,
      %mul3A_1897 = vector.broadcast %max3A_1846 : f32 to vector<16xf32>
      %mul3A_1898 = arith.mulf %mul3A_1897, %get3A_1444 : vector<16xf32>
      %mul3A_1899 = vector.broadcast %max3A_1852 : f32 to vector<16xf32>
      %mul3A_1900 = arith.mulf %mul3A_1899, %get3A_1468 : vector<16xf32>
      %add3A_1901 = arith.addf %mul3A_1898, %mul3A_1900 : vector<16xf32>
      %add3A_1902 = arith.addf %add3A_1901, %get3A_1492 : vector<16xf32>
      %swap3A_1903 = arith.index_cast %scan3A_1820 : i32 to index
      %swap3A_1904 = arith.constant 64 : index
      %swap3A_1905 = tpu.vector_load %arg29[%swap3A_1903, %swap3A_1904] {strides = array<i32>} : memref<64x384xf32, #tpu.memory_space<vmem>>, vector<1x16xf32>,
      %swap3A_1906 = vector.shape_cast %swap3A_1905 : vector<1x16xf32> to vector<16xf32>
      %swap3A_1907 = vector.shape_cast %add3A_1902 : vector<16xf32> to vector<1x16xf32>
      tpu.vector_store %arg29[%swap3A_1903, %swap3A_1904], %swap3A_1907 {strides = array<i32>} : memref<64x384xf32, #tpu.memory_space<vmem>>, vector<1x16xf32>,
      %mul3A_1908 = vector.broadcast %max3A_1846 : f32 to vector<16xf32>
      %mul3A_1909 = arith.mulf %mul3A_1908, %get3A_1447 : vector<16xf32>
      %mul3A_1910 = vector.broadcast %max3A_1852 : f32 to vector<16xf32>
      %mul3A_1911 = arith.mulf %mul3A_1910, %get3A_1471 : vector<16xf32>
      %add3A_1912 = arith.addf %mul3A_1909, %mul3A_1911 : vector<16xf32>
      %add3A_1913 = arith.addf %add3A_1912, %get3A_1495 : vector<16xf32>
      %swap3A_1914 = arith.index_cast %scan3A_1820 : i32 to index
      %swap3A_1915 = arith.constant 80 : index
      %swap3A_1916 = tpu.vector_load %arg29[%swap3A_1914, %swap3A_1915] {strides = array<i32>} : memref<64x384xf32, #tpu.memory_space<vmem>>, vector<1x16xf32>,
      %swap3A_1917 = vector.shape_cast %swap3A_1916 : vector<1x16xf32> to vector<16xf32>
      %swap3A_1918 = vector.shape_cast %add3A_1913 : vector<16xf32> to vector<1x16xf32>
      tpu.vector_store %arg29[%swap3A_1914, %swap3A_1915], %swap3A_1918 {strides = array<i32>} : memref<64x384xf32, #tpu.memory_space<vmem>>, vector<1x16xf32>,
      %mul3A_1919 = vector.broadcast %max3A_1846 : f32 to vector<16xf32>
      %mul3A_1920 = arith.mulf %mul3A_1919, %get3A_1450 : vector<16xf32>
      %mul3A_1921 = vector.broadcast %max3A_1852 : f32 to vector<16xf32>
      %mul3A_1922 = arith.mulf %mul3A_1921, %get3A_1474 : vector<16xf32>
      %add3A_1923 = arith.addf %mul3A_1920, %mul3A_1922 : vector<16xf32>
      %add3A_1924 = arith.addf %add3A_1923, %get3A_1498 : vector<16xf32>
      %swap3A_1925 = arith.index_cast %scan3A_1820 : i32 to index
      %swap3A_1926 = arith.constant 96 : index
      %swap3A_1927 = tpu.vector_load %arg29[%swap3A_1925, %swap3A_1926] {strides = array<i32>} : memref<64x384xf32, #tpu.memory_space<vmem>>, vector<1x16xf32>,
      %swap3A_1928 = vector.shape_cast %swap3A_1927 : vector<1x16xf32> to vector<16xf32>
      %swap3A_1929 = vector.shape_cast %add3A_1924 : vector<16xf32> to vector<1x16xf32>
      tpu.vector_store %arg29[%swap3A_1925, %swap3A_1926], %swap3A_1929 {strides = array<i32>} : memref<64x384xf32, #tpu.memory_space<vmem>>, vector<1x16xf32>,
      %mul3A_1930 = vector.broadcast %max3A_1846 : f32 to vector<16xf32>
      %mul3A_1931 = arith.mulf %mul3A_1930, %get3A_1453 : vector<16xf32>
      %mul3A_1932 = vector.broadcast %max3A_1852 : f32 to vector<16xf32>
      %mul3A_1933 = arith.mulf %mul3A_1932, %get3A_1477 : vector<16xf32>
      %add3A_1934 = arith.addf %mul3A_1931, %mul3A_1933 : vector<16xf32>
      %add3A_1935 = arith.addf %add3A_1934, %get3A_1501 : vector<16xf32>
      %swap3A_1936 = arith.index_cast %scan3A_1820 : i32 to index
      %swap3A_1937 = arith.constant 112 : index
      %swap3A_1938 = tpu.vector_load %arg29[%swap3A_1936, %swap3A_1937] {strides = array<i32>} : memref<64x384xf32, #tpu.memory_space<vmem>>, vector<1x16xf32>,
      %swap3A_1939 = vector.shape_cast %swap3A_1938 : vector<1x16xf32> to vector<16xf32>
      %swap3A_1940 = vector.shape_cast %add3A_1935 : vector<16xf32> to vector<1x16xf32>
      tpu.vector_store %arg29[%swap3A_1936, %swap3A_1937], %swap3A_1940 {strides = array<i32>} : memref<64x384xf32, #tpu.memory_space<vmem>>, vector<1x16xf32>,
    }
    %scan3A_1554 = arith.constant 64 : i32
    %dma_wait3A = arith.constant 0 : i32
    %dma_wait3A_1555 = arith.constant 128 : i32
    %dma_wait3A_1556 = tpu.memref_slice %arg29[%dma_wait3A, %dma_wait3A_1555] : memref<64x384xf32, #tpu.memory_space<vmem>> -> memref<64x128xf32, #tpu.memory_space<vmem>>
    %dma_wait3A_1557 = arith.constant 0 : i32
    %dma_wait3A_1558 = arith.constant 0 : i32
    %dma_wait3A_1559 = tpu.memref_slice %arg4[%dma_wait3A_1557, %dma_wait3A_1558] : memref<1056x128xf32, #tpu.memory_space<hbm>> -> memref<1056x128xf32, #tpu.memory_space<hbm>>
    tpu.wait_indirect_dma semaphore(%arg33 : memref<!tpu.dma_semaphore, #tpu.memory_space<semaphore_mem>>) src(%dma_wait3A_1559 : memref<1056x128xf32, #tpu.memory_space<hbm>>) dst(%dma_wait3A_1556 : memref<64x128xf32, #tpu.memory_space<vmem>>)
    %dma_wait3A_1560 = arith.constant 0 : i32
    %dma_wait3A_1561 = arith.constant 256 : i32
    %dma_wait3A_1562 = tpu.memref_slice %arg29[%dma_wait3A_1560, %dma_wait3A_1561] : memref<64x384xf32, #tpu.memory_space<vmem>> -> memref<64x128xf32, #tpu.memory_space<vmem>>
    %dma_wait3A_1563 = arith.constant 0 : i32
    %dma_wait3A_1564 = arith.constant 0 : i32
    %dma_wait3A_1565 = tpu.memref_slice %arg5[%dma_wait3A_1563, %dma_wait3A_1564] : memref<1056x128xf32, #tpu.memory_space<hbm>> -> memref<1056x128xf32, #tpu.memory_space<hbm>>
    tpu.wait_indirect_dma semaphore(%arg33 : memref<!tpu.dma_semaphore, #tpu.memory_space<semaphore_mem>>) src(%dma_wait3A_1565 : memref<1056x128xf32, #tpu.memory_space<hbm>>) dst(%dma_wait3A_1562 : memref<64x128xf32, #tpu.memory_space<vmem>>)
    %add3A_1566 = arith.constant 0 : i32
    %add3A_1567 = arith.addi %mul3A_2, %add3A_1566 : i32
    %dma_start3A_1568 = arith.constant 0 : i32
    %dma_start3A_1569 = tpu.memref_slice %arg8[%add3A_1567, %dma_start3A_1568] : memref<16384x384xf32, #tpu.memory_space<hbm>> -> memref<64x384xf32, #tpu.memory_space<hbm>>
    %dma_start3A_1570 = arith.constant 0 : i32
    %dma_start3A_1571 = tpu.memref_slice %arg8[%add3A_1567, %dma_start3A_1570] : memref<16384x384xf32, #tpu.memory_space<hbm>> -> memref<64x384xf32, #tpu.memory_space<hbm>>
    tpu.enqueue_dma source(%arg29 : memref<64x384xf32, #tpu.memory_space<vmem>>) target(%dma_start3A_1571 : memref<64x384xf32, #tpu.memory_space<hbm>>) target_semaphore(%arg34 : memref<!tpu.dma_semaphore, #tpu.memory_space<semaphore_mem>>)
    %dma_wait3A_1572 = arith.constant 0 : i32
    %dma_wait3A_1573 = tpu.memref_slice %arg8[%add3A_1567, %dma_wait3A_1572] : memref<16384x384xf32, #tpu.memory_space<hbm>> -> memref<64x384xf32, #tpu.memory_space<hbm>>
    %dma_wait3A_1574 = arith.constant 0 : i32
    %dma_wait3A_1575 = tpu.memref_slice %arg8[%add3A_1567, %dma_wait3A_1574] : memref<16384x384xf32, #tpu.memory_space<hbm>> -> memref<64x384xf32, #tpu.memory_space<hbm>>
    tpu.wait_dma2 semaphore(%arg34 : memref<!tpu.dma_semaphore, #tpu.memory_space<semaphore_mem>>) src(%arg29 : memref<64x384xf32, #tpu.memory_space<vmem>>) dst(%dma_wait3A_1575 : memref<64x384xf32, #tpu.memory_space<hbm>>)
    %dma_start3A_1576 = arith.constant 0 : i32
    %dma_start3A_1577 = arith.constant 128 : i32
    %dma_start3A_1578 = tpu.memref_slice %arg29[%dma_start3A_1576, %dma_start3A_1577] : memref<64x384xf32, #tpu.memory_space<vmem>> -> memref<64x128xf32, #tpu.memory_space<vmem>>
    %dma_start3A_1579 = arith.constant 0 : i32
    %dma_start3A_1580 = arith.constant 0 : i32
    %dma_start3A_1581 = tpu.memref_slice %arg4[%dma_start3A_1579, %dma_start3A_1580] : memref<1056x128xf32, #tpu.memory_space<hbm>> -> memref<1056x128xf32, #tpu.memory_space<hbm>>
    tpu.enqueue_indirect_dma source(%dma_start3A_1581 : memref<1056x128xf32, #tpu.memory_space<hbm>>) target(%dma_start3A_1578 : memref<64x128xf32, #tpu.memory_space<vmem>>) offsets(%arg17 : memref<64xi32, #tpu.memory_space<vmem>>) semaphore(%arg33 : memref<!tpu.dma_semaphore, #tpu.memory_space<semaphore_mem>>)
    %dma_start3A_1582 = arith.constant 0 : i32
    %dma_start3A_1583 = arith.constant 256 : i32
    %dma_start3A_1584 = tpu.memref_slice %arg29[%dma_start3A_1582, %dma_start3A_1583] : memref<64x384xf32, #tpu.memory_space<vmem>> -> memref<64x128xf32, #tpu.memory_space<vmem>>
    %dma_start3A_1585 = arith.constant 0 : i32
    %dma_start3A_1586 = arith.constant 0 : i32
    %dma_start3A_1587 = tpu.memref_slice %arg5[%dma_start3A_1585, %dma_start3A_1586] : memref<1056x128xf32, #tpu.memory_space<hbm>> -> memref<1056x128xf32, #tpu.memory_space<hbm>>
    tpu.enqueue_indirect_dma source(%dma_start3A_1587 : memref<1056x128xf32, #tpu.memory_space<hbm>>) target(%dma_start3A_1584 : memref<64x128xf32, #tpu.memory_space<vmem>>) offsets(%arg25 : memref<64xi32, #tpu.memory_space<vmem>>) semaphore(%arg33 : memref<!tpu.dma_semaphore, #tpu.memory_space<semaphore_mem>>)
    %scan3A_1588 = arith.constant 0 : i32
    %scan3A_1589 = arith.constant 0 : i32
    %scan3A_1590 = arith.constant 64 : i32
    %scan3A_1591 = arith.addi %scan3A_1589, %scan3A_1590 : i32
    %scan3A_1592 = arith.constant 1 : i32
    scf.for %scan3A_1820 = %scan3A_1589 to %scan3A_1591 step %scan3A_1592  : i32 {
      %add3A_1821 = arith.constant 64 : i32
      %add3A_1822 = arith.addi %add3A_1821, %scan3A_1820 : i32
      %get3A_1823 = arith.index_cast %add3A_1822 : i32 to index
      %get3A_1824 = tpu.vector_load %arg9[%get3A_1823] {strides = array<i32>} : memref<512xf32, #tpu.memory_space<vmem>>, vector<1xf32>,
      %get3A_1825 = vector.shape_cast %get3A_1824 : vector<1xf32> to vector<1xf32>
      %squeeze3A_1826 = vector.extract %get3A_1825[0] : f32 from vector<1xf32>
      %jit3A_1827 = arith.constant 0.000000e+00 : f32
      %jit3A_1828 = arith.constant 1.000000e+00 : f32
      %max3A_1829 = arith.maximumf %jit3A_1827, %squeeze3A_1826 : f32
      %min3A_1830 = arith.minimumf %jit3A_1828, %max3A_1829 : f32
      %add3A_1831 = arith.constant 64 : i32
      %add3A_1832 = arith.addi %add3A_1831, %scan3A_1820 : i32
      %get3A_1833 = arith.index_cast %add3A_1832 : i32 to index
      %get3A_1834 = tpu.vector_load %arg10[%get3A_1833] {strides = array<i32>} : memref<512xf32, #tpu.memory_space<vmem>>, vector<1xf32>,
      %get3A_1835 = vector.shape_cast %get3A_1834 : vector<1xf32> to vector<1xf32>
      %squeeze3A_1836 = vector.extract %get3A_1835[0] : f32 from vector<1xf32>
      %jit3A_1837 = arith.constant 0.000000e+00 : f32
      %jit3A_1838 = arith.constant 1.000000e+00 : f32
      %max3A_1839 = arith.maximumf %jit3A_1837, %squeeze3A_1836 : f32
      %min3A_1840 = arith.minimumf %jit3A_1838, %max3A_1839 : f32
      %mul3A_1841 = arith.mulf %min3A_1830, %squeeze3A : f32
      %mul3A_1842 = arith.mulf %min3A_1840, %squeeze3A_1417 : f32
      %add3A_1843 = arith.addf %mul3A_1841, %mul3A_1842 : f32
      %add3A_1844 = arith.addf %add3A_1843, %squeeze3A_1425 : f32
      %max3A_1845 = arith.constant 0.000000e+00 : f32
      %max3A_1846 = arith.maximumf %add3A_1844, %max3A_1845 : f32
      %mul3A_1847 = arith.mulf %min3A_1830, %squeeze3A_1413 : f32
      %mul3A_1848 = arith.mulf %min3A_1840, %squeeze3A_1421 : f32
      %add3A_1849 = arith.addf %mul3A_1847, %mul3A_1848 : f32
      %add3A_1850 = arith.addf %add3A_1849, %squeeze3A_1429 : f32
      %max3A_1851 = arith.constant 0.000000e+00 : f32
      %max3A_1852 = arith.maximumf %add3A_1850, %max3A_1851 : f32
      %mul3A_1853 = vector.broadcast %max3A_1846 : f32 to vector<16xf32>
      %mul3A_1854 = arith.mulf %mul3A_1853, %get3A_1432 : vector<16xf32>
      %mul3A_1855 = vector.broadcast %max3A_1852 : f32 to vector<16xf32>
      %mul3A_1856 = arith.mulf %mul3A_1855, %get3A_1456 : vector<16xf32>
      %add3A_1857 = arith.addf %mul3A_1854, %mul3A_1856 : vector<16xf32>
      %add3A_1858 = arith.addf %add3A_1857, %get3A_1480 : vector<16xf32>
      %swap3A_1859 = arith.index_cast %scan3A_1820 : i32 to index
      %swap3A_1860 = arith.constant 0 : index
      %swap3A_1861 = tpu.vector_load %arg30[%swap3A_1859, %swap3A_1860] {strides = array<i32>} : memref<64x384xf32, #tpu.memory_space<vmem>>, vector<1x16xf32>,
      %swap3A_1862 = vector.shape_cast %swap3A_1861 : vector<1x16xf32> to vector<16xf32>
      %swap3A_1863 = vector.shape_cast %add3A_1858 : vector<16xf32> to vector<1x16xf32>
      tpu.vector_store %arg30[%swap3A_1859, %swap3A_1860], %swap3A_1863 {strides = array<i32>} : memref<64x384xf32, #tpu.memory_space<vmem>>, vector<1x16xf32>,
      %mul3A_1864 = vector.broadcast %max3A_1846 : f32 to vector<16xf32>
      %mul3A_1865 = arith.mulf %mul3A_1864, %get3A_1435 : vector<16xf32>
      %mul3A_1866 = vector.broadcast %max3A_1852 : f32 to vector<16xf32>
      %mul3A_1867 = arith.mulf %mul3A_1866, %get3A_1459 : vector<16xf32>
      %add3A_1868 = arith.addf %mul3A_1865, %mul3A_1867 : vector<16xf32>
      %add3A_1869 = arith.addf %add3A_1868, %get3A_1483 : vector<16xf32>
      %swap3A_1870 = arith.index_cast %scan3A_1820 : i32 to index
      %swap3A_1871 = arith.constant 16 : index
      %swap3A_1872 = tpu.vector_load %arg30[%swap3A_1870, %swap3A_1871] {strides = array<i32>} : memref<64x384xf32, #tpu.memory_space<vmem>>, vector<1x16xf32>,
      %swap3A_1873 = vector.shape_cast %swap3A_1872 : vector<1x16xf32> to vector<16xf32>
      %swap3A_1874 = vector.shape_cast %add3A_1869 : vector<16xf32> to vector<1x16xf32>
      tpu.vector_store %arg30[%swap3A_1870, %swap3A_1871], %swap3A_1874 {strides = array<i32>} : memref<64x384xf32, #tpu.memory_space<vmem>>, vector<1x16xf32>,
      %mul3A_1875 = vector.broadcast %max3A_1846 : f32 to vector<16xf32>
      %mul3A_1876 = arith.mulf %mul3A_1875, %get3A_1438 : vector<16xf32>
      %mul3A_1877 = vector.broadcast %max3A_1852 : f32 to vector<16xf32>
      %mul3A_1878 = arith.mulf %mul3A_1877, %get3A_1462 : vector<16xf32>
      %add3A_1879 = arith.addf %mul3A_1876, %mul3A_1878 : vector<16xf32>
      %add3A_1880 = arith.addf %add3A_1879, %get3A_1486 : vector<16xf32>
      %swap3A_1881 = arith.index_cast %scan3A_1820 : i32 to index
      %swap3A_1882 = arith.constant 32 : index
      %swap3A_1883 = tpu.vector_load %arg30[%swap3A_1881, %swap3A_1882] {strides = array<i32>} : memref<64x384xf32, #tpu.memory_space<vmem>>, vector<1x16xf32>,
      %swap3A_1884 = vector.shape_cast %swap3A_1883 : vector<1x16xf32> to vector<16xf32>
      %swap3A_1885 = vector.shape_cast %add3A_1880 : vector<16xf32> to vector<1x16xf32>
      tpu.vector_store %arg30[%swap3A_1881, %swap3A_1882], %swap3A_1885 {strides = array<i32>} : memref<64x384xf32, #tpu.memory_space<vmem>>, vector<1x16xf32>,
      %mul3A_1886 = vector.broadcast %max3A_1846 : f32 to vector<16xf32>
      %mul3A_1887 = arith.mulf %mul3A_1886, %get3A_1441 : vector<16xf32>
      %mul3A_1888 = vector.broadcast %max3A_1852 : f32 to vector<16xf32>
      %mul3A_1889 = arith.mulf %mul3A_1888, %get3A_1465 : vector<16xf32>
      %add3A_1890 = arith.addf %mul3A_1887, %mul3A_1889 : vector<16xf32>
      %add3A_1891 = arith.addf %add3A_1890, %get3A_1489 : vector<16xf32>
      %swap3A_1892 = arith.index_cast %scan3A_1820 : i32 to index
      %swap3A_1893 = arith.constant 48 : index
      %swap3A_1894 = tpu.vector_load %arg30[%swap3A_1892, %swap3A_1893] {strides = array<i32>} : memref<64x384xf32, #tpu.memory_space<vmem>>, vector<1x16xf32>,
      %swap3A_1895 = vector.shape_cast %swap3A_1894 : vector<1x16xf32> to vector<16xf32>
      %swap3A_1896 = vector.shape_cast %add3A_1891 : vector<16xf32> to vector<1x16xf32>
      tpu.vector_store %arg30[%swap3A_1892, %swap3A_1893], %swap3A_1896 {strides = array<i32>} : memref<64x384xf32, #tpu.memory_space<vmem>>, vector<1x16xf32>,
      %mul3A_1897 = vector.broadcast %max3A_1846 : f32 to vector<16xf32>
      %mul3A_1898 = arith.mulf %mul3A_1897, %get3A_1444 : vector<16xf32>
      %mul3A_1899 = vector.broadcast %max3A_1852 : f32 to vector<16xf32>
      %mul3A_1900 = arith.mulf %mul3A_1899, %get3A_1468 : vector<16xf32>
      %add3A_1901 = arith.addf %mul3A_1898, %mul3A_1900 : vector<16xf32>
      %add3A_1902 = arith.addf %add3A_1901, %get3A_1492 : vector<16xf32>
      %swap3A_1903 = arith.index_cast %scan3A_1820 : i32 to index
      %swap3A_1904 = arith.constant 64 : index
      %swap3A_1905 = tpu.vector_load %arg30[%swap3A_1903, %swap3A_1904] {strides = array<i32>} : memref<64x384xf32, #tpu.memory_space<vmem>>, vector<1x16xf32>,
      %swap3A_1906 = vector.shape_cast %swap3A_1905 : vector<1x16xf32> to vector<16xf32>
      %swap3A_1907 = vector.shape_cast %add3A_1902 : vector<16xf32> to vector<1x16xf32>
      tpu.vector_store %arg30[%swap3A_1903, %swap3A_1904], %swap3A_1907 {strides = array<i32>} : memref<64x384xf32, #tpu.memory_space<vmem>>, vector<1x16xf32>,
      %mul3A_1908 = vector.broadcast %max3A_1846 : f32 to vector<16xf32>
      %mul3A_1909 = arith.mulf %mul3A_1908, %get3A_1447 : vector<16xf32>
      %mul3A_1910 = vector.broadcast %max3A_1852 : f32 to vector<16xf32>
      %mul3A_1911 = arith.mulf %mul3A_1910, %get3A_1471 : vector<16xf32>
      %add3A_1912 = arith.addf %mul3A_1909, %mul3A_1911 : vector<16xf32>
      %add3A_1913 = arith.addf %add3A_1912, %get3A_1495 : vector<16xf32>
      %swap3A_1914 = arith.index_cast %scan3A_1820 : i32 to index
      %swap3A_1915 = arith.constant 80 : index
      %swap3A_1916 = tpu.vector_load %arg30[%swap3A_1914, %swap3A_1915] {strides = array<i32>} : memref<64x384xf32, #tpu.memory_space<vmem>>, vector<1x16xf32>,
      %swap3A_1917 = vector.shape_cast %swap3A_1916 : vector<1x16xf32> to vector<16xf32>
      %swap3A_1918 = vector.shape_cast %add3A_1913 : vector<16xf32> to vector<1x16xf32>
      tpu.vector_store %arg30[%swap3A_1914, %swap3A_1915], %swap3A_1918 {strides = array<i32>} : memref<64x384xf32, #tpu.memory_space<vmem>>, vector<1x16xf32>,
      %mul3A_1919 = vector.broadcast %max3A_1846 : f32 to vector<16xf32>
      %mul3A_1920 = arith.mulf %mul3A_1919, %get3A_1450 : vector<16xf32>
      %mul3A_1921 = vector.broadcast %max3A_1852 : f32 to vector<16xf32>
      %mul3A_1922 = arith.mulf %mul3A_1921, %get3A_1474 : vector<16xf32>
      %add3A_1923 = arith.addf %mul3A_1920, %mul3A_1922 : vector<16xf32>
      %add3A_1924 = arith.addf %add3A_1923, %get3A_1498 : vector<16xf32>
      %swap3A_1925 = arith.index_cast %scan3A_1820 : i32 to index
      %swap3A_1926 = arith.constant 96 : index
      %swap3A_1927 = tpu.vector_load %arg30[%swap3A_1925, %swap3A_1926] {strides = array<i32>} : memref<64x384xf32, #tpu.memory_space<vmem>>, vector<1x16xf32>,
      %swap3A_1928 = vector.shape_cast %swap3A_1927 : vector<1x16xf32> to vector<16xf32>
      %swap3A_1929 = vector.shape_cast %add3A_1924 : vector<16xf32> to vector<1x16xf32>
      tpu.vector_store %arg30[%swap3A_1925, %swap3A_1926], %swap3A_1929 {strides = array<i32>} : memref<64x384xf32, #tpu.memory_space<vmem>>, vector<1x16xf32>,
      %mul3A_1930 = vector.broadcast %max3A_1846 : f32 to vector<16xf32>
      %mul3A_1931 = arith.mulf %mul3A_1930, %get3A_1453 : vector<16xf32>
      %mul3A_1932 = vector.broadcast %max3A_1852 : f32 to vector<16xf32>
      %mul3A_1933 = arith.mulf %mul3A_1932, %get3A_1477 : vector<16xf32>
      %add3A_1934 = arith.addf %mul3A_1931, %mul3A_1933 : vector<16xf32>
      %add3A_1935 = arith.addf %add3A_1934, %get3A_1501 : vector<16xf32>
      %swap3A_1936 = arith.index_cast %scan3A_1820 : i32 to index
      %swap3A_1937 = arith.constant 112 : index
      %swap3A_1938 = tpu.vector_load %arg30[%swap3A_1936, %swap3A_1937] {strides = array<i32>} : memref<64x384xf32, #tpu.memory_space<vmem>>, vector<1x16xf32>,
      %swap3A_1939 = vector.shape_cast %swap3A_1938 : vector<1x16xf32> to vector<16xf32>
      %swap3A_1940 = vector.shape_cast %add3A_1935 : vector<16xf32> to vector<1x16xf32>
      tpu.vector_store %arg30[%swap3A_1936, %swap3A_1937], %swap3A_1940 {strides = array<i32>} : memref<64x384xf32, #tpu.memory_space<vmem>>, vector<1x16xf32>,
    }
    %scan3A_1593 = arith.constant 64 : i32
    %dma_wait3A_1594 = arith.constant 0 : i32
    %dma_wait3A_1595 = arith.constant 128 : i32
    %dma_wait3A_1596 = tpu.memref_slice %arg30[%dma_wait3A_1594, %dma_wait3A_1595] : memref<64x384xf32, #tpu.memory_space<vmem>> -> memref<64x128xf32, #tpu.memory_space<vmem>>
    %dma_wait3A_1597 = arith.constant 0 : i32
    %dma_wait3A_1598 = arith.constant 0 : i32
    %dma_wait3A_1599 = tpu.memref_slice %arg4[%dma_wait3A_1597, %dma_wait3A_1598] : memref<1056x128xf32, #tpu.memory_space<hbm>> -> memref<1056x128xf32, #tpu.memory_space<hbm>>
    tpu.wait_indirect_dma semaphore(%arg33 : memref<!tpu.dma_semaphore, #tpu.memory_space<semaphore_mem>>) src(%dma_wait3A_1599 : memref<1056x128xf32, #tpu.memory_space<hbm>>) dst(%dma_wait3A_1596 : memref<64x128xf32, #tpu.memory_space<vmem>>)
    %dma_wait3A_1600 = arith.constant 0 : i32
    %dma_wait3A_1601 = arith.constant 256 : i32
    %dma_wait3A_1602 = tpu.memref_slice %arg30[%dma_wait3A_1600, %dma_wait3A_1601] : memref<64x384xf32, #tpu.memory_space<vmem>> -> memref<64x128xf32, #tpu.memory_space<vmem>>
    %dma_wait3A_1603 = arith.constant 0 : i32
    %dma_wait3A_1604 = arith.constant 0 : i32
    %dma_wait3A_1605 = tpu.memref_slice %arg5[%dma_wait3A_1603, %dma_wait3A_1604] : memref<1056x128xf32, #tpu.memory_space<hbm>> -> memref<1056x128xf32, #tpu.memory_space<hbm>>
    tpu.wait_indirect_dma semaphore(%arg33 : memref<!tpu.dma_semaphore, #tpu.memory_space<semaphore_mem>>) src(%dma_wait3A_1605 : memref<1056x128xf32, #tpu.memory_space<hbm>>) dst(%dma_wait3A_1602 : memref<64x128xf32, #tpu.memory_space<vmem>>)
    %add3A_1606 = arith.constant 64 : i32
    %add3A_1607 = arith.addi %mul3A_2, %add3A_1606 : i32
    %dma_start3A_1608 = arith.constant 0 : i32
    %dma_start3A_1609 = tpu.memref_slice %arg8[%add3A_1607, %dma_start3A_1608] : memref<16384x384xf32, #tpu.memory_space<hbm>> -> memref<64x384xf32, #tpu.memory_space<hbm>>
    %dma_start3A_1610 = arith.constant 0 : i32
    %dma_start3A_1611 = tpu.memref_slice %arg8[%add3A_1607, %dma_start3A_1610] : memref<16384x384xf32, #tpu.memory_space<hbm>> -> memref<64x384xf32, #tpu.memory_space<hbm>>
    tpu.enqueue_dma source(%arg30 : memref<64x384xf32, #tpu.memory_space<vmem>>) target(%dma_start3A_1611 : memref<64x384xf32, #tpu.memory_space<hbm>>) target_semaphore(%arg34 : memref<!tpu.dma_semaphore, #tpu.memory_space<semaphore_mem>>)
    %dma_wait3A_1612 = arith.constant 0 : i32
    %dma_wait3A_1613 = tpu.memref_slice %arg8[%add3A_1607, %dma_wait3A_1612] : memref<16384x384xf32, #tpu.memory_space<hbm>> -> memref<64x384xf32, #tpu.memory_space<hbm>>
    %dma_wait3A_1614 = arith.constant 0 : i32
    %dma_wait3A_1615 = tpu.memref_slice %arg8[%add3A_1607, %dma_wait3A_1614] : memref<16384x384xf32, #tpu.memory_space<hbm>> -> memref<64x384xf32, #tpu.memory_space<hbm>>
    tpu.wait_dma2 semaphore(%arg34 : memref<!tpu.dma_semaphore, #tpu.memory_space<semaphore_mem>>) src(%arg30 : memref<64x384xf32, #tpu.memory_space<vmem>>) dst(%dma_wait3A_1615 : memref<64x384xf32, #tpu.memory_space<hbm>>)
    %dma_start3A_1616 = arith.constant 0 : i32
    %dma_start3A_1617 = arith.constant 128 : i32
    %dma_start3A_1618 = tpu.memref_slice %arg30[%dma_start3A_1616, %dma_start3A_1617] : memref<64x384xf32, #tpu.memory_space<vmem>> -> memref<64x128xf32, #tpu.memory_space<vmem>>
    %dma_start3A_1619 = arith.constant 0 : i32
    %dma_start3A_1620 = arith.constant 0 : i32
    %dma_start3A_1621 = tpu.memref_slice %arg4[%dma_start3A_1619, %dma_start3A_1620] : memref<1056x128xf32, #tpu.memory_space<hbm>> -> memref<1056x128xf32, #tpu.memory_space<hbm>>
    tpu.enqueue_indirect_dma source(%dma_start3A_1621 : memref<1056x128xf32, #tpu.memory_space<hbm>>) target(%dma_start3A_1618 : memref<64x128xf32, #tpu.memory_space<vmem>>) offsets(%arg18 : memref<64xi32, #tpu.memory_space<vmem>>) semaphore(%arg33 : memref<!tpu.dma_semaphore, #tpu.memory_space<semaphore_mem>>)
    %dma_start3A_1622 = arith.constant 0 : i32
    %dma_start3A_1623 = arith.constant 256 : i32
    %dma_start3A_1624 = tpu.memref_slice %arg30[%dma_start3A_1622, %dma_start3A_1623] : memref<64x384xf32, #tpu.memory_space<vmem>> -> memref<64x128xf32, #tpu.memory_space<vmem>>
    %dma_start3A_1625 = arith.constant 0 : i32
    %dma_start3A_1626 = arith.constant 0 : i32
    %dma_start3A_1627 = tpu.memref_slice %arg5[%dma_start3A_1625, %dma_start3A_1626] : memref<1056x128xf32, #tpu.memory_space<hbm>> -> memref<1056x128xf32, #tpu.memory_space<hbm>>
    tpu.enqueue_indirect_dma source(%dma_start3A_1627 : memref<1056x128xf32, #tpu.memory_space<hbm>>) target(%dma_start3A_1624 : memref<64x128xf32, #tpu.memory_space<vmem>>) offsets(%arg26 : memref<64xi32, #tpu.memory_space<vmem>>) semaphore(%arg33 : memref<!tpu.dma_semaphore, #tpu.memory_space<semaphore_mem>>)
    %scan3A_1628 = arith.constant 0 : i32
    %scan3A_1629 = arith.constant 0 : i32
    %scan3A_1630 = arith.constant 64 : i32
    %scan3A_1631 = arith.addi %scan3A_1629, %scan3A_1630 : i32
    %scan3A_1632 = arith.constant 1 : i32
    scf.for %scan3A_1820 = %scan3A_1629 to %scan3A_1631 step %scan3A_1632  : i32 {
      %add3A_1821 = arith.constant 128 : i32
      %add3A_1822 = arith.addi %add3A_1821, %scan3A_1820 : i32
      %get3A_1823 = arith.index_cast %add3A_1822 : i32 to index
      %get3A_1824 = tpu.vector_load %arg9[%get3A_1823] {strides = array<i32>} : memref<512xf32, #tpu.memory_space<vmem>>, vector<1xf32>,
      %get3A_1825 = vector.shape_cast %get3A_1824 : vector<1xf32> to vector<1xf32>
      %squeeze3A_1826 = vector.extract %get3A_1825[0] : f32 from vector<1xf32>
      %jit3A_1827 = arith.constant 0.000000e+00 : f32
      %jit3A_1828 = arith.constant 1.000000e+00 : f32
      %max3A_1829 = arith.maximumf %jit3A_1827, %squeeze3A_1826 : f32
      %min3A_1830 = arith.minimumf %jit3A_1828, %max3A_1829 : f32
      %add3A_1831 = arith.constant 128 : i32
      %add3A_1832 = arith.addi %add3A_1831, %scan3A_1820 : i32
      %get3A_1833 = arith.index_cast %add3A_1832 : i32 to index
      %get3A_1834 = tpu.vector_load %arg10[%get3A_1833] {strides = array<i32>} : memref<512xf32, #tpu.memory_space<vmem>>, vector<1xf32>,
      %get3A_1835 = vector.shape_cast %get3A_1834 : vector<1xf32> to vector<1xf32>
      %squeeze3A_1836 = vector.extract %get3A_1835[0] : f32 from vector<1xf32>
      %jit3A_1837 = arith.constant 0.000000e+00 : f32
      %jit3A_1838 = arith.constant 1.000000e+00 : f32
      %max3A_1839 = arith.maximumf %jit3A_1837, %squeeze3A_1836 : f32
      %min3A_1840 = arith.minimumf %jit3A_1838, %max3A_1839 : f32
      %mul3A_1841 = arith.mulf %min3A_1830, %squeeze3A : f32
      %mul3A_1842 = arith.mulf %min3A_1840, %squeeze3A_1417 : f32
      %add3A_1843 = arith.addf %mul3A_1841, %mul3A_1842 : f32
      %add3A_1844 = arith.addf %add3A_1843, %squeeze3A_1425 : f32
      %max3A_1845 = arith.constant 0.000000e+00 : f32
      %max3A_1846 = arith.maximumf %add3A_1844, %max3A_1845 : f32
      %mul3A_1847 = arith.mulf %min3A_1830, %squeeze3A_1413 : f32
      %mul3A_1848 = arith.mulf %min3A_1840, %squeeze3A_1421 : f32
      %add3A_1849 = arith.addf %mul3A_1847, %mul3A_1848 : f32
      %add3A_1850 = arith.addf %add3A_1849, %squeeze3A_1429 : f32
      %max3A_1851 = arith.constant 0.000000e+00 : f32
      %max3A_1852 = arith.maximumf %add3A_1850, %max3A_1851 : f32
      %mul3A_1853 = vector.broadcast %max3A_1846 : f32 to vector<16xf32>
      %mul3A_1854 = arith.mulf %mul3A_1853, %get3A_1432 : vector<16xf32>
      %mul3A_1855 = vector.broadcast %max3A_1852 : f32 to vector<16xf32>
      %mul3A_1856 = arith.mulf %mul3A_1855, %get3A_1456 : vector<16xf32>
      %add3A_1857 = arith.addf %mul3A_1854, %mul3A_1856 : vector<16xf32>
      %add3A_1858 = arith.addf %add3A_1857, %get3A_1480 : vector<16xf32>
      %swap3A_1859 = arith.index_cast %scan3A_1820 : i32 to index
      %swap3A_1860 = arith.constant 0 : index
      %swap3A_1861 = tpu.vector_load %arg31[%swap3A_1859, %swap3A_1860] {strides = array<i32>} : memref<64x384xf32, #tpu.memory_space<vmem>>, vector<1x16xf32>,
      %swap3A_1862 = vector.shape_cast %swap3A_1861 : vector<1x16xf32> to vector<16xf32>
      %swap3A_1863 = vector.shape_cast %add3A_1858 : vector<16xf32> to vector<1x16xf32>
      tpu.vector_store %arg31[%swap3A_1859, %swap3A_1860], %swap3A_1863 {strides = array<i32>} : memref<64x384xf32, #tpu.memory_space<vmem>>, vector<1x16xf32>,
      %mul3A_1864 = vector.broadcast %max3A_1846 : f32 to vector<16xf32>
      %mul3A_1865 = arith.mulf %mul3A_1864, %get3A_1435 : vector<16xf32>
      %mul3A_1866 = vector.broadcast %max3A_1852 : f32 to vector<16xf32>
      %mul3A_1867 = arith.mulf %mul3A_1866, %get3A_1459 : vector<16xf32>
      %add3A_1868 = arith.addf %mul3A_1865, %mul3A_1867 : vector<16xf32>
      %add3A_1869 = arith.addf %add3A_1868, %get3A_1483 : vector<16xf32>
      %swap3A_1870 = arith.index_cast %scan3A_1820 : i32 to index
      %swap3A_1871 = arith.constant 16 : index
      %swap3A_1872 = tpu.vector_load %arg31[%swap3A_1870, %swap3A_1871] {strides = array<i32>} : memref<64x384xf32, #tpu.memory_space<vmem>>, vector<1x16xf32>,
      %swap3A_1873 = vector.shape_cast %swap3A_1872 : vector<1x16xf32> to vector<16xf32>
      %swap3A_1874 = vector.shape_cast %add3A_1869 : vector<16xf32> to vector<1x16xf32>
      tpu.vector_store %arg31[%swap3A_1870, %swap3A_1871], %swap3A_1874 {strides = array<i32>} : memref<64x384xf32, #tpu.memory_space<vmem>>, vector<1x16xf32>,
      %mul3A_1875 = vector.broadcast %max3A_1846 : f32 to vector<16xf32>
      %mul3A_1876 = arith.mulf %mul3A_1875, %get3A_1438 : vector<16xf32>
      %mul3A_1877 = vector.broadcast %max3A_1852 : f32 to vector<16xf32>
      %mul3A_1878 = arith.mulf %mul3A_1877, %get3A_1462 : vector<16xf32>
      %add3A_1879 = arith.addf %mul3A_1876, %mul3A_1878 : vector<16xf32>
      %add3A_1880 = arith.addf %add3A_1879, %get3A_1486 : vector<16xf32>
      %swap3A_1881 = arith.index_cast %scan3A_1820 : i32 to index
      %swap3A_1882 = arith.constant 32 : index
      %swap3A_1883 = tpu.vector_load %arg31[%swap3A_1881, %swap3A_1882] {strides = array<i32>} : memref<64x384xf32, #tpu.memory_space<vmem>>, vector<1x16xf32>,
      %swap3A_1884 = vector.shape_cast %swap3A_1883 : vector<1x16xf32> to vector<16xf32>
      %swap3A_1885 = vector.shape_cast %add3A_1880 : vector<16xf32> to vector<1x16xf32>
      tpu.vector_store %arg31[%swap3A_1881, %swap3A_1882], %swap3A_1885 {strides = array<i32>} : memref<64x384xf32, #tpu.memory_space<vmem>>, vector<1x16xf32>,
      %mul3A_1886 = vector.broadcast %max3A_1846 : f32 to vector<16xf32>
      %mul3A_1887 = arith.mulf %mul3A_1886, %get3A_1441 : vector<16xf32>
      %mul3A_1888 = vector.broadcast %max3A_1852 : f32 to vector<16xf32>
      %mul3A_1889 = arith.mulf %mul3A_1888, %get3A_1465 : vector<16xf32>
      %add3A_1890 = arith.addf %mul3A_1887, %mul3A_1889 : vector<16xf32>
      %add3A_1891 = arith.addf %add3A_1890, %get3A_1489 : vector<16xf32>
      %swap3A_1892 = arith.index_cast %scan3A_1820 : i32 to index
      %swap3A_1893 = arith.constant 48 : index
      %swap3A_1894 = tpu.vector_load %arg31[%swap3A_1892, %swap3A_1893] {strides = array<i32>} : memref<64x384xf32, #tpu.memory_space<vmem>>, vector<1x16xf32>,
      %swap3A_1895 = vector.shape_cast %swap3A_1894 : vector<1x16xf32> to vector<16xf32>
      %swap3A_1896 = vector.shape_cast %add3A_1891 : vector<16xf32> to vector<1x16xf32>
      tpu.vector_store %arg31[%swap3A_1892, %swap3A_1893], %swap3A_1896 {strides = array<i32>} : memref<64x384xf32, #tpu.memory_space<vmem>>, vector<1x16xf32>,
      %mul3A_1897 = vector.broadcast %max3A_1846 : f32 to vector<16xf32>
      %mul3A_1898 = arith.mulf %mul3A_1897, %get3A_1444 : vector<16xf32>
      %mul3A_1899 = vector.broadcast %max3A_1852 : f32 to vector<16xf32>
      %mul3A_1900 = arith.mulf %mul3A_1899, %get3A_1468 : vector<16xf32>
      %add3A_1901 = arith.addf %mul3A_1898, %mul3A_1900 : vector<16xf32>
      %add3A_1902 = arith.addf %add3A_1901, %get3A_1492 : vector<16xf32>
      %swap3A_1903 = arith.index_cast %scan3A_1820 : i32 to index
      %swap3A_1904 = arith.constant 64 : index
      %swap3A_1905 = tpu.vector_load %arg31[%swap3A_1903, %swap3A_1904] {strides = array<i32>} : memref<64x384xf32, #tpu.memory_space<vmem>>, vector<1x16xf32>,
      %swap3A_1906 = vector.shape_cast %swap3A_1905 : vector<1x16xf32> to vector<16xf32>
      %swap3A_1907 = vector.shape_cast %add3A_1902 : vector<16xf32> to vector<1x16xf32>
      tpu.vector_store %arg31[%swap3A_1903, %swap3A_1904], %swap3A_1907 {strides = array<i32>} : memref<64x384xf32, #tpu.memory_space<vmem>>, vector<1x16xf32>,
      %mul3A_1908 = vector.broadcast %max3A_1846 : f32 to vector<16xf32>
      %mul3A_1909 = arith.mulf %mul3A_1908, %get3A_1447 : vector<16xf32>
      %mul3A_1910 = vector.broadcast %max3A_1852 : f32 to vector<16xf32>
      %mul3A_1911 = arith.mulf %mul3A_1910, %get3A_1471 : vector<16xf32>
      %add3A_1912 = arith.addf %mul3A_1909, %mul3A_1911 : vector<16xf32>
      %add3A_1913 = arith.addf %add3A_1912, %get3A_1495 : vector<16xf32>
      %swap3A_1914 = arith.index_cast %scan3A_1820 : i32 to index
      %swap3A_1915 = arith.constant 80 : index
      %swap3A_1916 = tpu.vector_load %arg31[%swap3A_1914, %swap3A_1915] {strides = array<i32>} : memref<64x384xf32, #tpu.memory_space<vmem>>, vector<1x16xf32>,
      %swap3A_1917 = vector.shape_cast %swap3A_1916 : vector<1x16xf32> to vector<16xf32>
      %swap3A_1918 = vector.shape_cast %add3A_1913 : vector<16xf32> to vector<1x16xf32>
      tpu.vector_store %arg31[%swap3A_1914, %swap3A_1915], %swap3A_1918 {strides = array<i32>} : memref<64x384xf32, #tpu.memory_space<vmem>>, vector<1x16xf32>,
      %mul3A_1919 = vector.broadcast %max3A_1846 : f32 to vector<16xf32>
      %mul3A_1920 = arith.mulf %mul3A_1919, %get3A_1450 : vector<16xf32>
      %mul3A_1921 = vector.broadcast %max3A_1852 : f32 to vector<16xf32>
      %mul3A_1922 = arith.mulf %mul3A_1921, %get3A_1474 : vector<16xf32>
      %add3A_1923 = arith.addf %mul3A_1920, %mul3A_1922 : vector<16xf32>
      %add3A_1924 = arith.addf %add3A_1923, %get3A_1498 : vector<16xf32>
      %swap3A_1925 = arith.index_cast %scan3A_1820 : i32 to index
      %swap3A_1926 = arith.constant 96 : index
      %swap3A_1927 = tpu.vector_load %arg31[%swap3A_1925, %swap3A_1926] {strides = array<i32>} : memref<64x384xf32, #tpu.memory_space<vmem>>, vector<1x16xf32>,
      %swap3A_1928 = vector.shape_cast %swap3A_1927 : vector<1x16xf32> to vector<16xf32>
      %swap3A_1929 = vector.shape_cast %add3A_1924 : vector<16xf32> to vector<1x16xf32>
      tpu.vector_store %arg31[%swap3A_1925, %swap3A_1926], %swap3A_1929 {strides = array<i32>} : memref<64x384xf32, #tpu.memory_space<vmem>>, vector<1x16xf32>,
      %mul3A_1930 = vector.broadcast %max3A_1846 : f32 to vector<16xf32>
      %mul3A_1931 = arith.mulf %mul3A_1930, %get3A_1453 : vector<16xf32>
      %mul3A_1932 = vector.broadcast %max3A_1852 : f32 to vector<16xf32>
      %mul3A_1933 = arith.mulf %mul3A_1932, %get3A_1477 : vector<16xf32>
      %add3A_1934 = arith.addf %mul3A_1931, %mul3A_1933 : vector<16xf32>
      %add3A_1935 = arith.addf %add3A_1934, %get3A_1501 : vector<16xf32>
      %swap3A_1936 = arith.index_cast %scan3A_1820 : i32 to index
      %swap3A_1937 = arith.constant 112 : index
      %swap3A_1938 = tpu.vector_load %arg31[%swap3A_1936, %swap3A_1937] {strides = array<i32>} : memref<64x384xf32, #tpu.memory_space<vmem>>, vector<1x16xf32>,
      %swap3A_1939 = vector.shape_cast %swap3A_1938 : vector<1x16xf32> to vector<16xf32>
      %swap3A_1940 = vector.shape_cast %add3A_1935 : vector<16xf32> to vector<1x16xf32>
      tpu.vector_store %arg31[%swap3A_1936, %swap3A_1937], %swap3A_1940 {strides = array<i32>} : memref<64x384xf32, #tpu.memory_space<vmem>>, vector<1x16xf32>,
    }
    %scan3A_1633 = arith.constant 64 : i32
    %dma_wait3A_1634 = arith.constant 0 : i32
    %dma_wait3A_1635 = arith.constant 128 : i32
    %dma_wait3A_1636 = tpu.memref_slice %arg31[%dma_wait3A_1634, %dma_wait3A_1635] : memref<64x384xf32, #tpu.memory_space<vmem>> -> memref<64x128xf32, #tpu.memory_space<vmem>>
    %dma_wait3A_1637 = arith.constant 0 : i32
    %dma_wait3A_1638 = arith.constant 0 : i32
    %dma_wait3A_1639 = tpu.memref_slice %arg4[%dma_wait3A_1637, %dma_wait3A_1638] : memref<1056x128xf32, #tpu.memory_space<hbm>> -> memref<1056x128xf32, #tpu.memory_space<hbm>>
    tpu.wait_indirect_dma semaphore(%arg33 : memref<!tpu.dma_semaphore, #tpu.memory_space<semaphore_mem>>) src(%dma_wait3A_1639 : memref<1056x128xf32, #tpu.memory_space<hbm>>) dst(%dma_wait3A_1636 : memref<64x128xf32, #tpu.memory_space<vmem>>)
    %dma_wait3A_1640 = arith.constant 0 : i32
    %dma_wait3A_1641 = arith.constant 256 : i32
    %dma_wait3A_1642 = tpu.memref_slice %arg31[%dma_wait3A_1640, %dma_wait3A_1641] : memref<64x384xf32, #tpu.memory_space<vmem>> -> memref<64x128xf32, #tpu.memory_space<vmem>>
    %dma_wait3A_1643 = arith.constant 0 : i32
    %dma_wait3A_1644 = arith.constant 0 : i32
    %dma_wait3A_1645 = tpu.memref_slice %arg5[%dma_wait3A_1643, %dma_wait3A_1644] : memref<1056x128xf32, #tpu.memory_space<hbm>> -> memref<1056x128xf32, #tpu.memory_space<hbm>>
    tpu.wait_indirect_dma semaphore(%arg33 : memref<!tpu.dma_semaphore, #tpu.memory_space<semaphore_mem>>) src(%dma_wait3A_1645 : memref<1056x128xf32, #tpu.memory_space<hbm>>) dst(%dma_wait3A_1642 : memref<64x128xf32, #tpu.memory_space<vmem>>)
    %add3A_1646 = arith.constant 128 : i32
    %add3A_1647 = arith.addi %mul3A_2, %add3A_1646 : i32
    %dma_start3A_1648 = arith.constant 0 : i32
    %dma_start3A_1649 = tpu.memref_slice %arg8[%add3A_1647, %dma_start3A_1648] : memref<16384x384xf32, #tpu.memory_space<hbm>> -> memref<64x384xf32, #tpu.memory_space<hbm>>
    %dma_start3A_1650 = arith.constant 0 : i32
    %dma_start3A_1651 = tpu.memref_slice %arg8[%add3A_1647, %dma_start3A_1650] : memref<16384x384xf32, #tpu.memory_space<hbm>> -> memref<64x384xf32, #tpu.memory_space<hbm>>
    tpu.enqueue_dma source(%arg31 : memref<64x384xf32, #tpu.memory_space<vmem>>) target(%dma_start3A_1651 : memref<64x384xf32, #tpu.memory_space<hbm>>) target_semaphore(%arg34 : memref<!tpu.dma_semaphore, #tpu.memory_space<semaphore_mem>>)
    %dma_wait3A_1652 = arith.constant 0 : i32
    %dma_wait3A_1653 = tpu.memref_slice %arg8[%add3A_1647, %dma_wait3A_1652] : memref<16384x384xf32, #tpu.memory_space<hbm>> -> memref<64x384xf32, #tpu.memory_space<hbm>>
    %dma_wait3A_1654 = arith.constant 0 : i32
    %dma_wait3A_1655 = tpu.memref_slice %arg8[%add3A_1647, %dma_wait3A_1654] : memref<16384x384xf32, #tpu.memory_space<hbm>> -> memref<64x384xf32, #tpu.memory_space<hbm>>
    tpu.wait_dma2 semaphore(%arg34 : memref<!tpu.dma_semaphore, #tpu.memory_space<semaphore_mem>>) src(%arg31 : memref<64x384xf32, #tpu.memory_space<vmem>>) dst(%dma_wait3A_1655 : memref<64x384xf32, #tpu.memory_space<hbm>>)
    %dma_start3A_1656 = arith.constant 0 : i32
    %dma_start3A_1657 = arith.constant 128 : i32
    %dma_start3A_1658 = tpu.memref_slice %arg31[%dma_start3A_1656, %dma_start3A_1657] : memref<64x384xf32, #tpu.memory_space<vmem>> -> memref<64x128xf32, #tpu.memory_space<vmem>>
    %dma_start3A_1659 = arith.constant 0 : i32
    %dma_start3A_1660 = arith.constant 0 : i32
    %dma_start3A_1661 = tpu.memref_slice %arg4[%dma_start3A_1659, %dma_start3A_1660] : memref<1056x128xf32, #tpu.memory_space<hbm>> -> memref<1056x128xf32, #tpu.memory_space<hbm>>
    tpu.enqueue_indirect_dma source(%dma_start3A_1661 : memref<1056x128xf32, #tpu.memory_space<hbm>>) target(%dma_start3A_1658 : memref<64x128xf32, #tpu.memory_space<vmem>>) offsets(%arg19 : memref<64xi32, #tpu.memory_space<vmem>>) semaphore(%arg33 : memref<!tpu.dma_semaphore, #tpu.memory_space<semaphore_mem>>)
    %dma_start3A_1662 = arith.constant 0 : i32
    %dma_start3A_1663 = arith.constant 256 : i32
    %dma_start3A_1664 = tpu.memref_slice %arg31[%dma_start3A_1662, %dma_start3A_1663] : memref<64x384xf32, #tpu.memory_space<vmem>> -> memref<64x128xf32, #tpu.memory_space<vmem>>
    %dma_start3A_1665 = arith.constant 0 : i32
    %dma_start3A_1666 = arith.constant 0 : i32
    %dma_start3A_1667 = tpu.memref_slice %arg5[%dma_start3A_1665, %dma_start3A_1666] : memref<1056x128xf32, #tpu.memory_space<hbm>> -> memref<1056x128xf32, #tpu.memory_space<hbm>>
    tpu.enqueue_indirect_dma source(%dma_start3A_1667 : memref<1056x128xf32, #tpu.memory_space<hbm>>) target(%dma_start3A_1664 : memref<64x128xf32, #tpu.memory_space<vmem>>) offsets(%arg27 : memref<64xi32, #tpu.memory_space<vmem>>) semaphore(%arg33 : memref<!tpu.dma_semaphore, #tpu.memory_space<semaphore_mem>>)
    %scan3A_1668 = arith.constant 0 : i32
    %scan3A_1669 = arith.constant 0 : i32
    %scan3A_1670 = arith.constant 64 : i32
    %scan3A_1671 = arith.addi %scan3A_1669, %scan3A_1670 : i32
    %scan3A_1672 = arith.constant 1 : i32
    scf.for %scan3A_1820 = %scan3A_1669 to %scan3A_1671 step %scan3A_1672  : i32 {
      %add3A_1821 = arith.constant 192 : i32
      %add3A_1822 = arith.addi %add3A_1821, %scan3A_1820 : i32
      %get3A_1823 = arith.index_cast %add3A_1822 : i32 to index
      %get3A_1824 = tpu.vector_load %arg9[%get3A_1823] {strides = array<i32>} : memref<512xf32, #tpu.memory_space<vmem>>, vector<1xf32>,
      %get3A_1825 = vector.shape_cast %get3A_1824 : vector<1xf32> to vector<1xf32>
      %squeeze3A_1826 = vector.extract %get3A_1825[0] : f32 from vector<1xf32>
      %jit3A_1827 = arith.constant 0.000000e+00 : f32
      %jit3A_1828 = arith.constant 1.000000e+00 : f32
      %max3A_1829 = arith.maximumf %jit3A_1827, %squeeze3A_1826 : f32
      %min3A_1830 = arith.minimumf %jit3A_1828, %max3A_1829 : f32
      %add3A_1831 = arith.constant 192 : i32
      %add3A_1832 = arith.addi %add3A_1831, %scan3A_1820 : i32
      %get3A_1833 = arith.index_cast %add3A_1832 : i32 to index
      %get3A_1834 = tpu.vector_load %arg10[%get3A_1833] {strides = array<i32>} : memref<512xf32, #tpu.memory_space<vmem>>, vector<1xf32>,
      %get3A_1835 = vector.shape_cast %get3A_1834 : vector<1xf32> to vector<1xf32>
      %squeeze3A_1836 = vector.extract %get3A_1835[0] : f32 from vector<1xf32>
      %jit3A_1837 = arith.constant 0.000000e+00 : f32
      %jit3A_1838 = arith.constant 1.000000e+00 : f32
      %max3A_1839 = arith.maximumf %jit3A_1837, %squeeze3A_1836 : f32
      %min3A_1840 = arith.minimumf %jit3A_1838, %max3A_1839 : f32
      %mul3A_1841 = arith.mulf %min3A_1830, %squeeze3A : f32
      %mul3A_1842 = arith.mulf %min3A_1840, %squeeze3A_1417 : f32
      %add3A_1843 = arith.addf %mul3A_1841, %mul3A_1842 : f32
      %add3A_1844 = arith.addf %add3A_1843, %squeeze3A_1425 : f32
      %max3A_1845 = arith.constant 0.000000e+00 : f32
      %max3A_1846 = arith.maximumf %add3A_1844, %max3A_1845 : f32
      %mul3A_1847 = arith.mulf %min3A_1830, %squeeze3A_1413 : f32
      %mul3A_1848 = arith.mulf %min3A_1840, %squeeze3A_1421 : f32
      %add3A_1849 = arith.addf %mul3A_1847, %mul3A_1848 : f32
      %add3A_1850 = arith.addf %add3A_1849, %squeeze3A_1429 : f32
      %max3A_1851 = arith.constant 0.000000e+00 : f32
      %max3A_1852 = arith.maximumf %add3A_1850, %max3A_1851 : f32
      %mul3A_1853 = vector.broadcast %max3A_1846 : f32 to vector<16xf32>
      %mul3A_1854 = arith.mulf %mul3A_1853, %get3A_1432 : vector<16xf32>
      %mul3A_1855 = vector.broadcast %max3A_1852 : f32 to vector<16xf32>
      %mul3A_1856 = arith.mulf %mul3A_1855, %get3A_1456 : vector<16xf32>
      %add3A_1857 = arith.addf %mul3A_1854, %mul3A_1856 : vector<16xf32>
      %add3A_1858 = arith.addf %add3A_1857, %get3A_1480 : vector<16xf32>
      %swap3A_1859 = arith.index_cast %scan3A_1820 : i32 to index
      %swap3A_1860 = arith.constant 0 : index
      %swap3A_1861 = tpu.vector_load %arg32[%swap3A_1859, %swap3A_1860] {strides = array<i32>} : memref<64x384xf32, #tpu.memory_space<vmem>>, vector<1x16xf32>,
      %swap3A_1862 = vector.shape_cast %swap3A_1861 : vector<1x16xf32> to vector<16xf32>
      %swap3A_1863 = vector.shape_cast %add3A_1858 : vector<16xf32> to vector<1x16xf32>
      tpu.vector_store %arg32[%swap3A_1859, %swap3A_1860], %swap3A_1863 {strides = array<i32>} : memref<64x384xf32, #tpu.memory_space<vmem>>, vector<1x16xf32>,
      %mul3A_1864 = vector.broadcast %max3A_1846 : f32 to vector<16xf32>
      %mul3A_1865 = arith.mulf %mul3A_1864, %get3A_1435 : vector<16xf32>
      %mul3A_1866 = vector.broadcast %max3A_1852 : f32 to vector<16xf32>
      %mul3A_1867 = arith.mulf %mul3A_1866, %get3A_1459 : vector<16xf32>
      %add3A_1868 = arith.addf %mul3A_1865, %mul3A_1867 : vector<16xf32>
      %add3A_1869 = arith.addf %add3A_1868, %get3A_1483 : vector<16xf32>
      %swap3A_1870 = arith.index_cast %scan3A_1820 : i32 to index
      %swap3A_1871 = arith.constant 16 : index
      %swap3A_1872 = tpu.vector_load %arg32[%swap3A_1870, %swap3A_1871] {strides = array<i32>} : memref<64x384xf32, #tpu.memory_space<vmem>>, vector<1x16xf32>,
      %swap3A_1873 = vector.shape_cast %swap3A_1872 : vector<1x16xf32> to vector<16xf32>
      %swap3A_1874 = vector.shape_cast %add3A_1869 : vector<16xf32> to vector<1x16xf32>
      tpu.vector_store %arg32[%swap3A_1870, %swap3A_1871], %swap3A_1874 {strides = array<i32>} : memref<64x384xf32, #tpu.memory_space<vmem>>, vector<1x16xf32>,
      %mul3A_1875 = vector.broadcast %max3A_1846 : f32 to vector<16xf32>
      %mul3A_1876 = arith.mulf %mul3A_1875, %get3A_1438 : vector<16xf32>
      %mul3A_1877 = vector.broadcast %max3A_1852 : f32 to vector<16xf32>
      %mul3A_1878 = arith.mulf %mul3A_1877, %get3A_1462 : vector<16xf32>
      %add3A_1879 = arith.addf %mul3A_1876, %mul3A_1878 : vector<16xf32>
      %add3A_1880 = arith.addf %add3A_1879, %get3A_1486 : vector<16xf32>
      %swap3A_1881 = arith.index_cast %scan3A_1820 : i32 to index
      %swap3A_1882 = arith.constant 32 : index
      %swap3A_1883 = tpu.vector_load %arg32[%swap3A_1881, %swap3A_1882] {strides = array<i32>} : memref<64x384xf32, #tpu.memory_space<vmem>>, vector<1x16xf32>,
      %swap3A_1884 = vector.shape_cast %swap3A_1883 : vector<1x16xf32> to vector<16xf32>
      %swap3A_1885 = vector.shape_cast %add3A_1880 : vector<16xf32> to vector<1x16xf32>
      tpu.vector_store %arg32[%swap3A_1881, %swap3A_1882], %swap3A_1885 {strides = array<i32>} : memref<64x384xf32, #tpu.memory_space<vmem>>, vector<1x16xf32>,
      %mul3A_1886 = vector.broadcast %max3A_1846 : f32 to vector<16xf32>
      %mul3A_1887 = arith.mulf %mul3A_1886, %get3A_1441 : vector<16xf32>
      %mul3A_1888 = vector.broadcast %max3A_1852 : f32 to vector<16xf32>
      %mul3A_1889 = arith.mulf %mul3A_1888, %get3A_1465 : vector<16xf32>
      %add3A_1890 = arith.addf %mul3A_1887, %mul3A_1889 : vector<16xf32>
      %add3A_1891 = arith.addf %add3A_1890, %get3A_1489 : vector<16xf32>
      %swap3A_1892 = arith.index_cast %scan3A_1820 : i32 to index
      %swap3A_1893 = arith.constant 48 : index
      %swap3A_1894 = tpu.vector_load %arg32[%swap3A_1892, %swap3A_1893] {strides = array<i32>} : memref<64x384xf32, #tpu.memory_space<vmem>>, vector<1x16xf32>,
      %swap3A_1895 = vector.shape_cast %swap3A_1894 : vector<1x16xf32> to vector<16xf32>
      %swap3A_1896 = vector.shape_cast %add3A_1891 : vector<16xf32> to vector<1x16xf32>
      tpu.vector_store %arg32[%swap3A_1892, %swap3A_1893], %swap3A_1896 {strides = array<i32>} : memref<64x384xf32, #tpu.memory_space<vmem>>, vector<1x16xf32>,
      %mul3A_1897 = vector.broadcast %max3A_1846 : f32 to vector<16xf32>
      %mul3A_1898 = arith.mulf %mul3A_1897, %get3A_1444 : vector<16xf32>
      %mul3A_1899 = vector.broadcast %max3A_1852 : f32 to vector<16xf32>
      %mul3A_1900 = arith.mulf %mul3A_1899, %get3A_1468 : vector<16xf32>
      %add3A_1901 = arith.addf %mul3A_1898, %mul3A_1900 : vector<16xf32>
      %add3A_1902 = arith.addf %add3A_1901, %get3A_1492 : vector<16xf32>
      %swap3A_1903 = arith.index_cast %scan3A_1820 : i32 to index
      %swap3A_1904 = arith.constant 64 : index
      %swap3A_1905 = tpu.vector_load %arg32[%swap3A_1903, %swap3A_1904] {strides = array<i32>} : memref<64x384xf32, #tpu.memory_space<vmem>>, vector<1x16xf32>,
      %swap3A_1906 = vector.shape_cast %swap3A_1905 : vector<1x16xf32> to vector<16xf32>
      %swap3A_1907 = vector.shape_cast %add3A_1902 : vector<16xf32> to vector<1x16xf32>
      tpu.vector_store %arg32[%swap3A_1903, %swap3A_1904], %swap3A_1907 {strides = array<i32>} : memref<64x384xf32, #tpu.memory_space<vmem>>, vector<1x16xf32>,
      %mul3A_1908 = vector.broadcast %max3A_1846 : f32 to vector<16xf32>
      %mul3A_1909 = arith.mulf %mul3A_1908, %get3A_1447 : vector<16xf32>
      %mul3A_1910 = vector.broadcast %max3A_1852 : f32 to vector<16xf32>
      %mul3A_1911 = arith.mulf %mul3A_1910, %get3A_1471 : vector<16xf32>
      %add3A_1912 = arith.addf %mul3A_1909, %mul3A_1911 : vector<16xf32>
      %add3A_1913 = arith.addf %add3A_1912, %get3A_1495 : vector<16xf32>
      %swap3A_1914 = arith.index_cast %scan3A_1820 : i32 to index
      %swap3A_1915 = arith.constant 80 : index
      %swap3A_1916 = tpu.vector_load %arg32[%swap3A_1914, %swap3A_1915] {strides = array<i32>} : memref<64x384xf32, #tpu.memory_space<vmem>>, vector<1x16xf32>,
      %swap3A_1917 = vector.shape_cast %swap3A_1916 : vector<1x16xf32> to vector<16xf32>
      %swap3A_1918 = vector.shape_cast %add3A_1913 : vector<16xf32> to vector<1x16xf32>
      tpu.vector_store %arg32[%swap3A_1914, %swap3A_1915], %swap3A_1918 {strides = array<i32>} : memref<64x384xf32, #tpu.memory_space<vmem>>, vector<1x16xf32>,
      %mul3A_1919 = vector.broadcast %max3A_1846 : f32 to vector<16xf32>
      %mul3A_1920 = arith.mulf %mul3A_1919, %get3A_1450 : vector<16xf32>
      %mul3A_1921 = vector.broadcast %max3A_1852 : f32 to vector<16xf32>
      %mul3A_1922 = arith.mulf %mul3A_1921, %get3A_1474 : vector<16xf32>
      %add3A_1923 = arith.addf %mul3A_1920, %mul3A_1922 : vector<16xf32>
      %add3A_1924 = arith.addf %add3A_1923, %get3A_1498 : vector<16xf32>
      %swap3A_1925 = arith.index_cast %scan3A_1820 : i32 to index
      %swap3A_1926 = arith.constant 96 : index
      %swap3A_1927 = tpu.vector_load %arg32[%swap3A_1925, %swap3A_1926] {strides = array<i32>} : memref<64x384xf32, #tpu.memory_space<vmem>>, vector<1x16xf32>,
      %swap3A_1928 = vector.shape_cast %swap3A_1927 : vector<1x16xf32> to vector<16xf32>
      %swap3A_1929 = vector.shape_cast %add3A_1924 : vector<16xf32> to vector<1x16xf32>
      tpu.vector_store %arg32[%swap3A_1925, %swap3A_1926], %swap3A_1929 {strides = array<i32>} : memref<64x384xf32, #tpu.memory_space<vmem>>, vector<1x16xf32>,
      %mul3A_1930 = vector.broadcast %max3A_1846 : f32 to vector<16xf32>
      %mul3A_1931 = arith.mulf %mul3A_1930, %get3A_1453 : vector<16xf32>
      %mul3A_1932 = vector.broadcast %max3A_1852 : f32 to vector<16xf32>
      %mul3A_1933 = arith.mulf %mul3A_1932, %get3A_1477 : vector<16xf32>
      %add3A_1934 = arith.addf %mul3A_1931, %mul3A_1933 : vector<16xf32>
      %add3A_1935 = arith.addf %add3A_1934, %get3A_1501 : vector<16xf32>
      %swap3A_1936 = arith.index_cast %scan3A_1820 : i32 to index
      %swap3A_1937 = arith.constant 112 : index
      %swap3A_1938 = tpu.vector_load %arg32[%swap3A_1936, %swap3A_1937] {strides = array<i32>} : memref<64x384xf32, #tpu.memory_space<vmem>>, vector<1x16xf32>,
      %swap3A_1939 = vector.shape_cast %swap3A_1938 : vector<1x16xf32> to vector<16xf32>
      %swap3A_1940 = vector.shape_cast %add3A_1935 : vector<16xf32> to vector<1x16xf32>
      tpu.vector_store %arg32[%swap3A_1936, %swap3A_1937], %swap3A_1940 {strides = array<i32>} : memref<64x384xf32, #tpu.memory_space<vmem>>, vector<1x16xf32>,
    }
    %scan3A_1673 = arith.constant 64 : i32
    %dma_wait3A_1674 = arith.constant 0 : i32
    %dma_wait3A_1675 = arith.constant 128 : i32
    %dma_wait3A_1676 = tpu.memref_slice %arg32[%dma_wait3A_1674, %dma_wait3A_1675] : memref<64x384xf32, #tpu.memory_space<vmem>> -> memref<64x128xf32, #tpu.memory_space<vmem>>
    %dma_wait3A_1677 = arith.constant 0 : i32
    %dma_wait3A_1678 = arith.constant 0 : i32
    %dma_wait3A_1679 = tpu.memref_slice %arg4[%dma_wait3A_1677, %dma_wait3A_1678] : memref<1056x128xf32, #tpu.memory_space<hbm>> -> memref<1056x128xf32, #tpu.memory_space<hbm>>
    tpu.wait_indirect_dma semaphore(%arg33 : memref<!tpu.dma_semaphore, #tpu.memory_space<semaphore_mem>>) src(%dma_wait3A_1679 : memref<1056x128xf32, #tpu.memory_space<hbm>>) dst(%dma_wait3A_1676 : memref<64x128xf32, #tpu.memory_space<vmem>>)
    %dma_wait3A_1680 = arith.constant 0 : i32
    %dma_wait3A_1681 = arith.constant 256 : i32
    %dma_wait3A_1682 = tpu.memref_slice %arg32[%dma_wait3A_1680, %dma_wait3A_1681] : memref<64x384xf32, #tpu.memory_space<vmem>> -> memref<64x128xf32, #tpu.memory_space<vmem>>
    %dma_wait3A_1683 = arith.constant 0 : i32
    %dma_wait3A_1684 = arith.constant 0 : i32
    %dma_wait3A_1685 = tpu.memref_slice %arg5[%dma_wait3A_1683, %dma_wait3A_1684] : memref<1056x128xf32, #tpu.memory_space<hbm>> -> memref<1056x128xf32, #tpu.memory_space<hbm>>
    tpu.wait_indirect_dma semaphore(%arg33 : memref<!tpu.dma_semaphore, #tpu.memory_space<semaphore_mem>>) src(%dma_wait3A_1685 : memref<1056x128xf32, #tpu.memory_space<hbm>>) dst(%dma_wait3A_1682 : memref<64x128xf32, #tpu.memory_space<vmem>>)
    %add3A_1686 = arith.constant 192 : i32
    %add3A_1687 = arith.addi %mul3A_2, %add3A_1686 : i32
    %dma_start3A_1688 = arith.constant 0 : i32
    %dma_start3A_1689 = tpu.memref_slice %arg8[%add3A_1687, %dma_start3A_1688] : memref<16384x384xf32, #tpu.memory_space<hbm>> -> memref<64x384xf32, #tpu.memory_space<hbm>>
    %dma_start3A_1690 = arith.constant 0 : i32
    %dma_start3A_1691 = tpu.memref_slice %arg8[%add3A_1687, %dma_start3A_1690] : memref<16384x384xf32, #tpu.memory_space<hbm>> -> memref<64x384xf32, #tpu.memory_space<hbm>>
    tpu.enqueue_dma source(%arg32 : memref<64x384xf32, #tpu.memory_space<vmem>>) target(%dma_start3A_1691 : memref<64x384xf32, #tpu.memory_space<hbm>>) target_semaphore(%arg34 : memref<!tpu.dma_semaphore, #tpu.memory_space<semaphore_mem>>)
    %dma_wait3A_1692 = arith.constant 0 : i32
    %dma_wait3A_1693 = tpu.memref_slice %arg8[%add3A_1687, %dma_wait3A_1692] : memref<16384x384xf32, #tpu.memory_space<hbm>> -> memref<64x384xf32, #tpu.memory_space<hbm>>
    %dma_wait3A_1694 = arith.constant 0 : i32
    %dma_wait3A_1695 = tpu.memref_slice %arg8[%add3A_1687, %dma_wait3A_1694] : memref<16384x384xf32, #tpu.memory_space<hbm>> -> memref<64x384xf32, #tpu.memory_space<hbm>>
    tpu.wait_dma2 semaphore(%arg34 : memref<!tpu.dma_semaphore, #tpu.memory_space<semaphore_mem>>) src(%arg32 : memref<64x384xf32, #tpu.memory_space<vmem>>) dst(%dma_wait3A_1695 : memref<64x384xf32, #tpu.memory_space<hbm>>)
    %dma_start3A_1696 = arith.constant 0 : i32
    %dma_start3A_1697 = arith.constant 128 : i32
    %dma_start3A_1698 = tpu.memref_slice %arg32[%dma_start3A_1696, %dma_start3A_1697] : memref<64x384xf32, #tpu.memory_space<vmem>> -> memref<64x128xf32, #tpu.memory_space<vmem>>
    %dma_start3A_1699 = arith.constant 0 : i32
    %dma_start3A_1700 = arith.constant 0 : i32
    %dma_start3A_1701 = tpu.memref_slice %arg4[%dma_start3A_1699, %dma_start3A_1700] : memref<1056x128xf32, #tpu.memory_space<hbm>> -> memref<1056x128xf32, #tpu.memory_space<hbm>>
    tpu.enqueue_indirect_dma source(%dma_start3A_1701 : memref<1056x128xf32, #tpu.memory_space<hbm>>) target(%dma_start3A_1698 : memref<64x128xf32, #tpu.memory_space<vmem>>) offsets(%arg20 : memref<64xi32, #tpu.memory_space<vmem>>) semaphore(%arg33 : memref<!tpu.dma_semaphore, #tpu.memory_space<semaphore_mem>>)
    %dma_start3A_1702 = arith.constant 0 : i32
    %dma_start3A_1703 = arith.constant 256 : i32
    %dma_start3A_1704 = tpu.memref_slice %arg32[%dma_start3A_1702, %dma_start3A_1703] : memref<64x384xf32, #tpu.memory_space<vmem>> -> memref<64x128xf32, #tpu.memory_space<vmem>>
    %dma_start3A_1705 = arith.constant 0 : i32
    %dma_start3A_1706 = arith.constant 0 : i32
    %dma_start3A_1707 = tpu.memref_slice %arg5[%dma_start3A_1705, %dma_start3A_1706] : memref<1056x128xf32, #tpu.memory_space<hbm>> -> memref<1056x128xf32, #tpu.memory_space<hbm>>
    tpu.enqueue_indirect_dma source(%dma_start3A_1707 : memref<1056x128xf32, #tpu.memory_space<hbm>>) target(%dma_start3A_1704 : memref<64x128xf32, #tpu.memory_space<vmem>>) offsets(%arg28 : memref<64xi32, #tpu.memory_space<vmem>>) semaphore(%arg33 : memref<!tpu.dma_semaphore, #tpu.memory_space<semaphore_mem>>)
    %scan3A_1708 = arith.constant 0 : i32
    %scan3A_1709 = arith.constant 0 : i32
    %scan3A_1710 = arith.constant 64 : i32
    %scan3A_1711 = arith.addi %scan3A_1709, %scan3A_1710 : i32
    %scan3A_1712 = arith.constant 1 : i32
    scf.for %scan3A_1820 = %scan3A_1709 to %scan3A_1711 step %scan3A_1712  : i32 {
      %add3A_1821 = arith.constant 256 : i32
      %add3A_1822 = arith.addi %add3A_1821, %scan3A_1820 : i32
      %get3A_1823 = arith.index_cast %add3A_1822 : i32 to index
      %get3A_1824 = tpu.vector_load %arg9[%get3A_1823] {strides = array<i32>} : memref<512xf32, #tpu.memory_space<vmem>>, vector<1xf32>,
      %get3A_1825 = vector.shape_cast %get3A_1824 : vector<1xf32> to vector<1xf32>
      %squeeze3A_1826 = vector.extract %get3A_1825[0] : f32 from vector<1xf32>
      %jit3A_1827 = arith.constant 0.000000e+00 : f32
      %jit3A_1828 = arith.constant 1.000000e+00 : f32
      %max3A_1829 = arith.maximumf %jit3A_1827, %squeeze3A_1826 : f32
      %min3A_1830 = arith.minimumf %jit3A_1828, %max3A_1829 : f32
      %add3A_1831 = arith.constant 256 : i32
      %add3A_1832 = arith.addi %add3A_1831, %scan3A_1820 : i32
      %get3A_1833 = arith.index_cast %add3A_1832 : i32 to index
      %get3A_1834 = tpu.vector_load %arg10[%get3A_1833] {strides = array<i32>} : memref<512xf32, #tpu.memory_space<vmem>>, vector<1xf32>,
      %get3A_1835 = vector.shape_cast %get3A_1834 : vector<1xf32> to vector<1xf32>
      %squeeze3A_1836 = vector.extract %get3A_1835[0] : f32 from vector<1xf32>
      %jit3A_1837 = arith.constant 0.000000e+00 : f32
      %jit3A_1838 = arith.constant 1.000000e+00 : f32
      %max3A_1839 = arith.maximumf %jit3A_1837, %squeeze3A_1836 : f32
      %min3A_1840 = arith.minimumf %jit3A_1838, %max3A_1839 : f32
      %mul3A_1841 = arith.mulf %min3A_1830, %squeeze3A : f32
      %mul3A_1842 = arith.mulf %min3A_1840, %squeeze3A_1417 : f32
      %add3A_1843 = arith.addf %mul3A_1841, %mul3A_1842 : f32
      %add3A_1844 = arith.addf %add3A_1843, %squeeze3A_1425 : f32
      %max3A_1845 = arith.constant 0.000000e+00 : f32
      %max3A_1846 = arith.maximumf %add3A_1844, %max3A_1845 : f32
      %mul3A_1847 = arith.mulf %min3A_1830, %squeeze3A_1413 : f32
      %mul3A_1848 = arith.mulf %min3A_1840, %squeeze3A_1421 : f32
      %add3A_1849 = arith.addf %mul3A_1847, %mul3A_1848 : f32
      %add3A_1850 = arith.addf %add3A_1849, %squeeze3A_1429 : f32
      %max3A_1851 = arith.constant 0.000000e+00 : f32
      %max3A_1852 = arith.maximumf %add3A_1850, %max3A_1851 : f32
      %mul3A_1853 = vector.broadcast %max3A_1846 : f32 to vector<16xf32>
      %mul3A_1854 = arith.mulf %mul3A_1853, %get3A_1432 : vector<16xf32>
      %mul3A_1855 = vector.broadcast %max3A_1852 : f32 to vector<16xf32>
      %mul3A_1856 = arith.mulf %mul3A_1855, %get3A_1456 : vector<16xf32>
      %add3A_1857 = arith.addf %mul3A_1854, %mul3A_1856 : vector<16xf32>
      %add3A_1858 = arith.addf %add3A_1857, %get3A_1480 : vector<16xf32>
      %swap3A_1859 = arith.index_cast %scan3A_1820 : i32 to index
      %swap3A_1860 = arith.constant 0 : index
      %swap3A_1861 = tpu.vector_load %arg29[%swap3A_1859, %swap3A_1860] {strides = array<i32>} : memref<64x384xf32, #tpu.memory_space<vmem>>, vector<1x16xf32>,
      %swap3A_1862 = vector.shape_cast %swap3A_1861 : vector<1x16xf32> to vector<16xf32>
      %swap3A_1863 = vector.shape_cast %add3A_1858 : vector<16xf32> to vector<1x16xf32>
      tpu.vector_store %arg29[%swap3A_1859, %swap3A_1860], %swap3A_1863 {strides = array<i32>} : memref<64x384xf32, #tpu.memory_space<vmem>>, vector<1x16xf32>,
      %mul3A_1864 = vector.broadcast %max3A_1846 : f32 to vector<16xf32>
      %mul3A_1865 = arith.mulf %mul3A_1864, %get3A_1435 : vector<16xf32>
      %mul3A_1866 = vector.broadcast %max3A_1852 : f32 to vector<16xf32>
      %mul3A_1867 = arith.mulf %mul3A_1866, %get3A_1459 : vector<16xf32>
      %add3A_1868 = arith.addf %mul3A_1865, %mul3A_1867 : vector<16xf32>
      %add3A_1869 = arith.addf %add3A_1868, %get3A_1483 : vector<16xf32>
      %swap3A_1870 = arith.index_cast %scan3A_1820 : i32 to index
      %swap3A_1871 = arith.constant 16 : index
      %swap3A_1872 = tpu.vector_load %arg29[%swap3A_1870, %swap3A_1871] {strides = array<i32>} : memref<64x384xf32, #tpu.memory_space<vmem>>, vector<1x16xf32>,
      %swap3A_1873 = vector.shape_cast %swap3A_1872 : vector<1x16xf32> to vector<16xf32>
      %swap3A_1874 = vector.shape_cast %add3A_1869 : vector<16xf32> to vector<1x16xf32>
      tpu.vector_store %arg29[%swap3A_1870, %swap3A_1871], %swap3A_1874 {strides = array<i32>} : memref<64x384xf32, #tpu.memory_space<vmem>>, vector<1x16xf32>,
      %mul3A_1875 = vector.broadcast %max3A_1846 : f32 to vector<16xf32>
      %mul3A_1876 = arith.mulf %mul3A_1875, %get3A_1438 : vector<16xf32>
      %mul3A_1877 = vector.broadcast %max3A_1852 : f32 to vector<16xf32>
      %mul3A_1878 = arith.mulf %mul3A_1877, %get3A_1462 : vector<16xf32>
      %add3A_1879 = arith.addf %mul3A_1876, %mul3A_1878 : vector<16xf32>
      %add3A_1880 = arith.addf %add3A_1879, %get3A_1486 : vector<16xf32>
      %swap3A_1881 = arith.index_cast %scan3A_1820 : i32 to index
      %swap3A_1882 = arith.constant 32 : index
      %swap3A_1883 = tpu.vector_load %arg29[%swap3A_1881, %swap3A_1882] {strides = array<i32>} : memref<64x384xf32, #tpu.memory_space<vmem>>, vector<1x16xf32>,
      %swap3A_1884 = vector.shape_cast %swap3A_1883 : vector<1x16xf32> to vector<16xf32>
      %swap3A_1885 = vector.shape_cast %add3A_1880 : vector<16xf32> to vector<1x16xf32>
      tpu.vector_store %arg29[%swap3A_1881, %swap3A_1882], %swap3A_1885 {strides = array<i32>} : memref<64x384xf32, #tpu.memory_space<vmem>>, vector<1x16xf32>,
      %mul3A_1886 = vector.broadcast %max3A_1846 : f32 to vector<16xf32>
      %mul3A_1887 = arith.mulf %mul3A_1886, %get3A_1441 : vector<16xf32>
      %mul3A_1888 = vector.broadcast %max3A_1852 : f32 to vector<16xf32>
      %mul3A_1889 = arith.mulf %mul3A_1888, %get3A_1465 : vector<16xf32>
      %add3A_1890 = arith.addf %mul3A_1887, %mul3A_1889 : vector<16xf32>
      %add3A_1891 = arith.addf %add3A_1890, %get3A_1489 : vector<16xf32>
      %swap3A_1892 = arith.index_cast %scan3A_1820 : i32 to index
      %swap3A_1893 = arith.constant 48 : index
      %swap3A_1894 = tpu.vector_load %arg29[%swap3A_1892, %swap3A_1893] {strides = array<i32>} : memref<64x384xf32, #tpu.memory_space<vmem>>, vector<1x16xf32>,
      %swap3A_1895 = vector.shape_cast %swap3A_1894 : vector<1x16xf32> to vector<16xf32>
      %swap3A_1896 = vector.shape_cast %add3A_1891 : vector<16xf32> to vector<1x16xf32>
      tpu.vector_store %arg29[%swap3A_1892, %swap3A_1893], %swap3A_1896 {strides = array<i32>} : memref<64x384xf32, #tpu.memory_space<vmem>>, vector<1x16xf32>,
      %mul3A_1897 = vector.broadcast %max3A_1846 : f32 to vector<16xf32>
      %mul3A_1898 = arith.mulf %mul3A_1897, %get3A_1444 : vector<16xf32>
      %mul3A_1899 = vector.broadcast %max3A_1852 : f32 to vector<16xf32>
      %mul3A_1900 = arith.mulf %mul3A_1899, %get3A_1468 : vector<16xf32>
      %add3A_1901 = arith.addf %mul3A_1898, %mul3A_1900 : vector<16xf32>
      %add3A_1902 = arith.addf %add3A_1901, %get3A_1492 : vector<16xf32>
      %swap3A_1903 = arith.index_cast %scan3A_1820 : i32 to index
      %swap3A_1904 = arith.constant 64 : index
      %swap3A_1905 = tpu.vector_load %arg29[%swap3A_1903, %swap3A_1904] {strides = array<i32>} : memref<64x384xf32, #tpu.memory_space<vmem>>, vector<1x16xf32>,
      %swap3A_1906 = vector.shape_cast %swap3A_1905 : vector<1x16xf32> to vector<16xf32>
      %swap3A_1907 = vector.shape_cast %add3A_1902 : vector<16xf32> to vector<1x16xf32>
      tpu.vector_store %arg29[%swap3A_1903, %swap3A_1904], %swap3A_1907 {strides = array<i32>} : memref<64x384xf32, #tpu.memory_space<vmem>>, vector<1x16xf32>,
      %mul3A_1908 = vector.broadcast %max3A_1846 : f32 to vector<16xf32>
      %mul3A_1909 = arith.mulf %mul3A_1908, %get3A_1447 : vector<16xf32>
      %mul3A_1910 = vector.broadcast %max3A_1852 : f32 to vector<16xf32>
      %mul3A_1911 = arith.mulf %mul3A_1910, %get3A_1471 : vector<16xf32>
      %add3A_1912 = arith.addf %mul3A_1909, %mul3A_1911 : vector<16xf32>
      %add3A_1913 = arith.addf %add3A_1912, %get3A_1495 : vector<16xf32>
      %swap3A_1914 = arith.index_cast %scan3A_1820 : i32 to index
      %swap3A_1915 = arith.constant 80 : index
      %swap3A_1916 = tpu.vector_load %arg29[%swap3A_1914, %swap3A_1915] {strides = array<i32>} : memref<64x384xf32, #tpu.memory_space<vmem>>, vector<1x16xf32>,
      %swap3A_1917 = vector.shape_cast %swap3A_1916 : vector<1x16xf32> to vector<16xf32>
      %swap3A_1918 = vector.shape_cast %add3A_1913 : vector<16xf32> to vector<1x16xf32>
      tpu.vector_store %arg29[%swap3A_1914, %swap3A_1915], %swap3A_1918 {strides = array<i32>} : memref<64x384xf32, #tpu.memory_space<vmem>>, vector<1x16xf32>,
      %mul3A_1919 = vector.broadcast %max3A_1846 : f32 to vector<16xf32>
      %mul3A_1920 = arith.mulf %mul3A_1919, %get3A_1450 : vector<16xf32>
      %mul3A_1921 = vector.broadcast %max3A_1852 : f32 to vector<16xf32>
      %mul3A_1922 = arith.mulf %mul3A_1921, %get3A_1474 : vector<16xf32>
      %add3A_1923 = arith.addf %mul3A_1920, %mul3A_1922 : vector<16xf32>
      %add3A_1924 = arith.addf %add3A_1923, %get3A_1498 : vector<16xf32>
      %swap3A_1925 = arith.index_cast %scan3A_1820 : i32 to index
      %swap3A_1926 = arith.constant 96 : index
      %swap3A_1927 = tpu.vector_load %arg29[%swap3A_1925, %swap3A_1926] {strides = array<i32>} : memref<64x384xf32, #tpu.memory_space<vmem>>, vector<1x16xf32>,
      %swap3A_1928 = vector.shape_cast %swap3A_1927 : vector<1x16xf32> to vector<16xf32>
      %swap3A_1929 = vector.shape_cast %add3A_1924 : vector<16xf32> to vector<1x16xf32>
      tpu.vector_store %arg29[%swap3A_1925, %swap3A_1926], %swap3A_1929 {strides = array<i32>} : memref<64x384xf32, #tpu.memory_space<vmem>>, vector<1x16xf32>,
      %mul3A_1930 = vector.broadcast %max3A_1846 : f32 to vector<16xf32>
      %mul3A_1931 = arith.mulf %mul3A_1930, %get3A_1453 : vector<16xf32>
      %mul3A_1932 = vector.broadcast %max3A_1852 : f32 to vector<16xf32>
      %mul3A_1933 = arith.mulf %mul3A_1932, %get3A_1477 : vector<16xf32>
      %add3A_1934 = arith.addf %mul3A_1931, %mul3A_1933 : vector<16xf32>
      %add3A_1935 = arith.addf %add3A_1934, %get3A_1501 : vector<16xf32>
      %swap3A_1936 = arith.index_cast %scan3A_1820 : i32 to index
      %swap3A_1937 = arith.constant 112 : index
      %swap3A_1938 = tpu.vector_load %arg29[%swap3A_1936, %swap3A_1937] {strides = array<i32>} : memref<64x384xf32, #tpu.memory_space<vmem>>, vector<1x16xf32>,
      %swap3A_1939 = vector.shape_cast %swap3A_1938 : vector<1x16xf32> to vector<16xf32>
      %swap3A_1940 = vector.shape_cast %add3A_1935 : vector<16xf32> to vector<1x16xf32>
      tpu.vector_store %arg29[%swap3A_1936, %swap3A_1937], %swap3A_1940 {strides = array<i32>} : memref<64x384xf32, #tpu.memory_space<vmem>>, vector<1x16xf32>,
    }
    %scan3A_1713 = arith.constant 64 : i32
    %dma_wait3A_1714 = arith.constant 0 : i32
    %dma_wait3A_1715 = arith.constant 128 : i32
    %dma_wait3A_1716 = tpu.memref_slice %arg29[%dma_wait3A_1714, %dma_wait3A_1715] : memref<64x384xf32, #tpu.memory_space<vmem>> -> memref<64x128xf32, #tpu.memory_space<vmem>>
    %dma_wait3A_1717 = arith.constant 0 : i32
    %dma_wait3A_1718 = arith.constant 0 : i32
    %dma_wait3A_1719 = tpu.memref_slice %arg4[%dma_wait3A_1717, %dma_wait3A_1718] : memref<1056x128xf32, #tpu.memory_space<hbm>> -> memref<1056x128xf32, #tpu.memory_space<hbm>>
    tpu.wait_indirect_dma semaphore(%arg33 : memref<!tpu.dma_semaphore, #tpu.memory_space<semaphore_mem>>) src(%dma_wait3A_1719 : memref<1056x128xf32, #tpu.memory_space<hbm>>) dst(%dma_wait3A_1716 : memref<64x128xf32, #tpu.memory_space<vmem>>)
    %dma_wait3A_1720 = arith.constant 0 : i32
    %dma_wait3A_1721 = arith.constant 256 : i32
    %dma_wait3A_1722 = tpu.memref_slice %arg29[%dma_wait3A_1720, %dma_wait3A_1721] : memref<64x384xf32, #tpu.memory_space<vmem>> -> memref<64x128xf32, #tpu.memory_space<vmem>>
    %dma_wait3A_1723 = arith.constant 0 : i32
    %dma_wait3A_1724 = arith.constant 0 : i32
    %dma_wait3A_1725 = tpu.memref_slice %arg5[%dma_wait3A_1723, %dma_wait3A_1724] : memref<1056x128xf32, #tpu.memory_space<hbm>> -> memref<1056x128xf32, #tpu.memory_space<hbm>>
    tpu.wait_indirect_dma semaphore(%arg33 : memref<!tpu.dma_semaphore, #tpu.memory_space<semaphore_mem>>) src(%dma_wait3A_1725 : memref<1056x128xf32, #tpu.memory_space<hbm>>) dst(%dma_wait3A_1722 : memref<64x128xf32, #tpu.memory_space<vmem>>)
    %add3A_1726 = arith.constant 256 : i32
    %add3A_1727 = arith.addi %mul3A_2, %add3A_1726 : i32
    %dma_start3A_1728 = arith.constant 0 : i32
    %dma_start3A_1729 = tpu.memref_slice %arg8[%add3A_1727, %dma_start3A_1728] : memref<16384x384xf32, #tpu.memory_space<hbm>> -> memref<64x384xf32, #tpu.memory_space<hbm>>
    %dma_start3A_1730 = arith.constant 0 : i32
    %dma_start3A_1731 = tpu.memref_slice %arg8[%add3A_1727, %dma_start3A_1730] : memref<16384x384xf32, #tpu.memory_space<hbm>> -> memref<64x384xf32, #tpu.memory_space<hbm>>
    tpu.enqueue_dma source(%arg29 : memref<64x384xf32, #tpu.memory_space<vmem>>) target(%dma_start3A_1731 : memref<64x384xf32, #tpu.memory_space<hbm>>) target_semaphore(%arg34 : memref<!tpu.dma_semaphore, #tpu.memory_space<semaphore_mem>>)
    %scan3A_1732 = arith.constant 0 : i32
    %scan3A_1733 = arith.constant 0 : i32
    %scan3A_1734 = arith.constant 64 : i32
    %scan3A_1735 = arith.addi %scan3A_1733, %scan3A_1734 : i32
    %scan3A_1736 = arith.constant 1 : i32
    scf.for %scan3A_1820 = %scan3A_1733 to %scan3A_1735 step %scan3A_1736  : i32 {
      %add3A_1821 = arith.constant 320 : i32
      %add3A_1822 = arith.addi %add3A_1821, %scan3A_1820 : i32
      %get3A_1823 = arith.index_cast %add3A_1822 : i32 to index
      %get3A_1824 = tpu.vector_load %arg9[%get3A_1823] {strides = array<i32>} : memref<512xf32, #tpu.memory_space<vmem>>, vector<1xf32>,
      %get3A_1825 = vector.shape_cast %get3A_1824 : vector<1xf32> to vector<1xf32>
      %squeeze3A_1826 = vector.extract %get3A_1825[0] : f32 from vector<1xf32>
      %jit3A_1827 = arith.constant 0.000000e+00 : f32
      %jit3A_1828 = arith.constant 1.000000e+00 : f32
      %max3A_1829 = arith.maximumf %jit3A_1827, %squeeze3A_1826 : f32
      %min3A_1830 = arith.minimumf %jit3A_1828, %max3A_1829 : f32
      %add3A_1831 = arith.constant 320 : i32
      %add3A_1832 = arith.addi %add3A_1831, %scan3A_1820 : i32
      %get3A_1833 = arith.index_cast %add3A_1832 : i32 to index
      %get3A_1834 = tpu.vector_load %arg10[%get3A_1833] {strides = array<i32>} : memref<512xf32, #tpu.memory_space<vmem>>, vector<1xf32>,
      %get3A_1835 = vector.shape_cast %get3A_1834 : vector<1xf32> to vector<1xf32>
      %squeeze3A_1836 = vector.extract %get3A_1835[0] : f32 from vector<1xf32>
      %jit3A_1837 = arith.constant 0.000000e+00 : f32
      %jit3A_1838 = arith.constant 1.000000e+00 : f32
      %max3A_1839 = arith.maximumf %jit3A_1837, %squeeze3A_1836 : f32
      %min3A_1840 = arith.minimumf %jit3A_1838, %max3A_1839 : f32
      %mul3A_1841 = arith.mulf %min3A_1830, %squeeze3A : f32
      %mul3A_1842 = arith.mulf %min3A_1840, %squeeze3A_1417 : f32
      %add3A_1843 = arith.addf %mul3A_1841, %mul3A_1842 : f32
      %add3A_1844 = arith.addf %add3A_1843, %squeeze3A_1425 : f32
      %max3A_1845 = arith.constant 0.000000e+00 : f32
      %max3A_1846 = arith.maximumf %add3A_1844, %max3A_1845 : f32
      %mul3A_1847 = arith.mulf %min3A_1830, %squeeze3A_1413 : f32
      %mul3A_1848 = arith.mulf %min3A_1840, %squeeze3A_1421 : f32
      %add3A_1849 = arith.addf %mul3A_1847, %mul3A_1848 : f32
      %add3A_1850 = arith.addf %add3A_1849, %squeeze3A_1429 : f32
      %max3A_1851 = arith.constant 0.000000e+00 : f32
      %max3A_1852 = arith.maximumf %add3A_1850, %max3A_1851 : f32
      %mul3A_1853 = vector.broadcast %max3A_1846 : f32 to vector<16xf32>
      %mul3A_1854 = arith.mulf %mul3A_1853, %get3A_1432 : vector<16xf32>
      %mul3A_1855 = vector.broadcast %max3A_1852 : f32 to vector<16xf32>
      %mul3A_1856 = arith.mulf %mul3A_1855, %get3A_1456 : vector<16xf32>
      %add3A_1857 = arith.addf %mul3A_1854, %mul3A_1856 : vector<16xf32>
      %add3A_1858 = arith.addf %add3A_1857, %get3A_1480 : vector<16xf32>
      %swap3A_1859 = arith.index_cast %scan3A_1820 : i32 to index
      %swap3A_1860 = arith.constant 0 : index
      %swap3A_1861 = tpu.vector_load %arg30[%swap3A_1859, %swap3A_1860] {strides = array<i32>} : memref<64x384xf32, #tpu.memory_space<vmem>>, vector<1x16xf32>,
      %swap3A_1862 = vector.shape_cast %swap3A_1861 : vector<1x16xf32> to vector<16xf32>
      %swap3A_1863 = vector.shape_cast %add3A_1858 : vector<16xf32> to vector<1x16xf32>
      tpu.vector_store %arg30[%swap3A_1859, %swap3A_1860], %swap3A_1863 {strides = array<i32>} : memref<64x384xf32, #tpu.memory_space<vmem>>, vector<1x16xf32>,
      %mul3A_1864 = vector.broadcast %max3A_1846 : f32 to vector<16xf32>
      %mul3A_1865 = arith.mulf %mul3A_1864, %get3A_1435 : vector<16xf32>
      %mul3A_1866 = vector.broadcast %max3A_1852 : f32 to vector<16xf32>
      %mul3A_1867 = arith.mulf %mul3A_1866, %get3A_1459 : vector<16xf32>
      %add3A_1868 = arith.addf %mul3A_1865, %mul3A_1867 : vector<16xf32>
      %add3A_1869 = arith.addf %add3A_1868, %get3A_1483 : vector<16xf32>
      %swap3A_1870 = arith.index_cast %scan3A_1820 : i32 to index
      %swap3A_1871 = arith.constant 16 : index
      %swap3A_1872 = tpu.vector_load %arg30[%swap3A_1870, %swap3A_1871] {strides = array<i32>} : memref<64x384xf32, #tpu.memory_space<vmem>>, vector<1x16xf32>,
      %swap3A_1873 = vector.shape_cast %swap3A_1872 : vector<1x16xf32> to vector<16xf32>
      %swap3A_1874 = vector.shape_cast %add3A_1869 : vector<16xf32> to vector<1x16xf32>
      tpu.vector_store %arg30[%swap3A_1870, %swap3A_1871], %swap3A_1874 {strides = array<i32>} : memref<64x384xf32, #tpu.memory_space<vmem>>, vector<1x16xf32>,
      %mul3A_1875 = vector.broadcast %max3A_1846 : f32 to vector<16xf32>
      %mul3A_1876 = arith.mulf %mul3A_1875, %get3A_1438 : vector<16xf32>
      %mul3A_1877 = vector.broadcast %max3A_1852 : f32 to vector<16xf32>
      %mul3A_1878 = arith.mulf %mul3A_1877, %get3A_1462 : vector<16xf32>
      %add3A_1879 = arith.addf %mul3A_1876, %mul3A_1878 : vector<16xf32>
      %add3A_1880 = arith.addf %add3A_1879, %get3A_1486 : vector<16xf32>
      %swap3A_1881 = arith.index_cast %scan3A_1820 : i32 to index
      %swap3A_1882 = arith.constant 32 : index
      %swap3A_1883 = tpu.vector_load %arg30[%swap3A_1881, %swap3A_1882] {strides = array<i32>} : memref<64x384xf32, #tpu.memory_space<vmem>>, vector<1x16xf32>,
      %swap3A_1884 = vector.shape_cast %swap3A_1883 : vector<1x16xf32> to vector<16xf32>
      %swap3A_1885 = vector.shape_cast %add3A_1880 : vector<16xf32> to vector<1x16xf32>
      tpu.vector_store %arg30[%swap3A_1881, %swap3A_1882], %swap3A_1885 {strides = array<i32>} : memref<64x384xf32, #tpu.memory_space<vmem>>, vector<1x16xf32>,
      %mul3A_1886 = vector.broadcast %max3A_1846 : f32 to vector<16xf32>
      %mul3A_1887 = arith.mulf %mul3A_1886, %get3A_1441 : vector<16xf32>
      %mul3A_1888 = vector.broadcast %max3A_1852 : f32 to vector<16xf32>
      %mul3A_1889 = arith.mulf %mul3A_1888, %get3A_1465 : vector<16xf32>
      %add3A_1890 = arith.addf %mul3A_1887, %mul3A_1889 : vector<16xf32>
      %add3A_1891 = arith.addf %add3A_1890, %get3A_1489 : vector<16xf32>
      %swap3A_1892 = arith.index_cast %scan3A_1820 : i32 to index
      %swap3A_1893 = arith.constant 48 : index
      %swap3A_1894 = tpu.vector_load %arg30[%swap3A_1892, %swap3A_1893] {strides = array<i32>} : memref<64x384xf32, #tpu.memory_space<vmem>>, vector<1x16xf32>,
      %swap3A_1895 = vector.shape_cast %swap3A_1894 : vector<1x16xf32> to vector<16xf32>
      %swap3A_1896 = vector.shape_cast %add3A_1891 : vector<16xf32> to vector<1x16xf32>
      tpu.vector_store %arg30[%swap3A_1892, %swap3A_1893], %swap3A_1896 {strides = array<i32>} : memref<64x384xf32, #tpu.memory_space<vmem>>, vector<1x16xf32>,
      %mul3A_1897 = vector.broadcast %max3A_1846 : f32 to vector<16xf32>
      %mul3A_1898 = arith.mulf %mul3A_1897, %get3A_1444 : vector<16xf32>
      %mul3A_1899 = vector.broadcast %max3A_1852 : f32 to vector<16xf32>
      %mul3A_1900 = arith.mulf %mul3A_1899, %get3A_1468 : vector<16xf32>
      %add3A_1901 = arith.addf %mul3A_1898, %mul3A_1900 : vector<16xf32>
      %add3A_1902 = arith.addf %add3A_1901, %get3A_1492 : vector<16xf32>
      %swap3A_1903 = arith.index_cast %scan3A_1820 : i32 to index
      %swap3A_1904 = arith.constant 64 : index
      %swap3A_1905 = tpu.vector_load %arg30[%swap3A_1903, %swap3A_1904] {strides = array<i32>} : memref<64x384xf32, #tpu.memory_space<vmem>>, vector<1x16xf32>,
      %swap3A_1906 = vector.shape_cast %swap3A_1905 : vector<1x16xf32> to vector<16xf32>
      %swap3A_1907 = vector.shape_cast %add3A_1902 : vector<16xf32> to vector<1x16xf32>
      tpu.vector_store %arg30[%swap3A_1903, %swap3A_1904], %swap3A_1907 {strides = array<i32>} : memref<64x384xf32, #tpu.memory_space<vmem>>, vector<1x16xf32>,
      %mul3A_1908 = vector.broadcast %max3A_1846 : f32 to vector<16xf32>
      %mul3A_1909 = arith.mulf %mul3A_1908, %get3A_1447 : vector<16xf32>
      %mul3A_1910 = vector.broadcast %max3A_1852 : f32 to vector<16xf32>
      %mul3A_1911 = arith.mulf %mul3A_1910, %get3A_1471 : vector<16xf32>
      %add3A_1912 = arith.addf %mul3A_1909, %mul3A_1911 : vector<16xf32>
      %add3A_1913 = arith.addf %add3A_1912, %get3A_1495 : vector<16xf32>
      %swap3A_1914 = arith.index_cast %scan3A_1820 : i32 to index
      %swap3A_1915 = arith.constant 80 : index
      %swap3A_1916 = tpu.vector_load %arg30[%swap3A_1914, %swap3A_1915] {strides = array<i32>} : memref<64x384xf32, #tpu.memory_space<vmem>>, vector<1x16xf32>,
      %swap3A_1917 = vector.shape_cast %swap3A_1916 : vector<1x16xf32> to vector<16xf32>
      %swap3A_1918 = vector.shape_cast %add3A_1913 : vector<16xf32> to vector<1x16xf32>
      tpu.vector_store %arg30[%swap3A_1914, %swap3A_1915], %swap3A_1918 {strides = array<i32>} : memref<64x384xf32, #tpu.memory_space<vmem>>, vector<1x16xf32>,
      %mul3A_1919 = vector.broadcast %max3A_1846 : f32 to vector<16xf32>
      %mul3A_1920 = arith.mulf %mul3A_1919, %get3A_1450 : vector<16xf32>
      %mul3A_1921 = vector.broadcast %max3A_1852 : f32 to vector<16xf32>
      %mul3A_1922 = arith.mulf %mul3A_1921, %get3A_1474 : vector<16xf32>
      %add3A_1923 = arith.addf %mul3A_1920, %mul3A_1922 : vector<16xf32>
      %add3A_1924 = arith.addf %add3A_1923, %get3A_1498 : vector<16xf32>
      %swap3A_1925 = arith.index_cast %scan3A_1820 : i32 to index
      %swap3A_1926 = arith.constant 96 : index
      %swap3A_1927 = tpu.vector_load %arg30[%swap3A_1925, %swap3A_1926] {strides = array<i32>} : memref<64x384xf32, #tpu.memory_space<vmem>>, vector<1x16xf32>,
      %swap3A_1928 = vector.shape_cast %swap3A_1927 : vector<1x16xf32> to vector<16xf32>
      %swap3A_1929 = vector.shape_cast %add3A_1924 : vector<16xf32> to vector<1x16xf32>
      tpu.vector_store %arg30[%swap3A_1925, %swap3A_1926], %swap3A_1929 {strides = array<i32>} : memref<64x384xf32, #tpu.memory_space<vmem>>, vector<1x16xf32>,
      %mul3A_1930 = vector.broadcast %max3A_1846 : f32 to vector<16xf32>
      %mul3A_1931 = arith.mulf %mul3A_1930, %get3A_1453 : vector<16xf32>
      %mul3A_1932 = vector.broadcast %max3A_1852 : f32 to vector<16xf32>
      %mul3A_1933 = arith.mulf %mul3A_1932, %get3A_1477 : vector<16xf32>
      %add3A_1934 = arith.addf %mul3A_1931, %mul3A_1933 : vector<16xf32>
      %add3A_1935 = arith.addf %add3A_1934, %get3A_1501 : vector<16xf32>
      %swap3A_1936 = arith.index_cast %scan3A_1820 : i32 to index
      %swap3A_1937 = arith.constant 112 : index
      %swap3A_1938 = tpu.vector_load %arg30[%swap3A_1936, %swap3A_1937] {strides = array<i32>} : memref<64x384xf32, #tpu.memory_space<vmem>>, vector<1x16xf32>,
      %swap3A_1939 = vector.shape_cast %swap3A_1938 : vector<1x16xf32> to vector<16xf32>
      %swap3A_1940 = vector.shape_cast %add3A_1935 : vector<16xf32> to vector<1x16xf32>
      tpu.vector_store %arg30[%swap3A_1936, %swap3A_1937], %swap3A_1940 {strides = array<i32>} : memref<64x384xf32, #tpu.memory_space<vmem>>, vector<1x16xf32>,
    }
    %scan3A_1737 = arith.constant 64 : i32
    %dma_wait3A_1738 = arith.constant 0 : i32
    %dma_wait3A_1739 = arith.constant 128 : i32
    %dma_wait3A_1740 = tpu.memref_slice %arg30[%dma_wait3A_1738, %dma_wait3A_1739] : memref<64x384xf32, #tpu.memory_space<vmem>> -> memref<64x128xf32, #tpu.memory_space<vmem>>
    %dma_wait3A_1741 = arith.constant 0 : i32
    %dma_wait3A_1742 = arith.constant 0 : i32
    %dma_wait3A_1743 = tpu.memref_slice %arg4[%dma_wait3A_1741, %dma_wait3A_1742] : memref<1056x128xf32, #tpu.memory_space<hbm>> -> memref<1056x128xf32, #tpu.memory_space<hbm>>
    tpu.wait_indirect_dma semaphore(%arg33 : memref<!tpu.dma_semaphore, #tpu.memory_space<semaphore_mem>>) src(%dma_wait3A_1743 : memref<1056x128xf32, #tpu.memory_space<hbm>>) dst(%dma_wait3A_1740 : memref<64x128xf32, #tpu.memory_space<vmem>>)
    %dma_wait3A_1744 = arith.constant 0 : i32
    %dma_wait3A_1745 = arith.constant 256 : i32
    %dma_wait3A_1746 = tpu.memref_slice %arg30[%dma_wait3A_1744, %dma_wait3A_1745] : memref<64x384xf32, #tpu.memory_space<vmem>> -> memref<64x128xf32, #tpu.memory_space<vmem>>
    %dma_wait3A_1747 = arith.constant 0 : i32
    %dma_wait3A_1748 = arith.constant 0 : i32
    %dma_wait3A_1749 = tpu.memref_slice %arg5[%dma_wait3A_1747, %dma_wait3A_1748] : memref<1056x128xf32, #tpu.memory_space<hbm>> -> memref<1056x128xf32, #tpu.memory_space<hbm>>
    tpu.wait_indirect_dma semaphore(%arg33 : memref<!tpu.dma_semaphore, #tpu.memory_space<semaphore_mem>>) src(%dma_wait3A_1749 : memref<1056x128xf32, #tpu.memory_space<hbm>>) dst(%dma_wait3A_1746 : memref<64x128xf32, #tpu.memory_space<vmem>>)
    %add3A_1750 = arith.constant 320 : i32
    %add3A_1751 = arith.addi %mul3A_2, %add3A_1750 : i32
    %dma_start3A_1752 = arith.constant 0 : i32
    %dma_start3A_1753 = tpu.memref_slice %arg8[%add3A_1751, %dma_start3A_1752] : memref<16384x384xf32, #tpu.memory_space<hbm>> -> memref<64x384xf32, #tpu.memory_space<hbm>>
    %dma_start3A_1754 = arith.constant 0 : i32
    %dma_start3A_1755 = tpu.memref_slice %arg8[%add3A_1751, %dma_start3A_1754] : memref<16384x384xf32, #tpu.memory_space<hbm>> -> memref<64x384xf32, #tpu.memory_space<hbm>>
    tpu.enqueue_dma source(%arg30 : memref<64x384xf32, #tpu.memory_space<vmem>>) target(%dma_start3A_1755 : memref<64x384xf32, #tpu.memory_space<hbm>>) target_semaphore(%arg34 : memref<!tpu.dma_semaphore, #tpu.memory_space<semaphore_mem>>)
    %scan3A_1756 = arith.constant 0 : i32
    %scan3A_1757 = arith.constant 0 : i32
    %scan3A_1758 = arith.constant 64 : i32
    %scan3A_1759 = arith.addi %scan3A_1757, %scan3A_1758 : i32
    %scan3A_1760 = arith.constant 1 : i32
    scf.for %scan3A_1820 = %scan3A_1757 to %scan3A_1759 step %scan3A_1760  : i32 {
      %add3A_1821 = arith.constant 384 : i32
      %add3A_1822 = arith.addi %add3A_1821, %scan3A_1820 : i32
      %get3A_1823 = arith.index_cast %add3A_1822 : i32 to index
      %get3A_1824 = tpu.vector_load %arg9[%get3A_1823] {strides = array<i32>} : memref<512xf32, #tpu.memory_space<vmem>>, vector<1xf32>,
      %get3A_1825 = vector.shape_cast %get3A_1824 : vector<1xf32> to vector<1xf32>
      %squeeze3A_1826 = vector.extract %get3A_1825[0] : f32 from vector<1xf32>
      %jit3A_1827 = arith.constant 0.000000e+00 : f32
      %jit3A_1828 = arith.constant 1.000000e+00 : f32
      %max3A_1829 = arith.maximumf %jit3A_1827, %squeeze3A_1826 : f32
      %min3A_1830 = arith.minimumf %jit3A_1828, %max3A_1829 : f32
      %add3A_1831 = arith.constant 384 : i32
      %add3A_1832 = arith.addi %add3A_1831, %scan3A_1820 : i32
      %get3A_1833 = arith.index_cast %add3A_1832 : i32 to index
      %get3A_1834 = tpu.vector_load %arg10[%get3A_1833] {strides = array<i32>} : memref<512xf32, #tpu.memory_space<vmem>>, vector<1xf32>,
      %get3A_1835 = vector.shape_cast %get3A_1834 : vector<1xf32> to vector<1xf32>
      %squeeze3A_1836 = vector.extract %get3A_1835[0] : f32 from vector<1xf32>
      %jit3A_1837 = arith.constant 0.000000e+00 : f32
      %jit3A_1838 = arith.constant 1.000000e+00 : f32
      %max3A_1839 = arith.maximumf %jit3A_1837, %squeeze3A_1836 : f32
      %min3A_1840 = arith.minimumf %jit3A_1838, %max3A_1839 : f32
      %mul3A_1841 = arith.mulf %min3A_1830, %squeeze3A : f32
      %mul3A_1842 = arith.mulf %min3A_1840, %squeeze3A_1417 : f32
      %add3A_1843 = arith.addf %mul3A_1841, %mul3A_1842 : f32
      %add3A_1844 = arith.addf %add3A_1843, %squeeze3A_1425 : f32
      %max3A_1845 = arith.constant 0.000000e+00 : f32
      %max3A_1846 = arith.maximumf %add3A_1844, %max3A_1845 : f32
      %mul3A_1847 = arith.mulf %min3A_1830, %squeeze3A_1413 : f32
      %mul3A_1848 = arith.mulf %min3A_1840, %squeeze3A_1421 : f32
      %add3A_1849 = arith.addf %mul3A_1847, %mul3A_1848 : f32
      %add3A_1850 = arith.addf %add3A_1849, %squeeze3A_1429 : f32
      %max3A_1851 = arith.constant 0.000000e+00 : f32
      %max3A_1852 = arith.maximumf %add3A_1850, %max3A_1851 : f32
      %mul3A_1853 = vector.broadcast %max3A_1846 : f32 to vector<16xf32>
      %mul3A_1854 = arith.mulf %mul3A_1853, %get3A_1432 : vector<16xf32>
      %mul3A_1855 = vector.broadcast %max3A_1852 : f32 to vector<16xf32>
      %mul3A_1856 = arith.mulf %mul3A_1855, %get3A_1456 : vector<16xf32>
      %add3A_1857 = arith.addf %mul3A_1854, %mul3A_1856 : vector<16xf32>
      %add3A_1858 = arith.addf %add3A_1857, %get3A_1480 : vector<16xf32>
      %swap3A_1859 = arith.index_cast %scan3A_1820 : i32 to index
      %swap3A_1860 = arith.constant 0 : index
      %swap3A_1861 = tpu.vector_load %arg31[%swap3A_1859, %swap3A_1860] {strides = array<i32>} : memref<64x384xf32, #tpu.memory_space<vmem>>, vector<1x16xf32>,
      %swap3A_1862 = vector.shape_cast %swap3A_1861 : vector<1x16xf32> to vector<16xf32>
      %swap3A_1863 = vector.shape_cast %add3A_1858 : vector<16xf32> to vector<1x16xf32>
      tpu.vector_store %arg31[%swap3A_1859, %swap3A_1860], %swap3A_1863 {strides = array<i32>} : memref<64x384xf32, #tpu.memory_space<vmem>>, vector<1x16xf32>,
      %mul3A_1864 = vector.broadcast %max3A_1846 : f32 to vector<16xf32>
      %mul3A_1865 = arith.mulf %mul3A_1864, %get3A_1435 : vector<16xf32>
      %mul3A_1866 = vector.broadcast %max3A_1852 : f32 to vector<16xf32>
      %mul3A_1867 = arith.mulf %mul3A_1866, %get3A_1459 : vector<16xf32>
      %add3A_1868 = arith.addf %mul3A_1865, %mul3A_1867 : vector<16xf32>
      %add3A_1869 = arith.addf %add3A_1868, %get3A_1483 : vector<16xf32>
      %swap3A_1870 = arith.index_cast %scan3A_1820 : i32 to index
      %swap3A_1871 = arith.constant 16 : index
      %swap3A_1872 = tpu.vector_load %arg31[%swap3A_1870, %swap3A_1871] {strides = array<i32>} : memref<64x384xf32, #tpu.memory_space<vmem>>, vector<1x16xf32>,
      %swap3A_1873 = vector.shape_cast %swap3A_1872 : vector<1x16xf32> to vector<16xf32>
      %swap3A_1874 = vector.shape_cast %add3A_1869 : vector<16xf32> to vector<1x16xf32>
      tpu.vector_store %arg31[%swap3A_1870, %swap3A_1871], %swap3A_1874 {strides = array<i32>} : memref<64x384xf32, #tpu.memory_space<vmem>>, vector<1x16xf32>,
      %mul3A_1875 = vector.broadcast %max3A_1846 : f32 to vector<16xf32>
      %mul3A_1876 = arith.mulf %mul3A_1875, %get3A_1438 : vector<16xf32>
      %mul3A_1877 = vector.broadcast %max3A_1852 : f32 to vector<16xf32>
      %mul3A_1878 = arith.mulf %mul3A_1877, %get3A_1462 : vector<16xf32>
      %add3A_1879 = arith.addf %mul3A_1876, %mul3A_1878 : vector<16xf32>
      %add3A_1880 = arith.addf %add3A_1879, %get3A_1486 : vector<16xf32>
      %swap3A_1881 = arith.index_cast %scan3A_1820 : i32 to index
      %swap3A_1882 = arith.constant 32 : index
      %swap3A_1883 = tpu.vector_load %arg31[%swap3A_1881, %swap3A_1882] {strides = array<i32>} : memref<64x384xf32, #tpu.memory_space<vmem>>, vector<1x16xf32>,
      %swap3A_1884 = vector.shape_cast %swap3A_1883 : vector<1x16xf32> to vector<16xf32>
      %swap3A_1885 = vector.shape_cast %add3A_1880 : vector<16xf32> to vector<1x16xf32>
      tpu.vector_store %arg31[%swap3A_1881, %swap3A_1882], %swap3A_1885 {strides = array<i32>} : memref<64x384xf32, #tpu.memory_space<vmem>>, vector<1x16xf32>,
      %mul3A_1886 = vector.broadcast %max3A_1846 : f32 to vector<16xf32>
      %mul3A_1887 = arith.mulf %mul3A_1886, %get3A_1441 : vector<16xf32>
      %mul3A_1888 = vector.broadcast %max3A_1852 : f32 to vector<16xf32>
      %mul3A_1889 = arith.mulf %mul3A_1888, %get3A_1465 : vector<16xf32>
      %add3A_1890 = arith.addf %mul3A_1887, %mul3A_1889 : vector<16xf32>
      %add3A_1891 = arith.addf %add3A_1890, %get3A_1489 : vector<16xf32>
      %swap3A_1892 = arith.index_cast %scan3A_1820 : i32 to index
      %swap3A_1893 = arith.constant 48 : index
      %swap3A_1894 = tpu.vector_load %arg31[%swap3A_1892, %swap3A_1893] {strides = array<i32>} : memref<64x384xf32, #tpu.memory_space<vmem>>, vector<1x16xf32>,
      %swap3A_1895 = vector.shape_cast %swap3A_1894 : vector<1x16xf32> to vector<16xf32>
      %swap3A_1896 = vector.shape_cast %add3A_1891 : vector<16xf32> to vector<1x16xf32>
      tpu.vector_store %arg31[%swap3A_1892, %swap3A_1893], %swap3A_1896 {strides = array<i32>} : memref<64x384xf32, #tpu.memory_space<vmem>>, vector<1x16xf32>,
      %mul3A_1897 = vector.broadcast %max3A_1846 : f32 to vector<16xf32>
      %mul3A_1898 = arith.mulf %mul3A_1897, %get3A_1444 : vector<16xf32>
      %mul3A_1899 = vector.broadcast %max3A_1852 : f32 to vector<16xf32>
      %mul3A_1900 = arith.mulf %mul3A_1899, %get3A_1468 : vector<16xf32>
      %add3A_1901 = arith.addf %mul3A_1898, %mul3A_1900 : vector<16xf32>
      %add3A_1902 = arith.addf %add3A_1901, %get3A_1492 : vector<16xf32>
      %swap3A_1903 = arith.index_cast %scan3A_1820 : i32 to index
      %swap3A_1904 = arith.constant 64 : index
      %swap3A_1905 = tpu.vector_load %arg31[%swap3A_1903, %swap3A_1904] {strides = array<i32>} : memref<64x384xf32, #tpu.memory_space<vmem>>, vector<1x16xf32>,
      %swap3A_1906 = vector.shape_cast %swap3A_1905 : vector<1x16xf32> to vector<16xf32>
      %swap3A_1907 = vector.shape_cast %add3A_1902 : vector<16xf32> to vector<1x16xf32>
      tpu.vector_store %arg31[%swap3A_1903, %swap3A_1904], %swap3A_1907 {strides = array<i32>} : memref<64x384xf32, #tpu.memory_space<vmem>>, vector<1x16xf32>,
      %mul3A_1908 = vector.broadcast %max3A_1846 : f32 to vector<16xf32>
      %mul3A_1909 = arith.mulf %mul3A_1908, %get3A_1447 : vector<16xf32>
      %mul3A_1910 = vector.broadcast %max3A_1852 : f32 to vector<16xf32>
      %mul3A_1911 = arith.mulf %mul3A_1910, %get3A_1471 : vector<16xf32>
      %add3A_1912 = arith.addf %mul3A_1909, %mul3A_1911 : vector<16xf32>
      %add3A_1913 = arith.addf %add3A_1912, %get3A_1495 : vector<16xf32>
      %swap3A_1914 = arith.index_cast %scan3A_1820 : i32 to index
      %swap3A_1915 = arith.constant 80 : index
      %swap3A_1916 = tpu.vector_load %arg31[%swap3A_1914, %swap3A_1915] {strides = array<i32>} : memref<64x384xf32, #tpu.memory_space<vmem>>, vector<1x16xf32>,
      %swap3A_1917 = vector.shape_cast %swap3A_1916 : vector<1x16xf32> to vector<16xf32>
      %swap3A_1918 = vector.shape_cast %add3A_1913 : vector<16xf32> to vector<1x16xf32>
      tpu.vector_store %arg31[%swap3A_1914, %swap3A_1915], %swap3A_1918 {strides = array<i32>} : memref<64x384xf32, #tpu.memory_space<vmem>>, vector<1x16xf32>,
      %mul3A_1919 = vector.broadcast %max3A_1846 : f32 to vector<16xf32>
      %mul3A_1920 = arith.mulf %mul3A_1919, %get3A_1450 : vector<16xf32>
      %mul3A_1921 = vector.broadcast %max3A_1852 : f32 to vector<16xf32>
      %mul3A_1922 = arith.mulf %mul3A_1921, %get3A_1474 : vector<16xf32>
      %add3A_1923 = arith.addf %mul3A_1920, %mul3A_1922 : vector<16xf32>
      %add3A_1924 = arith.addf %add3A_1923, %get3A_1498 : vector<16xf32>
      %swap3A_1925 = arith.index_cast %scan3A_1820 : i32 to index
      %swap3A_1926 = arith.constant 96 : index
      %swap3A_1927 = tpu.vector_load %arg31[%swap3A_1925, %swap3A_1926] {strides = array<i32>} : memref<64x384xf32, #tpu.memory_space<vmem>>, vector<1x16xf32>,
      %swap3A_1928 = vector.shape_cast %swap3A_1927 : vector<1x16xf32> to vector<16xf32>
      %swap3A_1929 = vector.shape_cast %add3A_1924 : vector<16xf32> to vector<1x16xf32>
      tpu.vector_store %arg31[%swap3A_1925, %swap3A_1926], %swap3A_1929 {strides = array<i32>} : memref<64x384xf32, #tpu.memory_space<vmem>>, vector<1x16xf32>,
      %mul3A_1930 = vector.broadcast %max3A_1846 : f32 to vector<16xf32>
      %mul3A_1931 = arith.mulf %mul3A_1930, %get3A_1453 : vector<16xf32>
      %mul3A_1932 = vector.broadcast %max3A_1852 : f32 to vector<16xf32>
      %mul3A_1933 = arith.mulf %mul3A_1932, %get3A_1477 : vector<16xf32>
      %add3A_1934 = arith.addf %mul3A_1931, %mul3A_1933 : vector<16xf32>
      %add3A_1935 = arith.addf %add3A_1934, %get3A_1501 : vector<16xf32>
      %swap3A_1936 = arith.index_cast %scan3A_1820 : i32 to index
      %swap3A_1937 = arith.constant 112 : index
      %swap3A_1938 = tpu.vector_load %arg31[%swap3A_1936, %swap3A_1937] {strides = array<i32>} : memref<64x384xf32, #tpu.memory_space<vmem>>, vector<1x16xf32>,
      %swap3A_1939 = vector.shape_cast %swap3A_1938 : vector<1x16xf32> to vector<16xf32>
      %swap3A_1940 = vector.shape_cast %add3A_1935 : vector<16xf32> to vector<1x16xf32>
      tpu.vector_store %arg31[%swap3A_1936, %swap3A_1937], %swap3A_1940 {strides = array<i32>} : memref<64x384xf32, #tpu.memory_space<vmem>>, vector<1x16xf32>,
    }
    %scan3A_1761 = arith.constant 64 : i32
    %dma_wait3A_1762 = arith.constant 0 : i32
    %dma_wait3A_1763 = arith.constant 128 : i32
    %dma_wait3A_1764 = tpu.memref_slice %arg31[%dma_wait3A_1762, %dma_wait3A_1763] : memref<64x384xf32, #tpu.memory_space<vmem>> -> memref<64x128xf32, #tpu.memory_space<vmem>>
    %dma_wait3A_1765 = arith.constant 0 : i32
    %dma_wait3A_1766 = arith.constant 0 : i32
    %dma_wait3A_1767 = tpu.memref_slice %arg4[%dma_wait3A_1765, %dma_wait3A_1766] : memref<1056x128xf32, #tpu.memory_space<hbm>> -> memref<1056x128xf32, #tpu.memory_space<hbm>>
    tpu.wait_indirect_dma semaphore(%arg33 : memref<!tpu.dma_semaphore, #tpu.memory_space<semaphore_mem>>) src(%dma_wait3A_1767 : memref<1056x128xf32, #tpu.memory_space<hbm>>) dst(%dma_wait3A_1764 : memref<64x128xf32, #tpu.memory_space<vmem>>)
    %dma_wait3A_1768 = arith.constant 0 : i32
    %dma_wait3A_1769 = arith.constant 256 : i32
    %dma_wait3A_1770 = tpu.memref_slice %arg31[%dma_wait3A_1768, %dma_wait3A_1769] : memref<64x384xf32, #tpu.memory_space<vmem>> -> memref<64x128xf32, #tpu.memory_space<vmem>>
    %dma_wait3A_1771 = arith.constant 0 : i32
    %dma_wait3A_1772 = arith.constant 0 : i32
    %dma_wait3A_1773 = tpu.memref_slice %arg5[%dma_wait3A_1771, %dma_wait3A_1772] : memref<1056x128xf32, #tpu.memory_space<hbm>> -> memref<1056x128xf32, #tpu.memory_space<hbm>>
    tpu.wait_indirect_dma semaphore(%arg33 : memref<!tpu.dma_semaphore, #tpu.memory_space<semaphore_mem>>) src(%dma_wait3A_1773 : memref<1056x128xf32, #tpu.memory_space<hbm>>) dst(%dma_wait3A_1770 : memref<64x128xf32, #tpu.memory_space<vmem>>)
    %add3A_1774 = arith.constant 384 : i32
    %add3A_1775 = arith.addi %mul3A_2, %add3A_1774 : i32
    %dma_start3A_1776 = arith.constant 0 : i32
    %dma_start3A_1777 = tpu.memref_slice %arg8[%add3A_1775, %dma_start3A_1776] : memref<16384x384xf32, #tpu.memory_space<hbm>> -> memref<64x384xf32, #tpu.memory_space<hbm>>
    %dma_start3A_1778 = arith.constant 0 : i32
    %dma_start3A_1779 = tpu.memref_slice %arg8[%add3A_1775, %dma_start3A_1778] : memref<16384x384xf32, #tpu.memory_space<hbm>> -> memref<64x384xf32, #tpu.memory_space<hbm>>
    tpu.enqueue_dma source(%arg31 : memref<64x384xf32, #tpu.memory_space<vmem>>) target(%dma_start3A_1779 : memref<64x384xf32, #tpu.memory_space<hbm>>) target_semaphore(%arg34 : memref<!tpu.dma_semaphore, #tpu.memory_space<semaphore_mem>>)
    %scan3A_1780 = arith.constant 0 : i32
    %scan3A_1781 = arith.constant 0 : i32
    %scan3A_1782 = arith.constant 64 : i32
    %scan3A_1783 = arith.addi %scan3A_1781, %scan3A_1782 : i32
    %scan3A_1784 = arith.constant 1 : i32
    scf.for %scan3A_1820 = %scan3A_1781 to %scan3A_1783 step %scan3A_1784  : i32 {
      %add3A_1821 = arith.constant 448 : i32
      %add3A_1822 = arith.addi %add3A_1821, %scan3A_1820 : i32
      %get3A_1823 = arith.index_cast %add3A_1822 : i32 to index
      %get3A_1824 = tpu.vector_load %arg9[%get3A_1823] {strides = array<i32>} : memref<512xf32, #tpu.memory_space<vmem>>, vector<1xf32>,
      %get3A_1825 = vector.shape_cast %get3A_1824 : vector<1xf32> to vector<1xf32>
      %squeeze3A_1826 = vector.extract %get3A_1825[0] : f32 from vector<1xf32>
      %jit3A_1827 = arith.constant 0.000000e+00 : f32
      %jit3A_1828 = arith.constant 1.000000e+00 : f32
      %max3A_1829 = arith.maximumf %jit3A_1827, %squeeze3A_1826 : f32
      %min3A_1830 = arith.minimumf %jit3A_1828, %max3A_1829 : f32
      %add3A_1831 = arith.constant 448 : i32
      %add3A_1832 = arith.addi %add3A_1831, %scan3A_1820 : i32
      %get3A_1833 = arith.index_cast %add3A_1832 : i32 to index
      %get3A_1834 = tpu.vector_load %arg10[%get3A_1833] {strides = array<i32>} : memref<512xf32, #tpu.memory_space<vmem>>, vector<1xf32>,
      %get3A_1835 = vector.shape_cast %get3A_1834 : vector<1xf32> to vector<1xf32>
      %squeeze3A_1836 = vector.extract %get3A_1835[0] : f32 from vector<1xf32>
      %jit3A_1837 = arith.constant 0.000000e+00 : f32
      %jit3A_1838 = arith.constant 1.000000e+00 : f32
      %max3A_1839 = arith.maximumf %jit3A_1837, %squeeze3A_1836 : f32
      %min3A_1840 = arith.minimumf %jit3A_1838, %max3A_1839 : f32
      %mul3A_1841 = arith.mulf %min3A_1830, %squeeze3A : f32
      %mul3A_1842 = arith.mulf %min3A_1840, %squeeze3A_1417 : f32
      %add3A_1843 = arith.addf %mul3A_1841, %mul3A_1842 : f32
      %add3A_1844 = arith.addf %add3A_1843, %squeeze3A_1425 : f32
      %max3A_1845 = arith.constant 0.000000e+00 : f32
      %max3A_1846 = arith.maximumf %add3A_1844, %max3A_1845 : f32
      %mul3A_1847 = arith.mulf %min3A_1830, %squeeze3A_1413 : f32
      %mul3A_1848 = arith.mulf %min3A_1840, %squeeze3A_1421 : f32
      %add3A_1849 = arith.addf %mul3A_1847, %mul3A_1848 : f32
      %add3A_1850 = arith.addf %add3A_1849, %squeeze3A_1429 : f32
      %max3A_1851 = arith.constant 0.000000e+00 : f32
      %max3A_1852 = arith.maximumf %add3A_1850, %max3A_1851 : f32
      %mul3A_1853 = vector.broadcast %max3A_1846 : f32 to vector<16xf32>
      %mul3A_1854 = arith.mulf %mul3A_1853, %get3A_1432 : vector<16xf32>
      %mul3A_1855 = vector.broadcast %max3A_1852 : f32 to vector<16xf32>
      %mul3A_1856 = arith.mulf %mul3A_1855, %get3A_1456 : vector<16xf32>
      %add3A_1857 = arith.addf %mul3A_1854, %mul3A_1856 : vector<16xf32>
      %add3A_1858 = arith.addf %add3A_1857, %get3A_1480 : vector<16xf32>
      %swap3A_1859 = arith.index_cast %scan3A_1820 : i32 to index
      %swap3A_1860 = arith.constant 0 : index
      %swap3A_1861 = tpu.vector_load %arg32[%swap3A_1859, %swap3A_1860] {strides = array<i32>} : memref<64x384xf32, #tpu.memory_space<vmem>>, vector<1x16xf32>,
      %swap3A_1862 = vector.shape_cast %swap3A_1861 : vector<1x16xf32> to vector<16xf32>
      %swap3A_1863 = vector.shape_cast %add3A_1858 : vector<16xf32> to vector<1x16xf32>
      tpu.vector_store %arg32[%swap3A_1859, %swap3A_1860], %swap3A_1863 {strides = array<i32>} : memref<64x384xf32, #tpu.memory_space<vmem>>, vector<1x16xf32>,
      %mul3A_1864 = vector.broadcast %max3A_1846 : f32 to vector<16xf32>
      %mul3A_1865 = arith.mulf %mul3A_1864, %get3A_1435 : vector<16xf32>
      %mul3A_1866 = vector.broadcast %max3A_1852 : f32 to vector<16xf32>
      %mul3A_1867 = arith.mulf %mul3A_1866, %get3A_1459 : vector<16xf32>
      %add3A_1868 = arith.addf %mul3A_1865, %mul3A_1867 : vector<16xf32>
      %add3A_1869 = arith.addf %add3A_1868, %get3A_1483 : vector<16xf32>
      %swap3A_1870 = arith.index_cast %scan3A_1820 : i32 to index
      %swap3A_1871 = arith.constant 16 : index
      %swap3A_1872 = tpu.vector_load %arg32[%swap3A_1870, %swap3A_1871] {strides = array<i32>} : memref<64x384xf32, #tpu.memory_space<vmem>>, vector<1x16xf32>,
      %swap3A_1873 = vector.shape_cast %swap3A_1872 : vector<1x16xf32> to vector<16xf32>
      %swap3A_1874 = vector.shape_cast %add3A_1869 : vector<16xf32> to vector<1x16xf32>
      tpu.vector_store %arg32[%swap3A_1870, %swap3A_1871], %swap3A_1874 {strides = array<i32>} : memref<64x384xf32, #tpu.memory_space<vmem>>, vector<1x16xf32>,
      %mul3A_1875 = vector.broadcast %max3A_1846 : f32 to vector<16xf32>
      %mul3A_1876 = arith.mulf %mul3A_1875, %get3A_1438 : vector<16xf32>
      %mul3A_1877 = vector.broadcast %max3A_1852 : f32 to vector<16xf32>
      %mul3A_1878 = arith.mulf %mul3A_1877, %get3A_1462 : vector<16xf32>
      %add3A_1879 = arith.addf %mul3A_1876, %mul3A_1878 : vector<16xf32>
      %add3A_1880 = arith.addf %add3A_1879, %get3A_1486 : vector<16xf32>
      %swap3A_1881 = arith.index_cast %scan3A_1820 : i32 to index
      %swap3A_1882 = arith.constant 32 : index
      %swap3A_1883 = tpu.vector_load %arg32[%swap3A_1881, %swap3A_1882] {strides = array<i32>} : memref<64x384xf32, #tpu.memory_space<vmem>>, vector<1x16xf32>,
      %swap3A_1884 = vector.shape_cast %swap3A_1883 : vector<1x16xf32> to vector<16xf32>
      %swap3A_1885 = vector.shape_cast %add3A_1880 : vector<16xf32> to vector<1x16xf32>
      tpu.vector_store %arg32[%swap3A_1881, %swap3A_1882], %swap3A_1885 {strides = array<i32>} : memref<64x384xf32, #tpu.memory_space<vmem>>, vector<1x16xf32>,
      %mul3A_1886 = vector.broadcast %max3A_1846 : f32 to vector<16xf32>
      %mul3A_1887 = arith.mulf %mul3A_1886, %get3A_1441 : vector<16xf32>
      %mul3A_1888 = vector.broadcast %max3A_1852 : f32 to vector<16xf32>
      %mul3A_1889 = arith.mulf %mul3A_1888, %get3A_1465 : vector<16xf32>
      %add3A_1890 = arith.addf %mul3A_1887, %mul3A_1889 : vector<16xf32>
      %add3A_1891 = arith.addf %add3A_1890, %get3A_1489 : vector<16xf32>
      %swap3A_1892 = arith.index_cast %scan3A_1820 : i32 to index
      %swap3A_1893 = arith.constant 48 : index
      %swap3A_1894 = tpu.vector_load %arg32[%swap3A_1892, %swap3A_1893] {strides = array<i32>} : memref<64x384xf32, #tpu.memory_space<vmem>>, vector<1x16xf32>,
      %swap3A_1895 = vector.shape_cast %swap3A_1894 : vector<1x16xf32> to vector<16xf32>
      %swap3A_1896 = vector.shape_cast %add3A_1891 : vector<16xf32> to vector<1x16xf32>
      tpu.vector_store %arg32[%swap3A_1892, %swap3A_1893], %swap3A_1896 {strides = array<i32>} : memref<64x384xf32, #tpu.memory_space<vmem>>, vector<1x16xf32>,
      %mul3A_1897 = vector.broadcast %max3A_1846 : f32 to vector<16xf32>
      %mul3A_1898 = arith.mulf %mul3A_1897, %get3A_1444 : vector<16xf32>
      %mul3A_1899 = vector.broadcast %max3A_1852 : f32 to vector<16xf32>
      %mul3A_1900 = arith.mulf %mul3A_1899, %get3A_1468 : vector<16xf32>
      %add3A_1901 = arith.addf %mul3A_1898, %mul3A_1900 : vector<16xf32>
      %add3A_1902 = arith.addf %add3A_1901, %get3A_1492 : vector<16xf32>
      %swap3A_1903 = arith.index_cast %scan3A_1820 : i32 to index
      %swap3A_1904 = arith.constant 64 : index
      %swap3A_1905 = tpu.vector_load %arg32[%swap3A_1903, %swap3A_1904] {strides = array<i32>} : memref<64x384xf32, #tpu.memory_space<vmem>>, vector<1x16xf32>,
      %swap3A_1906 = vector.shape_cast %swap3A_1905 : vector<1x16xf32> to vector<16xf32>
      %swap3A_1907 = vector.shape_cast %add3A_1902 : vector<16xf32> to vector<1x16xf32>
      tpu.vector_store %arg32[%swap3A_1903, %swap3A_1904], %swap3A_1907 {strides = array<i32>} : memref<64x384xf32, #tpu.memory_space<vmem>>, vector<1x16xf32>,
      %mul3A_1908 = vector.broadcast %max3A_1846 : f32 to vector<16xf32>
      %mul3A_1909 = arith.mulf %mul3A_1908, %get3A_1447 : vector<16xf32>
      %mul3A_1910 = vector.broadcast %max3A_1852 : f32 to vector<16xf32>
      %mul3A_1911 = arith.mulf %mul3A_1910, %get3A_1471 : vector<16xf32>
      %add3A_1912 = arith.addf %mul3A_1909, %mul3A_1911 : vector<16xf32>
      %add3A_1913 = arith.addf %add3A_1912, %get3A_1495 : vector<16xf32>
      %swap3A_1914 = arith.index_cast %scan3A_1820 : i32 to index
      %swap3A_1915 = arith.constant 80 : index
      %swap3A_1916 = tpu.vector_load %arg32[%swap3A_1914, %swap3A_1915] {strides = array<i32>} : memref<64x384xf32, #tpu.memory_space<vmem>>, vector<1x16xf32>,
      %swap3A_1917 = vector.shape_cast %swap3A_1916 : vector<1x16xf32> to vector<16xf32>
      %swap3A_1918 = vector.shape_cast %add3A_1913 : vector<16xf32> to vector<1x16xf32>
      tpu.vector_store %arg32[%swap3A_1914, %swap3A_1915], %swap3A_1918 {strides = array<i32>} : memref<64x384xf32, #tpu.memory_space<vmem>>, vector<1x16xf32>,
      %mul3A_1919 = vector.broadcast %max3A_1846 : f32 to vector<16xf32>
      %mul3A_1920 = arith.mulf %mul3A_1919, %get3A_1450 : vector<16xf32>
      %mul3A_1921 = vector.broadcast %max3A_1852 : f32 to vector<16xf32>
      %mul3A_1922 = arith.mulf %mul3A_1921, %get3A_1474 : vector<16xf32>
      %add3A_1923 = arith.addf %mul3A_1920, %mul3A_1922 : vector<16xf32>
      %add3A_1924 = arith.addf %add3A_1923, %get3A_1498 : vector<16xf32>
      %swap3A_1925 = arith.index_cast %scan3A_1820 : i32 to index
      %swap3A_1926 = arith.constant 96 : index
      %swap3A_1927 = tpu.vector_load %arg32[%swap3A_1925, %swap3A_1926] {strides = array<i32>} : memref<64x384xf32, #tpu.memory_space<vmem>>, vector<1x16xf32>,
      %swap3A_1928 = vector.shape_cast %swap3A_1927 : vector<1x16xf32> to vector<16xf32>
      %swap3A_1929 = vector.shape_cast %add3A_1924 : vector<16xf32> to vector<1x16xf32>
      tpu.vector_store %arg32[%swap3A_1925, %swap3A_1926], %swap3A_1929 {strides = array<i32>} : memref<64x384xf32, #tpu.memory_space<vmem>>, vector<1x16xf32>,
      %mul3A_1930 = vector.broadcast %max3A_1846 : f32 to vector<16xf32>
      %mul3A_1931 = arith.mulf %mul3A_1930, %get3A_1453 : vector<16xf32>
      %mul3A_1932 = vector.broadcast %max3A_1852 : f32 to vector<16xf32>
      %mul3A_1933 = arith.mulf %mul3A_1932, %get3A_1477 : vector<16xf32>
      %add3A_1934 = arith.addf %mul3A_1931, %mul3A_1933 : vector<16xf32>
      %add3A_1935 = arith.addf %add3A_1934, %get3A_1501 : vector<16xf32>
      %swap3A_1936 = arith.index_cast %scan3A_1820 : i32 to index
      %swap3A_1937 = arith.constant 112 : index
      %swap3A_1938 = tpu.vector_load %arg32[%swap3A_1936, %swap3A_1937] {strides = array<i32>} : memref<64x384xf32, #tpu.memory_space<vmem>>, vector<1x16xf32>,
      %swap3A_1939 = vector.shape_cast %swap3A_1938 : vector<1x16xf32> to vector<16xf32>
      %swap3A_1940 = vector.shape_cast %add3A_1935 : vector<16xf32> to vector<1x16xf32>
      tpu.vector_store %arg32[%swap3A_1936, %swap3A_1937], %swap3A_1940 {strides = array<i32>} : memref<64x384xf32, #tpu.memory_space<vmem>>, vector<1x16xf32>,
    }
    %scan3A_1785 = arith.constant 64 : i32
    %dma_wait3A_1786 = arith.constant 0 : i32
    %dma_wait3A_1787 = arith.constant 128 : i32
    %dma_wait3A_1788 = tpu.memref_slice %arg32[%dma_wait3A_1786, %dma_wait3A_1787] : memref<64x384xf32, #tpu.memory_space<vmem>> -> memref<64x128xf32, #tpu.memory_space<vmem>>
    %dma_wait3A_1789 = arith.constant 0 : i32
    %dma_wait3A_1790 = arith.constant 0 : i32
    %dma_wait3A_1791 = tpu.memref_slice %arg4[%dma_wait3A_1789, %dma_wait3A_1790] : memref<1056x128xf32, #tpu.memory_space<hbm>> -> memref<1056x128xf32, #tpu.memory_space<hbm>>
    tpu.wait_indirect_dma semaphore(%arg33 : memref<!tpu.dma_semaphore, #tpu.memory_space<semaphore_mem>>) src(%dma_wait3A_1791 : memref<1056x128xf32, #tpu.memory_space<hbm>>) dst(%dma_wait3A_1788 : memref<64x128xf32, #tpu.memory_space<vmem>>)
    %dma_wait3A_1792 = arith.constant 0 : i32
    %dma_wait3A_1793 = arith.constant 256 : i32
    %dma_wait3A_1794 = tpu.memref_slice %arg32[%dma_wait3A_1792, %dma_wait3A_1793] : memref<64x384xf32, #tpu.memory_space<vmem>> -> memref<64x128xf32, #tpu.memory_space<vmem>>
    %dma_wait3A_1795 = arith.constant 0 : i32
    %dma_wait3A_1796 = arith.constant 0 : i32
    %dma_wait3A_1797 = tpu.memref_slice %arg5[%dma_wait3A_1795, %dma_wait3A_1796] : memref<1056x128xf32, #tpu.memory_space<hbm>> -> memref<1056x128xf32, #tpu.memory_space<hbm>>
    tpu.wait_indirect_dma semaphore(%arg33 : memref<!tpu.dma_semaphore, #tpu.memory_space<semaphore_mem>>) src(%dma_wait3A_1797 : memref<1056x128xf32, #tpu.memory_space<hbm>>) dst(%dma_wait3A_1794 : memref<64x128xf32, #tpu.memory_space<vmem>>)
    %add3A_1798 = arith.constant 448 : i32
    %add3A_1799 = arith.addi %mul3A_2, %add3A_1798 : i32
    %dma_start3A_1800 = arith.constant 0 : i32
    %dma_start3A_1801 = tpu.memref_slice %arg8[%add3A_1799, %dma_start3A_1800] : memref<16384x384xf32, #tpu.memory_space<hbm>> -> memref<64x384xf32, #tpu.memory_space<hbm>>
    %dma_start3A_1802 = arith.constant 0 : i32
    %dma_start3A_1803 = tpu.memref_slice %arg8[%add3A_1799, %dma_start3A_1802] : memref<16384x384xf32, #tpu.memory_space<hbm>> -> memref<64x384xf32, #tpu.memory_space<hbm>>
    tpu.enqueue_dma source(%arg32 : memref<64x384xf32, #tpu.memory_space<vmem>>) target(%dma_start3A_1803 : memref<64x384xf32, #tpu.memory_space<hbm>>) target_semaphore(%arg34 : memref<!tpu.dma_semaphore, #tpu.memory_space<semaphore_mem>>)
    %dma_wait3A_1804 = arith.constant 0 : i32
    %dma_wait3A_1805 = tpu.memref_slice %arg8[%add3A_1727, %dma_wait3A_1804] : memref<16384x384xf32, #tpu.memory_space<hbm>> -> memref<64x384xf32, #tpu.memory_space<hbm>>
    %dma_wait3A_1806 = arith.constant 0 : i32
    %dma_wait3A_1807 = tpu.memref_slice %arg8[%add3A_1727, %dma_wait3A_1806] : memref<16384x384xf32, #tpu.memory_space<hbm>> -> memref<64x384xf32, #tpu.memory_space<hbm>>
    tpu.wait_dma2 semaphore(%arg34 : memref<!tpu.dma_semaphore, #tpu.memory_space<semaphore_mem>>) src(%arg29 : memref<64x384xf32, #tpu.memory_space<vmem>>) dst(%dma_wait3A_1807 : memref<64x384xf32, #tpu.memory_space<hbm>>)
    %dma_wait3A_1808 = arith.constant 0 : i32
    %dma_wait3A_1809 = tpu.memref_slice %arg8[%add3A_1751, %dma_wait3A_1808] : memref<16384x384xf32, #tpu.memory_space<hbm>> -> memref<64x384xf32, #tpu.memory_space<hbm>>
    %dma_wait3A_1810 = arith.constant 0 : i32
    %dma_wait3A_1811 = tpu.memref_slice %arg8[%add3A_1751, %dma_wait3A_1810] : memref<16384x384xf32, #tpu.memory_space<hbm>> -> memref<64x384xf32, #tpu.memory_space<hbm>>
    tpu.wait_dma2 semaphore(%arg34 : memref<!tpu.dma_semaphore, #tpu.memory_space<semaphore_mem>>) src(%arg30 : memref<64x384xf32, #tpu.memory_space<vmem>>) dst(%dma_wait3A_1811 : memref<64x384xf32, #tpu.memory_space<hbm>>)
    %dma_wait3A_1812 = arith.constant 0 : i32
    %dma_wait3A_1813 = tpu.memref_slice %arg8[%add3A_1775, %dma_wait3A_1812] : memref<16384x384xf32, #tpu.memory_space<hbm>> -> memref<64x384xf32, #tpu.memory_space<hbm>>
    %dma_wait3A_1814 = arith.constant 0 : i32
    %dma_wait3A_1815 = tpu.memref_slice %arg8[%add3A_1775, %dma_wait3A_1814] : memref<16384x384xf32, #tpu.memory_space<hbm>> -> memref<64x384xf32, #tpu.memory_space<hbm>>
    tpu.wait_dma2 semaphore(%arg34 : memref<!tpu.dma_semaphore, #tpu.memory_space<semaphore_mem>>) src(%arg31 : memref<64x384xf32, #tpu.memory_space<vmem>>) dst(%dma_wait3A_1815 : memref<64x384xf32, #tpu.memory_space<hbm>>)
    %dma_wait3A_1816 = arith.constant 0 : i32
    %dma_wait3A_1817 = tpu.memref_slice %arg8[%add3A_1799, %dma_wait3A_1816] : memref<16384x384xf32, #tpu.memory_space<hbm>> -> memref<64x384xf32, #tpu.memory_space<hbm>>
    %dma_wait3A_1818 = arith.constant 0 : i32
    %dma_wait3A_1819 = tpu.memref_slice %arg8[%add3A_1799, %dma_wait3A_1818] : memref<16384x384xf32, #tpu.memory_space<hbm>> -> memref<64x384xf32, #tpu.memory_space<hbm>>
    tpu.wait_dma2 semaphore(%arg34 : memref<!tpu.dma_semaphore, #tpu.memory_space<semaphore_mem>>) src(%arg32 : memref<64x384xf32, #tpu.memory_space<vmem>>) dst(%dma_wait3A_1819 : memref<64x384xf32, #tpu.memory_space<hbm>>)
    return
  }
}

</mosaic_0001>

<sc_bundles>
// kernel: kernel.3.cloned.1.call-start
scs
__scs_entry_jumppad:
0x0: {  	(pc) =	sbr.rel $0x88, $3  }
0x1: {  	(tag) =	ssettag $0x0;
	lr =	simm.s32 $0x1  }
0x2: {  	[smem:$0x3F99] =	sst lr;
	_ =	strace $0xD0000000  }
0x3: {  	_ = 	snop  }
0x4: {  	_ = 	snop  }
0x5: {  	_ = 	snop  }
0x6: {  	_ = 	snop  }
0x7: {  	_ = 	snop  }
__scs_overlays_trampoline_lowered:
0x8: {  	[smem:$0x3FA8] =	sst s0  }
0x9: {  	[smem:$0x3FA9] =	sst s1  }
0xa: {  	[smem:$0x3FAA] =	sst s2  }
0xb: {  	[smem:$0x3FAB] =	sst s3  }
0xc: {  	[smem:$0x3FAC] =	sst s4  }
0xd: {  	[smem:$0x3FAD] =	sst s5  }
0xe: {  	[smem:$0x3FAE] =	sst s6  }
0xf: {  	[smem:$0x3FAF] =	sst s7  }
0x10: {  	[smem:$0x3FB0] =	sst s8  }
0x11: {  	[smem:$0x3FB1] =	sst s9;
	s0 =	simm.s32 @!p0 $0x0  }
0x12: {  	s1 =	sld [smem:$0x3F97];
	s0 =	simm.s32 @p0 $0x1  }
0x13: {  	[smem:$0x3FB2] =	sst s0;
	s0 =	simm.s32 @!p1 $0x0  }
0x14: {  	s2 =	sld [smem:$0x3F96];
	s0 =	simm.s32 @p1 $0x1  }
0x15: {  	[smem:$0x3FB3] =	sst s0;
	s0 =	simm.s32 @!p2 $0x0  }
0x16: {  	s3 =	sld [smem:$0x3FDB];
	s0 =	simm.s32 @p2 $0x1  }
0x17: {  	s4 =	simm.s32 $0x1BF5;
	[smem:$0x3FB5] =	sst s0  }
0x18: {  	s0 =	sld [smem:$0x3F98];
	_ =	swait.ge [sflag:s4], $0x0  }
0x19: {  	s7 =	sld [smem:$0x3F99]  }
0x1a: {  	s8 =	sadd.s32 $0xFFFFE003, lr  }
0x1b: {  	s9 =	sadd.s32 $0xFFFFFEF7, lr;
	s5 =	simm.s32 $0xFFFFFFFF;
	p2 =	slt.u32 s8, $0xFFFFF086  }
0x1c: {  	p1 =	slt.u32 s9, $0xF7A;
	s5 =	simm.s32 @!p2 $0x0  }
0x1d: {  	s5 =	simm.s32 @p1 $0x1;
	p0 =	seq.s32 s7, s2  }
0x1e: {  	s7 =	smul.u32 @!p0 $0xF7A, s2;
	p2 =	seq.s32 @!p0 s5, $0x0  }
0x1f: {  	s9 =	smul.u32 $0xF7A, s1;
	s8 =	simm.s32 @!p0 $0x1BF5;
	p2 =	por !p2, p0  }
0x20: {  	[sflag:s8] =	ssyncset.s32 @!p0 $0xFFFFF086;
	s6 =	sadd.s32 @!p0 s3, s7;
	s7 =	simm.s32 @!p0 $0x108  }
0x21: {  	s3 =	sadd.s32 s3, s9;
	s6 =	sadd.s32 @!p0 $0x88, s6;
	s7 =	simm.s32 @p2 $0x1082  }
0x22: {  	[simem:s7], [sflag:s8] =	dma.local @!p0 [hbm:s6], $0xF7A  }
0x23: {  	s9 =	sor.u32 $0xD0000000, s2;
	s6 =	simm.s32 $0x108;
	_ =	swait.ge @!p0 [sflag:s8], $0x0  }
0x24: {  	s3 =	sadd.s32 $0x88, s3;
	s6 =	simm.s32 @!p1 $0x1082;
	[sflag:s4] =	ssyncset.s32 $0xFFFFF086  }
0x25: {  	[simem:s6], [sflag:s4] =	dma.local [hbm:s3], $0xF7A  }
0x26: {  	[smem:$0x3F99] =	sst s1;
	(tag) =	ssettag s2;
	_ =	strace s9  }
0x27: {  	s1 =	sld [smem:$0x3FA9]  }
0x28: {  	s2 =	sld [smem:$0x3FAA]  }
0x29: {  	s4 =	sld [smem:$0x3FAC]  }
0x2a: {  	p0 =	seq.s32 s5, $0x0;
	s5 =	sld [smem:$0x3FAD]  }
0x2b: {  	s6 =	sld [smem:$0x3FAE]  }
0x2c: {  	s7 =	sld [smem:$0x3FAF]  }
0x2d: {  	s3 =	simm.s32 $0x108;
	s8 =	sld [smem:$0x3FB0]  }
0x2e: {  	s3 =	simm.s32 @!p0 $0x1082;
	s9 =	sld [smem:$0x3FB1]  }
0x2f: {  	lr =	sadd.s32 s0, s3;
	s0 =	sld [smem:$0x3FA8]  }
0x30: {  	s3 =	sld [smem:$0x3FAB]  }
0x31: {  	[smem:$0x3FB4] =	sst s10  }
0x32: {  	s10 =	sld [smem:$0x3FB2];
	_ =	sdelay $0x3  }
0x33: {  	p0 =	seq.s32 s10, $0x1;
	s10 =	sld [smem:$0x3FB4];
	_ =	sdelay $0x3  }
0x34: {  	[smem:$0x3FB4] =	sst s10  }
0x35: {  	s10 =	sld [smem:$0x3FB3];
	_ =	sdelay $0x3  }
0x36: {  	p1 =	seq.s32 s10, $0x1;
	s10 =	sld [smem:$0x3FB4];
	_ =	sdelay $0x3  }
0x37: {  	[smem:$0x3FB4] =	sst s10  }
0x38: {  	s10 =	sld [smem:$0x3FB5]  }
0x39: {  	_ = 	snop;
	(pc) =	sbr.ind lr, $3  }
0x3a: {  	_ = 	snop  }
0x3b: {  	_ = 	snop  }
0x3c: {  	p2 =	seq.s32 s10, $0x1;
	s10 =	sld [smem:$0x3FB4]  }
0x3d: {  	_ =	shalt  }
0x3e: {  	_ =	shalt  }
0x3f: {  	_ =	shalt  }
0x40: {  	_ =	shalt  }
0x41: {  	_ =	shalt  }
0x42: {  	_ =	shalt  }
0x43: {  	_ =	shalt  }
0x44: {  	_ =	shalt  }
0x45: {  	_ =	shalt  }
0x46: {  	_ =	shalt  }
0x47: {  	_ =	shalt  }
0x48: {  	_ =	shalt  }
0x49: {  	_ =	shalt  }
0x4a: {  	_ =	shalt  }
0x4b: {  	_ =	shalt  }
0x4c: {  	_ =	shalt  }
0x4d: {  	_ =	shalt  }
0x4e: {  	_ =	shalt  }
0x4f: {  	_ =	shalt  }
0x50: {  	_ =	shalt  }
0x51: {  	_ =	shalt  }
0x52: {  	_ =	shalt  }
0x53: {  	_ =	shalt  }
0x54: {  	_ =	shalt  }
0x55: {  	_ =	shalt  }
0x56: {  	_ =	shalt  }
0x57: {  	_ =	shalt  }
0x58: {  	_ =	shalt  }
0x59: {  	_ =	shalt  }
0x5a: {  	_ =	shalt  }
0x5b: {  	_ =	shalt  }
0x5c: {  	_ =	shalt  }
0x5d: {  	_ =	shalt  }
0x5e: {  	_ =	shalt  }
0x5f: {  	_ =	shalt  }
0x60: {  	_ =	shalt  }
0x61: {  	_ =	shalt  }
0x62: {  	_ =	shalt  }
0x63: {  	_ =	shalt  }
0x64: {  	_ =	shalt  }
0x65: {  	_ =	shalt  }
0x66: {  	_ =	shalt  }
0x67: {  	_ =	shalt  }
0x68: {  	_ =	shalt  }
0x69: {  	_ =	shalt  }
0x6a: {  	_ =	shalt  }
0x6b: {  	_ =	shalt  }
0x6c: {  	_ =	shalt  }
0x6d: {  	_ =	shalt  }
0x6e: {  	_ =	shalt  }
0x6f: {  	_ =	shalt  }
0x70: {  	_ =	shalt  }
0x71: {  	_ =	shalt  }
0x72: {  	_ =	shalt  }
0x73: {  	_ =	shalt  }
0x74: {  	_ =	shalt  }
0x75: {  	_ =	shalt  }
0x76: {  	_ =	shalt  }
0x77: {  	_ =	shalt  }
0x78: {  	_ =	shalt  }
0x79: {  	_ =	shalt  }
0x7a: {  	_ =	shalt  }
0x7b: {  	_ =	shalt  }
0x7c: {  	_ =	shalt  }
0x7d: {  	_ =	shalt  }
0x7e: {  	_ =	shalt  }
0x7f: {  	_ =	shalt  }
0x80: {  	_ =	shalt  }
0x81: {  	_ =	shalt  }
0x82: {  	_ =	shalt  }
0x83: {  	_ =	shalt  }
0x84: {  	_ =	shalt  }
0x85: {  	_ =	shalt  }
0x86: {  	_ =	shalt  }
0x87: {  	_ =	shalt  }
.Lfunc_end0:
.L_simem_size_0:
called_computation_lowered:
.L_overlay_start_0:
0x88: {  	s2 =	sld [smem:$0x3FD9]  }
0x89: {  	s3 =	sld [smem:$0x3FFE];
	_ =	sdelay $0x1  }
0x8a: {  	s1 =	srdreg.scid  }
0x8b: {  	s0 =	sand.u32 $0x1, s1  }
0x8c: {  	s17 =	sshll.u32 s0, $0xA;
	s2 =	sadd.s32 s3, s2  }
0x8d: {  	s2 =	sadd.s32 s2, s17  }
0x8e: {  	[smem:$0x3FC0] =	sst s2  }
0x8f: {  	_ = 	snop  }
0x90: {  	s2 =	sld [smem:$0x3FC9]  }
0x91: {  	s18 =	sld [smem:$0x3FC8]  }
0x92: {  	s4 =	sld [smem:$0x3FD0];
	(tm) =	ssettm $0x1  }
0x93: {  	s5 =	sld [smem:$0x3FFB];
	_ =	sdelay $0x3  }
0x94: {  	_ =	strace s5  }
0x95: {  	s5 =	sld [smem:$0x3FFC];
	_ =	sdelay $0x3  }
0x96: {  	_ =	strace s5  }
0x97: {  	s5 =	sld [smem:$0x3FFD];
	_ =	sdelay $0x3  }
0x98: {  	_ =	strace s5  }
0x99: {  	_ =	strace $0x8FFFFFFF  }
0x9a: {  	s19 =	sld [smem:$0x3FDB];
	_ =	sdelay $0x1  }
0x9b: {  	s6 =	simm.s32 $_scs_section_size  }
0x9c: {  	s7 =	simm.s32 $_size__tile_overlayer_lowered;
	s8 =	simm.s32 $_tile_overlayer_lowered  }
0x9d: {  	s22 =	simm.s32 $0x1BFF;
	s21 =	sshll.u32 s8, $0x1;
	s5 =	sadd.s32 s6, s19  }
0x9e: {  	s9 =	simm.s32 $0x0;
	s20 =	sshll.u32 s7, $0x1;
	s7 =	sadd.s32 s21, s5  }
0x9f: {  	[timem:s9], [sflag:s22] =	dma.local [hbm:s7], s20  }
0xa0: {  	_ =	swait.ge [sflag:s22], s20  }
0xa1: {  	s6 =	ssub.s32 $0x0, s20;
	[sflag:s22] =	ssyncset.done $0x0  }
0xa2: {  	[sflag:s22] =	ssyncadd.s32 s6;
	_ =	sdelay $0x1  }
0xa3: {  	s23 =	simm.s32 $0x1B8B  }
0xa4: {  	_ =	swait.ge [sflag:s23], $0x1  }
0xa5: {  	[sflag:s23] =	ssyncset.done $0x0  }
0xa6: {  	s25 =	simm.s32 $0x1B8E;
	s24 =	sld [smem:$0x3FFE];
	[sflag:s23] =	ssyncadd.s32 $0xFFFFFFFF  }
0xa7: {  	s26 =	simm.s32 $execute0_lowered;
	[smem:$0x3FD2] =	sst s25  }
0xa8: {  	s7 =	sshll.u32 s26, $0x1;
	_ =	strace $0x80000046;
	[dreg:$0x1] =	wrdreg $0xFFFFFFFF  }
0xa9: {  	s28 =	simm.s32 $_size_execute0_lowered;
	s5 =	sadd.s32 s5, s7;
	[dreg:$0x0] =	wrdreg $0x0  }
0xaa: {  	s7 =	sshll.u32 s28, $0x1;
	[dreg:$0x2] =	wrdreg s5  }
0xab: {  	[dreg:$0x3] =	wrdreg s7  }
0xac: {  	[dreg:$0x4] =	wrdreg $0xC0  }
0xad: {  	_ =	task [dreg:s9], $0x5FFFF  }
0xae: {  	[dreg:$0x1] =	wrdreg $0xFFFFFFFF  }
0xaf: {  	[dreg:$0x0] =	wrdreg $0x60  }
0xb0: {  	[dreg:$0x2] =	wrdreg s2  }
0xb1: {  	[dreg:$0x3] =	wrdreg s18  }
0xb2: {  	[dreg:$0x4] =	wrdreg s24  }
0xb3: {  	[dreg:$0x5] =	wrdreg s4  }
0xb4: {  	[dreg:$0x6] =	wrdreg $0x9  }
0xb5: {  	_ =	task.clear_ibuf [dreg:s9], $0x7FFFF;
	_ =	strace $0x90000046  }
0xb6: {  	s29 =	simm.s32 $0x9;
	_ =	strace $0x80000048  }
0xb7: {  	_ =	swait.ge [sflag:s29], $0x1  }
0xb8: {  	[sflag:s29] =	ssyncadd.s32 $0xFFFFFFFF  }
0xb9: {  	_ =	strace $0x90000048  }
0xba: {  	_ =	sfence  }
0xbb: {  	s30 =	sld [smem:$0x0];
	_ =	sdelay $0x2  }
0xbc: {  	s31 =	sshll.u32 s1, $0xD;
	s1 =	sshrl.u32 s1, $0x2  }
0xbd: {  	s3 =	sand.u32 $0x4000, s31;
	s1 =	sadd.s32 s1, s30  }
0xbe: {  	s0 =	sor.u32 s3, s0;
	s1 =	sshll.u32 s1, $0x11  }
0xbf: {  	s0 =	sor.u32 s1, s0  }
0xc0: {  	s0 =	sadd.s32 $0x8F2B, s0  }
0xc1: {  	[sflag:s0] =	ssyncadd.remote.s32 $0x1  }
0xc2: {  	_ =	sfence.sel $0xFFFF  }
0xc3: {  	[dreg:$0x0] =	wrdreg $0xFFFFFFFF;
	(pc) =	sbr.abs _section_cstart, $3  }
0xc4: {  	[dreg:$0x1] =	wrdreg $0xFFFFFFFF  }
0xc5: {  	_ =	task.clear_ibuf [dreg:s9], $0x2FFFF;
	_ =	strace $0x9FFFFFFF  }
0xc6: {  	(tm) =	ssettm $0x7FFFFFFF  }
0xc7: {  	_ =	shalt  }
tec
execute0_lowered:
.L_overlay_start_1:
0x0: {  	(tag) =	ssettag $0x1  }
0x1: {  	s1 =	rddreg [dreg:$0x0]  }
0x2: {  	s5 =	rddreg [dreg:$0x1]  }
0x3: {  	s0 =	rddreg [dreg:$0x2]  }
0x4: {  	s6 =	rddreg [dreg:$0x3]  }
0x5: {  	s2 =	simm.s32 $0x0;
	s3 =	srdreg.scid;
	s4 =	stileid.u32  }
0x6: {  	s18 =	simm.s32 $0x3;
	s16 =	simm.s32 $0x18A00;
	s31 =	simm.s32 $0x1  }
0x7: {  	[smem:$0x7FF] =	sst s2;
	s7 =	sand.u32 $0x1, s3;
	s8 =	sshll.u32 s4, $0x1  }
0x8: {  	s3 =	sadd.s32 $0x4A00, s0;
	s4 =	sadd.s32 $0x800, s0;
	s9 =	sadd.s32 $0x8C00, s0  }
0x9: {  	s0 =	sadd.s32 $0x8E00, s0;
	_ =	strace $0x80000047;
	s8 =	sor.u32 s7, s8  }
0xa: {  	[dreg:$0x5] =	wrdreg s9;
	s7 =	ssub.s32 $0x2, s7;
	s19 =	smul.u32 $0x6000, s8  }
0xb: {  	[dreg:$0x6] =	wrdreg s0;
	s10 =	smul.u32 $0x30000, s8;
	s11 =	sshll.u32 s8, $0x6  }
0xc: {  	s20 =	sshrl.u32 s7, $0x1;
	s21 =	smul.u32 $0x21, s8;
	s1 =	sadd.s32 s1, s11  }
0xd: {  	s7 =	ssub.s32 s7, s20;
	s5 =	sadd.s32 s5, s11;
	[dreg:$0x7] =	wrdreg s1  }
0xe: {  	s8 =	sadd.s32 s6, s19;
	[dreg:$0x8] =	wrdreg s5;
	s30 =	smax.u32 s7, $0x1  }
0xf: {  	s22 =	sshrl.u32 s10, $0x3;
	s23 =	sadd.s32 $0xC00, s8;
	[dreg:$0x10] =	wrdreg s30  }
0x10: {  	s1 =	sadd.s32 s6, s22;
	s24 =	sadd.s32 $0x1800, s8;
	[dreg:$0x9] =	wrdreg s23  }
0x11: {  	s17 =	simm.s32 $0xE00;
	[dreg:$0xa] =	wrdreg s24;
	s25 =	sadd.s32 $0x2400, s1  }
0x12: {  	s0 =	simm.s32 $0x2;
	s26 =	sadd.s32 $0x3000, s1;
	[dreg:$0xb] =	wrdreg s25  }
0x13: {  	s20 =	simm.s32 $0x12E00;
	s28 =	sadd.s32 $0x3C00, s1;
	[dreg:$0xc] =	wrdreg s26  }
0x14: {  	v3 =	vlaneseq.u32;
	s19 =	simm.s32 $0xCE00;
	s29 =	sadd.s32 $0x4800, s1;
	[dreg:$0xd] =	wrdreg s28  }
0x15: {  	vm0 =	vmmov $0xff;
	v2 =	vshrl.u32 v3, $0x3;
	v0 =	vmov s21;
	s21 =	simm.s32 $0x0;
	s1 =	sadd.s32 $0x5400, s1;
	[dreg:$0xe] =	wrdreg s29  }
0x16: {  	v1 =	vand.u32 $0x7, v3;
	v3 =	vor.u32 $0x8, v3;
	v2 =	vmul.u32 $0x8, v2;
	s6 =	simm.s32 $0x17E00;
	[dreg:$0xf] =	wrdreg s1;
	s1 =	simm.s32 $0x6E00  }
.LBB2_1:
0x17: {  	s5 =	rddreg [dreg:$0x7]  }
0x18: {  	[tilespmem:s2], [sflag:$0x3] =	stream.linear.gather [hbm4b:s5+s2], $0x200, $0x38;
	[tilespmem:$0x18E00] =	vst v63  }
0x19: {  	_ =	swait.ge [sflag:s18], $0x200  }
0x1a: {  	[sflag:s18] =	ssyncset.done $0x0  }
0x1b: {  	s10 =	simm.s32 $0x200;
	s26 =	rddreg [dreg:$0x8];
	[sflag:s18] =	ssyncadd.s32 $0xFFFFFE00  }
0x1c: {  	[tilespmem:s10], [sflag:$0x3] =	stream.linear.gather [hbm4b:s26+s2], $0x200, $0x38;
	[tilespmem:$0x18E00] =	vst v63  }
0x1d: {  	_ =	swait.ge [sflag:s18], $0x200  }
0x1e: {  	[sflag:s18] =	ssyncset.done $0x0  }
0x1f: {  	s7 =	simm.s32 $0x400;
	s30 =	rddreg [dreg:$0x5];
	[sflag:s18] =	ssyncadd.s32 $0xFFFFFE00  }
0x20: {  	[tilespmem:s7], [sflag:$0x3] =	stream.linear.gather [hbm4b:s30+s2], $0x80, $0x38;
	[tilespmem:$0x18E00] =	vst v63  }
0x21: {  	_ =	swait.ge [sflag:s18], $0x80  }
0x22: {  	[sflag:s18] =	ssyncset.done $0x0  }
0x23: {  	s9 =	simm.s32 $0x480;
	s7 =	rddreg [dreg:$0x6];
	[sflag:s18] =	ssyncadd.s32 $0xFFFFFF80  }
0x24: {  	[tilespmem:s9], [sflag:$0x3] =	stream.linear.gather [hbm4b:s7+s2], $0x180, $0x38;
	[tilespmem:$0x18E00] =	vst v63  }
0x25: {  	_ =	swait.ge [sflag:s18], $0x180  }
0x26: {  	[sflag:s18] =	ssyncset.done $0x0  }
0x27: {  	[sflag:s18] =	ssyncadd.s32 $0xFFFFFE80  }
0x28: {  	v4 =	vld [tilespmem:$0x0]  }
0x29: {  	v5 =	vld [tilespmem:$0x200]  }
0x2a: {  	v6 =	vld [tilespmem:$0x10]  }
0x2b: {  	v7 =	vld [tilespmem:$0x210]  }
0x2c: {  	v8 =	vld [tilespmem:$0x20]  }
0x2d: {  	v9 =	vld [tilespmem:$0x220]  }
0x2e: {  	v10 =	vld [tilespmem:$0x30]  }
0x2f: {  	v11 =	vld [tilespmem:$0x230]  }
0x30: {  	v12 =	vld [tilespmem:$0x40]  }
0x31: {  	v13 =	vld [tilespmem:$0x240]  }
0x32: {  	v14 =	vld [tilespmem:$0x50]  }
0x33: {  	v28 =	vld [tilespmem:$0x2B0]  }
0x34: {  	v33 =	vld [tilespmem:$0xE0]  }
0x35: {  	v34 =	vld [tilespmem:$0x2E0]  }
0x36: {  	v43 =	vld [tilespmem:$0xF0]  }
0x37: {  	v35 =	vld [tilespmem:$0x2F0]  }
0x38: {  	v48 =	vld [tilespmem:$0x300];
	v4 =	vmax.f32 v4, $0.0e+00;
	v5 =	vmax.f32 v5, $0.0e+00;
	v6 =	vmax.f32 v6, $0.0e+00  }
0x39: {  	v7 =	vmax.f32 v7, $0.0e+00;
	v8 =	vmax.f32 v8, $0.0e+00;
	v9 =	vmax.f32 v9, $0.0e+00  }
0x3a: {  	v10 =	vmax.f32 v10, $0.0e+00;
	v11 =	vmax.f32 v11, $0.0e+00;
	v12 =	vmax.f32 v12, $0.0e+00  }
0x3b: {  	v13 =	vmax.f32 v13, $0.0e+00;
	v14 =	vmax.f32 v14, $0.0e+00;
	v28 =	vmax.f32 v28, $0.0e+00  }
0x3c: {  	v42 =	vmax.f32 v33, $0.0e+00;
	v34 =	vmax.f32 v34, $0.0e+00;
	v33 =	vmax.f32 v43, $0.0e+00  }
0x3d: {  	v35 =	vmax.f32 v35, $0.0e+00;
	v54 =	vmax.f32 v48, $0.0e+00;
	v4 =	vmin.f32 v4, $1.000000000e+00  }
0x3e: {  	v5 =	vmin.f32 v5, $1.000000000e+00;
	v6 =	vmin.f32 v6, $1.000000000e+00;
	v7 =	vmin.f32 v7, $1.000000000e+00  }
0x3f: {  	v8 =	vmin.f32 v8, $1.000000000e+00;
	v9 =	vmin.f32 v9, $1.000000000e+00;
	v10 =	vmin.f32 v10, $1.000000000e+00  }
0x40: {  	v11 =	vmin.f32 v11, $1.000000000e+00;
	v12 =	vmin.f32 v12, $1.000000000e+00;
	v4 =	vmul.f32 $3.200000000e+01, v4  }
0x41: {  	v13 =	vmin.f32 v13, $1.000000000e+00;
	v5 =	vmul.f32 $3.200000000e+01, v5;
	v6 =	vmul.f32 $3.200000000e+01, v6  }
0x42: {  	v14 =	vmin.f32 v14, $1.000000000e+00;
	v7 =	vmul.f32 $3.200000000e+01, v7;
	v8 =	vmul.f32 $3.200000000e+01, v8  }
0x43: {  	v28 =	vmin.f32 v28, $1.000000000e+00;
	v9 =	vmul.f32 $3.200000000e+01, v9;
	v10 =	vmul.f32 $3.200000000e+01, v10  }
0x44: {  	v34 =	vmin.f32 v34, $1.000000000e+00;
	v11 =	vmul.f32 $3.200000000e+01, v11;
	v12 =	vmul.f32 $3.200000000e+01, v12  }
0x45: {  	v33 =	vmin.f32 v33, $1.000000000e+00;
	v13 =	vmul.f32 $3.200000000e+01, v13;
	v14 =	vmul.f32 $3.200000000e+01, v14  }
0x46: {  	v49 =	vmin.f32 v35, $1.000000000e+00;
	v28 =	vmul.f32 $3.200000000e+01, v28;
	v44 =	vmul.f32 $3.200000000e+01, v34  }
0x47: {  	v56 =	vmin.f32 v54, $1.000000000e+00;
	v33 =	vmul.f32 $3.200000000e+01, v33;
	v51 =	vmul.f32 $3.200000000e+01, v49  }
0x48: {  	v57 =	vmul.f32 $3.200000000e+01, v56;
	v4 =	vtrunc.f32 v4  }
0x49: {  	v45 =	vld [tilespmem:$0x100];
	v5 =	vtrunc.f32 v5;
	v6 =	vtrunc.f32 v6  }
0x4a: {  	v7 =	vtrunc.f32 v7;
	v8 =	vtrunc.f32 v8  }
0x4b: {  	v15 =	vld [tilespmem:$0x250];
	v9 =	vtrunc.f32 v9;
	v10 =	vtrunc.f32 v10  }
0x4c: {  	v17 =	vld [tilespmem:$0x260];
	v11 =	vtrunc.f32 v11;
	v12 =	vtrunc.f32 v12  }
0x4d: {  	v22 =	vld [tilespmem:$0x280];
	v13 =	vtrunc.f32 v13;
	v14 =	vtrunc.f32 v14  }
0x4e: {  	v23 =	vld [tilespmem:$0x290];
	v34 =	vmax.f32 v45, $0.0e+00;
	v28 =	vtrunc.f32 v28;
	v37 =	vtrunc.f32 v44  }
0x4f: {  	v29 =	vld [tilespmem:$0x2C0];
	v34 =	vmin.f32 v34, $1.000000000e+00;
	v33 =	vtrunc.f32 v33;
	v52 =	vtrunc.f32 v51  }
0x50: {  	v15 =	vmax.f32 v15, $0.0e+00;
	v53 =	vmul.f32 $3.200000000e+01, v34;
	v4 =	vcvt.f32.s32 v4  }
0x51: {  	v30 =	vld [tilespmem:$0xD0];
	v17 =	vmax.f32 v17, $0.0e+00;
	v5 =	vcvt.f32.s32 v5;
	v6 =	vcvt.f32.s32 v6  }
0x52: {  	v22 =	vmax.f32 v22, $0.0e+00;
	v7 =	vcvt.f32.s32 v7;
	v8 =	vcvt.f32.s32 v8  }
0x53: {  	v16 =	vld [tilespmem:$0x60];
	v23 =	vmax.f32 v23, $0.0e+00;
	v9 =	vcvt.f32.s32 v9;
	v10 =	vcvt.f32.s32 v10  }
0x54: {  	v29 =	vmax.f32 v29, $0.0e+00;
	v48 =	vld [tilespmem:$0x330];
	v11 =	vcvt.f32.s32 v11;
	v12 =	vcvt.f32.s32 v12  }
0x55: {  	v15 =	vmin.f32 v15, $1.000000000e+00;
	v13 =	vcvt.f32.s32 v13;
	v18 =	vcvt.f32.s32 v14  }
0x56: {  	v30 =	vmax.f32 v30, $0.0e+00;
	v14 =	vmul.f32 $3.200000000e+01, v15;
	v28 =	vcvt.f32.s32 v28  }
0x57: {  	v22 =	vmin.f32 v22, $1.000000000e+00;
	v47 =	vcvt.f32.s32 v37;
	v38 =	vcvt.f32.s32 v33  }
0x58: {  	v15 =	vmax.f32 v16, $0.0e+00;
	v35 =	vcvt.f32.s32 v52;
	v37 =	vtrunc.f32 v57  }
0x59: {  	v54 =	vmax.f32 v48, $0.0e+00;
	v15 =	vmin.f32 v15, $1.000000000e+00;
	vm1 =	vlt.s32 v4, $0x1F  }
0x5a: {  	v37 =	vcvt.f32.s32 v37;
	v4 =	vnsel vm1, $0x1F, v4;
	vm1 =	vlt.s32 v5, $0x1F  }
0x5b: {  	v56 =	vmin.f32 v54, $1.000000000e+00;
	v5 =	vnsel vm1, $0x1F, v5;
	vm1 =	vlt.s32 v6, $0x1F  }
0x5c: {  	v19 =	vtrunc.f32 v14;
	v6 =	vnsel vm1, $0x1F, v6;
	vm1 =	vlt.s32 v7, $0x1F  }
0x5d: {  	v15 =	vmul.f32 $3.200000000e+01, v15;
	v7 =	vnsel vm1, $0x1F, v7;
	vm1 =	vlt.s32 v8, $0x1F  }
0x5e: {  	v16 =	vld [tilespmem:$0x70];
	v4 =	vadd.s32 v0, v4;
	v8 =	vnsel vm1, $0x1F, v8;
	vm1 =	vlt.s32 v9, $0x1F  }
0x5f: {  	v15 =	vtrunc.f32 v15;
	v9 =	vnsel vm1, $0x1F, v9;
	vm1 =	vlt.s32 v10, $0x1F  }
0x60: {  	v5 =	vadd.s32 v0, v5;
	v10 =	vnsel vm1, $0x1F, v10;
	vm1 =	vlt.s32 v11, $0x1F  }
0x61: {  	v20 =	vcvt.f32.s32 v15;
	v11 =	vnsel vm1, $0x1F, v11;
	vm1 =	vlt.s32 v12, $0x1F  }
0x62: {  	v15 =	vmin.f32 v17, $1.000000000e+00;
	v12 =	vnsel vm1, $0x1F, v12;
	vm1 =	vlt.s32 v13, $0x1F  }
0x63: {  	v16 =	vmax.f32 v16, $0.0e+00;
	v13 =	vnsel vm1, $0x1F, v13;
	vm1 =	vlt.s32 v18, $0x1F  }
0x64: {  	v14 =	vadd.s32 v0, v13;
	v13 =	vnsel vm1, $0x1F, v18;
	v18 =	vcvt.f32.s32 v19;
	v19 =	vld [tilespmem:$0x270]  }
0x65: {  	v6 =	vadd.s32 v0, v6;
	v16 =	vmin.f32 v16, $1.000000000e+00;
	v11 =	vadd.s32 v0, v11  }
0x66: {  	v7 =	vadd.s32 v0, v7;
	v8 =	vadd.s32 v0, v8;
	[tilespmem:$0xA30] =	vst v11;
	v11 =	vld [tilespmem:$0x370];
	vm1 =	vlt.s32 v18, $0x1F  }
0x67: {  	v21 =	vld [tilespmem:$0x80];
	v9 =	vadd.s32 v0, v9;
	v17 =	vnsel vm1, $0x1F, v18;
	v18 =	vmul.f32 $3.200000000e+01, v15  }
0x68: {  	v10 =	vadd.s32 v0, v10;
	vm1 =	vlt.s32 v20, $0x1F;
	v15 =	vadd.s32 v0, v17  }
0x69: {  	v17 =	vtrunc.f32 v18;
	v18 =	vmul.f32 $3.200000000e+01, v16;
	v16 =	vmax.f32 v19, $0.0e+00  }
0x6a: {  	v12 =	vadd.s32 v0, v12;
	v19 =	vnsel vm1, $0x1F, v20;
	v20 =	vmin.f32 v16, $1.000000000e+00  }
0x6b: {  	v11 =	vmax.f32 v11, $0.0e+00;
	v16 =	vadd.s32 v0, v19;
	v19 =	vmul.f32 $3.200000000e+01, v20  }
0x6c: {  	v17 =	vcvt.f32.s32 v17;
	v18 =	vtrunc.f32 v18;
	v20 =	vmax.f32 v21, $0.0e+00;
	v21 =	vld [tilespmem:$0x90]  }
0x6d: {  	v18 =	vcvt.f32.s32 v18;
	v20 =	vmin.f32 v20, $1.000000000e+00;
	v19 =	vtrunc.f32 v19  }
0x6e: {  	vm1 =	vlt.s32 v17, $0x1F;
	v20 =	vmul.f32 $3.200000000e+01, v20;
	v19 =	vcvt.f32.s32 v19  }
0x6f: {  	v11 =	vmin.f32 v11, $1.000000000e+00;
	v17 =	vnsel vm1, $0x1F, v17;
	vm1 =	vlt.s32 v18, $0x1F  }
0x70: {  	v18 =	vnsel vm1, $0x1F, v18;
	v20 =	vtrunc.f32 v20;
	vm1 =	vlt.s32 v19, $0x1F  }
0x71: {  	v24 =	vcvt.f32.s32 v20;
	v20 =	vmul.f32 $3.200000000e+01, v22;
	v21 =	vmax.f32 v21, $0.0e+00  }
0x72: {  	v11 =	vmul.f32 $3.200000000e+01, v11;
	v22 =	vld [tilespmem:$0xA0];
	v19 =	vnsel vm1, $0x1F, v19;
	v21 =	vmin.f32 v21, $1.000000000e+00  }
0x73: {  	vm1 =	vlt.s32 v24, $0x1F;
	v25 =	vtrunc.f32 v20;
	v21 =	vmul.f32 $3.200000000e+01, v21  }
0x74: {  	v20 =	vadd.s32 v0, v19;
	v19 =	vnsel vm1, $0x1F, v24;
	v24 =	vcvt.f32.s32 v25;
	v25 =	vld [tilespmem:$0x2A0]  }
0x75: {  	v13 =	vadd.s32 v0, v13;
	v11 =	vtrunc.f32 v11;
	v21 =	vtrunc.f32 v21  }
0x76: {  	v27 =	vld [tilespmem:$0xB0];
	vm1 =	vlt.s32 v24, $0x1F;
	v26 =	vcvt.f32.s32 v21;
	v21 =	vmin.f32 v23, $1.000000000e+00  }
0x77: {  	[tilespmem:$0xA90] =	vst v15;
	v15 =	vld [tilespmem:$0x190];
	v22 =	vmax.f32 v22, $0.0e+00;
	v23 =	vnsel vm1, $0x1F, v24;
	v24 =	vmul.f32 $3.200000000e+01, v21  }
0x78: {  	v22 =	vmin.f32 v22, $1.000000000e+00;
	v21 =	vadd.s32 v0, v23;
	vm1 =	vlt.s32 v26, $0x1F  }
0x79: {  	v23 =	vtrunc.f32 v24;
	v24 =	vmul.f32 $3.200000000e+01, v22;
	v22 =	vmax.f32 v25, $0.0e+00  }
0x7a: {  	v11 =	vcvt.f32.s32 v11;
	v25 =	vnsel vm1, $0x1F, v26;
	v26 =	vmin.f32 v22, $1.000000000e+00  }
0x7b: {  	v22 =	vadd.s32 v0, v25;
	v25 =	vmul.f32 $3.200000000e+01, v26;
	v26 =	vmax.f32 v27, $0.0e+00;
	v27 =	vld [tilespmem:$0xC0]  }
0x7c: {  	v17 =	vadd.s32 v0, v17;
	v15 =	vmax.f32 v15, $0.0e+00;
	v23 =	vcvt.f32.s32 v23  }
0x7d: {  	v18 =	vadd.s32 v0, v18;
	v19 =	vadd.s32 v0, v19;
	v26 =	vmin.f32 v26, $1.000000000e+00  }
0x7e: {  	[tilespmem:$0x700] =	vst v19;
	v19 =	vld [tilespmem:$0x1B0];
	v24 =	vtrunc.f32 v24;
	vm1 =	vlt.s32 v23, $0x1F;
	v26 =	vmul.f32 $3.200000000e+01, v26  }
0x7f: {  	v24 =	vcvt.f32.s32 v24;
	v23 =	vnsel vm1, $0x1F, v23;
	v25 =	vtrunc.f32 v25  }
0x80: {  	v25 =	vcvt.f32.s32 v25;
	v26 =	vtrunc.f32 v26;
	v27 =	vmax.f32 v27, $0.0e+00  }
0x81: {  	vm1 =	vlt.s32 v24, $0x1F;
	v26 =	vcvt.f32.s32 v26;
	v27 =	vmin.f32 v27, $1.000000000e+00  }
0x82: {  	v24 =	vnsel vm1, $0x1F, v24;
	vm1 =	vlt.s32 v25, $0x1F;
	v27 =	vmul.f32 $3.200000000e+01, v27  }
0x83: {  	v31 =	vld [tilespmem:$0x2D0];
	v19 =	vmax.f32 v19, $0.0e+00;
	v25 =	vnsel vm1, $0x1F, v25;
	vm1 =	vlt.s32 v26, $0x1F  }
0x84: {  	v23 =	vadd.s32 v0, v23;
	v26 =	vnsel vm1, $0x1F, v26;
	v27 =	vtrunc.f32 v27  }
0x85: {  	vm1 =	vlt.s32 v28, $0x1F;
	v32 =	vcvt.f32.s32 v27;
	v27 =	vmin.f32 v29, $1.000000000e+00  }
0x86: {  	v24 =	vadd.s32 v0, v24;
	v28 =	vnsel vm1, $0x1F, v28;
	v29 =	vmul.f32 $3.200000000e+01, v27  }
0x87: {  	v27 =	vadd.s32 v0, v28;
	v28 =	vmin.f32 v30, $1.000000000e+00;
	vm1 =	vlt.s32 v32, $0x1F  }
0x88: {  	v30 =	vmul.f32 $3.200000000e+01, v28;
	v28 =	vmax.f32 v31, $0.0e+00;
	v29 =	vtrunc.f32 v29  }
0x89: {  	v59 =	vld [tilespmem:$0x120];
	v39 =	vnsel vm1, $0x1F, v32;
	v40 =	vmin.f32 v28, $1.000000000e+00;
	v32 =	vmin.f32 v42, $1.000000000e+00  }
0x8a: {  	v29 =	vcvt.f32.s32 v29;
	v28 =	vadd.s32 v0, v39;
	v41 =	vmul.f32 $3.200000000e+01, v40;
	v39 =	vld [tilespmem:$0x110]  }
0x8b: {  	v25 =	vadd.s32 v0, v25;
	v30 =	vtrunc.f32 v30;
	v32 =	vmul.f32 $3.200000000e+01, v32;
	v40 =	vld [tilespmem:$0x310]  }
0x8c: {  	v45 =	vld [tilespmem:$0x140];
	v26 =	vadd.s32 v0, v26;
	v30 =	vcvt.f32.s32 v30;
	v31 =	vtrunc.f32 v41  }
0x8d: {  	vm1 =	vlt.s32 v29, $0x1F;
	v32 =	vtrunc.f32 v32;
	v31 =	vcvt.f32.s32 v31  }
0x8e: {  	v29 =	vnsel vm1, $0x1F, v29;
	vm1 =	vlt.s32 v30, $0x1F;
	v36 =	vcvt.f32.s32 v32  }
0x8f: {  	v61 =	vld [tilespmem:$0x130];
	v29 =	vadd.s32 v0, v29;
	v30 =	vnsel vm1, $0x1F, v30;
	vm1 =	vlt.s32 v31, $0x1F  }
0x90: {  	v41 =	vld [tilespmem:$0x320];
	v30 =	vadd.s32 v0, v30;
	v58 =	vmax.f32 v39, $0.0e+00;
	v40 =	vmax.f32 v40, $0.0e+00  }
0x91: {  	v39 =	vmax.f32 v59, $0.0e+00;
	v59 =	vmax.f32 v45, $0.0e+00;
	v31 =	vnsel vm1, $0x1F, v31  }
0x92: {  	vm1 =	vlt.s32 v36, $0x1F;
	v40 =	vmin.f32 v40, $1.000000000e+00;
	v39 =	vmin.f32 v39, $1.000000000e+00  }
0x93: {  	v32 =	vadd.s32 v0, v31;
	v46 =	vnsel vm1, $0x1F, v36;
	v36 =	vtrunc.f32 v53  }
0x94: {  	vm1 =	vlt.s32 v47, $0x1F;
	v60 =	vmul.f32 $3.200000000e+01, v40;
	v39 =	vmul.f32 $3.200000000e+01, v39  }
0x95: {  	v41 =	vmax.f32 v41, $0.0e+00;
	v40 =	vmax.f32 v61, $0.0e+00;
	v31 =	vadd.s32 v0, v46  }
0x96: {  	v50 =	vnsel vm1, $0x1F, v47;
	vm1 =	vlt.s32 v38, $0x1F;
	v36 =	vcvt.f32.s32 v36  }
0x97: {  	v49 =	vmin.f32 v41, $1.000000000e+00;
	v40 =	vmin.f32 v40, $1.000000000e+00;
	v33 =	vadd.s32 v0, v50  }
0x98: {  	v55 =	vnsel vm1, $0x1F, v38;
	vm1 =	vlt.s32 v35, $0x1F;
	v43 =	vtrunc.f32 v60  }
0x99: {  	v38 =	vmin.f32 v58, $1.000000000e+00;
	v39 =	vtrunc.f32 v39;
	v51 =	vmul.f32 $3.200000000e+01, v49  }
0x9a: {  	v53 =	vmul.f32 $3.200000000e+01, v40;
	v58 =	vmul.f32 $3.200000000e+01, v56;
	v34 =	vadd.s32 v0, v55  }
0x9b: {  	v46 =	vld [tilespmem:$0x340];
	v35 =	vnsel vm1, $0x1F, v35;
	vm1 =	vlt.s32 v36, $0x1F;
	v38 =	vmul.f32 $3.200000000e+01, v38  }
0x9c: {  	v60 =	vld [tilespmem:$0x150];
	v63 =	vcvt.f32.s32 v43;
	v44 =	vcvt.f32.s32 v39;
	v35 =	vadd.s32 v0, v35  }
0x9d: {  	v36 =	vnsel vm1, $0x1F, v36;
	vm1 =	vlt.s32 v37, $0x1F;
	v52 =	vtrunc.f32 v51  }
0x9e: {  	v43 =	vtrunc.f32 v58;
	v38 =	vtrunc.f32 v38;
	v36 =	vadd.s32 v0, v36  }
0x9f: {  	v37 =	vnsel vm1, $0x1F, v37;
	v41 =	vcvt.f32.s32 v52;
	v42 =	vcvt.f32.s32 v38  }
0xa0: {  	v47 =	vld [tilespmem:$0x350];
	v43 =	vcvt.f32.s32 v43;
	v38 =	vadd.s32 v0, v37;
	v46 =	vmax.f32 v46, $0.0e+00  }
0xa1: {  	v46 =	vmin.f32 v46, $1.000000000e+00;
	v45 =	vmax.f32 v60, $0.0e+00;
	vm1 =	vlt.s32 v42, $0x1F  }
0xa2: {  	v46 =	vmul.f32 $3.200000000e+01, v46;
	v45 =	vmin.f32 v45, $1.000000000e+00;
	v62 =	vnsel vm1, $0x1F, v42  }
0xa3: {  	v48 =	vld [tilespmem:$0x160];
	vm1 =	vlt.s32 v63, $0x1F;
	v42 =	vtrunc.f32 v53;
	v45 =	vmul.f32 $3.200000000e+01, v45  }
0xa4: {  	v37 =	vadd.s32 v0, v62;
	v50 =	vnsel vm1, $0x1F, v63;
	vm1 =	vlt.s32 v44, $0x1F  }
0xa5: {  	[tilespmem:$0x600] =	vst v4;
	v42 =	vcvt.f32.s32 v42;
	v4 =	vtrunc.f32 v46;
	v62 =	vmax.f32 v47, $0.0e+00  }
0xa6: {  	v39 =	vadd.s32 v0, v50;
	v55 =	vnsel vm1, $0x1F, v44;
	vm1 =	vlt.s32 v41, $0x1F  }
0xa7: {  	[tilespmem:$0x610] =	vst v6;
	v44 =	vmin.f32 v59, $1.000000000e+00;
	v61 =	vcvt.f32.s32 v4;
	v6 =	vtrunc.f32 v45  }
0xa8: {  	v49 =	vmin.f32 v62, $1.000000000e+00;
	v50 =	vmax.f32 v48, $0.0e+00;
	v57 =	vadd.s32 v0, v55  }
0xa9: {  	[tilespmem:$0xA10] =	vst v7;
	v63 =	vld [tilespmem:$0x360];
	v41 =	vnsel vm1, $0x1F, v41;
	vm1 =	vlt.s32 v42, $0x1F;
	v44 =	vmul.f32 $3.200000000e+01, v44  }
0xaa: {  	[tilespmem:$0xA20] =	vst v9;
	v7 =	vcvt.f32.s32 v6;
	v6 =	vmul.f32 $3.200000000e+01, v49;
	v9 =	vmin.f32 v50, $1.000000000e+00  }
0xab: {  	v51 =	vld [tilespmem:$0x170];
	v41 =	vadd.s32 v0, v41;
	v42 =	vnsel vm1, $0x1F, v42;
	v44 =	vtrunc.f32 v44  }
0xac: {  	vm1 =	vlt.s32 v43, $0x1F;
	v9 =	vmul.f32 $3.200000000e+01, v9;
	v44 =	vcvt.f32.s32 v44  }
0xad: {  	[tilespmem:$0xA00] =	vst v5;
	v42 =	vadd.s32 v0, v42;
	v43 =	vnsel vm1, $0x1F, v43;
	v6 =	vtrunc.f32 v6  }
0xae: {  	[tilespmem:$0x630] =	vst v10;
	v10 =	vcvt.f32.s32 v6;
	v52 =	vmax.f32 v63, $0.0e+00;
	vm1 =	vlt.s32 v44, $0x1F  }
0xaf: {  	[tilespmem:$0x620] =	vst v8;
	v9 =	vtrunc.f32 v9;
	v5 =	vnsel vm1, $0x1F, v44;
	vm1 =	vlt.s32 v61, $0x1F  }
0xb0: {  	[tilespmem:$0xA80] =	vst v14;
	v14 =	vcvt.f32.s32 v9;
	v9 =	vmax.f32 v51, $0.0e+00;
	v8 =	vnsel vm1, $0x1F, v61  }
0xb1: {  	[tilespmem:$0x820] =	vst v57;
	v57 =	vld [tilespmem:$0x600];
	vm1 =	vlt.s32 v7, $0x1F;
	v6 =	vadd.s32 v0, v8;
	v8 =	vmin.f32 v52, $1.000000000e+00  }
0xb2: {  	[tilespmem:$0x680] =	vst v12;
	v53 =	vld [tilespmem:$0x180];
	v7 =	vnsel vm1, $0x1F, v7;
	vm1 =	vlt.s32 v10, $0x1F;
	v12 =	vmul.f32 $3.200000000e+01, v8  }
0xb3: {  	v9 =	vmin.f32 v9, $1.000000000e+00;
	v10 =	vnsel vm1, $0x1F, v10;
	v8 =	vadd.s32 v0, v7  }
0xb4: {  	vm1 =	vlt.s32 v14, $0x1F;
	v7 =	vtrunc.f32 v12;
	v12 =	vmul.f32 $3.200000000e+01, v9  }
0xb5: {  	[tilespmem:$0x690] =	vst v13;
	v9 =	vadd.s32 v0, v10;
	v10 =	vnsel vm1, $0x1F, v14;
	v14 =	vld [tilespmem:$0x380];
	v7 =	vcvt.f32.s32 v7  }
0xb6: {  	[tilespmem:$0xBB0] =	vst v35;
	v4 =	vadd.s32 v0, v43;
	v35 =	vperm.xlane v57, v3;
	v12 =	vtrunc.f32 v12  }
0xb7: {  	[tilespmem:$0x6A0] =	vst v16;
	vm1 =	vlt.s32 v7, $0x1F;
	v13 =	vcvt.f32.s32 v12;
	v12 =	vmax.f32 v53, $0.0e+00  }
0xb8: {  	[tilespmem:$0xAA0] =	vst v17;
	v5 =	vadd.s32 v0, v5;
	v7 =	vnsel vm1, $0x1F, v7;
	v12 =	vmin.f32 v12, $1.000000000e+00  }
0xb9: {  	[tilespmem:$0x6B0] =	vst v18;
	vm1 =	vlt.s32 v13, $0x1F;
	v16 =	vmul.f32 $3.200000000e+01, v12;
	v12 =	vadd.s32 v0, v7  }
0xba: {  	v17 =	vld [tilespmem:$0x390];
	[tilespmem:$0xAB0] =	vst v20;
	v14 =	vmax.f32 v14, $0.0e+00;
	v7 =	vnsel vm1, $0x1F, v13;
	vm1 =	vlt.s32 v11, $0x1F  }
0xbb: {  	[tilespmem:$0xB00] =	vst v21;
	v14 =	vmin.f32 v14, $1.000000000e+00;
	v13 =	vadd.s32 v0, v7;
	v7 =	vtrunc.f32 v16  }
0xbc: {  	[tilespmem:$0x710] =	vst v22;
	v11 =	vnsel vm1, $0x1F, v11;
	v14 =	vmul.f32 $3.200000000e+01, v14;
	v16 =	vld [tilespmem:$0x1A0];
	v7 =	vcvt.f32.s32 v7  }
0xbd: {  	[tilespmem:$0xB10] =	vst v23;
	v10 =	vadd.s32 v0, v10;
	v18 =	vadd.s32 v0, v11;
	v11 =	vmin.f32 v15, $1.000000000e+00  }
0xbe: {  	[tilespmem:$0x720] =	vst v24;
	v14 =	vtrunc.f32 v14;
	v11 =	vmul.f32 $3.200000000e+01, v11;
	vm1 =	vlt.s32 v7, $0x1F  }
0xbf: {  	[tilespmem:$0xB20] =	vst v25;
	v15 =	vmax.f32 v17, $0.0e+00;
	v17 =	vld [tilespmem:$0x3A0];
	v14 =	vcvt.f32.s32 v14;
	v7 =	vnsel vm1, $0x1F, v7  }
0xc0: {  	[tilespmem:$0x730] =	vst v26;
	v15 =	vmin.f32 v15, $1.000000000e+00;
	v20 =	vadd.s32 v0, v7;
	v7 =	vtrunc.f32 v11  }
0xc1: {  	[tilespmem:$0xB30] =	vst v27;
	v11 =	vmul.f32 $3.200000000e+01, v15;
	vm1 =	vlt.s32 v14, $0x1F;
	v16 =	vmax.f32 v16, $0.0e+00  }
0xc2: {  	v54 =	vld [tilespmem:$0x3F0];
	[tilespmem:$0x780] =	vst v28;
	v7 =	vcvt.f32.s32 v7;
	v14 =	vnsel vm1, $0x1F, v14;
	v16 =	vmin.f32 v16, $1.000000000e+00  }
0xc3: {  	v21 =	vld [tilespmem:$0x1C0];
	[tilespmem:$0xB80] =	vst v29;
	v11 =	vtrunc.f32 v11;
	v16 =	vmul.f32 $3.200000000e+01, v16;
	v24 =	vadd.s32 v0, v14  }
0xc4: {  	v22 =	vld [tilespmem:$0x3C0];
	[tilespmem:$0x790] =	vst v30;
	v14 =	vmax.f32 v17, $0.0e+00;
	vm1 =	vlt.s32 v7, $0x1F;
	v11 =	vcvt.f32.s32 v11  }
0xc5: {  	[tilespmem:$0xB90] =	vst v32;
	v15 =	vld [tilespmem:$0x3B0];
	v14 =	vmin.f32 v14, $1.000000000e+00;
	v7 =	vnsel vm1, $0x1F, v7;
	v16 =	vtrunc.f32 v16  }
0xc6: {  	v23 =	vld [tilespmem:$0x1D0];
	[tilespmem:$0x7A0] =	vst v31;
	v14 =	vmul.f32 $3.200000000e+01, v14;
	vm1 =	vlt.s32 v11, $0x1F;
	v16 =	vcvt.f32.s32 v16  }
0xc7: {  	v25 =	vld [tilespmem:$0x1E0];
	[tilespmem:$0xBA0] =	vst v33;
	v27 =	vadd.s32 v0, v7;
	v7 =	vnsel vm1, $0x1F, v11;
	v11 =	vmin.f32 v19, $1.000000000e+00  }
0xc8: {  	v26 =	vld [tilespmem:$0x3E0];
	[tilespmem:$0x7B0] =	vst v34;
	v14 =	vtrunc.f32 v14;
	vm1 =	vlt.s32 v16, $0x1F;
	v11 =	vmul.f32 $3.200000000e+01, v11  }
0xc9: {  	v28 =	vld.msk [tilespmem:$0x400], $0x1;
	[tilespmem:$0x800] =	vst v36;
	v55 =	vadd.s32 v0, v7;
	v14 =	vcvt.f32.s32 v14;
	v7 =	vnsel vm1, $0x1F, v16  }
0xca: {  	v29 =	vld.msk [tilespmem:$0x401], $0x1;
	[tilespmem:$0xC00] =	vst v38;
	v56 =	vadd.s32 v0, v7;
	v7 =	vtrunc.f32 v11;
	v11 =	vmax.f32 v15, $0.0e+00  }
0xcb: {  	v30 =	vld.msk [tilespmem:$0x402], $0x1;
	[tilespmem:$0x810] =	vst v37;
	vm1 =	vlt.s32 v14, $0x1F;
	v15 =	vmax.f32 v21, $0.0e+00;
	v11 =	vmin.f32 v11, $1.000000000e+00  }
0xcc: {  	[tilespmem:$0xC10] =	vst v39;
	v19 =	vld [tilespmem:$0x1F0];
	v7 =	vcvt.f32.s32 v7;
	v14 =	vnsel vm1, $0x1F, v14;
	v11 =	vmul.f32 $3.200000000e+01, v11  }
0xcd: {  	v32 =	vld.msk [tilespmem:$0x404], $0x1;
	[tilespmem:$0xC20] =	vst v41;
	v21 =	vadd.s32 v0, v14;
	v14 =	vmin.f32 v15, $1.000000000e+00;
	v15 =	vmax.f32 v22, $0.0e+00  }
0xce: {  	v31 =	vld.msk [tilespmem:$0x403], $0x1;
	[tilespmem:$0xC30] =	vst v4;
	vm1 =	vlt.s32 v7, $0x1F;
	v14 =	vmul.f32 $3.200000000e+01, v14;
	v11 =	vtrunc.f32 v11  }
0xcf: {  	v33 =	vld.msk [tilespmem:$0x405], $0x1;
	[tilespmem:$0x880] =	vst v5;
	v16 =	vnsel vm1, $0x1F, v7;
	v7 =	vmin.f32 v15, $1.000000000e+00;
	v11 =	vcvt.f32.s32 v11  }
0xd0: {  	[tilespmem:$0xC80] =	vst v6;
	v17 =	vld [tilespmem:$0x3D0];
	v15 =	vmax.f32 v23, $0.0e+00;
	v5 =	vtrunc.f32 v14;
	v14 =	vmul.f32 $3.200000000e+01, v7  }
0xd1: {  	v4 =	vld [tilespmem:$0x480];
	[tilespmem:$0x890] =	vst v8;
	v19 =	vmax.f32 v19, $0.0e+00;
	v15 =	vmin.f32 v15, $1.000000000e+00;
	v6 =	vcvt.f32.s32 v5  }
0xd2: {  	v8 =	vld [tilespmem:$0x4B0];
	[tilespmem:$0xC90] =	vst v9;
	v15 =	vmul.f32 $3.200000000e+01, v15;
	vm1 =	vlt.s32 v11, $0x1F;
	v14 =	vtrunc.f32 v14  }
0xd3: {  	[tilespmem:$0xD20] =	vst v21;
	v21 =	vld [tilespmem:$0x550];
	v9 =	vnsel vm1, $0x1F, v11;
	vm1 =	vlt.s32 v6, $0x1F;
	v14 =	vcvt.f32.s32 v14  }
0xd4: {  	[tilespmem:$0x8A0] =	vst v10;
	v7 =	vld [tilespmem:$0x490];
	v22 =	vadd.s32 v0, v16;
	v10 =	vnsel vm1, $0x1F, v6;
	v6 =	vtrunc.f32 v15  }
0xd5: {  	[tilespmem:$0xCA0] =	vst v12;
	v5 =	vld [tilespmem:$0x4A0];
	v15 =	vmax.f32 v17, $0.0e+00;
	vm1 =	vlt.s32 v14, $0x1F;
	v12 =	vcvt.f32.s32 v6  }
0xd6: {  	[tilespmem:$0x8B0] =	vst v13;
	v16 =	vmax.f32 v25, $0.0e+00;
	v11 =	vld [tilespmem:$0x4C0];
	v13 =	vnsel vm1, $0x1F, v14;
	v14 =	vmin.f32 v15, $1.000000000e+00  }
0xd7: {  	[tilespmem:$0x830] =	vst v42;
	v23 =	vadd.s32 v0, v9;
	v9 =	vld [tilespmem:$0x4D0];
	vm1 =	vlt.s32 v12, $0x1F;
	v15 =	vmul.f32 $3.200000000e+01, v14  }
0xd8: {  	[tilespmem:$0x900] =	vst v20;
	v6 =	vld [tilespmem:$0x4E0];
	v17 =	vadd.s32 v0, v10;
	v20 =	vnsel vm1, $0x1F, v12;
	v12 =	vmin.f32 v16, $1.000000000e+00  }
0xd9: {  	[tilespmem:$0xD00] =	vst v24;
	v10 =	vld [tilespmem:$0x4F0];
	v16 =	vmax.f32 v26, $0.0e+00;
	v15 =	vtrunc.f32 v15;
	v24 =	vmul.f32 $3.200000000e+01, v12  }
0xda: {  	[tilespmem:$0xCB0] =	vst v18;
	v14 =	vld [tilespmem:$0x500];
	v25 =	vadd.s32 v0, v20;
	v20 =	vcvt.f32.s32 v15;
	v15 =	vmin.f32 v16, $1.000000000e+00  }
0xdb: {  	[tilespmem:$0x910] =	vst v27;
	v19 =	vmin.f32 v19, $1.000000000e+00;
	v18 =	vadd.s32 v0, v13;
	v13 =	vld [tilespmem:$0x510];
	v26 =	vmul.f32 $3.200000000e+01, v15  }
0xdc: {  	v19 =	vmul.f32 $3.200000000e+01, v19;
	[tilespmem:$0xD80] =	vst v18;
	v18 =	vld [tilespmem:$0x590];
	v24 =	vtrunc.f32 v24  }
0xdd: {  	[tilespmem:$0xD10] =	vst v55;
	v12 =	vld [tilespmem:$0x520];
	v27 =	vcvt.f32.s32 v24;
	v24 =	vtrunc.f32 v26;
	v26 =	vmax.f32 v54, $0.0e+00  }
0xde: {  	[tilespmem:$0x930] =	vst v22;
	v19 =	vtrunc.f32 v19;
	v16 =	vld [tilespmem:$0x530];
	vm1 =	vlt.s32 v20, $0x1F;
	v26 =	vmin.f32 v26, $1.000000000e+00  }
0xdf: {  	[tilespmem:$0xD30] =	vst v23;
	v15 =	vld [tilespmem:$0x540];
	v20 =	vnsel vm1, $0x1F, v20;
	vm1 =	vlt.s32 v27, $0x1F;
	v23 =	vmul.f32 $3.200000000e+01, v26  }
0xe0: {  	[tilespmem:$0x980] =	vst v17;
	v22 =	vcvt.f32.s32 v24;
	v24 =	vld [tilespmem:$0x560];
	v17 =	vnsel vm1, $0x1F, v27;
	v27 =	vcvt.f32.s32 v19  }
0xe1: {  	[tilespmem:$0x920] =	vst v56;
	v58 =	vadd.s32 v0, v20;
	v20 =	vld [tilespmem:$0x580];
	v19 =	vtrunc.f32 v23;
	v23 =	vperm.xlane v57, v1  }
0xe2: {  	[tilespmem:$0x990] =	vst v25;
	v26 =	vld [tilespmem:$0x570];
	vm1 =	vlt.s32 v22, $0x1F;
	v25 =	vadd.s32 v0, v17;
	v59 =	vcvt.f32.s32 v19  }
0xe3: {  	[tilespmem:$0xD90] =	vst v58;
	v17 =	vld [tilespmem:$0x5A0];
	v22 =	vnsel vm1, $0x1F, v22;
	vm1 =	vlt.s32 v27, $0x1F;
	v60 =	vadd.s32 v2, v23  }
0xe4: {  	[tilespmem:$0x9A0] =	vst v25;
	v19 =	vld [tilespmem:$0x5B0];
	v22 =	vadd.s32 v0, v22;
	v23 =	vnsel vm1, $0x1F, v27;
	vm1 =	vlt.s32 v59, $0x1F  }
0xe5: {  	v35 =	vadd.s32 v2, v35;
	v27 =	vld [tilespmem:$0x5C0];
	[tilespmem:$0xDA0] =	vst v22;
	v22 =	vadd.s32 v0, v23;
	v25 =	vnsel vm1, $0x1F, v59  }
0xe6: {  	v23 =	vld [tilespmem:$0x5D0];
	[tilespmem:$0x9B0] =	vst v22;
	v25 =	vadd.s32 v0, v25  }
0xe7: {  	s11 =	simm.s32 $0x1200;
	v22 =	vld [tilespmem:$0x5E0];
	[tilespmem:$0xDB0] =	vst v25  }
0xe8: {  	v25 =	vld [tilespmem:$0x5F0];
	[tilespmem:s11], [sflag:$0x1] =	stream.indirect_vreg.gather [hbm4b:s3+s2], $0x80, v60, vm0, $0xb8  }
0xe9: {  	s12 =	simm.s32 $0x1E00  }
0xea: {  	[tilespmem:s12], [sflag:$0x1] =	stream.indirect_vreg.gather [hbm4b:s3+s2], $0x80, v35, vm0, $0xb8;
	[tilespmem:$0x18E00] =	vst v63  }
0xeb: {  	v34 =	vld [tilespmem:$0x610];
	_ =	sdelay $0x4  }
0xec: {  	v61 =	vperm.xlane v34, v1;
	_ =	sdelay $0x1  }
0xed: {  	v34 =	vperm.xlane v34, v3;
	v35 =	vadd.s32 v2, v61;
	_ =	sdelay $0x1  }
0xee: {  	v34 =	vadd.s32 v2, v34;
	_ =	sdelay $0x1  }
0xef: {  	s13 =	simm.s32 $0x2A00  }
0xf0: {  	[tilespmem:s13], [sflag:$0x1] =	stream.indirect_vreg.gather [hbm4b:s3+s2], $0x80, v35, vm0, $0xb8;
	[tilespmem:$0x18E00] =	vst v63  }
0xf1: {  	s14 =	simm.s32 $0x3600  }
0xf2: {  	[tilespmem:s14], [sflag:$0x1] =	stream.indirect_vreg.gather [hbm4b:s3+s2], $0x80, v34, vm0, $0xb8;
	[tilespmem:$0x18E00] =	vst v63  }
0xf3: {  	v34 =	vld [tilespmem:$0x620];
	_ =	sdelay $0x4  }
0xf4: {  	v62 =	vperm.xlane v34, v1;
	_ =	sdelay $0x1  }
0xf5: {  	v34 =	vperm.xlane v34, v3;
	v35 =	vadd.s32 v2, v62;
	_ =	sdelay $0x1  }
0xf6: {  	v34 =	vadd.s32 v2, v34;
	_ =	sdelay $0x1  }
0xf7: {  	s15 =	simm.s32 $0x4200  }
0xf8: {  	[tilespmem:s15], [sflag:$0x1] =	stream.indirect_vreg.gather [hbm4b:s3+s2], $0x80, v35, vm0, $0xb8;
	[tilespmem:$0x18E00] =	vst v63  }
0xf9: {  	s22 =	simm.s32 $0x4E00  }
0xfa: {  	[tilespmem:s22], [sflag:$0x1] =	stream.indirect_vreg.gather [hbm4b:s3+s2], $0x80, v34, vm0, $0xb8;
	[tilespmem:$0x18E00] =	vst v63  }
0xfb: {  	v34 =	vld [tilespmem:$0x630];
	_ =	sdelay $0x4  }
0xfc: {  	v63 =	vperm.xlane v34, v1;
	_ =	sdelay $0x1  }
0xfd: {  	v34 =	vperm.xlane v34, v3;
	v35 =	vadd.s32 v2, v63;
	_ =	sdelay $0x1  }
0xfe: {  	v34 =	vadd.s32 v2, v34;
	_ =	sdelay $0x1  }
0xff: {  	s23 =	simm.s32 $0x5A00  }
0x100: {  	[tilespmem:s23], [sflag:$0x1] =	stream.indirect_vreg.gather [hbm4b:s3+s2], $0x80, v35, vm0, $0xb8;
	[tilespmem:$0x18E00] =	vst v63  }
0x101: {  	s24 =	simm.s32 $0x6600  }
0x102: {  	[tilespmem:s24], [sflag:$0x1] =	stream.indirect_vreg.gather [hbm4b:s3+s2], $0x80, v34, vm0, $0xb8;
	[tilespmem:$0x18E00] =	vst v63  }
0x103: {  	v34 =	vld [tilespmem:$0xA00];
	_ =	sdelay $0x4  }
0x104: {  	v36 =	vperm.xlane v34, v1;
	_ =	sdelay $0x1  }
0x105: {  	v34 =	vperm.xlane v34, v3;
	v35 =	vadd.s32 v2, v36;
	_ =	sdelay $0x1  }
0x106: {  	v34 =	vadd.s32 v2, v34;
	_ =	sdelay $0x1  }
0x107: {  	s25 =	simm.s32 $0x1600  }
0x108: {  	[tilespmem:s25], [sflag:$0x1] =	stream.indirect_vreg.gather [hbm4b:s4+s2], $0x80, v35, vm0, $0xb8;
	[tilespmem:$0x18E00] =	vst v63  }
0x109: {  	s26 =	simm.s32 $0x2200  }
0x10a: {  	[tilespmem:s26], [sflag:$0x1] =	stream.indirect_vreg.gather [hbm4b:s4+s2], $0x80, v34, vm0, $0xb8;
	[tilespmem:$0x18E00] =	vst v63  }
0x10b: {  	v34 =	vld [tilespmem:$0xA10];
	_ =	sdelay $0x4  }
0x10c: {  	v37 =	vperm.xlane v34, v1;
	_ =	sdelay $0x1  }
0x10d: {  	v34 =	vperm.xlane v34, v3;
	v35 =	vadd.s32 v2, v37;
	_ =	sdelay $0x1  }
0x10e: {  	v34 =	vadd.s32 v2, v34;
	_ =	sdelay $0x1  }
0x10f: {  	s30 =	simm.s32 $0x2E00  }
0x110: {  	[tilespmem:s30], [sflag:$0x1] =	stream.indirect_vreg.gather [hbm4b:s4+s2], $0x80, v35, vm0, $0xb8;
	[tilespmem:$0x18E00] =	vst v63  }
0x111: {  	s7 =	simm.s32 $0x3A00  }
0x112: {  	[tilespmem:s7], [sflag:$0x1] =	stream.indirect_vreg.gather [hbm4b:s4+s2], $0x80, v34, vm0, $0xb8;
	[tilespmem:$0x18E00] =	vst v63  }
0x113: {  	v34 =	vld [tilespmem:$0xA20];
	_ =	sdelay $0x4  }
0x114: {  	v38 =	vperm.xlane v34, v1;
	_ =	sdelay $0x1  }
0x115: {  	v34 =	vperm.xlane v34, v3;
	v35 =	vadd.s32 v2, v38;
	_ =	sdelay $0x1  }
0x116: {  	v34 =	vadd.s32 v2, v34;
	_ =	sdelay $0x1  }
0x117: {  	s9 =	simm.s32 $0x4600  }
0x118: {  	[tilespmem:s9], [sflag:$0x1] =	stream.indirect_vreg.gather [hbm4b:s4+s2], $0x80, v35, vm0, $0xb8;
	[tilespmem:$0x18E00] =	vst v63  }
0x119: {  	s11 =	simm.s32 $0x5200  }
0x11a: {  	[tilespmem:s11], [sflag:$0x1] =	stream.indirect_vreg.gather [hbm4b:s4+s2], $0x80, v34, vm0, $0xb8;
	[tilespmem:$0x18E00] =	vst v63  }
0x11b: {  	v34 =	vld [tilespmem:$0xA30];
	_ =	sdelay $0x4  }
0x11c: {  	v39 =	vperm.xlane v34, v1;
	_ =	sdelay $0x1  }
0x11d: {  	v34 =	vperm.xlane v34, v3;
	v35 =	vadd.s32 v2, v39;
	_ =	sdelay $0x1  }
0x11e: {  	v34 =	vadd.s32 v2, v34;
	_ =	sdelay $0x1  }
0x11f: {  	s12 =	simm.s32 $0x5E00  }
0x120: {  	[tilespmem:s12], [sflag:$0x1] =	stream.indirect_vreg.gather [hbm4b:s4+s2], $0x80, v35, vm0, $0xb8;
	[tilespmem:$0x18E00] =	vst v63  }
0x121: {  	s13 =	simm.s32 $0x6A00  }
0x122: {  	[tilespmem:s13], [sflag:$0x1] =	stream.indirect_vreg.gather [hbm4b:s4+s2], $0x80, v34, vm0, $0xb8;
	[tilespmem:$0x18E00] =	vst v63  }
0x123: {  	v34 =	vld [tilespmem:$0x680];
	_ =	sdelay $0x4  }
0x124: {  	v40 =	vperm.xlane v34, v1;
	_ =	sdelay $0x1  }
0x125: {  	v34 =	vperm.xlane v34, v3;
	v35 =	vadd.s32 v2, v40;
	_ =	sdelay $0x1  }
0x126: {  	v34 =	vadd.s32 v2, v34;
	_ =	sdelay $0x1  }
0x127: {  	s14 =	simm.s32 $0x7200  }
0x128: {  	[tilespmem:s14], [sflag:$0x1] =	stream.indirect_vreg.gather [hbm4b:s3+s2], $0x80, v35, vm0, $0xb8;
	[tilespmem:$0x18E00] =	vst v63  }
0x129: {  	s15 =	simm.s32 $0x7E00  }
0x12a: {  	[tilespmem:s15], [sflag:$0x1] =	stream.indirect_vreg.gather [hbm4b:s3+s2], $0x80, v34, vm0, $0xb8;
	[tilespmem:$0x18E00] =	vst v63  }
0x12b: {  	v34 =	vld [tilespmem:$0x690];
	_ =	sdelay $0x4  }
0x12c: {  	v41 =	vperm.xlane v34, v1;
	_ =	sdelay $0x1  }
0x12d: {  	v34 =	vperm.xlane v34, v3;
	v35 =	vadd.s32 v2, v41;
	_ =	sdelay $0x1  }
0x12e: {  	v34 =	vadd.s32 v2, v34;
	_ =	sdelay $0x1  }
0x12f: {  	s22 =	simm.s32 $0x8A00  }
0x130: {  	[tilespmem:s22], [sflag:$0x1] =	stream.indirect_vreg.gather [hbm4b:s3+s2], $0x80, v35, vm0, $0xb8;
	[tilespmem:$0x18E00] =	vst v63  }
0x131: {  	s23 =	simm.s32 $0x9600  }
0x132: {  	[tilespmem:s23], [sflag:$0x1] =	stream.indirect_vreg.gather [hbm4b:s3+s2], $0x80, v34, vm0, $0xb8;
	[tilespmem:$0x18E00] =	vst v63  }
0x133: {  	v34 =	vld [tilespmem:$0x6A0];
	_ =	sdelay $0x4  }
0x134: {  	v42 =	vperm.xlane v34, v1;
	_ =	sdelay $0x1  }
0x135: {  	v34 =	vperm.xlane v34, v3;
	v35 =	vadd.s32 v2, v42;
	_ =	sdelay $0x1  }
0x136: {  	v34 =	vadd.s32 v2, v34;
	_ =	sdelay $0x1  }
0x137: {  	s24 =	simm.s32 $0xA200  }
0x138: {  	[tilespmem:s24], [sflag:$0x1] =	stream.indirect_vreg.gather [hbm4b:s3+s2], $0x80, v35, vm0, $0xb8;
	[tilespmem:$0x18E00] =	vst v63  }
0x139: {  	s25 =	simm.s32 $0xAE00  }
0x13a: {  	[tilespmem:s25], [sflag:$0x1] =	stream.indirect_vreg.gather [hbm4b:s3+s2], $0x80, v34, vm0, $0xb8;
	[tilespmem:$0x18E00] =	vst v63  }
0x13b: {  	v34 =	vld [tilespmem:$0x6B0];
	_ =	sdelay $0x4  }
0x13c: {  	v43 =	vperm.xlane v34, v1;
	_ =	sdelay $0x1  }
0x13d: {  	v34 =	vperm.xlane v34, v3;
	v35 =	vadd.s32 v2, v43;
	_ =	sdelay $0x1  }
0x13e: {  	v34 =	vadd.s32 v2, v34;
	_ =	sdelay $0x1  }
0x13f: {  	s26 =	simm.s32 $0xBA00  }
0x140: {  	[tilespmem:s26], [sflag:$0x1] =	stream.indirect_vreg.gather [hbm4b:s3+s2], $0x80, v35, vm0, $0xb8;
	[tilespmem:$0x18E00] =	vst v63  }
0x141: {  	s30 =	simm.s32 $0xC600  }
0x142: {  	[tilespmem:s30], [sflag:$0x1] =	stream.indirect_vreg.gather [hbm4b:s3+s2], $0x80, v34, vm0, $0xb8;
	[tilespmem:$0x18E00] =	vst v63  }
0x143: {  	v34 =	vld [tilespmem:$0xA80];
	_ =	sdelay $0x4  }
0x144: {  	v44 =	vperm.xlane v34, v1;
	_ =	sdelay $0x1  }
0x145: {  	v34 =	vperm.xlane v34, v3;
	v35 =	vadd.s32 v2, v44;
	_ =	sdelay $0x1  }
0x146: {  	v34 =	vadd.s32 v2, v34;
	_ =	sdelay $0x1  }
0x147: {  	s7 =	simm.s32 $0x7600  }
0x148: {  	[tilespmem:s7], [sflag:$0x1] =	stream.indirect_vreg.gather [hbm4b:s4+s2], $0x80, v35, vm0, $0xb8;
	[tilespmem:$0x18E00] =	vst v63  }
0x149: {  	s9 =	simm.s32 $0x8200  }
0x14a: {  	[tilespmem:s9], [sflag:$0x1] =	stream.indirect_vreg.gather [hbm4b:s4+s2], $0x80, v34, vm0, $0xb8;
	[tilespmem:$0x18E00] =	vst v63  }
0x14b: {  	v34 =	vld [tilespmem:$0xA90];
	_ =	sdelay $0x4  }
0x14c: {  	v45 =	vperm.xlane v34, v1;
	_ =	sdelay $0x1  }
0x14d: {  	v34 =	vperm.xlane v34, v3;
	v35 =	vadd.s32 v2, v45;
	_ =	sdelay $0x1  }
0x14e: {  	v34 =	vadd.s32 v2, v34;
	_ =	sdelay $0x1  }
0x14f: {  	s11 =	simm.s32 $0x8E00  }
0x150: {  	[tilespmem:s11], [sflag:$0x1] =	stream.indirect_vreg.gather [hbm4b:s4+s2], $0x80, v35, vm0, $0xb8;
	[tilespmem:$0x18E00] =	vst v63  }
0x151: {  	s12 =	simm.s32 $0x9A00  }
0x152: {  	[tilespmem:s12], [sflag:$0x1] =	stream.indirect_vreg.gather [hbm4b:s4+s2], $0x80, v34, vm0, $0xb8;
	[tilespmem:$0x18E00] =	vst v63  }
0x153: {  	v34 =	vld [tilespmem:$0xAA0];
	_ =	sdelay $0x4  }
0x154: {  	v46 =	vperm.xlane v34, v1;
	_ =	sdelay $0x1  }
0x155: {  	v34 =	vperm.xlane v34, v3;
	v35 =	vadd.s32 v2, v46;
	_ =	sdelay $0x1  }
0x156: {  	v34 =	vadd.s32 v2, v34;
	_ =	sdelay $0x1  }
0x157: {  	s13 =	simm.s32 $0xA600  }
0x158: {  	[tilespmem:s13], [sflag:$0x1] =	stream.indirect_vreg.gather [hbm4b:s4+s2], $0x80, v35, vm0, $0xb8;
	[tilespmem:$0x18E00] =	vst v63  }
0x159: {  	s14 =	simm.s32 $0xB200  }
0x15a: {  	[tilespmem:s14], [sflag:$0x1] =	stream.indirect_vreg.gather [hbm4b:s4+s2], $0x80, v34, vm0, $0xb8;
	[tilespmem:$0x18E00] =	vst v63  }
0x15b: {  	v34 =	vld [tilespmem:$0xAB0];
	_ =	sdelay $0x4  }
0x15c: {  	v47 =	vperm.xlane v34, v1;
	_ =	sdelay $0x1  }
0x15d: {  	v34 =	vperm.xlane v34, v3;
	v35 =	vadd.s32 v2, v47;
	_ =	sdelay $0x1  }
0x15e: {  	v34 =	vadd.s32 v2, v34;
	_ =	sdelay $0x1  }
0x15f: {  	s15 =	simm.s32 $0xBE00  }
0x160: {  	[tilespmem:s15], [sflag:$0x1] =	stream.indirect_vreg.gather [hbm4b:s4+s2], $0x80, v35, vm0, $0xb8;
	[tilespmem:$0x18E00] =	vst v63  }
0x161: {  	s22 =	simm.s32 $0xCA00  }
0x162: {  	[tilespmem:s22], [sflag:$0x1] =	stream.indirect_vreg.gather [hbm4b:s4+s2], $0x80, v34, vm0, $0xb8;
	[tilespmem:$0x18E00] =	vst v63  }
0x163: {  	v34 =	vld [tilespmem:$0x700];
	_ =	sdelay $0x4  }
0x164: {  	v48 =	vperm.xlane v34, v1;
	_ =	sdelay $0x1  }
0x165: {  	v34 =	vperm.xlane v34, v3;
	v35 =	vadd.s32 v2, v48;
	_ =	sdelay $0x1  }
0x166: {  	v34 =	vadd.s32 v2, v34;
	_ =	sdelay $0x1  }
0x167: {  	s23 =	simm.s32 $0xD200  }
0x168: {  	[tilespmem:s23], [sflag:$0x1] =	stream.indirect_vreg.gather [hbm4b:s3+s2], $0x80, v35, vm0, $0xb8;
	[tilespmem:$0x18E00] =	vst v63  }
0x169: {  	s24 =	simm.s32 $0xDE00  }
0x16a: {  	[tilespmem:s24], [sflag:$0x1] =	stream.indirect_vreg.gather [hbm4b:s3+s2], $0x80, v34, vm0, $0xb8;
	[tilespmem:$0x18E00] =	vst v63  }
0x16b: {  	v34 =	vld [tilespmem:$0x710];
	_ =	sdelay $0x4  }
0x16c: {  	v49 =	vperm.xlane v34, v1;
	_ =	sdelay $0x1  }
0x16d: {  	v34 =	vperm.xlane v34, v3;
	v35 =	vadd.s32 v2, v49;
	_ =	sdelay $0x1  }
0x16e: {  	v34 =	vadd.s32 v2, v34;
	_ =	sdelay $0x1  }
0x16f: {  	s25 =	simm.s32 $0xEA00  }
0x170: {  	[tilespmem:s25], [sflag:$0x1] =	stream.indirect_vreg.gather [hbm4b:s3+s2], $0x80, v35, vm0, $0xb8;
	[tilespmem:$0x18E00] =	vst v63  }
0x171: {  	s26 =	simm.s32 $0xF600  }
0x172: {  	[tilespmem:s26], [sflag:$0x1] =	stream.indirect_vreg.gather [hbm4b:s3+s2], $0x80, v34, vm0, $0xb8;
	[tilespmem:$0x18E00] =	vst v63  }
0x173: {  	v34 =	vld [tilespmem:$0x720];
	_ =	sdelay $0x4  }
0x174: {  	v50 =	vperm.xlane v34, v1;
	_ =	sdelay $0x1  }
0x175: {  	v34 =	vperm.xlane v34, v3;
	v35 =	vadd.s32 v2, v50;
	_ =	sdelay $0x1  }
0x176: {  	v34 =	vadd.s32 v2, v34;
	_ =	sdelay $0x1  }
0x177: {  	s30 =	simm.s32 $0x10200  }
0x178: {  	[tilespmem:s30], [sflag:$0x1] =	stream.indirect_vreg.gather [hbm4b:s3+s2], $0x80, v35, vm0, $0xb8;
	[tilespmem:$0x18E00] =	vst v63  }
0x179: {  	s7 =	simm.s32 $0x10E00  }
0x17a: {  	[tilespmem:s7], [sflag:$0x1] =	stream.indirect_vreg.gather [hbm4b:s3+s2], $0x80, v34, vm0, $0xb8;
	[tilespmem:$0x18E00] =	vst v63  }
0x17b: {  	v34 =	vld [tilespmem:$0x730];
	_ =	sdelay $0x4  }
0x17c: {  	v51 =	vperm.xlane v34, v1;
	_ =	sdelay $0x1  }
0x17d: {  	v34 =	vperm.xlane v34, v3;
	v35 =	vadd.s32 v2, v51;
	_ =	sdelay $0x1  }
0x17e: {  	v34 =	vadd.s32 v2, v34;
	_ =	sdelay $0x1  }
0x17f: {  	s9 =	simm.s32 $0x11A00  }
0x180: {  	[tilespmem:s9], [sflag:$0x1] =	stream.indirect_vreg.gather [hbm4b:s3+s2], $0x80, v35, vm0, $0xb8;
	[tilespmem:$0x18E00] =	vst v63  }
0x181: {  	s11 =	simm.s32 $0x12600  }
0x182: {  	[tilespmem:s11], [sflag:$0x1] =	stream.indirect_vreg.gather [hbm4b:s3+s2], $0x80, v34, vm0, $0xb8;
	[tilespmem:$0x18E00] =	vst v63  }
0x183: {  	v34 =	vld [tilespmem:$0xB00];
	_ =	sdelay $0x4  }
0x184: {  	v52 =	vperm.xlane v34, v1;
	_ =	sdelay $0x1  }
0x185: {  	v34 =	vperm.xlane v34, v3;
	v35 =	vadd.s32 v2, v52;
	_ =	sdelay $0x1  }
0x186: {  	v34 =	vadd.s32 v2, v34;
	_ =	sdelay $0x1  }
0x187: {  	s12 =	simm.s32 $0xD600  }
0x188: {  	[tilespmem:s12], [sflag:$0x1] =	stream.indirect_vreg.gather [hbm4b:s4+s2], $0x80, v35, vm0, $0xb8;
	[tilespmem:$0x18E00] =	vst v63  }
0x189: {  	s13 =	simm.s32 $0xE200  }
0x18a: {  	[tilespmem:s13], [sflag:$0x1] =	stream.indirect_vreg.gather [hbm4b:s4+s2], $0x80, v34, vm0, $0xb8;
	[tilespmem:$0x18E00] =	vst v63  }
0x18b: {  	v34 =	vld [tilespmem:$0xB10];
	_ =	sdelay $0x4  }
0x18c: {  	v53 =	vperm.xlane v34, v1;
	_ =	sdelay $0x1  }
0x18d: {  	v34 =	vperm.xlane v34, v3;
	v35 =	vadd.s32 v2, v53;
	_ =	sdelay $0x1  }
0x18e: {  	v34 =	vadd.s32 v2, v34;
	_ =	sdelay $0x1  }
0x18f: {  	s14 =	simm.s32 $0xEE00  }
0x190: {  	[tilespmem:s14], [sflag:$0x1] =	stream.indirect_vreg.gather [hbm4b:s4+s2], $0x80, v35, vm0, $0xb8;
	[tilespmem:$0x18E00] =	vst v63  }
0x191: {  	s15 =	simm.s32 $0xFA00  }
0x192: {  	[tilespmem:s15], [sflag:$0x1] =	stream.indirect_vreg.gather [hbm4b:s4+s2], $0x80, v34, vm0, $0xb8;
	[tilespmem:$0x18E00] =	vst v63  }
0x193: {  	v34 =	vld [tilespmem:$0xB20];
	_ =	sdelay $0x4  }
0x194: {  	v54 =	vperm.xlane v34, v1;
	_ =	sdelay $0x1  }
0x195: {  	v34 =	vperm.xlane v34, v3;
	v35 =	vadd.s32 v2, v54;
	_ =	sdelay $0x1  }
0x196: {  	v34 =	vadd.s32 v2, v34;
	_ =	sdelay $0x1  }
0x197: {  	s22 =	simm.s32 $0x10600  }
0x198: {  	[tilespmem:s22], [sflag:$0x1] =	stream.indirect_vreg.gather [hbm4b:s4+s2], $0x80, v35, vm0, $0xb8;
	[tilespmem:$0x18E00] =	vst v63  }
0x199: {  	s23 =	simm.s32 $0x11200  }
0x19a: {  	[tilespmem:s23], [sflag:$0x1] =	stream.indirect_vreg.gather [hbm4b:s4+s2], $0x80, v34, vm0, $0xb8;
	[tilespmem:$0x18E00] =	vst v63  }
0x19b: {  	v34 =	vld [tilespmem:$0xB30];
	_ =	sdelay $0x4  }
0x19c: {  	v55 =	vperm.xlane v34, v1;
	_ =	sdelay $0x1  }
0x19d: {  	v34 =	vperm.xlane v34, v3;
	v35 =	vadd.s32 v2, v55;
	_ =	sdelay $0x1  }
0x19e: {  	v34 =	vadd.s32 v2, v34;
	_ =	sdelay $0x1  }
0x19f: {  	s24 =	simm.s32 $0x11E00  }
0x1a0: {  	[tilespmem:s24], [sflag:$0x1] =	stream.indirect_vreg.gather [hbm4b:s4+s2], $0x80, v35, vm0, $0xb8;
	[tilespmem:$0x18E00] =	vst v63  }
0x1a1: {  	s25 =	simm.s32 $0x12A00  }
0x1a2: {  	[tilespmem:s25], [sflag:$0x1] =	stream.indirect_vreg.gather [hbm4b:s4+s2], $0x80, v34, vm0, $0xb8;
	[tilespmem:$0x18E00] =	vst v63  }
0x1a3: {  	v34 =	vld [tilespmem:$0x780];
	_ =	sdelay $0x4  }
0x1a4: {  	v56 =	vperm.xlane v34, v1;
	_ =	sdelay $0x1  }
0x1a5: {  	v34 =	vperm.xlane v34, v3;
	v35 =	vadd.s32 v2, v56;
	_ =	sdelay $0x1  }
0x1a6: {  	v34 =	vadd.s32 v2, v34;
	_ =	sdelay $0x1  }
0x1a7: {  	s26 =	simm.s32 $0x13200  }
0x1a8: {  	[tilespmem:s26], [sflag:$0x1] =	stream.indirect_vreg.gather [hbm4b:s3+s2], $0x80, v35, vm0, $0xb8;
	[tilespmem:$0x18E00] =	vst v63  }
0x1a9: {  	s30 =	simm.s32 $0x13E00  }
0x1aa: {  	[tilespmem:s30], [sflag:$0x1] =	stream.indirect_vreg.gather [hbm4b:s3+s2], $0x80, v34, vm0, $0xb8;
	[tilespmem:$0x18E00] =	vst v63  }
0x1ab: {  	v34 =	vld [tilespmem:$0x790];
	_ =	sdelay $0x4  }
0x1ac: {  	v57 =	vperm.xlane v34, v1;
	_ =	sdelay $0x1  }
0x1ad: {  	v34 =	vperm.xlane v34, v3;
	v35 =	vadd.s32 v2, v57;
	_ =	sdelay $0x1  }
0x1ae: {  	v34 =	vadd.s32 v2, v34;
	_ =	sdelay $0x1  }
0x1af: {  	s7 =	simm.s32 $0x14A00  }
0x1b0: {  	[tilespmem:s7], [sflag:$0x1] =	stream.indirect_vreg.gather [hbm4b:s3+s2], $0x80, v35, vm0, $0xb8;
	[tilespmem:$0x18E00] =	vst v63  }
0x1b1: {  	s9 =	simm.s32 $0x15600  }
0x1b2: {  	[tilespmem:s9], [sflag:$0x1] =	stream.indirect_vreg.gather [hbm4b:s3+s2], $0x80, v34, vm0, $0xb8;
	[tilespmem:$0x18E00] =	vst v63  }
0x1b3: {  	v34 =	vld [tilespmem:$0x7A0];
	_ =	sdelay $0x4  }
0x1b4: {  	v58 =	vperm.xlane v34, v1;
	_ =	sdelay $0x1  }
0x1b5: {  	v34 =	vperm.xlane v34, v3;
	v35 =	vadd.s32 v2, v58;
	_ =	sdelay $0x1  }
0x1b6: {  	v34 =	vadd.s32 v2, v34;
	_ =	sdelay $0x1  }
0x1b7: {  	s11 =	simm.s32 $0x16200  }
0x1b8: {  	[tilespmem:s11], [sflag:$0x1] =	stream.indirect_vreg.gather [hbm4b:s3+s2], $0x80, v35, vm0, $0xb8;
	[tilespmem:$0x18E00] =	vst v63  }
0x1b9: {  	s12 =	simm.s32 $0x16E00  }
0x1ba: {  	[tilespmem:s12], [sflag:$0x1] =	stream.indirect_vreg.gather [hbm4b:s3+s2], $0x80, v34, vm0, $0xb8;
	[tilespmem:$0x18E00] =	vst v63  }
0x1bb: {  	v34 =	vld [tilespmem:$0x7B0];
	_ =	sdelay $0x4  }
0x1bc: {  	v59 =	vperm.xlane v34, v1;
	_ =	sdelay $0x1  }
0x1bd: {  	v34 =	vperm.xlane v34, v3;
	v35 =	vadd.s32 v2, v59;
	_ =	sdelay $0x1  }
0x1be: {  	v34 =	vadd.s32 v2, v34;
	_ =	sdelay $0x1  }
0x1bf: {  	s13 =	simm.s32 $0x17A00  }
0x1c0: {  	[tilespmem:s13], [sflag:$0x1] =	stream.indirect_vreg.gather [hbm4b:s3+s2], $0x80, v35, vm0, $0xb8;
	[tilespmem:$0x18E00] =	vst v63  }
0x1c1: {  	s14 =	simm.s32 $0x18600  }
0x1c2: {  	[tilespmem:s14], [sflag:$0x1] =	stream.indirect_vreg.gather [hbm4b:s3+s2], $0x80, v34, vm0, $0xb8;
	[tilespmem:$0x18E00] =	vst v63  }
0x1c3: {  	v34 =	vld [tilespmem:$0xB80];
	_ =	sdelay $0x4  }
0x1c4: {  	v60 =	vperm.xlane v34, v1;
	_ =	sdelay $0x1  }
0x1c5: {  	v34 =	vperm.xlane v34, v3;
	v35 =	vadd.s32 v2, v60;
	_ =	sdelay $0x1  }
0x1c6: {  	v34 =	vadd.s32 v2, v34;
	_ =	sdelay $0x1  }
0x1c7: {  	s15 =	simm.s32 $0x13600  }
0x1c8: {  	[tilespmem:s15], [sflag:$0x1] =	stream.indirect_vreg.gather [hbm4b:s4+s2], $0x80, v35, vm0, $0xb8;
	[tilespmem:$0x18E00] =	vst v63  }
0x1c9: {  	s22 =	simm.s32 $0x14200  }
0x1ca: {  	[tilespmem:s22], [sflag:$0x1] =	stream.indirect_vreg.gather [hbm4b:s4+s2], $0x80, v34, vm0, $0xb8;
	[tilespmem:$0x18E00] =	vst v63  }
0x1cb: {  	v34 =	vld [tilespmem:$0xB90];
	_ =	sdelay $0x4  }
0x1cc: {  	v61 =	vperm.xlane v34, v1;
	_ =	sdelay $0x1  }
0x1cd: {  	v34 =	vperm.xlane v34, v3;
	v35 =	vadd.s32 v2, v61;
	_ =	sdelay $0x1  }
0x1ce: {  	v34 =	vadd.s32 v2, v34;
	_ =	sdelay $0x1  }
0x1cf: {  	s23 =	simm.s32 $0x14E00  }
0x1d0: {  	[tilespmem:s23], [sflag:$0x1] =	stream.indirect_vreg.gather [hbm4b:s4+s2], $0x80, v35, vm0, $0xb8;
	[tilespmem:$0x18E00] =	vst v63  }
0x1d1: {  	s24 =	simm.s32 $0x15A00  }
0x1d2: {  	[tilespmem:s24], [sflag:$0x1] =	stream.indirect_vreg.gather [hbm4b:s4+s2], $0x80, v34, vm0, $0xb8;
	[tilespmem:$0x18E00] =	vst v63  }
0x1d3: {  	v34 =	vld [tilespmem:$0xBA0];
	_ =	sdelay $0x4  }
0x1d4: {  	v62 =	vperm.xlane v34, v1;
	_ =	sdelay $0x1  }
0x1d5: {  	v34 =	vperm.xlane v34, v3;
	v35 =	vadd.s32 v2, v62;
	_ =	sdelay $0x1  }
0x1d6: {  	v34 =	vadd.s32 v2, v34;
	_ =	sdelay $0x1  }
0x1d7: {  	s25 =	simm.s32 $0x16600  }
0x1d8: {  	[tilespmem:s25], [sflag:$0x1] =	stream.indirect_vreg.gather [hbm4b:s4+s2], $0x80, v35, vm0, $0xb8;
	[tilespmem:$0x18E00] =	vst v63  }
0x1d9: {  	s26 =	simm.s32 $0x17200  }
0x1da: {  	[tilespmem:s26], [sflag:$0x1] =	stream.indirect_vreg.gather [hbm4b:s4+s2], $0x80, v34, vm0, $0xb8;
	[tilespmem:$0x18E00] =	vst v63  }
0x1db: {  	v34 =	vld [tilespmem:$0xBB0];
	_ =	sdelay $0x4  }
0x1dc: {  	v63 =	vperm.xlane v34, v1;
	_ =	sdelay $0x1  }
0x1dd: {  	v34 =	vperm.xlane v34, v3;
	v35 =	vadd.s32 v2, v63;
	_ =	sdelay $0x1  }
0x1de: {  	v34 =	vadd.s32 v2, v34;
	_ =	sdelay $0x2  }
0x1df: {  	[tilespmem:s6], [sflag:$0x1] =	stream.indirect_vreg.gather [hbm4b:s4+s2], $0x80, v35, vm0, $0xb8;
	[tilespmem:$0x18E00] =	vst v63  }
0x1e0: {  	_ = 	snop  }
0x1e1: {  	(v2sf) =	vpush v28, $0x0;
	[tilespmem:s16], [sflag:$0x1] =	stream.indirect_vreg.gather [hbm4b:s4+s2], $0x80, v34, vm0, $0xb8;
	[tilespmem:$0x18E00] =	vst v63  }
0x1e2: {  	(v2sf) =	vpush v29, $0x0;
	v28 =	vld.msk [tilespmem:s10+$0x0], $0x1  }
0x1e3: {  	(v2sf) =	vpush v30, $0x0;
	v29 =	vld.msk [tilespmem:s2+$0x0], $0x1  }
0x1e4: {  	(v2sf) =	vpush v31, $0x0  }
0x1e5: {  	(v2sf) =	vpush v32, $0x0  }
0x1e6: {  	(v2sf) =	vpush v33, $0x0  }
0x1e7: {  	(v2sf) =	vpush v28, $0x0  }
0x1e8: {  	(v2sf) =	vpush v29, $0x0;
	_ =	sdelay $0x7  }
0x1e9: {  	s22 =	spop (v2sf)  }
0x1ea: {  	s9 =	spop (v2sf)  }
0x1eb: {  	s23 =	spop (v2sf)  }
0x1ec: {  	s25 =	spop (v2sf)  }
0x1ed: {  	s7 =	spop (v2sf)  }
0x1ee: {  	s24 =	spop (v2sf)  }
0x1ef: {  	s30 =	spop (v2sf)  }
0x1f0: {  	s28 =	simm.s32 $0x0;
	s5 =	smax.f32 s30, $0.0e+00;
	s12 =	spop (v2sf)  }
0x1f1: {  	s11 =	simm.s32 $0x1;
	s5 =	smin.f32 s5, $1.000000000e+00;
	s12 =	smax.f32 s12, $0.0e+00  }
0x1f2: {  	s26 =	simm.s32 $0x0;
	s13 =	smul.f32 s5, s25;
	s14 =	smin.f32 s12, $1.000000000e+00  }
0x1f3: {  	s29 =	smul.f32 s5, s23;
	s12 =	simm.s32 $0x1;
	s5 =	simm.s32 $0x0  }
.LBB2_2:
0x1f4: {  	s30 =	smul.f32 s14, s9  }
0x1f5: {  	s28 =	sadd.s32 $0x80, s28;
	s10 =	sadd.s32 $0x1, s10;
	s15 =	smov.u32 s11  }
0x1f6: {  	p0 =	sne.s32 s11, $0x3F;
	s11 =	sadd.s32 $0x1, s11;
	s14 =	smul.f32 s14, s22  }
0x1f7: {  	s13 =	sadd.f32 s13, s30  }
0x1f8: {  	s14 =	sadd.f32 s29, s14  }
0x1f9: {  	s13 =	sadd.f32 s13, s24  }
0x1fa: {  	s14 =	sadd.f32 s14, s7  }
0x1fb: {  	s13 =	smax.f32 s13, $0.0e+00  }
0x1fc: {  	s14 =	smax.f32 s14, $0.0e+00;
	v28 =	vmul.f32 s13, v13;
	v29 =	vmul.f32 s13, v26  }
0x1fd: {  	v30 =	vmul.f32 s13, v14;
	v31 =	vmul.f32 s13, v16  }
0x1fe: {  	v32 =	vmul.f32 s14, v9;
	v33 =	vmul.f32 s13, v21  }
0x1ff: {  	s29 =	sshrl.u32 s5, $0x3;
	s5 =	smov.u32 s15;
	v34 =	vmul.f32 s14, v4;
	v35 =	vmul.f32 s14, v7  }
0x200: {  	s15 =	smul.u32 $0x3000, s29;
	v36 =	vmul.f32 s14, v8;
	v37 =	vmul.f32 s14, v11;
	v32 =	vadd.f32 v33, v32  }
0x201: {  	v30 =	vadd.f32 v30, v34;
	v28 =	vadd.f32 v28, v35;
	v33 =	vmul.f32 s14, v6  }
0x202: {  	s29 =	sand.u32 $0x380, s26;
	s26 =	smov.u32 s28;
	s15 =	sshra.s32 s15, $0x2;
	v31 =	vadd.f32 v31, v36;
	v34 =	vmul.f32 s13, v15;
	v32 =	vadd.f32 v32, v23  }
0x203: {  	s15 =	sor.u32 s29, s15;
	v35 =	vmul.f32 s14, v5;
	v36 =	vmul.f32 s13, v12;
	v30 =	vadd.f32 v30, v20  }
0x204: {  	v31 =	vadd.f32 v31, v19;
	v34 =	vadd.f32 v34, v37;
	[tilespmem:s15+$0xE50] =	vst v32;
	v32 =	vmul.f32 s13, v24  }
0x205: {  	v28 =	vadd.f32 v28, v18;
	[tilespmem:s15+$0xE00] =	vst v30;
	v30 =	vadd.f32 v36, v35;
	v35 =	vmul.f32 s14, v10  }
0x206: {  	[tilespmem:s15+$0xE30] =	vst v31;
	v31 =	vadd.f32 v34, v27;
	v32 =	vadd.f32 v32, v33  }
0x207: {  	[tilespmem:s15+$0xE10] =	vst v28;
	v28 =	vadd.f32 v30, v17;
	v29 =	vadd.f32 v29, v35  }
0x208: {  	[tilespmem:s15+$0xE40] =	vst v31;
	v30 =	vadd.f32 v32, v22  }
0x209: {  	[tilespmem:s15+$0xE20] =	vst v28;
	v28 =	vadd.f32 v29, v25  }
0x20a: {  	[tilespmem:s15+$0xE60] =	vst v30  }
0x20b: {  	[tilespmem:s15+$0xE70] =	vst v28  }
0x20c: {  	v28 =	vld.msk [tilespmem:s10+$0x0], $0x1  }
0x20d: {  	v29 =	vld.msk [tilespmem:s12+$0x0], $0x1;
	_ =	sdelay $0x3  }
0x20e: {  	(v2sf) =	vpush v28, $0x0  }
0x20f: {  	(v2sf) =	vpush v29, $0x0;
	_ =	sdelay $0xd  }
.Ltmp0:
0x210: {  	s13 =	spop (v2sf);
	(pc) =	sbr.rel @p0 .LBB2_2-.Ltmp0, $4  }
0x211: {  	s13 =	smax.f32 s13, $0.0e+00;
	s14 =	spop (v2sf)  }
0x212: {  	s14 =	smax.f32 s14, $0.0e+00;
	s15 =	smin.f32 s13, $1.000000000e+00  }
0x213: {  	s14 =	smin.f32 s14, $1.000000000e+00;
	s13 =	smul.f32 s15, s25  }
0x214: {  	s12 =	sadd.s32 $0x1, s12;
	s29 =	smul.f32 s15, s23  }
0x215: {  	s10 =	smul.f32 s14, s9  }
0x216: {  	s11 =	smul.f32 s14, s22  }
0x217: {  	s10 =	sadd.f32 s13, s10  }
0x218: {  	s11 =	sadd.f32 s29, s11  }
0x219: {  	s10 =	sadd.f32 s10, s24;
	_ =	sdelay $0x1  }
0x21a: {  	s11 =	sadd.f32 s11, s7;
	s10 =	smax.f32 s10, $0.0e+00  }
0x21b: {  	v28 =	vmul.f32 s10, v13;
	v29 =	vmul.f32 s10, v26  }
0x21c: {  	s11 =	smax.f32 s11, $0.0e+00;
	v30 =	vmul.f32 s10, v14;
	v31 =	vmul.f32 s10, v16  }
0x21d: {  	v32 =	vmul.f32 s11, v9;
	v33 =	vmul.f32 s10, v21  }
0x21e: {  	s5 =	sshrl.u32 s5, $0x3;
	v34 =	vmul.f32 s11, v4;
	v35 =	vmul.f32 s11, v7  }
0x21f: {  	s5 =	smul.u32 $0x3000, s5;
	v36 =	vmul.f32 s11, v8;
	v37 =	vmul.f32 s11, v11;
	v32 =	vadd.f32 v33, v32  }
0x220: {  	v55 =	vmul.f32 s11, v6;
	v56 =	vmul.f32 s10, v15;
	v30 =	vadd.f32 v30, v34  }
0x221: {  	s12 =	sand.u32 $0x380, s26;
	s5 =	sshra.s32 s5, $0x2;
	v57 =	vmul.f32 s11, v5;
	v31 =	vadd.f32 v31, v36;
	v32 =	vadd.f32 v32, v23  }
0x222: {  	s5 =	sor.u32 s12, s5;
	v58 =	vmul.f32 s10, v12;
	v28 =	vadd.f32 v28, v35;
	v30 =	vadd.f32 v30, v20  }
0x223: {  	v59 =	vmul.f32 s10, v24;
	v34 =	vadd.f32 v56, v37;
	v31 =	vadd.f32 v31, v19;
	[tilespmem:s5+$0xE50] =	vst v32  }
0x224: {  	v61 =	vmul.f32 s11, v10;
	v60 =	vadd.f32 v58, v57;
	v28 =	vadd.f32 v28, v18;
	[tilespmem:s5+$0xE00] =	vst v30  }
0x225: {  	v62 =	vadd.f32 v34, v27;
	[tilespmem:s5+$0xE30] =	vst v31;
	v32 =	vadd.f32 v59, v55  }
0x226: {  	v29 =	vadd.f32 v29, v61;
	[tilespmem:s5+$0xE10] =	vst v28;
	v28 =	vadd.f32 v60, v17  }
0x227: {  	[tilespmem:s5+$0xE40] =	vst v62;
	v63 =	vadd.f32 v32, v22  }
0x228: {  	[tilespmem:s5+$0xE20] =	vst v28;
	v28 =	vadd.f32 v29, v25  }
0x229: {  	[tilespmem:s5+$0xE60] =	vst v63  }
0x22a: {  	[tilespmem:s5+$0xE70] =	vst v28  }
0x22b: {  	_ =	swait.ge [sflag:s31], $0x2000  }
0x22c: {  	[sflag:s31] =	ssyncset.done $0x0  }
0x22d: {  	[sflag:s31] =	ssyncadd.s32 $0xFFFFE000  }
0x22e: {  	_ =	swait.ge [sflag:s31], $0x2000  }
0x22f: {  	[sflag:s31] =	ssyncset.done $0x0  }
0x230: {  	s10 =	simm.s32 $0x0;
	[sflag:s31] =	ssyncadd.s32 $0xFFFFE000  }
0x231: {  	[hbm4b:s8+s10] =	stream.linear.scatter [tilespmem:s17], [sflag:$0x2], $0x6000, $0x38;
	[tilespmem:$0x18E00] =	vst v63  }
0x232: {  	_ =	swait.ge [sflag:s0], $0x6000  }
0x233: {  	[sflag:s0] =	ssyncset.done $0x0  }
0x234: {  	[sflag:s0] =	ssyncadd.s32 $0xFFFFA000  }
0x235: {  	v28 =	vld [tilespmem:$0x800];
	_ =	sdelay $0x4  }
0x236: {  	v29 =	vperm.xlane v28, v1;
	_ =	sdelay $0x1  }
0x237: {  	v28 =	vperm.xlane v28, v3;
	v29 =	vadd.s32 v2, v29;
	_ =	sdelay $0x1  }
0x238: {  	v28 =	vadd.s32 v2, v28;
	_ =	sdelay $0x1  }
0x239: {  	s12 =	simm.s32 $0x1200  }
0x23a: {  	[tilespmem:s12], [sflag:$0x1] =	stream.indirect_vreg.gather [hbm4b:s3+s10], $0x80, v29, vm0, $0xb8;
	[tilespmem:$0x18E00] =	vst v63  }
0x23b: {  	s13 =	simm.s32 $0x1E00  }
0x23c: {  	[tilespmem:s13], [sflag:$0x1] =	stream.indirect_vreg.gather [hbm4b:s3+s10], $0x80, v28, vm0, $0xb8;
	[tilespmem:$0x18E00] =	vst v63  }
0x23d: {  	v28 =	vld [tilespmem:$0x810];
	_ =	sdelay $0x4  }
0x23e: {  	v29 =	vperm.xlane v28, v1;
	_ =	sdelay $0x1  }
0x23f: {  	v28 =	vperm.xlane v28, v3;
	v29 =	vadd.s32 v2, v29;
	_ =	sdelay $0x1  }
0x240: {  	v28 =	vadd.s32 v2, v28;
	_ =	sdelay $0x1  }
0x241: {  	s14 =	simm.s32 $0x2A00  }
0x242: {  	[tilespmem:s14], [sflag:$0x1] =	stream.indirect_vreg.gather [hbm4b:s3+s10], $0x80, v29, vm0, $0xb8;
	[tilespmem:$0x18E00] =	vst v63  }
0x243: {  	s15 =	simm.s32 $0x3600  }
0x244: {  	[tilespmem:s15], [sflag:$0x1] =	stream.indirect_vreg.gather [hbm4b:s3+s10], $0x80, v28, vm0, $0xb8;
	[tilespmem:$0x18E00] =	vst v63  }
0x245: {  	v28 =	vld [tilespmem:$0x820];
	_ =	sdelay $0x4  }
0x246: {  	v29 =	vperm.xlane v28, v1;
	_ =	sdelay $0x1  }
0x247: {  	v28 =	vperm.xlane v28, v3;
	v29 =	vadd.s32 v2, v29;
	_ =	sdelay $0x1  }
0x248: {  	v28 =	vadd.s32 v2, v28;
	_ =	sdelay $0x1  }
0x249: {  	s26 =	simm.s32 $0x4200  }
0x24a: {  	[tilespmem:s26], [sflag:$0x1] =	stream.indirect_vreg.gather [hbm4b:s3+s10], $0x80, v29, vm0, $0xb8;
	[tilespmem:$0x18E00] =	vst v63  }
0x24b: {  	s30 =	simm.s32 $0x4E00  }
0x24c: {  	[tilespmem:s30], [sflag:$0x1] =	stream.indirect_vreg.gather [hbm4b:s3+s10], $0x80, v28, vm0, $0xb8;
	[tilespmem:$0x18E00] =	vst v63  }
0x24d: {  	v28 =	vld [tilespmem:$0x830];
	_ =	sdelay $0x4  }
0x24e: {  	v29 =	vperm.xlane v28, v1;
	_ =	sdelay $0x1  }
0x24f: {  	v28 =	vperm.xlane v28, v3;
	v29 =	vadd.s32 v2, v29;
	_ =	sdelay $0x1  }
0x250: {  	v28 =	vadd.s32 v2, v28;
	_ =	sdelay $0x1  }
0x251: {  	s11 =	simm.s32 $0x5A00  }
0x252: {  	[tilespmem:s11], [sflag:$0x1] =	stream.indirect_vreg.gather [hbm4b:s3+s10], $0x80, v29, vm0, $0xb8;
	[tilespmem:$0x18E00] =	vst v63  }
0x253: {  	s12 =	simm.s32 $0x6600  }
0x254: {  	[tilespmem:s12], [sflag:$0x1] =	stream.indirect_vreg.gather [hbm4b:s3+s10], $0x80, v28, vm0, $0xb8;
	[tilespmem:$0x18E00] =	vst v63  }
0x255: {  	v28 =	vld [tilespmem:$0xC00];
	_ =	sdelay $0x4  }
0x256: {  	v29 =	vperm.xlane v28, v1;
	_ =	sdelay $0x1  }
0x257: {  	v28 =	vperm.xlane v28, v3;
	v29 =	vadd.s32 v2, v29;
	_ =	sdelay $0x1  }
0x258: {  	v28 =	vadd.s32 v2, v28;
	_ =	sdelay $0x1  }
0x259: {  	s13 =	simm.s32 $0x1600  }
0x25a: {  	[tilespmem:s13], [sflag:$0x1] =	stream.indirect_vreg.gather [hbm4b:s4+s10], $0x80, v29, vm0, $0xb8;
	[tilespmem:$0x18E00] =	vst v63  }
0x25b: {  	s14 =	simm.s32 $0x2200  }
0x25c: {  	[tilespmem:s14], [sflag:$0x1] =	stream.indirect_vreg.gather [hbm4b:s4+s10], $0x80, v28, vm0, $0xb8;
	[tilespmem:$0x18E00] =	vst v63  }
0x25d: {  	v28 =	vld [tilespmem:$0xC10];
	_ =	sdelay $0x4  }
0x25e: {  	v29 =	vperm.xlane v28, v1;
	_ =	sdelay $0x1  }
0x25f: {  	v28 =	vperm.xlane v28, v3;
	v29 =	vadd.s32 v2, v29;
	_ =	sdelay $0x1  }
0x260: {  	v28 =	vadd.s32 v2, v28;
	_ =	sdelay $0x1  }
0x261: {  	s15 =	simm.s32 $0x2E00  }
0x262: {  	[tilespmem:s15], [sflag:$0x1] =	stream.indirect_vreg.gather [hbm4b:s4+s10], $0x80, v29, vm0, $0xb8;
	[tilespmem:$0x18E00] =	vst v63  }
0x263: {  	s26 =	simm.s32 $0x3A00  }
0x264: {  	[tilespmem:s26], [sflag:$0x1] =	stream.indirect_vreg.gather [hbm4b:s4+s10], $0x80, v28, vm0, $0xb8;
	[tilespmem:$0x18E00] =	vst v63  }
0x265: {  	v28 =	vld [tilespmem:$0xC20];
	_ =	sdelay $0x4  }
0x266: {  	v29 =	vperm.xlane v28, v1;
	_ =	sdelay $0x1  }
0x267: {  	v28 =	vperm.xlane v28, v3;
	v29 =	vadd.s32 v2, v29;
	_ =	sdelay $0x1  }
0x268: {  	v28 =	vadd.s32 v2, v28;
	_ =	sdelay $0x1  }
0x269: {  	s30 =	simm.s32 $0x4600  }
0x26a: {  	[tilespmem:s30], [sflag:$0x1] =	stream.indirect_vreg.gather [hbm4b:s4+s10], $0x80, v29, vm0, $0xb8;
	[tilespmem:$0x18E00] =	vst v63  }
0x26b: {  	s11 =	simm.s32 $0x5200  }
0x26c: {  	[tilespmem:s11], [sflag:$0x1] =	stream.indirect_vreg.gather [hbm4b:s4+s10], $0x80, v28, vm0, $0xb8;
	[tilespmem:$0x18E00] =	vst v63  }
0x26d: {  	v28 =	vld [tilespmem:$0xC30];
	_ =	sdelay $0x4  }
0x26e: {  	v29 =	vperm.xlane v28, v1;
	_ =	sdelay $0x1  }
0x26f: {  	v28 =	vperm.xlane v28, v3;
	v29 =	vadd.s32 v2, v29;
	_ =	sdelay $0x1  }
0x270: {  	v28 =	vadd.s32 v2, v28;
	_ =	sdelay $0x1  }
0x271: {  	s12 =	simm.s32 $0x5E00  }
0x272: {  	[tilespmem:s12], [sflag:$0x1] =	stream.indirect_vreg.gather [hbm4b:s4+s10], $0x80, v29, vm0, $0xb8;
	[tilespmem:$0x18E00] =	vst v63  }
0x273: {  	s5 =	simm.s32 $0x240;
	s13 =	simm.s32 $0x6A00  }
0x274: {  	[tilespmem:s13], [sflag:$0x1] =	stream.indirect_vreg.gather [hbm4b:s4+s10], $0x80, v28, vm0, $0xb8;
	[tilespmem:$0x18E00] =	vst v63  }
0x275: {  	v28 =	vld.msk [tilespmem:s5+$0x0], $0x1  }
0x276: {  	s14 =	simm.s32 $0x40  }
0x277: {  	v29 =	vld.msk [tilespmem:s14+$0x0], $0x1;
	_ =	sdelay $0x2  }
0x278: {  	(v2sf) =	vpush v28, $0x0;
	_ =	sdelay $0x1  }
0x279: {  	(v2sf) =	vpush v29, $0x0;
	_ =	sdelay $0xc  }
0x27a: {  	s15 =	spop (v2sf)  }
0x27b: {  	s28 =	simm.s32 $0x41;
	s11 =	smax.f32 s15, $0.0e+00  }
0x27c: {  	s12 =	simm.s32 $0x1;
	s26 =	spop (v2sf);
	s11 =	smin.f32 s11, $1.000000000e+00  }
0x27d: {  	s30 =	smax.f32 s26, $0.0e+00;
	s26 =	simm.s32 $0x0;
	s13 =	smul.f32 s11, s25  }
0x27e: {  	s14 =	smin.f32 s30, $1.000000000e+00;
	s29 =	smul.f32 s11, s23;
	s11 =	simm.s32 $0x0  }
.LBB2_4:
0x27f: {  	s15 =	smul.f32 s14, s9  }
0x280: {  	s10 =	sadd.s32 $0x80, s10;
	s5 =	sadd.s32 $0x1, s5;
	s30 =	smov.u32 s12  }
0x281: {  	p0 =	sne.s32 s12, $0x3F;
	s12 =	sadd.s32 $0x1, s12;
	s14 =	smul.f32 s14, s22  }
0x282: {  	s13 =	sadd.f32 s13, s15  }
0x283: {  	s14 =	sadd.f32 s29, s14  }
0x284: {  	s13 =	sadd.f32 s13, s24  }
0x285: {  	s14 =	sadd.f32 s14, s7  }
0x286: {  	s13 =	smax.f32 s13, $0.0e+00  }
0x287: {  	s14 =	smax.f32 s14, $0.0e+00;
	v28 =	vmul.f32 s13, v13;
	v29 =	vmul.f32 s13, v26  }
0x288: {  	v30 =	vmul.f32 s13, v14;
	v31 =	vmul.f32 s13, v16  }
0x289: {  	v32 =	vmul.f32 s14, v9;
	v33 =	vmul.f32 s13, v21  }
0x28a: {  	s15 =	sshrl.u32 s11, $0x3;
	s11 =	smov.u32 s30;
	v34 =	vmul.f32 s14, v4;
	v35 =	vmul.f32 s14, v7  }
0x28b: {  	s15 =	smul.u32 $0x3000, s15;
	v36 =	vmul.f32 s14, v8;
	v37 =	vmul.f32 s14, v11;
	v32 =	vadd.f32 v33, v32  }
0x28c: {  	v30 =	vadd.f32 v30, v34;
	v28 =	vadd.f32 v28, v35;
	v33 =	vmul.f32 s14, v6  }
0x28d: {  	s29 =	sand.u32 $0x380, s26;
	s26 =	smov.u32 s10;
	s15 =	sshra.s32 s15, $0x2;
	v31 =	vadd.f32 v31, v36;
	v34 =	vmul.f32 s13, v15;
	v32 =	vadd.f32 v32, v23  }
0x28e: {  	s15 =	sor.u32 s29, s15;
	v35 =	vmul.f32 s14, v5;
	v36 =	vmul.f32 s13, v12;
	v30 =	vadd.f32 v30, v20  }
0x28f: {  	v31 =	vadd.f32 v31, v19;
	v34 =	vadd.f32 v34, v37;
	[tilespmem:s15+$0x6E50] =	vst v32;
	v32 =	vmul.f32 s13, v24  }
0x290: {  	v28 =	vadd.f32 v28, v18;
	[tilespmem:s15+$0x6E00] =	vst v30;
	v30 =	vadd.f32 v36, v35;
	v35 =	vmul.f32 s14, v10  }
0x291: {  	[tilespmem:s15+$0x6E30] =	vst v31;
	v31 =	vadd.f32 v34, v27;
	v32 =	vadd.f32 v32, v33  }
0x292: {  	[tilespmem:s15+$0x6E10] =	vst v28;
	v28 =	vadd.f32 v30, v17;
	v29 =	vadd.f32 v29, v35  }
0x293: {  	[tilespmem:s15+$0x6E40] =	vst v31;
	v30 =	vadd.f32 v32, v22  }
0x294: {  	[tilespmem:s15+$0x6E20] =	vst v28;
	v28 =	vadd.f32 v29, v25  }
0x295: {  	[tilespmem:s15+$0x6E60] =	vst v30  }
0x296: {  	[tilespmem:s15+$0x6E70] =	vst v28  }
0x297: {  	v28 =	vld.msk [tilespmem:s5+$0x0], $0x1  }
0x298: {  	v29 =	vld.msk [tilespmem:s28+$0x0], $0x1;
	_ =	sdelay $0x3  }
0x299: {  	(v2sf) =	vpush v28, $0x0  }
0x29a: {  	(v2sf) =	vpush v29, $0x0;
	_ =	sdelay $0xd  }
.Ltmp1:
0x29b: {  	s13 =	spop (v2sf);
	(pc) =	sbr.rel @p0 .LBB2_4-.Ltmp1, $4  }
0x29c: {  	s13 =	smax.f32 s13, $0.0e+00;
	s14 =	spop (v2sf)  }
0x29d: {  	s14 =	smax.f32 s14, $0.0e+00;
	s15 =	smin.f32 s13, $1.000000000e+00  }
0x29e: {  	s14 =	smin.f32 s14, $1.000000000e+00;
	s13 =	smul.f32 s15, s25  }
0x29f: {  	s28 =	sadd.s32 $0x1, s28;
	s29 =	smul.f32 s15, s23  }
0x2a0: {  	s5 =	smul.f32 s14, s9  }
0x2a1: {  	s10 =	smul.f32 s14, s22  }
0x2a2: {  	s5 =	sadd.f32 s13, s5  }
0x2a3: {  	s10 =	sadd.f32 s29, s10  }
0x2a4: {  	s5 =	sadd.f32 s5, s24;
	_ =	sdelay $0x1  }
0x2a5: {  	s10 =	sadd.f32 s10, s7;
	s5 =	smax.f32 s5, $0.0e+00  }
0x2a6: {  	v28 =	vmul.f32 s5, v13;
	v29 =	vmul.f32 s5, v26  }
0x2a7: {  	s10 =	smax.f32 s10, $0.0e+00;
	v30 =	vmul.f32 s5, v14;
	v31 =	vmul.f32 s5, v16  }
0x2a8: {  	v32 =	vmul.f32 s10, v9;
	v33 =	vmul.f32 s5, v21  }
0x2a9: {  	s11 =	sshrl.u32 s11, $0x3;
	v34 =	vmul.f32 s10, v4;
	v35 =	vmul.f32 s10, v7  }
0x2aa: {  	s11 =	smul.u32 $0x3000, s11;
	v36 =	vmul.f32 s10, v8;
	v37 =	vmul.f32 s10, v11;
	v32 =	vadd.f32 v33, v32  }
0x2ab: {  	v55 =	vmul.f32 s10, v6;
	v56 =	vmul.f32 s5, v15;
	v30 =	vadd.f32 v30, v34  }
0x2ac: {  	s12 =	sand.u32 $0x380, s26;
	s11 =	sshra.s32 s11, $0x2;
	v57 =	vmul.f32 s10, v5;
	v31 =	vadd.f32 v31, v36;
	v32 =	vadd.f32 v32, v23  }
0x2ad: {  	s11 =	sor.u32 s12, s11;
	v58 =	vmul.f32 s5, v12;
	v28 =	vadd.f32 v28, v35;
	v30 =	vadd.f32 v30, v20  }
0x2ae: {  	v59 =	vmul.f32 s5, v24;
	v34 =	vadd.f32 v56, v37;
	v31 =	vadd.f32 v31, v19;
	[tilespmem:s11+$0x6E50] =	vst v32  }
0x2af: {  	v61 =	vmul.f32 s10, v10;
	v60 =	vadd.f32 v58, v57;
	v28 =	vadd.f32 v28, v18;
	[tilespmem:s11+$0x6E00] =	vst v30  }
0x2b0: {  	v62 =	vadd.f32 v34, v27;
	[tilespmem:s11+$0x6E30] =	vst v31;
	v32 =	vadd.f32 v59, v55  }
0x2b1: {  	v29 =	vadd.f32 v29, v61;
	[tilespmem:s11+$0x6E10] =	vst v28;
	v28 =	vadd.f32 v60, v17  }
0x2b2: {  	[tilespmem:s11+$0x6E40] =	vst v62;
	v63 =	vadd.f32 v32, v22  }
0x2b3: {  	[tilespmem:s11+$0x6E20] =	vst v28;
	v28 =	vadd.f32 v29, v25  }
0x2b4: {  	[tilespmem:s11+$0x6E60] =	vst v63  }
0x2b5: {  	[tilespmem:s11+$0x6E70] =	vst v28  }
0x2b6: {  	_ =	swait.ge [sflag:s31], $0x2000  }
0x2b7: {  	[sflag:s31] =	ssyncset.done $0x0  }
0x2b8: {  	[sflag:s31] =	ssyncadd.s32 $0xFFFFE000  }
0x2b9: {  	_ =	swait.ge [sflag:s31], $0x2000  }
0x2ba: {  	[sflag:s31] =	ssyncset.done $0x0  }
0x2bb: {  	s10 =	simm.s32 $0x0;
	s11 =	rddreg [dreg:$0x9];
	[sflag:s31] =	ssyncadd.s32 $0xFFFFE000  }
0x2bc: {  	[hbm4b:s11+s10] =	stream.linear.scatter [tilespmem:s1], [sflag:$0x2], $0x6000, $0x38;
	[tilespmem:$0x18E00] =	vst v63  }
0x2bd: {  	_ =	swait.ge [sflag:s0], $0x6000  }
0x2be: {  	[sflag:s0] =	ssyncset.done $0x0  }
0x2bf: {  	[sflag:s0] =	ssyncadd.s32 $0xFFFFA000  }
0x2c0: {  	v28 =	vld [tilespmem:$0x880];
	_ =	sdelay $0x4  }
0x2c1: {  	v29 =	vperm.xlane v28, v1;
	_ =	sdelay $0x1  }
0x2c2: {  	v28 =	vperm.xlane v28, v3;
	v29 =	vadd.s32 v2, v29;
	_ =	sdelay $0x1  }
0x2c3: {  	v28 =	vadd.s32 v2, v28;
	_ =	sdelay $0x1  }
0x2c4: {  	s12 =	simm.s32 $0x7200  }
0x2c5: {  	[tilespmem:s12], [sflag:$0x1] =	stream.indirect_vreg.gather [hbm4b:s3+s10], $0x80, v29, vm0, $0xb8;
	[tilespmem:$0x18E00] =	vst v63  }
0x2c6: {  	s13 =	simm.s32 $0x7E00  }
0x2c7: {  	[tilespmem:s13], [sflag:$0x1] =	stream.indirect_vreg.gather [hbm4b:s3+s10], $0x80, v28, vm0, $0xb8;
	[tilespmem:$0x18E00] =	vst v63  }
0x2c8: {  	v28 =	vld [tilespmem:$0x890];
	_ =	sdelay $0x4  }
0x2c9: {  	v29 =	vperm.xlane v28, v1;
	_ =	sdelay $0x1  }
0x2ca: {  	v28 =	vperm.xlane v28, v3;
	v29 =	vadd.s32 v2, v29;
	_ =	sdelay $0x1  }
0x2cb: {  	v28 =	vadd.s32 v2, v28;
	_ =	sdelay $0x1  }
0x2cc: {  	s14 =	simm.s32 $0x8A00  }
0x2cd: {  	[tilespmem:s14], [sflag:$0x1] =	stream.indirect_vreg.gather [hbm4b:s3+s10], $0x80, v29, vm0, $0xb8;
	[tilespmem:$0x18E00] =	vst v63  }
0x2ce: {  	s15 =	simm.s32 $0x9600  }
0x2cf: {  	[tilespmem:s15], [sflag:$0x1] =	stream.indirect_vreg.gather [hbm4b:s3+s10], $0x80, v28, vm0, $0xb8;
	[tilespmem:$0x18E00] =	vst v63  }
0x2d0: {  	v28 =	vld [tilespmem:$0x8A0];
	_ =	sdelay $0x4  }
0x2d1: {  	v29 =	vperm.xlane v28, v1;
	_ =	sdelay $0x1  }
0x2d2: {  	v28 =	vperm.xlane v28, v3;
	v29 =	vadd.s32 v2, v29;
	_ =	sdelay $0x1  }
0x2d3: {  	v28 =	vadd.s32 v2, v28;
	_ =	sdelay $0x1  }
0x2d4: {  	s26 =	simm.s32 $0xA200  }
0x2d5: {  	[tilespmem:s26], [sflag:$0x1] =	stream.indirect_vreg.gather [hbm4b:s3+s10], $0x80, v29, vm0, $0xb8;
	[tilespmem:$0x18E00] =	vst v63  }
0x2d6: {  	s30 =	simm.s32 $0xAE00  }
0x2d7: {  	[tilespmem:s30], [sflag:$0x1] =	stream.indirect_vreg.gather [hbm4b:s3+s10], $0x80, v28, vm0, $0xb8;
	[tilespmem:$0x18E00] =	vst v63  }
0x2d8: {  	v28 =	vld [tilespmem:$0x8B0];
	_ =	sdelay $0x4  }
0x2d9: {  	v29 =	vperm.xlane v28, v1;
	_ =	sdelay $0x1  }
0x2da: {  	v28 =	vperm.xlane v28, v3;
	v29 =	vadd.s32 v2, v29;
	_ =	sdelay $0x1  }
0x2db: {  	v28 =	vadd.s32 v2, v28;
	_ =	sdelay $0x1  }
0x2dc: {  	s11 =	simm.s32 $0xBA00  }
0x2dd: {  	[tilespmem:s11], [sflag:$0x1] =	stream.indirect_vreg.gather [hbm4b:s3+s10], $0x80, v29, vm0, $0xb8;
	[tilespmem:$0x18E00] =	vst v63  }
0x2de: {  	s12 =	simm.s32 $0xC600  }
0x2df: {  	[tilespmem:s12], [sflag:$0x1] =	stream.indirect_vreg.gather [hbm4b:s3+s10], $0x80, v28, vm0, $0xb8;
	[tilespmem:$0x18E00] =	vst v63  }
0x2e0: {  	v28 =	vld [tilespmem:$0xC80];
	_ =	sdelay $0x4  }
0x2e1: {  	v29 =	vperm.xlane v28, v1;
	_ =	sdelay $0x1  }
0x2e2: {  	v28 =	vperm.xlane v28, v3;
	v29 =	vadd.s32 v2, v29;
	_ =	sdelay $0x1  }
0x2e3: {  	v28 =	vadd.s32 v2, v28;
	_ =	sdelay $0x1  }
0x2e4: {  	s13 =	simm.s32 $0x7600  }
0x2e5: {  	[tilespmem:s13], [sflag:$0x1] =	stream.indirect_vreg.gather [hbm4b:s4+s10], $0x80, v29, vm0, $0xb8;
	[tilespmem:$0x18E00] =	vst v63  }
0x2e6: {  	s14 =	simm.s32 $0x8200  }
0x2e7: {  	[tilespmem:s14], [sflag:$0x1] =	stream.indirect_vreg.gather [hbm4b:s4+s10], $0x80, v28, vm0, $0xb8;
	[tilespmem:$0x18E00] =	vst v63  }
0x2e8: {  	v28 =	vld [tilespmem:$0xC90];
	_ =	sdelay $0x4  }
0x2e9: {  	v29 =	vperm.xlane v28, v1;
	_ =	sdelay $0x1  }
0x2ea: {  	v28 =	vperm.xlane v28, v3;
	v29 =	vadd.s32 v2, v29;
	_ =	sdelay $0x1  }
0x2eb: {  	v28 =	vadd.s32 v2, v28;
	_ =	sdelay $0x1  }
0x2ec: {  	s15 =	simm.s32 $0x8E00  }
0x2ed: {  	[tilespmem:s15], [sflag:$0x1] =	stream.indirect_vreg.gather [hbm4b:s4+s10], $0x80, v29, vm0, $0xb8;
	[tilespmem:$0x18E00] =	vst v63  }
0x2ee: {  	s26 =	simm.s32 $0x9A00  }
0x2ef: {  	[tilespmem:s26], [sflag:$0x1] =	stream.indirect_vreg.gather [hbm4b:s4+s10], $0x80, v28, vm0, $0xb8;
	[tilespmem:$0x18E00] =	vst v63  }
0x2f0: {  	v28 =	vld [tilespmem:$0xCA0];
	_ =	sdelay $0x4  }
0x2f1: {  	v29 =	vperm.xlane v28, v1;
	_ =	sdelay $0x1  }
0x2f2: {  	v28 =	vperm.xlane v28, v3;
	v29 =	vadd.s32 v2, v29;
	_ =	sdelay $0x1  }
0x2f3: {  	v28 =	vadd.s32 v2, v28;
	_ =	sdelay $0x1  }
0x2f4: {  	s30 =	simm.s32 $0xA600  }
0x2f5: {  	[tilespmem:s30], [sflag:$0x1] =	stream.indirect_vreg.gather [hbm4b:s4+s10], $0x80, v29, vm0, $0xb8;
	[tilespmem:$0x18E00] =	vst v63  }
0x2f6: {  	s11 =	simm.s32 $0xB200  }
0x2f7: {  	[tilespmem:s11], [sflag:$0x1] =	stream.indirect_vreg.gather [hbm4b:s4+s10], $0x80, v28, vm0, $0xb8;
	[tilespmem:$0x18E00] =	vst v63  }
0x2f8: {  	v28 =	vld [tilespmem:$0xCB0];
	_ =	sdelay $0x4  }
0x2f9: {  	v29 =	vperm.xlane v28, v1;
	_ =	sdelay $0x1  }
0x2fa: {  	v28 =	vperm.xlane v28, v3;
	v29 =	vadd.s32 v2, v29;
	_ =	sdelay $0x1  }
0x2fb: {  	v28 =	vadd.s32 v2, v28;
	_ =	sdelay $0x1  }
0x2fc: {  	s12 =	simm.s32 $0xBE00  }
0x2fd: {  	[tilespmem:s12], [sflag:$0x1] =	stream.indirect_vreg.gather [hbm4b:s4+s10], $0x80, v29, vm0, $0xb8;
	[tilespmem:$0x18E00] =	vst v63  }
0x2fe: {  	s13 =	simm.s32 $0xCA00;
	s14 =	simm.s32 $0x280  }
0x2ff: {  	[tilespmem:s13], [sflag:$0x1] =	stream.indirect_vreg.gather [hbm4b:s4+s10], $0x80, v28, vm0, $0xb8;
	[tilespmem:$0x18E00] =	vst v63  }
0x300: {  	v28 =	vld.msk [tilespmem:s14+$0x0], $0x1  }
0x301: {  	s11 =	simm.s32 $0x80  }
0x302: {  	v29 =	vld.msk [tilespmem:s11+$0x0], $0x1;
	_ =	sdelay $0x2  }
0x303: {  	(v2sf) =	vpush v28, $0x0;
	_ =	sdelay $0x1  }
0x304: {  	(v2sf) =	vpush v29, $0x0;
	_ =	sdelay $0xc  }
0x305: {  	s15 =	spop (v2sf)  }
0x306: {  	s28 =	simm.s32 $0x281;
	s5 =	smax.f32 s15, $0.0e+00  }
0x307: {  	s12 =	simm.s32 $0x1;
	s26 =	spop (v2sf);
	s5 =	smin.f32 s5, $1.000000000e+00  }
0x308: {  	s30 =	smax.f32 s26, $0.0e+00;
	s26 =	simm.s32 $0x0;
	s13 =	smul.f32 s5, s25  }
0x309: {  	s14 =	smin.f32 s30, $1.000000000e+00;
	s29 =	smul.f32 s5, s23;
	s5 =	simm.s32 $0x0  }
.LBB2_6:
0x30a: {  	s15 =	smul.f32 s14, s9  }
0x30b: {  	s10 =	sadd.s32 $0x80, s10;
	s11 =	sadd.s32 $0x1, s11;
	s30 =	smov.u32 s12  }
0x30c: {  	p0 =	sne.s32 s12, $0x3F;
	s12 =	sadd.s32 $0x1, s12;
	s14 =	smul.f32 s14, s22  }
0x30d: {  	s13 =	sadd.f32 s13, s15  }
0x30e: {  	s14 =	sadd.f32 s29, s14  }
0x30f: {  	s13 =	sadd.f32 s13, s24  }
0x310: {  	s14 =	sadd.f32 s14, s7  }
0x311: {  	s13 =	smax.f32 s13, $0.0e+00  }
0x312: {  	s14 =	smax.f32 s14, $0.0e+00;
	v28 =	vmul.f32 s13, v13;
	v29 =	vmul.f32 s13, v26  }
0x313: {  	v30 =	vmul.f32 s13, v14;
	v31 =	vmul.f32 s13, v16  }
0x314: {  	v32 =	vmul.f32 s14, v9;
	v33 =	vmul.f32 s13, v21  }
0x315: {  	s15 =	sshrl.u32 s5, $0x3;
	s5 =	smov.u32 s30;
	v34 =	vmul.f32 s14, v4;
	v35 =	vmul.f32 s14, v7  }
0x316: {  	s15 =	smul.u32 $0x3000, s15;
	v36 =	vmul.f32 s14, v8;
	v37 =	vmul.f32 s14, v11;
	v32 =	vadd.f32 v33, v32  }
0x317: {  	v30 =	vadd.f32 v30, v34;
	v28 =	vadd.f32 v28, v35;
	v33 =	vmul.f32 s14, v6  }
0x318: {  	s29 =	sand.u32 $0x380, s26;
	s26 =	smov.u32 s10;
	s15 =	sshra.s32 s15, $0x2;
	v31 =	vadd.f32 v31, v36;
	v34 =	vmul.f32 s13, v15;
	v32 =	vadd.f32 v32, v23  }
0x319: {  	s15 =	sor.u32 s29, s15;
	v35 =	vmul.f32 s14, v5;
	v36 =	vmul.f32 s13, v12;
	v30 =	vadd.f32 v30, v20  }
0x31a: {  	v31 =	vadd.f32 v31, v19;
	v34 =	vadd.f32 v34, v37;
	[tilespmem:s15+$0xCE50] =	vst v32;
	v32 =	vmul.f32 s13, v24  }
0x31b: {  	v28 =	vadd.f32 v28, v18;
	[tilespmem:s15+$0xCE00] =	vst v30;
	v30 =	vadd.f32 v36, v35;
	v35 =	vmul.f32 s14, v10  }
0x31c: {  	[tilespmem:s15+$0xCE30] =	vst v31;
	v31 =	vadd.f32 v34, v27;
	v32 =	vadd.f32 v32, v33  }
0x31d: {  	[tilespmem:s15+$0xCE10] =	vst v28;
	v28 =	vadd.f32 v30, v17;
	v29 =	vadd.f32 v29, v35  }
0x31e: {  	[tilespmem:s15+$0xCE40] =	vst v31;
	v30 =	vadd.f32 v32, v22  }
0x31f: {  	[tilespmem:s15+$0xCE20] =	vst v28;
	v28 =	vadd.f32 v29, v25  }
0x320: {  	[tilespmem:s15+$0xCE60] =	vst v30  }
0x321: {  	[tilespmem:s15+$0xCE70] =	vst v28  }
0x322: {  	v28 =	vld.msk [tilespmem:s28+$0x0], $0x1  }
0x323: {  	v29 =	vld.msk [tilespmem:s11+$0x0], $0x1;
	_ =	sdelay $0x3  }
0x324: {  	(v2sf) =	vpush v28, $0x0  }
0x325: {  	(v2sf) =	vpush v29, $0x0;
	_ =	sdelay $0xd  }
.Ltmp2:
0x326: {  	s13 =	spop (v2sf);
	(pc) =	sbr.rel @p0 .LBB2_6-.Ltmp2, $4  }
0x327: {  	s13 =	smax.f32 s13, $0.0e+00;
	s14 =	spop (v2sf)  }
0x328: {  	s14 =	smax.f32 s14, $0.0e+00;
	s15 =	smin.f32 s13, $1.000000000e+00  }
0x329: {  	s14 =	smin.f32 s14, $1.000000000e+00;
	s13 =	smul.f32 s15, s25  }
0x32a: {  	s28 =	sadd.s32 $0x1, s28;
	s29 =	smul.f32 s15, s23  }
0x32b: {  	s10 =	smul.f32 s14, s9  }
0x32c: {  	s11 =	smul.f32 s14, s22  }
0x32d: {  	s10 =	sadd.f32 s13, s10  }
0x32e: {  	s11 =	sadd.f32 s29, s11  }
0x32f: {  	s10 =	sadd.f32 s10, s24;
	_ =	sdelay $0x1  }
0x330: {  	s11 =	sadd.f32 s11, s7;
	s10 =	smax.f32 s10, $0.0e+00  }
0x331: {  	v28 =	vmul.f32 s10, v13;
	v29 =	vmul.f32 s10, v26  }
0x332: {  	s11 =	smax.f32 s11, $0.0e+00;
	v30 =	vmul.f32 s10, v14;
	v31 =	vmul.f32 s10, v16  }
0x333: {  	v32 =	vmul.f32 s11, v9;
	v33 =	vmul.f32 s10, v21  }
0x334: {  	s5 =	sshrl.u32 s5, $0x3;
	v34 =	vmul.f32 s11, v4;
	v35 =	vmul.f32 s11, v7  }
0x335: {  	s5 =	smul.u32 $0x3000, s5;
	v36 =	vmul.f32 s11, v8;
	v37 =	vmul.f32 s11, v11;
	v32 =	vadd.f32 v33, v32  }
0x336: {  	v55 =	vmul.f32 s11, v6;
	v56 =	vmul.f32 s10, v15;
	v30 =	vadd.f32 v30, v34  }
0x337: {  	s12 =	sand.u32 $0x380, s26;
	s5 =	sshra.s32 s5, $0x2;
	v57 =	vmul.f32 s11, v5;
	v31 =	vadd.f32 v31, v36;
	v32 =	vadd.f32 v32, v23  }
0x338: {  	s5 =	sor.u32 s12, s5;
	v58 =	vmul.f32 s10, v12;
	v28 =	vadd.f32 v28, v35;
	v30 =	vadd.f32 v30, v20  }
0x339: {  	v59 =	vmul.f32 s10, v24;
	v34 =	vadd.f32 v56, v37;
	v31 =	vadd.f32 v31, v19;
	[tilespmem:s5+$0xCE50] =	vst v32  }
0x33a: {  	v61 =	vmul.f32 s11, v10;
	v60 =	vadd.f32 v58, v57;
	v28 =	vadd.f32 v28, v18;
	[tilespmem:s5+$0xCE00] =	vst v30  }
0x33b: {  	v62 =	vadd.f32 v34, v27;
	[tilespmem:s5+$0xCE30] =	vst v31;
	v32 =	vadd.f32 v59, v55  }
0x33c: {  	v29 =	vadd.f32 v29, v61;
	[tilespmem:s5+$0xCE10] =	vst v28;
	v28 =	vadd.f32 v60, v17  }
0x33d: {  	[tilespmem:s5+$0xCE40] =	vst v62;
	v63 =	vadd.f32 v32, v22  }
0x33e: {  	[tilespmem:s5+$0xCE20] =	vst v28;
	v28 =	vadd.f32 v29, v25  }
0x33f: {  	[tilespmem:s5+$0xCE60] =	vst v63  }
0x340: {  	[tilespmem:s5+$0xCE70] =	vst v28  }
0x341: {  	_ =	swait.ge [sflag:s31], $0x2000  }
0x342: {  	[sflag:s31] =	ssyncset.done $0x0  }
0x343: {  	[sflag:s31] =	ssyncadd.s32 $0xFFFFE000  }
0x344: {  	_ =	swait.ge [sflag:s31], $0x2000  }
0x345: {  	[sflag:s31] =	ssyncset.done $0x0  }
0x346: {  	s10 =	simm.s32 $0x0;
	s30 =	rddreg [dreg:$0xa];
	[sflag:s31] =	ssyncadd.s32 $0xFFFFE000  }
0x347: {  	[hbm4b:s30+s10] =	stream.linear.scatter [tilespmem:s19], [sflag:$0x2], $0x6000, $0x38;
	[tilespmem:$0x18E00] =	vst v63  }
0x348: {  	_ =	swait.ge [sflag:s0], $0x6000  }
0x349: {  	[sflag:s0] =	ssyncset.done $0x0  }
0x34a: {  	[sflag:s0] =	ssyncadd.s32 $0xFFFFA000  }
0x34b: {  	v28 =	vld [tilespmem:$0x900];
	_ =	sdelay $0x4  }
0x34c: {  	v29 =	vperm.xlane v28, v1;
	_ =	sdelay $0x1  }
0x34d: {  	v28 =	vperm.xlane v28, v3;
	v29 =	vadd.s32 v2, v29;
	_ =	sdelay $0x1  }
0x34e: {  	v28 =	vadd.s32 v2, v28;
	_ =	sdelay $0x1  }
0x34f: {  	s11 =	simm.s32 $0xD200  }
0x350: {  	[tilespmem:s11], [sflag:$0x1] =	stream.indirect_vreg.gather [hbm4b:s3+s10], $0x80, v29, vm0, $0xb8;
	[tilespmem:$0x18E00] =	vst v63  }
0x351: {  	s12 =	simm.s32 $0xDE00  }
0x352: {  	[tilespmem:s12], [sflag:$0x1] =	stream.indirect_vreg.gather [hbm4b:s3+s10], $0x80, v28, vm0, $0xb8;
	[tilespmem:$0x18E00] =	vst v63  }
0x353: {  	v28 =	vld [tilespmem:$0x910];
	_ =	sdelay $0x4  }
0x354: {  	v29 =	vperm.xlane v28, v1;
	_ =	sdelay $0x1  }
0x355: {  	v28 =	vperm.xlane v28, v3;
	v29 =	vadd.s32 v2, v29;
	_ =	sdelay $0x1  }
0x356: {  	v28 =	vadd.s32 v2, v28;
	_ =	sdelay $0x1  }
0x357: {  	s13 =	simm.s32 $0xEA00  }
0x358: {  	[tilespmem:s13], [sflag:$0x1] =	stream.indirect_vreg.gather [hbm4b:s3+s10], $0x80, v29, vm0, $0xb8;
	[tilespmem:$0x18E00] =	vst v63  }
0x359: {  	s14 =	simm.s32 $0xF600  }
0x35a: {  	[tilespmem:s14], [sflag:$0x1] =	stream.indirect_vreg.gather [hbm4b:s3+s10], $0x80, v28, vm0, $0xb8;
	[tilespmem:$0x18E00] =	vst v63  }
0x35b: {  	v28 =	vld [tilespmem:$0x920];
	_ =	sdelay $0x4  }
0x35c: {  	v29 =	vperm.xlane v28, v1;
	_ =	sdelay $0x1  }
0x35d: {  	v28 =	vperm.xlane v28, v3;
	v29 =	vadd.s32 v2, v29;
	_ =	sdelay $0x1  }
0x35e: {  	v28 =	vadd.s32 v2, v28;
	_ =	sdelay $0x1  }
0x35f: {  	s15 =	simm.s32 $0x10200  }
0x360: {  	[tilespmem:s15], [sflag:$0x1] =	stream.indirect_vreg.gather [hbm4b:s3+s10], $0x80, v29, vm0, $0xb8;
	[tilespmem:$0x18E00] =	vst v63  }
0x361: {  	s26 =	simm.s32 $0x10E00  }
0x362: {  	[tilespmem:s26], [sflag:$0x1] =	stream.indirect_vreg.gather [hbm4b:s3+s10], $0x80, v28, vm0, $0xb8;
	[tilespmem:$0x18E00] =	vst v63  }
0x363: {  	v28 =	vld [tilespmem:$0x930];
	_ =	sdelay $0x4  }
0x364: {  	v29 =	vperm.xlane v28, v1;
	_ =	sdelay $0x1  }
0x365: {  	v28 =	vperm.xlane v28, v3;
	v29 =	vadd.s32 v2, v29;
	_ =	sdelay $0x1  }
0x366: {  	v28 =	vadd.s32 v2, v28;
	_ =	sdelay $0x1  }
0x367: {  	s29 =	simm.s32 $0x11A00  }
0x368: {  	[tilespmem:s29], [sflag:$0x1] =	stream.indirect_vreg.gather [hbm4b:s3+s10], $0x80, v29, vm0, $0xb8;
	[tilespmem:$0x18E00] =	vst v63  }
0x369: {  	s30 =	simm.s32 $0x12600  }
0x36a: {  	[tilespmem:s30], [sflag:$0x1] =	stream.indirect_vreg.gather [hbm4b:s3+s10], $0x80, v28, vm0, $0xb8;
	[tilespmem:$0x18E00] =	vst v63  }
0x36b: {  	v28 =	vld [tilespmem:$0xD00];
	_ =	sdelay $0x4  }
0x36c: {  	v29 =	vperm.xlane v28, v1;
	_ =	sdelay $0x1  }
0x36d: {  	v28 =	vperm.xlane v28, v3;
	v29 =	vadd.s32 v2, v29;
	_ =	sdelay $0x1  }
0x36e: {  	v28 =	vadd.s32 v2, v28;
	_ =	sdelay $0x1  }
0x36f: {  	s11 =	simm.s32 $0xD600  }
0x370: {  	[tilespmem:s11], [sflag:$0x1] =	stream.indirect_vreg.gather [hbm4b:s4+s10], $0x80, v29, vm0, $0xb8;
	[tilespmem:$0x18E00] =	vst v63  }
0x371: {  	s12 =	simm.s32 $0xE200  }
0x372: {  	[tilespmem:s12], [sflag:$0x1] =	stream.indirect_vreg.gather [hbm4b:s4+s10], $0x80, v28, vm0, $0xb8;
	[tilespmem:$0x18E00] =	vst v63  }
0x373: {  	v28 =	vld [tilespmem:$0xD10];
	_ =	sdelay $0x4  }
0x374: {  	v29 =	vperm.xlane v28, v1;
	_ =	sdelay $0x1  }
0x375: {  	v28 =	vperm.xlane v28, v3;
	v29 =	vadd.s32 v2, v29;
	_ =	sdelay $0x1  }
0x376: {  	v28 =	vadd.s32 v2, v28;
	_ =	sdelay $0x1  }
0x377: {  	s13 =	simm.s32 $0xEE00  }
0x378: {  	[tilespmem:s13], [sflag:$0x1] =	stream.indirect_vreg.gather [hbm4b:s4+s10], $0x80, v29, vm0, $0xb8;
	[tilespmem:$0x18E00] =	vst v63  }
0x379: {  	s14 =	simm.s32 $0xFA00  }
0x37a: {  	[tilespmem:s14], [sflag:$0x1] =	stream.indirect_vreg.gather [hbm4b:s4+s10], $0x80, v28, vm0, $0xb8;
	[tilespmem:$0x18E00] =	vst v63  }
0x37b: {  	v28 =	vld [tilespmem:$0xD20];
	_ =	sdelay $0x4  }
0x37c: {  	v29 =	vperm.xlane v28, v1;
	_ =	sdelay $0x1  }
0x37d: {  	v28 =	vperm.xlane v28, v3;
	v29 =	vadd.s32 v2, v29;
	_ =	sdelay $0x1  }
0x37e: {  	v28 =	vadd.s32 v2, v28;
	_ =	sdelay $0x1  }
0x37f: {  	s15 =	simm.s32 $0x10600  }
0x380: {  	[tilespmem:s15], [sflag:$0x1] =	stream.indirect_vreg.gather [hbm4b:s4+s10], $0x80, v29, vm0, $0xb8;
	[tilespmem:$0x18E00] =	vst v63  }
0x381: {  	s26 =	simm.s32 $0x11200  }
0x382: {  	[tilespmem:s26], [sflag:$0x1] =	stream.indirect_vreg.gather [hbm4b:s4+s10], $0x80, v28, vm0, $0xb8;
	[tilespmem:$0x18E00] =	vst v63  }
0x383: {  	v28 =	vld [tilespmem:$0xD30];
	_ =	sdelay $0x4  }
0x384: {  	v29 =	vperm.xlane v28, v1;
	_ =	sdelay $0x1  }
0x385: {  	v28 =	vperm.xlane v28, v3;
	v29 =	vadd.s32 v2, v29;
	_ =	sdelay $0x1  }
0x386: {  	v28 =	vadd.s32 v2, v28;
	_ =	sdelay $0x1  }
0x387: {  	s29 =	simm.s32 $0x11E00  }
0x388: {  	[tilespmem:s29], [sflag:$0x1] =	stream.indirect_vreg.gather [hbm4b:s4+s10], $0x80, v29, vm0, $0xb8;
	[tilespmem:$0x18E00] =	vst v63  }
0x389: {  	s30 =	simm.s32 $0x12A00;
	s11 =	simm.s32 $0xC0  }
0x38a: {  	[tilespmem:s30], [sflag:$0x1] =	stream.indirect_vreg.gather [hbm4b:s4+s10], $0x80, v28, vm0, $0xb8;
	[tilespmem:$0x18E00] =	vst v63  }
0x38b: {  	s12 =	simm.s32 $0x2C0;
	v28 =	vld.msk [tilespmem:s11+$0x0], $0x1  }
0x38c: {  	v29 =	vld.msk [tilespmem:s12+$0x0], $0x1;
	_ =	sdelay $0x3  }
0x38d: {  	(v2sf) =	vpush v28, $0x0  }
0x38e: {  	s28 =	simm.s32 $0x1;
	s5 =	simm.s32 $0x0;
	s26 =	simm.s32 $0x0;
	(v2sf) =	vpush v29, $0x0  }
.LBB2_8:
0x38f: {  	_ =	sdelay $0x7  }
0x390: {  	s10 =	sadd.s32 $0x80, s10;
	s12 =	sadd.s32 $0x1, s12;
	s11 =	sadd.s32 $0x1, s11  }
0x391: {  	p0 =	sne.s32 s28, $0x3F;
	s13 =	smov.u32 s28;
	s28 =	sadd.s32 $0x1, s28  }
0x392: {  	_ =	sdelay $0x2  }
0x393: {  	s14 =	spop (v2sf)  }
0x394: {  	s14 =	smax.f32 s14, $0.0e+00;
	s15 =	spop (v2sf)  }
0x395: {  	s14 =	smin.f32 s14, $1.000000000e+00;
	s15 =	smax.f32 s15, $0.0e+00  }
0x396: {  	s15 =	smin.f32 s15, $1.000000000e+00;
	s29 =	smul.f32 s14, s9  }
0x397: {  	s30 =	smul.f32 s15, s25  }
0x398: {  	s14 =	smul.f32 s14, s22  }
0x399: {  	s15 =	smul.f32 s15, s23;
	s29 =	sadd.f32 s30, s29  }
0x39a: {  	_ = 	snop  }
0x39b: {  	s29 =	sadd.f32 s29, s24  }
0x39c: {  	s14 =	sadd.f32 s15, s14  }
0x39d: {  	s15 =	smax.f32 s29, $0.0e+00  }
0x39e: {  	s14 =	sadd.f32 s14, s7;
	v28 =	vmul.f32 s15, v14;
	v29 =	vmul.f32 s15, v21  }
0x39f: {  	v30 =	vmul.f32 s15, v24  }
0x3a0: {  	s14 =	smax.f32 s14, $0.0e+00;
	v31 =	vmul.f32 s15, v26  }
0x3a1: {  	v32 =	vmul.f32 s14, v4;
	v33 =	vmul.f32 s15, v16  }
0x3a2: {  	s29 =	sshrl.u32 s5, $0x3;
	s5 =	smov.u32 s13;
	v34 =	vmul.f32 s14, v7;
	v35 =	vmul.f32 s15, v13  }
0x3a3: {  	s13 =	smul.u32 $0x3000, s29;
	v36 =	vmul.f32 s15, v15;
	v28 =	vadd.f32 v28, v32;
	v32 =	vmul.f32 s14, v11  }
0x3a4: {  	v37 =	vmul.f32 s14, v8;
	v34 =	vadd.f32 v35, v34;
	v35 =	vmul.f32 s14, v5  }
0x3a5: {  	s29 =	sand.u32 $0x380, s26;
	v38 =	vmul.f32 s15, v12;
	s26 =	smov.u32 s10;
	s13 =	sshra.s32 s13, $0x2;
	v28 =	vadd.f32 v28, v20;
	v32 =	vadd.f32 v36, v32  }
0x3a6: {  	v33 =	vadd.f32 v33, v37;
	s13 =	sor.u32 s29, s13;
	v34 =	vadd.f32 v34, v18;
	v36 =	vmul.f32 s14, v9  }
0x3a7: {  	s15 =	sadd.s32 $0x12E00, s13;
	v32 =	vadd.f32 v32, v27;
	[tilespmem:s13+$0x12E00] =	vst v28;
	v28 =	vadd.f32 v38, v35;
	v35 =	vmul.f32 s14, v10  }
0x3a8: {  	v33 =	vadd.f32 v33, v19;
	v29 =	vadd.f32 v29, v36;
	[tilespmem:s15+$0x10] =	vst v34;
	v34 =	vmul.f32 s14, v6  }
0x3a9: {  	v28 =	vadd.f32 v28, v17;
	[tilespmem:s15+$0x40] =	vst v32;
	v31 =	vadd.f32 v31, v35  }
0x3aa: {  	v29 =	vadd.f32 v29, v23;
	[tilespmem:s15+$0x30] =	vst v33;
	v30 =	vadd.f32 v30, v34  }
0x3ab: {  	[tilespmem:s15+$0x20] =	vst v28;
	v28 =	vadd.f32 v31, v25  }
0x3ac: {  	[tilespmem:s15+$0x50] =	vst v29;
	v29 =	vadd.f32 v30, v22  }
0x3ad: {  	[tilespmem:s15+$0x70] =	vst v28  }
0x3ae: {  	[tilespmem:s15+$0x60] =	vst v29  }
0x3af: {  	v28 =	vld.msk [tilespmem:s11+$0x0], $0x1  }
0x3b0: {  	v29 =	vld.msk [tilespmem:s12+$0x0], $0x1  }
.Ltmp3:
0x3b1: {  	(pc) =	sbr.rel @p0 .LBB2_8-.Ltmp3, $3  }
0x3b2: {  	_ =	sdelay $0x1  }
0x3b3: {  	(v2sf) =	vpush v28, $0x0  }
0x3b4: {  	(v2sf) =	vpush v29, $0x0  }
0x3b5: {  	_ =	sdelay $0xc  }
0x3b6: {  	s10 =	spop (v2sf)  }
0x3b7: {  	s10 =	smax.f32 s10, $0.0e+00  }
0x3b8: {  	s11 =	spop (v2sf);
	s10 =	smin.f32 s10, $1.000000000e+00  }
0x3b9: {  	s11 =	smax.f32 s11, $0.0e+00;
	s12 =	smul.f32 s10, s9  }
0x3ba: {  	s11 =	smin.f32 s11, $1.000000000e+00;
	s10 =	smul.f32 s10, s22  }
0x3bb: {  	s13 =	smul.f32 s11, s25  }
0x3bc: {  	s11 =	smul.f32 s11, s23  }
0x3bd: {  	s12 =	sadd.f32 s13, s12  }
0x3be: {  	s10 =	sadd.f32 s11, s10  }
0x3bf: {  	s12 =	sadd.f32 s12, s24;
	_ =	sdelay $0x1  }
0x3c0: {  	s10 =	sadd.f32 s10, s7;
	s15 =	smax.f32 s12, $0.0e+00  }
0x3c1: {  	v28 =	vmul.f32 s15, v14;
	v29 =	vmul.f32 s15, v21  }
0x3c2: {  	s10 =	smax.f32 s10, $0.0e+00;
	v30 =	vmul.f32 s15, v24;
	v31 =	vmul.f32 s15, v26  }
0x3c3: {  	v32 =	vmul.f32 s10, v4;
	v33 =	vmul.f32 s15, v16  }
0x3c4: {  	s5 =	sshrl.u32 s5, $0x3;
	v59 =	vmul.f32 s10, v11;
	v36 =	vmul.f32 s15, v15  }
0x3c5: {  	s5 =	smul.u32 $0x3000, s5;
	v34 =	vmul.f32 s10, v7;
	v61 =	vmul.f32 s10, v9;
	v28 =	vadd.f32 v28, v32  }
0x3c6: {  	v35 =	vmul.f32 s15, v13;
	v60 =	vmul.f32 s10, v5;
	v32 =	vadd.f32 v36, v59  }
0x3c7: {  	s30 =	sand.u32 $0x380, s26;
	s5 =	sshra.s32 s5, $0x2;
	v37 =	vmul.f32 s10, v8;
	v29 =	vadd.f32 v29, v61;
	v28 =	vadd.f32 v28, v20  }
0x3c8: {  	s5 =	sor.u32 s30, s5;
	v38 =	vmul.f32 s15, v12;
	v34 =	vadd.f32 v35, v34;
	v32 =	vadd.f32 v32, v27  }
0x3c9: {  	s13 =	sadd.s32 $0x12E00, s5;
	v63 =	vmul.f32 s10, v6;
	v33 =	vadd.f32 v33, v37;
	v29 =	vadd.f32 v29, v23;
	[tilespmem:s5+$0x12E00] =	vst v28  }
0x3ca: {  	v62 =	vmul.f32 s10, v10;
	v34 =	vadd.f32 v34, v18;
	v28 =	vadd.f32 v38, v60;
	[tilespmem:s13+$0x40] =	vst v32  }
0x3cb: {  	v30 =	vadd.f32 v30, v63;
	v33 =	vadd.f32 v33, v19;
	[tilespmem:s13+$0x50] =	vst v29  }
0x3cc: {  	v31 =	vadd.f32 v31, v62;
	[tilespmem:s13+$0x10] =	vst v34;
	v28 =	vadd.f32 v28, v17  }
0x3cd: {  	v29 =	vadd.f32 v30, v22;
	[tilespmem:s13+$0x30] =	vst v33  }
0x3ce: {  	[tilespmem:s13+$0x20] =	vst v28;
	v28 =	vadd.f32 v31, v25  }
0x3cf: {  	[tilespmem:s13+$0x60] =	vst v29  }
0x3d0: {  	[tilespmem:s13+$0x70] =	vst v28  }
0x3d1: {  	_ =	swait.ge [sflag:s31], $0x2000  }
0x3d2: {  	[sflag:s31] =	ssyncset.done $0x0  }
0x3d3: {  	[sflag:s31] =	ssyncadd.s32 $0xFFFFE000  }
0x3d4: {  	_ =	swait.ge [sflag:s31], $0x2000  }
0x3d5: {  	[sflag:s31] =	ssyncset.done $0x0  }
0x3d6: {  	s10 =	simm.s32 $0x0;
	s14 =	rddreg [dreg:$0xb];
	[sflag:s31] =	ssyncadd.s32 $0xFFFFE000  }
0x3d7: {  	[hbm4b:s14+s10] =	stream.linear.scatter [tilespmem:s20], [sflag:$0x2], $0x6000, $0x38;
	[tilespmem:$0x18E00] =	vst v63  }
0x3d8: {  	_ =	swait.ge [sflag:s0], $0x6000  }
0x3d9: {  	[sflag:s0] =	ssyncset.done $0x0  }
0x3da: {  	[sflag:s0] =	ssyncadd.s32 $0xFFFFA000  }
0x3db: {  	v28 =	vld [tilespmem:$0x980];
	_ =	sdelay $0x4  }
0x3dc: {  	v29 =	vperm.xlane v28, v1;
	_ =	sdelay $0x1  }
0x3dd: {  	v28 =	vperm.xlane v28, v3;
	v29 =	vadd.s32 v2, v29;
	_ =	sdelay $0x1  }
0x3de: {  	v28 =	vadd.s32 v2, v28;
	_ =	sdelay $0x1  }
0x3df: {  	s15 =	simm.s32 $0x13200  }
0x3e0: {  	[tilespmem:s15], [sflag:$0x1] =	stream.indirect_vreg.gather [hbm4b:s3+s10], $0x80, v29, vm0, $0xb8;
	[tilespmem:$0x18E00] =	vst v63  }
0x3e1: {  	s26 =	simm.s32 $0x13E00  }
0x3e2: {  	[tilespmem:s26], [sflag:$0x1] =	stream.indirect_vreg.gather [hbm4b:s3+s10], $0x80, v28, vm0, $0xb8;
	[tilespmem:$0x18E00] =	vst v63  }
0x3e3: {  	v28 =	vld [tilespmem:$0x990];
	_ =	sdelay $0x4  }
0x3e4: {  	v29 =	vperm.xlane v28, v1;
	_ =	sdelay $0x1  }
0x3e5: {  	v28 =	vperm.xlane v28, v3;
	v29 =	vadd.s32 v2, v29;
	_ =	sdelay $0x1  }
0x3e6: {  	v28 =	vadd.s32 v2, v28;
	_ =	sdelay $0x1  }
0x3e7: {  	s30 =	simm.s32 $0x14A00  }
0x3e8: {  	[tilespmem:s30], [sflag:$0x1] =	stream.indirect_vreg.gather [hbm4b:s3+s10], $0x80, v29, vm0, $0xb8;
	[tilespmem:$0x18E00] =	vst v63  }
0x3e9: {  	s11 =	simm.s32 $0x15600  }
0x3ea: {  	[tilespmem:s11], [sflag:$0x1] =	stream.indirect_vreg.gather [hbm4b:s3+s10], $0x80, v28, vm0, $0xb8;
	[tilespmem:$0x18E00] =	vst v63  }
0x3eb: {  	v28 =	vld [tilespmem:$0x9A0];
	_ =	sdelay $0x4  }
0x3ec: {  	v29 =	vperm.xlane v28, v1;
	_ =	sdelay $0x1  }
0x3ed: {  	v28 =	vperm.xlane v28, v3;
	v29 =	vadd.s32 v2, v29;
	_ =	sdelay $0x1  }
0x3ee: {  	v28 =	vadd.s32 v2, v28;
	_ =	sdelay $0x1  }
0x3ef: {  	s12 =	simm.s32 $0x16200  }
0x3f0: {  	[tilespmem:s12], [sflag:$0x1] =	stream.indirect_vreg.gather [hbm4b:s3+s10], $0x80, v29, vm0, $0xb8;
	[tilespmem:$0x18E00] =	vst v63  }
0x3f1: {  	s13 =	simm.s32 $0x16E00  }
0x3f2: {  	[tilespmem:s13], [sflag:$0x1] =	stream.indirect_vreg.gather [hbm4b:s3+s10], $0x80, v28, vm0, $0xb8;
	[tilespmem:$0x18E00] =	vst v63  }
0x3f3: {  	v28 =	vld [tilespmem:$0x9B0];
	_ =	sdelay $0x4  }
0x3f4: {  	v29 =	vperm.xlane v28, v1;
	_ =	sdelay $0x1  }
0x3f5: {  	v28 =	vperm.xlane v28, v3;
	v29 =	vadd.s32 v2, v29;
	_ =	sdelay $0x1  }
0x3f6: {  	v28 =	vadd.s32 v2, v28;
	_ =	sdelay $0x1  }
0x3f7: {  	s14 =	simm.s32 $0x17A00  }
0x3f8: {  	[tilespmem:s14], [sflag:$0x1] =	stream.indirect_vreg.gather [hbm4b:s3+s10], $0x80, v29, vm0, $0xb8;
	[tilespmem:$0x18E00] =	vst v63  }
0x3f9: {  	s15 =	simm.s32 $0x18600  }
0x3fa: {  	[tilespmem:s15], [sflag:$0x1] =	stream.indirect_vreg.gather [hbm4b:s3+s10], $0x80, v28, vm0, $0xb8;
	[tilespmem:$0x18E00] =	vst v63  }
0x3fb: {  	v28 =	vld [tilespmem:$0xD80];
	_ =	sdelay $0x4  }
0x3fc: {  	v29 =	vperm.xlane v28, v1;
	_ =	sdelay $0x1  }
0x3fd: {  	v28 =	vperm.xlane v28, v3;
	v29 =	vadd.s32 v2, v29;
	_ =	sdelay $0x1  }
0x3fe: {  	v28 =	vadd.s32 v2, v28;
	_ =	sdelay $0x1  }
0x3ff: {  	s26 =	simm.s32 $0x13600  }
0x400: {  	[tilespmem:s26], [sflag:$0x1] =	stream.indirect_vreg.gather [hbm4b:s4+s10], $0x80, v29, vm0, $0xb8;
	[tilespmem:$0x18E00] =	vst v63  }
0x401: {  	s30 =	simm.s32 $0x14200  }
0x402: {  	[tilespmem:s30], [sflag:$0x1] =	stream.indirect_vreg.gather [hbm4b:s4+s10], $0x80, v28, vm0, $0xb8;
	[tilespmem:$0x18E00] =	vst v63  }
0x403: {  	v28 =	vld [tilespmem:$0xD90];
	_ =	sdelay $0x4  }
0x404: {  	v29 =	vperm.xlane v28, v1;
	_ =	sdelay $0x1  }
0x405: {  	v28 =	vperm.xlane v28, v3;
	v29 =	vadd.s32 v2, v29;
	_ =	sdelay $0x1  }
0x406: {  	v28 =	vadd.s32 v2, v28;
	_ =	sdelay $0x1  }
0x407: {  	s11 =	simm.s32 $0x14E00  }
0x408: {  	[tilespmem:s11], [sflag:$0x1] =	stream.indirect_vreg.gather [hbm4b:s4+s10], $0x80, v29, vm0, $0xb8;
	[tilespmem:$0x18E00] =	vst v63  }
0x409: {  	s12 =	simm.s32 $0x15A00  }
0x40a: {  	[tilespmem:s12], [sflag:$0x1] =	stream.indirect_vreg.gather [hbm4b:s4+s10], $0x80, v28, vm0, $0xb8;
	[tilespmem:$0x18E00] =	vst v63  }
0x40b: {  	v28 =	vld [tilespmem:$0xDA0];
	_ =	sdelay $0x4  }
0x40c: {  	v29 =	vperm.xlane v28, v1;
	_ =	sdelay $0x1  }
0x40d: {  	v28 =	vperm.xlane v28, v3;
	v29 =	vadd.s32 v2, v29;
	_ =	sdelay $0x1  }
0x40e: {  	v28 =	vadd.s32 v2, v28;
	_ =	sdelay $0x1  }
0x40f: {  	s13 =	simm.s32 $0x16600  }
0x410: {  	[tilespmem:s13], [sflag:$0x1] =	stream.indirect_vreg.gather [hbm4b:s4+s10], $0x80, v29, vm0, $0xb8;
	[tilespmem:$0x18E00] =	vst v63  }
0x411: {  	s14 =	simm.s32 $0x17200  }
0x412: {  	[tilespmem:s14], [sflag:$0x1] =	stream.indirect_vreg.gather [hbm4b:s4+s10], $0x80, v28, vm0, $0xb8;
	[tilespmem:$0x18E00] =	vst v63  }
0x413: {  	v28 =	vld [tilespmem:$0xDB0];
	_ =	sdelay $0x4  }
0x414: {  	v29 =	vperm.xlane v28, v1;
	_ =	sdelay $0x1  }
0x415: {  	v28 =	vperm.xlane v28, v3;
	v29 =	vadd.s32 v2, v29;
	_ =	sdelay $0x1  }
0x416: {  	v28 =	vadd.s32 v2, v28;
	_ =	sdelay $0x2  }
0x417: {  	[tilespmem:s6], [sflag:$0x1] =	stream.indirect_vreg.gather [hbm4b:s4+s10], $0x80, v29, vm0, $0xb8;
	[tilespmem:$0x18E00] =	vst v63  }
0x418: {  	s15 =	simm.s32 $0x300  }
0x419: {  	[tilespmem:s16], [sflag:$0x1] =	stream.indirect_vreg.gather [hbm4b:s4+s10], $0x80, v28, vm0, $0xb8;
	[tilespmem:$0x18E00] =	vst v63  }
0x41a: {  	v28 =	vld.msk [tilespmem:s15+$0x0], $0x1  }
0x41b: {  	s11 =	simm.s32 $0x100  }
0x41c: {  	v29 =	vld.msk [tilespmem:s11+$0x0], $0x1;
	_ =	sdelay $0x2  }
0x41d: {  	(v2sf) =	vpush v28, $0x0;
	_ =	sdelay $0x1  }
0x41e: {  	(v2sf) =	vpush v29, $0x0;
	_ =	sdelay $0xc  }
0x41f: {  	s26 =	spop (v2sf)  }
0x420: {  	s28 =	simm.s32 $0x301;
	s5 =	smax.f32 s26, $0.0e+00  }
0x421: {  	s12 =	simm.s32 $0x1;
	s30 =	spop (v2sf);
	s5 =	smin.f32 s5, $1.000000000e+00  }
0x422: {  	s26 =	simm.s32 $0x0;
	s14 =	smax.f32 s30, $0.0e+00;
	s13 =	smul.f32 s5, s25  }
0x423: {  	s14 =	smin.f32 s14, $1.000000000e+00;
	s29 =	smul.f32 s5, s23;
	s5 =	simm.s32 $0x0  }
.LBB2_10:
0x424: {  	s15 =	smul.f32 s14, s9  }
0x425: {  	s10 =	sadd.s32 $0x80, s10;
	s11 =	sadd.s32 $0x1, s11;
	s30 =	smov.u32 s12  }
0x426: {  	p0 =	sne.s32 s12, $0x3F;
	s12 =	sadd.s32 $0x1, s12;
	s14 =	smul.f32 s14, s22  }
0x427: {  	s13 =	sadd.f32 s13, s15  }
0x428: {  	s14 =	sadd.f32 s29, s14  }
0x429: {  	s13 =	sadd.f32 s13, s24  }
0x42a: {  	s14 =	sadd.f32 s14, s7  }
0x42b: {  	s13 =	smax.f32 s13, $0.0e+00  }
0x42c: {  	s14 =	smax.f32 s14, $0.0e+00;
	v28 =	vmul.f32 s13, v13;
	v29 =	vmul.f32 s13, v26  }
0x42d: {  	v30 =	vmul.f32 s13, v14;
	v31 =	vmul.f32 s13, v16  }
0x42e: {  	v32 =	vmul.f32 s14, v9;
	v33 =	vmul.f32 s13, v21  }
0x42f: {  	s15 =	sshrl.u32 s5, $0x3;
	s5 =	smov.u32 s30;
	v34 =	vmul.f32 s14, v4;
	v35 =	vmul.f32 s14, v7  }
0x430: {  	s15 =	smul.u32 $0x3000, s15;
	v36 =	vmul.f32 s14, v8;
	v37 =	vmul.f32 s14, v11;
	v32 =	vadd.f32 v33, v32  }
0x431: {  	v30 =	vadd.f32 v30, v34;
	v28 =	vadd.f32 v28, v35;
	v33 =	vmul.f32 s14, v6  }
0x432: {  	s29 =	sand.u32 $0x380, s26;
	s26 =	smov.u32 s10;
	s15 =	sshra.s32 s15, $0x2;
	v31 =	vadd.f32 v31, v36;
	v34 =	vmul.f32 s13, v15;
	v32 =	vadd.f32 v32, v23  }
0x433: {  	s15 =	sor.u32 s29, s15;
	v35 =	vmul.f32 s14, v5;
	v36 =	vmul.f32 s13, v12;
	v30 =	vadd.f32 v30, v20  }
0x434: {  	v31 =	vadd.f32 v31, v19;
	v34 =	vadd.f32 v34, v37;
	[tilespmem:s15+$0xE50] =	vst v32;
	v32 =	vmul.f32 s13, v24  }
0x435: {  	v28 =	vadd.f32 v28, v18;
	[tilespmem:s15+$0xE00] =	vst v30;
	v30 =	vadd.f32 v36, v35;
	v35 =	vmul.f32 s14, v10  }
0x436: {  	[tilespmem:s15+$0xE30] =	vst v31;
	v31 =	vadd.f32 v34, v27;
	v32 =	vadd.f32 v32, v33  }
0x437: {  	[tilespmem:s15+$0xE10] =	vst v28;
	v28 =	vadd.f32 v30, v17;
	v29 =	vadd.f32 v29, v35  }
0x438: {  	[tilespmem:s15+$0xE40] =	vst v31;
	v30 =	vadd.f32 v32, v22  }
0x439: {  	[tilespmem:s15+$0xE20] =	vst v28;
	v28 =	vadd.f32 v29, v25  }
0x43a: {  	[tilespmem:s15+$0xE60] =	vst v30  }
0x43b: {  	[tilespmem:s15+$0xE70] =	vst v28  }
0x43c: {  	v28 =	vld.msk [tilespmem:s28+$0x0], $0x1  }
0x43d: {  	v29 =	vld.msk [tilespmem:s11+$0x0], $0x1;
	_ =	sdelay $0x3  }
0x43e: {  	(v2sf) =	vpush v28, $0x0  }
0x43f: {  	(v2sf) =	vpush v29, $0x0;
	_ =	sdelay $0xd  }
.Ltmp4:
0x440: {  	s13 =	spop (v2sf);
	(pc) =	sbr.rel @p0 .LBB2_10-.Ltmp4, $4  }
0x441: {  	s13 =	smax.f32 s13, $0.0e+00;
	s14 =	spop (v2sf)  }
0x442: {  	s14 =	smax.f32 s14, $0.0e+00;
	s15 =	smin.f32 s13, $1.000000000e+00  }
0x443: {  	s14 =	smin.f32 s14, $1.000000000e+00;
	s13 =	smul.f32 s15, s25  }
0x444: {  	s28 =	sadd.s32 $0x1, s28;
	s29 =	smul.f32 s15, s23  }
0x445: {  	s10 =	smul.f32 s14, s9  }
0x446: {  	s11 =	smul.f32 s14, s22  }
0x447: {  	s10 =	sadd.f32 s13, s10  }
0x448: {  	s11 =	sadd.f32 s29, s11  }
0x449: {  	s10 =	sadd.f32 s10, s24;
	_ =	sdelay $0x1  }
0x44a: {  	s11 =	sadd.f32 s11, s7;
	s10 =	smax.f32 s10, $0.0e+00  }
0x44b: {  	v28 =	vmul.f32 s10, v13;
	v29 =	vmul.f32 s10, v26  }
0x44c: {  	s11 =	smax.f32 s11, $0.0e+00;
	v30 =	vmul.f32 s10, v14;
	v31 =	vmul.f32 s10, v16  }
0x44d: {  	v32 =	vmul.f32 s11, v9;
	v33 =	vmul.f32 s10, v21  }
0x44e: {  	s5 =	sshrl.u32 s5, $0x3;
	v34 =	vmul.f32 s11, v4;
	v35 =	vmul.f32 s11, v7  }
0x44f: {  	s5 =	smul.u32 $0x3000, s5;
	v36 =	vmul.f32 s11, v8;
	v37 =	vmul.f32 s11, v11;
	v32 =	vadd.f32 v33, v32  }
0x450: {  	v55 =	vmul.f32 s11, v6;
	v56 =	vmul.f32 s10, v15;
	v30 =	vadd.f32 v30, v34  }
0x451: {  	s12 =	sand.u32 $0x380, s26;
	s5 =	sshra.s32 s5, $0x2;
	v57 =	vmul.f32 s11, v5;
	v31 =	vadd.f32 v31, v36;
	v32 =	vadd.f32 v32, v23  }
0x452: {  	s5 =	sor.u32 s12, s5;
	v58 =	vmul.f32 s10, v12;
	v28 =	vadd.f32 v28, v35;
	v30 =	vadd.f32 v30, v20  }
0x453: {  	v59 =	vmul.f32 s10, v24;
	v34 =	vadd.f32 v56, v37;
	v31 =	vadd.f32 v31, v19;
	[tilespmem:s5+$0xE50] =	vst v32  }
0x454: {  	v61 =	vmul.f32 s11, v10;
	v60 =	vadd.f32 v58, v57;
	v28 =	vadd.f32 v28, v18;
	[tilespmem:s5+$0xE00] =	vst v30  }
0x455: {  	v62 =	vadd.f32 v34, v27;
	[tilespmem:s5+$0xE30] =	vst v31;
	v32 =	vadd.f32 v59, v55  }
0x456: {  	v29 =	vadd.f32 v29, v61;
	[tilespmem:s5+$0xE10] =	vst v28;
	v28 =	vadd.f32 v60, v17  }
0x457: {  	[tilespmem:s5+$0xE40] =	vst v62;
	v63 =	vadd.f32 v32, v22  }
0x458: {  	[tilespmem:s5+$0xE20] =	vst v28;
	v28 =	vadd.f32 v29, v25  }
0x459: {  	[tilespmem:s5+$0xE60] =	vst v63  }
0x45a: {  	[tilespmem:s5+$0xE70] =	vst v28  }
0x45b: {  	_ =	swait.ge [sflag:s31], $0x2000  }
0x45c: {  	[sflag:s31] =	ssyncset.done $0x0  }
0x45d: {  	[sflag:s31] =	ssyncadd.s32 $0xFFFFE000  }
0x45e: {  	_ =	swait.ge [sflag:s31], $0x2000  }
0x45f: {  	s26 =	simm.s32 $0x0;
	[sflag:s31] =	ssyncset.done $0x0  }
0x460: {  	s5 =	simm.s32 $0x340;
	s13 =	rddreg [dreg:$0xc];
	[sflag:s31] =	ssyncadd.s32 $0xFFFFE000  }
0x461: {  	[hbm4b:s13+s26] =	stream.linear.scatter [tilespmem:s17], [sflag:$0x2], $0x6000, $0x38;
	[tilespmem:$0x18E00] =	vst v63  }
0x462: {  	s14 =	simm.s32 $0x140;
	v28 =	vld.msk [tilespmem:s5+$0x0], $0x1  }
0x463: {  	v29 =	vld.msk [tilespmem:s14+$0x0], $0x1;
	_ =	sdelay $0x3  }
0x464: {  	(v2sf) =	vpush v28, $0x0  }
0x465: {  	(v2sf) =	vpush v29, $0x0;
	_ =	sdelay $0xd  }
0x466: {  	s15 =	spop (v2sf)  }
0x467: {  	s10 =	smax.f32 s15, $0.0e+00;
	s30 =	spop (v2sf)  }
0x468: {  	s28 =	simm.s32 $0x141;
	s10 =	smin.f32 s10, $1.000000000e+00;
	s11 =	smax.f32 s30, $0.0e+00  }
0x469: {  	s12 =	simm.s32 $0x1;
	s13 =	smul.f32 s10, s25;
	s14 =	smin.f32 s11, $1.000000000e+00  }
0x46a: {  	s29 =	smul.f32 s10, s23;
	s11 =	simm.s32 $0x0;
	s10 =	simm.s32 $0x0  }
.LBB2_12:
0x46b: {  	s15 =	smul.f32 s14, s9  }
0x46c: {  	s26 =	sadd.s32 $0x80, s26;
	s5 =	sadd.s32 $0x1, s5;
	s30 =	smov.u32 s12  }
0x46d: {  	p0 =	sne.s32 s12, $0x3F;
	s12 =	sadd.s32 $0x1, s12;
	s14 =	smul.f32 s14, s22  }
0x46e: {  	s13 =	sadd.f32 s13, s15  }
0x46f: {  	s14 =	sadd.f32 s29, s14  }
0x470: {  	s13 =	sadd.f32 s13, s24  }
0x471: {  	s14 =	sadd.f32 s14, s7  }
0x472: {  	s13 =	smax.f32 s13, $0.0e+00  }
0x473: {  	s14 =	smax.f32 s14, $0.0e+00;
	v28 =	vmul.f32 s13, v13;
	v29 =	vmul.f32 s13, v26  }
0x474: {  	v30 =	vmul.f32 s13, v14;
	v31 =	vmul.f32 s13, v16  }
0x475: {  	v32 =	vmul.f32 s14, v9;
	v33 =	vmul.f32 s13, v21  }
0x476: {  	s15 =	sshrl.u32 s11, $0x3;
	s11 =	smov.u32 s30;
	v34 =	vmul.f32 s14, v4;
	v35 =	vmul.f32 s14, v7  }
0x477: {  	s15 =	smul.u32 $0x3000, s15;
	v36 =	vmul.f32 s14, v8;
	v37 =	vmul.f32 s14, v11;
	v32 =	vadd.f32 v33, v32  }
0x478: {  	v30 =	vadd.f32 v30, v34;
	v28 =	vadd.f32 v28, v35;
	v33 =	vmul.f32 s14, v6  }
0x479: {  	s29 =	sand.u32 $0x380, s10;
	s10 =	smov.u32 s26;
	s15 =	sshra.s32 s15, $0x2;
	v31 =	vadd.f32 v31, v36;
	v34 =	vmul.f32 s13, v15;
	v32 =	vadd.f32 v32, v23  }
0x47a: {  	s15 =	sor.u32 s29, s15;
	v35 =	vmul.f32 s14, v5;
	v36 =	vmul.f32 s13, v12;
	v30 =	vadd.f32 v30, v20  }
0x47b: {  	v31 =	vadd.f32 v31, v19;
	v34 =	vadd.f32 v34, v37;
	[tilespmem:s15+$0x6E50] =	vst v32;
	v32 =	vmul.f32 s13, v24  }
0x47c: {  	v28 =	vadd.f32 v28, v18;
	[tilespmem:s15+$0x6E00] =	vst v30;
	v30 =	vadd.f32 v36, v35;
	v35 =	vmul.f32 s14, v10  }
0x47d: {  	[tilespmem:s15+$0x6E30] =	vst v31;
	v31 =	vadd.f32 v34, v27;
	v32 =	vadd.f32 v32, v33  }
0x47e: {  	[tilespmem:s15+$0x6E10] =	vst v28;
	v28 =	vadd.f32 v30, v17;
	v29 =	vadd.f32 v29, v35  }
0x47f: {  	[tilespmem:s15+$0x6E40] =	vst v31;
	v30 =	vadd.f32 v32, v22  }
0x480: {  	[tilespmem:s15+$0x6E20] =	vst v28;
	v28 =	vadd.f32 v29, v25  }
0x481: {  	[tilespmem:s15+$0x6E60] =	vst v30  }
0x482: {  	[tilespmem:s15+$0x6E70] =	vst v28  }
0x483: {  	v28 =	vld.msk [tilespmem:s5+$0x0], $0x1  }
0x484: {  	v29 =	vld.msk [tilespmem:s28+$0x0], $0x1;
	_ =	sdelay $0x3  }
0x485: {  	(v2sf) =	vpush v28, $0x0  }
0x486: {  	(v2sf) =	vpush v29, $0x0;
	_ =	sdelay $0xd  }
.Ltmp5:
0x487: {  	s13 =	spop (v2sf);
	(pc) =	sbr.rel @p0 .LBB2_12-.Ltmp5, $4  }
0x488: {  	s13 =	smax.f32 s13, $0.0e+00;
	s14 =	spop (v2sf)  }
0x489: {  	s14 =	smax.f32 s14, $0.0e+00;
	s15 =	smin.f32 s13, $1.000000000e+00  }
0x48a: {  	s14 =	smin.f32 s14, $1.000000000e+00;
	s13 =	smul.f32 s15, s25  }
0x48b: {  	s28 =	sadd.s32 $0x1, s28;
	s29 =	smul.f32 s15, s23  }
0x48c: {  	s5 =	smul.f32 s14, s9  }
0x48d: {  	s12 =	smul.f32 s14, s22  }
0x48e: {  	s5 =	sadd.f32 s13, s5  }
0x48f: {  	s12 =	sadd.f32 s29, s12  }
0x490: {  	s5 =	sadd.f32 s5, s24;
	_ =	sdelay $0x1  }
0x491: {  	s12 =	sadd.f32 s12, s7;
	s5 =	smax.f32 s5, $0.0e+00  }
0x492: {  	v28 =	vmul.f32 s5, v13;
	v29 =	vmul.f32 s5, v26  }
0x493: {  	s12 =	smax.f32 s12, $0.0e+00;
	v30 =	vmul.f32 s5, v14;
	v31 =	vmul.f32 s5, v16  }
0x494: {  	v32 =	vmul.f32 s12, v9;
	v33 =	vmul.f32 s5, v21  }
0x495: {  	s11 =	sshrl.u32 s11, $0x3;
	v34 =	vmul.f32 s12, v4;
	v35 =	vmul.f32 s12, v7  }
0x496: {  	s11 =	smul.u32 $0x3000, s11;
	v36 =	vmul.f32 s12, v8;
	v37 =	vmul.f32 s12, v11;
	v32 =	vadd.f32 v33, v32  }
0x497: {  	v55 =	vmul.f32 s12, v6;
	v56 =	vmul.f32 s5, v15;
	v30 =	vadd.f32 v30, v34  }
0x498: {  	s10 =	sand.u32 $0x380, s10;
	s11 =	sshra.s32 s11, $0x2;
	v57 =	vmul.f32 s12, v5;
	v31 =	vadd.f32 v31, v36;
	v32 =	vadd.f32 v32, v23  }
0x499: {  	s10 =	sor.u32 s10, s11;
	v58 =	vmul.f32 s5, v12;
	v28 =	vadd.f32 v28, v35;
	v30 =	vadd.f32 v30, v20  }
0x49a: {  	v59 =	vmul.f32 s5, v24;
	v34 =	vadd.f32 v56, v37;
	v31 =	vadd.f32 v31, v19;
	[tilespmem:s10+$0x6E50] =	vst v32  }
0x49b: {  	v61 =	vmul.f32 s12, v10;
	v60 =	vadd.f32 v58, v57;
	v28 =	vadd.f32 v28, v18;
	[tilespmem:s10+$0x6E00] =	vst v30  }
0x49c: {  	v62 =	vadd.f32 v34, v27;
	[tilespmem:s10+$0x6E30] =	vst v31;
	v32 =	vadd.f32 v59, v55  }
0x49d: {  	v29 =	vadd.f32 v29, v61;
	[tilespmem:s10+$0x6E10] =	vst v28;
	v28 =	vadd.f32 v60, v17  }
0x49e: {  	[tilespmem:s10+$0x6E40] =	vst v62;
	v63 =	vadd.f32 v32, v22  }
0x49f: {  	[tilespmem:s10+$0x6E20] =	vst v28;
	v28 =	vadd.f32 v29, v25  }
0x4a0: {  	[tilespmem:s10+$0x6E60] =	vst v63  }
0x4a1: {  	[tilespmem:s10+$0x6E70] =	vst v28  }
0x4a2: {  	_ =	swait.ge [sflag:s31], $0x2000  }
0x4a3: {  	[sflag:s31] =	ssyncset.done $0x0  }
0x4a4: {  	[sflag:s31] =	ssyncadd.s32 $0xFFFFE000  }
0x4a5: {  	_ =	swait.ge [sflag:s31], $0x2000  }
0x4a6: {  	s26 =	simm.s32 $0x0;
	[sflag:s31] =	ssyncset.done $0x0  }
0x4a7: {  	s14 =	simm.s32 $0x380;
	s13 =	rddreg [dreg:$0xd];
	[sflag:s31] =	ssyncadd.s32 $0xFFFFE000  }
0x4a8: {  	[hbm4b:s13+s26] =	stream.linear.scatter [tilespmem:s1], [sflag:$0x2], $0x6000, $0x38;
	[tilespmem:$0x18E00] =	vst v63  }
0x4a9: {  	s11 =	simm.s32 $0x180;
	v28 =	vld.msk [tilespmem:s14+$0x0], $0x1  }
0x4aa: {  	v29 =	vld.msk [tilespmem:s11+$0x0], $0x1;
	_ =	sdelay $0x3  }
0x4ab: {  	(v2sf) =	vpush v28, $0x0  }
0x4ac: {  	(v2sf) =	vpush v29, $0x0;
	_ =	sdelay $0xd  }
0x4ad: {  	s15 =	spop (v2sf)  }
0x4ae: {  	s5 =	smax.f32 s15, $0.0e+00;
	s30 =	spop (v2sf)  }
0x4af: {  	s28 =	simm.s32 $0x381;
	s5 =	smin.f32 s5, $1.000000000e+00;
	s10 =	smax.f32 s30, $0.0e+00  }
0x4b0: {  	s12 =	simm.s32 $0x1;
	s13 =	smul.f32 s5, s25;
	s14 =	smin.f32 s10, $1.000000000e+00  }
0x4b1: {  	s29 =	smul.f32 s5, s23;
	s5 =	simm.s32 $0x0;
	s10 =	simm.s32 $0x0  }
.LBB2_14:
0x4b2: {  	s15 =	smul.f32 s14, s9  }
0x4b3: {  	s26 =	sadd.s32 $0x80, s26;
	s11 =	sadd.s32 $0x1, s11;
	s30 =	smov.u32 s12  }
0x4b4: {  	p0 =	sne.s32 s12, $0x3F;
	s12 =	sadd.s32 $0x1, s12;
	s14 =	smul.f32 s14, s22  }
0x4b5: {  	s13 =	sadd.f32 s13, s15  }
0x4b6: {  	s14 =	sadd.f32 s29, s14  }
0x4b7: {  	s13 =	sadd.f32 s13, s24  }
0x4b8: {  	s14 =	sadd.f32 s14, s7  }
0x4b9: {  	s13 =	smax.f32 s13, $0.0e+00  }
0x4ba: {  	s14 =	smax.f32 s14, $0.0e+00;
	v28 =	vmul.f32 s13, v13;
	v29 =	vmul.f32 s13, v26  }
0x4bb: {  	v30 =	vmul.f32 s13, v14;
	v31 =	vmul.f32 s13, v16  }
0x4bc: {  	v32 =	vmul.f32 s14, v9;
	v33 =	vmul.f32 s13, v21  }
0x4bd: {  	s15 =	sshrl.u32 s5, $0x3;
	s5 =	smov.u32 s30;
	v34 =	vmul.f32 s14, v4;
	v35 =	vmul.f32 s14, v7  }
0x4be: {  	s15 =	smul.u32 $0x3000, s15;
	v36 =	vmul.f32 s14, v8;
	v37 =	vmul.f32 s14, v11;
	v32 =	vadd.f32 v33, v32  }
0x4bf: {  	v30 =	vadd.f32 v30, v34;
	v28 =	vadd.f32 v28, v35;
	v33 =	vmul.f32 s14, v6  }
0x4c0: {  	s29 =	sand.u32 $0x380, s10;
	s10 =	smov.u32 s26;
	s15 =	sshra.s32 s15, $0x2;
	v31 =	vadd.f32 v31, v36;
	v34 =	vmul.f32 s13, v15;
	v32 =	vadd.f32 v32, v23  }
0x4c1: {  	s15 =	sor.u32 s29, s15;
	v35 =	vmul.f32 s14, v5;
	v36 =	vmul.f32 s13, v12;
	v30 =	vadd.f32 v30, v20  }
0x4c2: {  	v31 =	vadd.f32 v31, v19;
	v34 =	vadd.f32 v34, v37;
	[tilespmem:s15+$0xCE50] =	vst v32;
	v32 =	vmul.f32 s13, v24  }
0x4c3: {  	v28 =	vadd.f32 v28, v18;
	[tilespmem:s15+$0xCE00] =	vst v30;
	v30 =	vadd.f32 v36, v35;
	v35 =	vmul.f32 s14, v10  }
0x4c4: {  	[tilespmem:s15+$0xCE30] =	vst v31;
	v31 =	vadd.f32 v34, v27;
	v32 =	vadd.f32 v32, v33  }
0x4c5: {  	[tilespmem:s15+$0xCE10] =	vst v28;
	v28 =	vadd.f32 v30, v17;
	v29 =	vadd.f32 v29, v35  }
0x4c6: {  	[tilespmem:s15+$0xCE40] =	vst v31;
	v30 =	vadd.f32 v32, v22  }
0x4c7: {  	[tilespmem:s15+$0xCE20] =	vst v28;
	v28 =	vadd.f32 v29, v25  }
0x4c8: {  	[tilespmem:s15+$0xCE60] =	vst v30  }
0x4c9: {  	[tilespmem:s15+$0xCE70] =	vst v28  }
0x4ca: {  	v28 =	vld.msk [tilespmem:s28+$0x0], $0x1  }
0x4cb: {  	v29 =	vld.msk [tilespmem:s11+$0x0], $0x1;
	_ =	sdelay $0x3  }
0x4cc: {  	(v2sf) =	vpush v28, $0x0  }
0x4cd: {  	(v2sf) =	vpush v29, $0x0;
	_ =	sdelay $0xd  }
.Ltmp6:
0x4ce: {  	s13 =	spop (v2sf);
	(pc) =	sbr.rel @p0 .LBB2_14-.Ltmp6, $4  }
0x4cf: {  	s13 =	smax.f32 s13, $0.0e+00;
	s14 =	spop (v2sf)  }
0x4d0: {  	s14 =	smax.f32 s14, $0.0e+00;
	s15 =	smin.f32 s13, $1.000000000e+00  }
0x4d1: {  	s14 =	smin.f32 s14, $1.000000000e+00;
	s13 =	smul.f32 s15, s25  }
0x4d2: {  	s28 =	sadd.s32 $0x1, s28;
	s29 =	smul.f32 s15, s23  }
0x4d3: {  	s11 =	smul.f32 s14, s9  }
0x4d4: {  	s12 =	smul.f32 s14, s22  }
0x4d5: {  	s11 =	sadd.f32 s13, s11  }
0x4d6: {  	s12 =	sadd.f32 s29, s12  }
0x4d7: {  	s11 =	sadd.f32 s11, s24;
	_ =	sdelay $0x1  }
0x4d8: {  	s12 =	sadd.f32 s12, s7;
	s11 =	smax.f32 s11, $0.0e+00  }
0x4d9: {  	v28 =	vmul.f32 s11, v13;
	v29 =	vmul.f32 s11, v26  }
0x4da: {  	s12 =	smax.f32 s12, $0.0e+00;
	v30 =	vmul.f32 s11, v14;
	v31 =	vmul.f32 s11, v16  }
0x4db: {  	v32 =	vmul.f32 s12, v9;
	v33 =	vmul.f32 s11, v21  }
0x4dc: {  	s5 =	sshrl.u32 s5, $0x3;
	v34 =	vmul.f32 s12, v4;
	v35 =	vmul.f32 s12, v7  }
0x4dd: {  	s5 =	smul.u32 $0x3000, s5;
	v36 =	vmul.f32 s12, v8;
	v37 =	vmul.f32 s12, v11;
	v32 =	vadd.f32 v33, v32  }
0x4de: {  	v55 =	vmul.f32 s12, v6;
	v56 =	vmul.f32 s11, v15;
	v30 =	vadd.f32 v30, v34  }
0x4df: {  	s10 =	sand.u32 $0x380, s10;
	s5 =	sshra.s32 s5, $0x2;
	v57 =	vmul.f32 s12, v5;
	v31 =	vadd.f32 v31, v36;
	v32 =	vadd.f32 v32, v23  }
0x4e0: {  	s5 =	sor.u32 s10, s5;
	v58 =	vmul.f32 s11, v12;
	v28 =	vadd.f32 v28, v35;
	v30 =	vadd.f32 v30, v20  }
0x4e1: {  	v59 =	vmul.f32 s11, v24;
	v34 =	vadd.f32 v56, v37;
	v31 =	vadd.f32 v31, v19;
	[tilespmem:s5+$0xCE50] =	vst v32  }
0x4e2: {  	v61 =	vmul.f32 s12, v10;
	v60 =	vadd.f32 v58, v57;
	v28 =	vadd.f32 v28, v18;
	[tilespmem:s5+$0xCE00] =	vst v30  }
0x4e3: {  	v62 =	vadd.f32 v34, v27;
	[tilespmem:s5+$0xCE30] =	vst v31;
	v32 =	vadd.f32 v59, v55  }
0x4e4: {  	v29 =	vadd.f32 v29, v61;
	[tilespmem:s5+$0xCE10] =	vst v28;
	v28 =	vadd.f32 v60, v17  }
0x4e5: {  	[tilespmem:s5+$0xCE40] =	vst v62;
	v63 =	vadd.f32 v32, v22  }
0x4e6: {  	[tilespmem:s5+$0xCE20] =	vst v28;
	v28 =	vadd.f32 v29, v25  }
0x4e7: {  	[tilespmem:s5+$0xCE60] =	vst v63  }
0x4e8: {  	[tilespmem:s5+$0xCE70] =	vst v28  }
0x4e9: {  	_ =	swait.ge [sflag:s31], $0x2000  }
0x4ea: {  	[sflag:s31] =	ssyncset.done $0x0  }
0x4eb: {  	[sflag:s31] =	ssyncadd.s32 $0xFFFFE000  }
0x4ec: {  	_ =	swait.ge [sflag:s31], $0x2000  }
0x4ed: {  	s11 =	simm.s32 $0x0;
	[sflag:s31] =	ssyncset.done $0x0  }
0x4ee: {  	s12 =	simm.s32 $0x1C0;
	s30 =	rddreg [dreg:$0xe];
	[sflag:s31] =	ssyncadd.s32 $0xFFFFE000  }
0x4ef: {  	[hbm4b:s30+s11] =	stream.linear.scatter [tilespmem:s19], [sflag:$0x2], $0x6000, $0x38;
	[tilespmem:$0x18E00] =	vst v63  }
0x4f0: {  	s26 =	simm.s32 $0x3C0;
	v28 =	vld.msk [tilespmem:s12+$0x0], $0x1  }
0x4f1: {  	v29 =	vld.msk [tilespmem:s26+$0x0], $0x1;
	_ =	sdelay $0x3  }
0x4f2: {  	(v2sf) =	vpush v28, $0x0  }
0x4f3: {  	s28 =	simm.s32 $0x1;
	s10 =	simm.s32 $0x0;
	s5 =	simm.s32 $0x0;
	(v2sf) =	vpush v29, $0x0  }
.LBB2_16:
0x4f4: {  	_ =	sdelay $0x7  }
0x4f5: {  	s11 =	sadd.s32 $0x80, s11;
	s26 =	sadd.s32 $0x1, s26;
	s12 =	sadd.s32 $0x1, s12  }
0x4f6: {  	p0 =	sne.s32 s28, $0x3F;
	s13 =	smov.u32 s28;
	s28 =	sadd.s32 $0x1, s28  }
0x4f7: {  	_ =	sdelay $0x2  }
0x4f8: {  	s14 =	spop (v2sf)  }
0x4f9: {  	s14 =	smax.f32 s14, $0.0e+00;
	s15 =	spop (v2sf)  }
0x4fa: {  	s14 =	smin.f32 s14, $1.000000000e+00;
	s15 =	smax.f32 s15, $0.0e+00  }
0x4fb: {  	s15 =	smin.f32 s15, $1.000000000e+00;
	s29 =	smul.f32 s14, s9  }
0x4fc: {  	s30 =	smul.f32 s15, s25  }
0x4fd: {  	s14 =	smul.f32 s14, s22  }
0x4fe: {  	s15 =	smul.f32 s15, s23;
	s29 =	sadd.f32 s30, s29  }
0x4ff: {  	_ = 	snop  }
0x500: {  	s29 =	sadd.f32 s29, s24  }
0x501: {  	s14 =	sadd.f32 s15, s14  }
0x502: {  	s15 =	smax.f32 s29, $0.0e+00  }
0x503: {  	s14 =	sadd.f32 s14, s7;
	v28 =	vmul.f32 s15, v14;
	v29 =	vmul.f32 s15, v21  }
0x504: {  	v30 =	vmul.f32 s15, v24  }
0x505: {  	s14 =	smax.f32 s14, $0.0e+00;
	v31 =	vmul.f32 s15, v26  }
0x506: {  	v32 =	vmul.f32 s14, v4;
	v33 =	vmul.f32 s15, v16  }
0x507: {  	s29 =	sshrl.u32 s5, $0x3;
	s5 =	smov.u32 s13;
	v34 =	vmul.f32 s14, v7;
	v35 =	vmul.f32 s15, v13  }
0x508: {  	s13 =	smul.u32 $0x3000, s29;
	v36 =	vmul.f32 s15, v15;
	v28 =	vadd.f32 v28, v32;
	v32 =	vmul.f32 s14, v11  }
0x509: {  	v37 =	vmul.f32 s14, v8;
	v34 =	vadd.f32 v35, v34;
	v35 =	vmul.f32 s14, v5  }
0x50a: {  	s29 =	sand.u32 $0x380, s10;
	v38 =	vmul.f32 s15, v12;
	s10 =	smov.u32 s11;
	s13 =	sshra.s32 s13, $0x2;
	v28 =	vadd.f32 v28, v20;
	v32 =	vadd.f32 v36, v32  }
0x50b: {  	v33 =	vadd.f32 v33, v37;
	s13 =	sor.u32 s29, s13;
	v34 =	vadd.f32 v34, v18;
	v36 =	vmul.f32 s14, v9  }
0x50c: {  	s15 =	sadd.s32 $0x12E00, s13;
	v32 =	vadd.f32 v32, v27;
	[tilespmem:s13+$0x12E00] =	vst v28;
	v28 =	vadd.f32 v38, v35;
	v35 =	vmul.f32 s14, v10  }
0x50d: {  	v33 =	vadd.f32 v33, v19;
	v29 =	vadd.f32 v29, v36;
	[tilespmem:s15+$0x10] =	vst v34;
	v34 =	vmul.f32 s14, v6  }
0x50e: {  	v28 =	vadd.f32 v28, v17;
	[tilespmem:s15+$0x40] =	vst v32;
	v31 =	vadd.f32 v31, v35  }
0x50f: {  	v29 =	vadd.f32 v29, v23;
	[tilespmem:s15+$0x30] =	vst v33;
	v30 =	vadd.f32 v30, v34  }
0x510: {  	[tilespmem:s15+$0x20] =	vst v28;
	v28 =	vadd.f32 v31, v25  }
0x511: {  	[tilespmem:s15+$0x50] =	vst v29;
	v29 =	vadd.f32 v30, v22  }
0x512: {  	[tilespmem:s15+$0x70] =	vst v28  }
0x513: {  	[tilespmem:s15+$0x60] =	vst v29  }
0x514: {  	v28 =	vld.msk [tilespmem:s12+$0x0], $0x1  }
0x515: {  	v29 =	vld.msk [tilespmem:s26+$0x0], $0x1  }
.Ltmp7:
0x516: {  	(pc) =	sbr.rel @p0 .LBB2_16-.Ltmp7, $3  }
0x517: {  	_ =	sdelay $0x1  }
0x518: {  	(v2sf) =	vpush v28, $0x0  }
0x519: {  	(v2sf) =	vpush v29, $0x0  }
0x51a: {  	_ =	sdelay $0xc  }
0x51b: {  	s11 =	spop (v2sf)  }
0x51c: {  	s11 =	smax.f32 s11, $0.0e+00  }
0x51d: {  	s12 =	spop (v2sf);
	s11 =	smin.f32 s11, $1.000000000e+00  }
0x51e: {  	s12 =	smax.f32 s12, $0.0e+00;
	s9 =	smul.f32 s11, s9  }
0x51f: {  	s12 =	smin.f32 s12, $1.000000000e+00;
	s11 =	smul.f32 s11, s22  }
0x520: {  	s13 =	smul.f32 s12, s25  }
0x521: {  	s12 =	smul.f32 s12, s23  }
0x522: {  	s9 =	sadd.f32 s13, s9  }
0x523: {  	s11 =	sadd.f32 s12, s11  }
0x524: {  	s9 =	sadd.f32 s9, s24;
	_ =	sdelay $0x1  }
0x525: {  	s7 =	sadd.f32 s11, s7;
	s9 =	smax.f32 s9, $0.0e+00  }
0x526: {  	v14 =	vmul.f32 s9, v14;
	v21 =	vmul.f32 s9, v21  }
0x527: {  	s7 =	smax.f32 s7, $0.0e+00;
	v24 =	vmul.f32 s9, v24;
	v26 =	vmul.f32 s9, v26  }
0x528: {  	v4 =	vmul.f32 s7, v4;
	v16 =	vmul.f32 s9, v16  }
0x529: {  	s5 =	sshrl.u32 s5, $0x3;
	v7 =	vmul.f32 s7, v7;
	v9 =	vmul.f32 s7, v9  }
0x52a: {  	s5 =	smul.u32 $0x3000, s5;
	v11 =	vmul.f32 s7, v11;
	v60 =	vmul.f32 s9, v15;
	v4 =	vadd.f32 v14, v4  }
0x52b: {  	v13 =	vmul.f32 s9, v13;
	v5 =	vmul.f32 s7, v5;
	v62 =	vadd.f32 v21, v9  }
0x52c: {  	s10 =	sand.u32 $0x380, s10;
	s5 =	sshra.s32 s5, $0x2;
	v12 =	vmul.f32 s9, v12;
	v11 =	vadd.f32 v60, v11;
	v4 =	vadd.f32 v4, v20  }
0x52d: {  	s5 =	sor.u32 s10, s5;
	v8 =	vmul.f32 s7, v8;
	v7 =	vadd.f32 v13, v7;
	v63 =	vadd.f32 v62, v23  }
0x52e: {  	s28 =	sadd.s32 $0x12E00, s5;
	v10 =	vmul.f32 s7, v10;
	[tilespmem:s5+$0x12E00] =	vst v4;
	v4 =	vadd.f32 v12, v5;
	v5 =	vadd.f32 v11, v27  }
0x52f: {  	v6 =	vmul.f32 s7, v6;
	v8 =	vadd.f32 v16, v8;
	v7 =	vadd.f32 v7, v18;
	[tilespmem:s28+$0x50] =	vst v63  }
0x530: {  	v4 =	vadd.f32 v4, v17;
	[tilespmem:s28+$0x40] =	vst v5;
	v5 =	vadd.f32 v26, v10  }
0x531: {  	v6 =	vadd.f32 v24, v6;
	v61 =	vadd.f32 v8, v19;
	[tilespmem:s28+$0x10] =	vst v7  }
0x532: {  	[tilespmem:s28+$0x20] =	vst v4;
	v4 =	vadd.f32 v5, v25  }
0x533: {  	[tilespmem:s28+$0x30] =	vst v61;
	v5 =	vadd.f32 v6, v22  }
0x534: {  	[tilespmem:s28+$0x70] =	vst v4  }
0x535: {  	[tilespmem:s28+$0x60] =	vst v5  }
0x536: {  	_ =	swait.ge [sflag:s31], $0x2000  }
0x537: {  	[sflag:s31] =	ssyncset.done $0x0  }
0x538: {  	[sflag:s31] =	ssyncadd.s32 $0xFFFFE000  }
0x539: {  	_ =	swait.ge [sflag:s31], $0x2000  }
0x53a: {  	[sflag:s31] =	ssyncset.done $0x0  }
0x53b: {  	s29 =	rddreg [dreg:$0xf];
	[sflag:s31] =	ssyncadd.s32 $0xFFFFE000  }
0x53c: {  	[hbm4b:s29+s2] =	stream.linear.scatter [tilespmem:s20], [sflag:$0x2], $0x6000, $0x38;
	[tilespmem:$0x18E00] =	vst v63  }
0x53d: {  	_ =	swait.ge [sflag:s0], $0x6000  }
0x53e: {  	[sflag:s0] =	ssyncset.done $0x0  }
0x53f: {  	[sflag:s0] =	ssyncadd.s32 $0xFFFFA000  }
0x540: {  	_ =	swait.ge [sflag:s0], $0x6000  }
0x541: {  	[sflag:s0] =	ssyncset.done $0x0  }
0x542: {  	[sflag:s0] =	ssyncadd.s32 $0xFFFFA000  }
0x543: {  	_ =	swait.ge [sflag:s0], $0x6000  }
0x544: {  	[sflag:s0] =	ssyncset.done $0x0  }
0x545: {  	[sflag:s0] =	ssyncadd.s32 $0xFFFFA000  }
0x546: {  	_ =	swait.ge [sflag:s0], $0x6000  }
0x547: {  	s21 =	sadd.s32 $0x1, s21;
	s30 =	rddreg [dreg:$0x10]  }
0x548: {  	p0 =	sne.s32 s21, s30  }
.Ltmp8:
0x549: {  	_ = 	snop;
	(pc) =	sbr.rel @p0 .LBB2_1-.Ltmp8, $3  }
0x54a: {  	_ =	sdelay $0x1  }
0x54b: {  	[sflag:s0] =	ssyncset.done $0x0  }
0x54c: {  	[sflag:s0] =	ssyncadd.s32 $0xFFFFA000  }
0x54d: {  	_ =	sfence.sel $0x180000  }
0x54e: {  	[bflag:$0x0] =	sbarrier.arrive $0xFFFF  }
0x54f: {  	_ =	strace $0x90000047  }
0x550: {  	s0 =	stileid.u32;
	[bflag:$0x2] =	sbarrier.arrive $0xFFFF  }
0x551: {  	p0 =	sne.s32 s0, $0x0;
	s0 =	rddreg [dreg:$0x4]  }
0x552: {  	s0 =	sadd.s32 @!p0 $0x100000, s0  }
0x553: {  	[sflag:s0] =	ssyncadd.tile.s32 @!p0 $0x1;
	_ =	shalt  }
.Lfunc_end2:
_tile_overlayer_lowered:
.L_overlay_start_2:
0x554: {  	(tag) =	ssettag $0x2  }
0x555: {  	s0 =	rddreg [dreg:$0x0];
	s2 =	stileid.u32  }
0x556: {  	s1 =	rddreg [dreg:$0x1];
	p0 =	sne.s32 s2, $0x0  }
0x557: {  	s3 =	rddreg [dreg:$0x2];
	[bflag:$0x3] =	sbarrier.arrive $0xFFFF;
	s2 =	simm.s32 @!p0 $0x1C03  }
0x558: {  	[timem:s3], [sflag:s2] =	dma.local @!p0 [hbm:s0], s1  }
0x559: {  	s0 =	simm.s32 @!p0 $0x3  }
0x55a: {  	_ =	swait.ge @!p0 [sflag:s0], s1  }
0x55b: {  	s1 =	ssub.s32 @!p0 $0x0, s1;
	[sflag:s0] =	ssyncset.done @!p0 $0x0  }
0x55c: {  	[sflag:s0] =	ssyncadd.s32 @!p0 s1  }
0x55d: {  	[bflag:$0x3] =	sbarrier.arrive $0xFFFF  }
0x55e: {  	_ =	shalt  }

</sc_bundles>
